<compile_context>
chip_gen: v7x
topology: tpu7x:2x2x1
jax: 0.10.2.dev20260603
libtpu: 0.0.44.dev20260713+nightly
codegen_flags: <defaults>
</compile_context>

<pallas_src>
import functools

import jax
import jax.numpy as jnp
from jax import lax
from jax.experimental import pallas as pl
from jax.experimental.pallas import tpu as pltpu
from jax.experimental.pallas import tpu_sc as plsc

EMB_D = 8
HIDDEN0 = 16


def _make_sc_gather(B, n_workers, num_cores):
  b_per_w = B // n_workers
  mesh = plsc.VectorSubcoreMesh(core_axis_name="c", subcore_axis_name="s")

  @functools.partial(
      pl.kernel,
      mesh=mesh,
      compiler_params=pltpu.CompilerParams(use_tc_tiling_on_sc=True,
                                           needs_layout_passes=False,
                                           disable_semaphore_checks=True),
      out_type=jax.ShapeDtypeStruct((2 * EMB_D * B,), jnp.float32),
      scratch_types=[
          pltpu.VMEM((b_per_w,), jnp.int32),
          pltpu.VMEM((b_per_w,), jnp.int32),
          pltpu.VMEM((2, 16, EMB_D, 128), jnp.float32),
          pltpu.VMEM((2, 16, EMB_D, 128), jnp.float32),
          pltpu.VMEM((2 * EMB_D * b_per_w,), jnp.float32),
          pltpu.SemaphoreType.DMA,
          pltpu.SemaphoreType.DMA,
      ],
  )
  def sc_gather(ut_hbm, uid_hbm, tt_hbm, tid_hbm, out, uidx_v, tidx_v,
                tiles_u, tiles_t, cols_v, sem_u, sem_t):
    wid = lax.axis_index("s") * num_cores + lax.axis_index("c")
    base = wid * b_per_w
    pltpu.sync_copy(uid_hbm.at[pl.ds(base, b_per_w)], uidx_v)
    pltpu.sync_copy(tid_hbm.at[pl.ds(base, b_per_w)], tidx_v)

    lanej = lax.iota(jnp.int32, 16)
    n_chunks = b_per_w // 16

    def fire(t, slot):
      e0 = t * 16
      uv = uidx_v[pl.ds(e0, 16)]
      tv = tidx_v[pl.ds(e0, 16)]
      for j in range(16):
        tu = lax.shift_right_logical(uv[j], 7) * 128
        tt = lax.shift_right_logical(tv[j], 7) * 128
        pltpu.async_copy(ut_hbm.at[:, pl.ds(tu, 128)],
                         tiles_u.at[slot, j], sem_u)
        pltpu.async_copy(tt_hbm.at[:, pl.ds(tt, 128)],
                         tiles_t.at[slot, j], sem_t)

    def drain():
      for j in range(16):
        pltpu.make_async_copy(ut_hbm.at[:, pl.ds(0, 128)],
                              tiles_u.at[0, 0], sem_u).wait()
        pltpu.make_async_copy(tt_hbm.at[:, pl.ds(0, 128)],
                              tiles_t.at[0, 0], sem_t).wait()

    def extract(t, slot):
      e0 = t * 16
      uv = uidx_v[pl.ds(e0, 16)]
      tv = tidx_v[pl.ds(e0, 16)]
      cu = lax.bitwise_and(uv, 127)
      ct = lax.bitwise_and(tv, 127)
      for k in range(EMB_D):
        ksplat = jnp.full((16,), k, jnp.int32)
        valu = plsc.load_gather(tiles_u.at[slot], [lanej, ksplat, cu])
        valt = plsc.load_gather(tiles_t.at[slot], [lanej, ksplat, ct])
        cols_v[pl.ds(k * b_per_w + e0, 16)] = valu
        cols_v[pl.ds((EMB_D + k) * b_per_w + e0, 16)] = valt

    fire(0, 0)

    def body(p, _):
      t0 = p * 2
      fire(t0 + 1, 1)
      drain()
      extract(t0, 0)

      @pl.when(t0 + 2 < n_chunks)
      def _next():
        fire(t0 + 2, 0)

      drain()
      extract(t0 + 1, 1)
      return _

    lax.fori_loop(0, n_chunks // 2, body, None)

    for k in range(2 * EMB_D):
      pltpu.sync_copy(cols_v.at[pl.ds(k * b_per_w, b_per_w)],
                      out.at[pl.ds(k * B + base, b_per_w)])

  return sc_gather


def _dg(w, x):
  return lax.dot_general(w, x, (((0,), (0,)), ((), ())),
                         preferred_element_type=jnp.float32)


def _country_body(uc_ref, ac_ref, w1_ref, b1_ref, out_ref):
  h = _dg(w1_ref[2 * EMB_D:2 * EMB_D + 64, :], uc_ref[...])
  h += _dg(w1_ref[2 * EMB_D + 64:, :], ac_ref[...])
  out_ref[...] = h + b1_ref[...][:, None]


def _head_body(emb_ref, cpart_ref, w1_ref, w2_ref, b2_ref, w3_ref, b3_ref,
               w4_ref, b4_ref, out_ref):
  h = _dg(w1_ref[0:EMB_D, :], emb_ref[0:EMB_D, :])
  h += _dg(w1_ref[EMB_D:2 * EMB_D, :], emb_ref[EMB_D:2 * EMB_D, :])
  h = jnp.maximum(h + cpart_ref[...], 0.0)
  h = jnp.maximum(_dg(w2_ref[...], h) + b2_ref[...][:, None], 0.0)
  h = jnp.maximum(_dg(w3_ref[...], h) + b3_ref[...][:, None], 0.0)
  out = _dg(w4_ref[...], h) + b4_ref[...][:, None]
  out_ref[...] = out[0, :]


def _col_spec(d, blk):
  return pl.BlockSpec((d, blk), lambda i: (0, i))


def _full_spec(shape):
  nd = len(shape)
  return pl.BlockSpec(shape, lambda i: (0,) * nd)


def _country_call(ucT, acT, W1, b1, blk):
  B = ucT.shape[1]
  return pl.pallas_call(
      _country_body,
      grid=(B // blk,),
      in_specs=[
          _col_spec(64, blk), _col_spec(64, blk),
          _full_spec(W1.shape), _full_spec(b1.shape),
      ],
      out_specs=_col_spec(HIDDEN0, blk),
      out_shape=jax.ShapeDtypeStruct((HIDDEN0, B), jnp.float32),
  )(ucT, acT, W1, b1)


def _head_call(embT, cpart, W1, W2, b2, W3, b3, W4, b4, blk):
  B = embT.shape[1]
  return pl.pallas_call(
      _head_body,
      grid=(B // blk,),
      in_specs=[
          _col_spec(2 * EMB_D, blk), _col_spec(HIDDEN0, blk),
          _full_spec(W1.shape), _full_spec(W2.shape), _full_spec(b2.shape),
          _full_spec(W3.shape), _full_spec(b3.shape),
          _full_spec(W4.shape), _full_spec(b4.shape),
      ],
      out_specs=pl.BlockSpec((blk,), lambda i: (i,)),
      out_shape=jax.ShapeDtypeStruct((B,), jnp.float32),
  )(embT, cpart, W1, W2, b2, W3, b3, W4, b4)


@jax.jit
def kernel(user_id, artist_id, user_country, artist_country, U, T,
           W1, b1, W2, b2, W3, b3, W4, b4):
  B = user_id.shape[0]
  mesh = plsc.VectorSubcoreMesh(core_axis_name="c", subcore_axis_name="s")
  n_workers = mesh.num_cores * mesh.num_subcores
  gather = _make_sc_gather(B, n_workers, mesh.num_cores)
  embT = gather(U.T, user_id, T.T, artist_id).reshape(2 * EMB_D, B)
  cpart = _country_call(user_country.T, artist_country.T, W1, b1, blk=4096)
  return _head_call(embT, cpart, W1, W2, b2, W3, b3, W4, b4, blk=4096)

# --- scband reference (transcript-rebuilt; emitter-appended) ---
"""Pipeline reference for scband-neural-collaborative-filtering-48550310314318 (READ-ONLY COPY).

The authoritative reference and input builder live on the scoring server;
editing this copy changes nothing except your own understanding.
"""

import jax, jax.numpy as jnp
import numpy as np

NUM_USERS = 1000000
NUM_TRACKS = 1000000
EMB = 8
UC_DIM = 64
AC_DIM = 64
BATCH = 16384
HIDDEN = [16, 32, 64]


def setup_inputs(seed: int = 0) -> dict:
    key = jax.random.key(seed)
    ks = [jax.random.fold_in(key, i) for i in range(16)]
    user_id = jax.random.randint(ks[0], (BATCH,), 0, NUM_USERS, dtype=jnp.int64 if jax.config.jax_enable_x64 else jnp.int32).astype(jnp.int32)
    artist_id = jax.random.randint(ks[1], (BATCH,), 0, NUM_TRACKS).astype(jnp.int32)
    user_country = jax.random.normal(ks[2], (BATCH, UC_DIM), dtype=jnp.float32)
    artist_country = jax.random.normal(ks[3], (BATCH, AC_DIM), dtype=jnp.float32)
    U = jax.random.normal(ks[4], (NUM_USERS, EMB), dtype=jnp.float32) * 0.02
    T = jax.random.normal(ks[5], (NUM_TRACKS, EMB), dtype=jnp.float32) * 0.02
    in_dim = EMB * 2 + UC_DIM + AC_DIM
    W1 = jax.random.normal(ks[6], (in_dim, HIDDEN[0]), dtype=jnp.float32) * 0.05
    b1 = jnp.zeros((HIDDEN[0],), dtype=jnp.float32)
    W2 = jax.random.normal(ks[7], (HIDDEN[0], HIDDEN[1]), dtype=jnp.float32) * 0.05
    b2 = jnp.zeros((HIDDEN[1],), dtype=jnp.float32)
    W3 = jax.random.normal(ks[8], (HIDDEN[1], HIDDEN[2]), dtype=jnp.float32) * 0.05
    b3 = jnp.zeros((HIDDEN[2],), dtype=jnp.float32)
    W4 = jax.random.normal(ks[9], (HIDDEN[2], 1), dtype=jnp.float32) * 0.05
    b4 = jnp.zeros((1,), dtype=jnp.float32)
    return {"user_id": user_id, "artist_id": artist_id, "user_country": user_country,
            "artist_country": artist_country, "U": U, "T": T,
            "W1": W1, "b1": b1, "W2": W2, "b2": b2, "W3": W3, "b3": b3, "W4": W4, "b4": b4}


def reference(user_id, artist_id, user_country, artist_country, U, T, W1, b1, W2, b2, W3, b3, W4, b4):
    user_embeds = jnp.take(U, user_id, axis=0)
    track_embeds = jnp.take(T, artist_id, axis=0)
    x = jnp.concatenate([user_embeds, track_embeds, user_country, artist_country], axis=1).astype(jnp.float32)
    h = jax.nn.relu(x @ W1 + b1)
    h = jax.nn.relu(h @ W2 + b2)
    h = jax.nn.relu(h @ W3 + b3)
    out = h @ W4 + b4
    return jnp.squeeze(out)

if __name__ == "__main__":
    import jax
    _d = setup_inputs()
    print(jax.jit(kernel)(*tuple(_d.values())))

</pallas_src>

<mosaic_0001>
#map = affine_map<(d0, d1) -> (0, 0)>
#map1 = affine_map<(d0, d1) -> (0)>
module attributes {stable_mosaic.version = 14 : i64} {
  func.func @sc_gather(%arg0: i32, %arg1: i32, %arg2: memref<8x1000000xf32, #tpu.memory_space<hbm>>, %arg3: memref<16384xi32, #tpu.memory_space<hbm>>, %arg4: memref<8x1000000xf32, #tpu.memory_space<hbm>>, %arg5: memref<16384xi32, #tpu.memory_space<hbm>>, %arg6: memref<262144xf32, #tpu.memory_space<hbm>>, %arg7: memref<512xi32, #tpu.memory_space<vmem>>, %arg8: memref<512xi32, #tpu.memory_space<vmem>>, %arg9: memref<2x16x8x128xf32, #tpu.memory_space<vmem>>, %arg10: memref<2x16x8x128xf32, #tpu.memory_space<vmem>>, %arg11: memref<8192xf32, #tpu.memory_space<vmem>>, %arg12: memref<!tpu.dma_semaphore, #tpu.memory_space<semaphore_mem>>, %arg13: memref<!tpu.dma_semaphore, #tpu.memory_space<semaphore_mem>>) attributes {dimension_semantics = [#tpu.dimension_semantics<core_parallel>, #tpu.dimension_semantics<subcore_parallel>], iteration_bounds = array<i64: 2, 16>, scalar_prefetch = 0 : i64, scratch_operands = 7 : i64, tpu.core_type = #tpu.core_type<sc_vector_subcore>, window_params = [{transform_indices = #map}, {transform_indices = #map1}, {transform_indices = #map}, {transform_indices = #map1}, {transform_indices = #map1}]} {
    %mul3A = arith.constant 2 : i32
    %mul3A_0 = arith.muli %arg1, %mul3A : i32
    %add3A = arith.addi %mul3A_0, %arg0 : i32
    %mul3A_1 = arith.constant 512 : i32
    %mul3A_2 = arith.muli %add3A, %mul3A_1 : i32
    "tpu.region"() ({
      %run_scoped3A = tpu.sem_alloc : memref<!tpu.dma_semaphore, #tpu.memory_space<semaphore_mem>>
      %dma_start3A_678 = tpu.memref_slice %arg3[%mul3A_2] : memref<16384xi32, #tpu.memory_space<hbm>> -> memref<512xi32, #tpu.memory_space<hbm>>
      %dma_start3A_679 = tpu.memref_slice %arg3[%mul3A_2] : memref<16384xi32, #tpu.memory_space<hbm>> -> memref<512xi32, #tpu.memory_space<hbm>>
      tpu.enqueue_dma source(%dma_start3A_679 : memref<512xi32, #tpu.memory_space<hbm>>) target(%arg7 : memref<512xi32, #tpu.memory_space<vmem>>) target_semaphore(%run_scoped3A : memref<!tpu.dma_semaphore, #tpu.memory_space<semaphore_mem>>)
      %dma_wait3A = tpu.memref_slice %arg3[%mul3A_2] : memref<16384xi32, #tpu.memory_space<hbm>> -> memref<512xi32, #tpu.memory_space<hbm>>
      %dma_wait3A_680 = tpu.memref_slice %arg3[%mul3A_2] : memref<16384xi32, #tpu.memory_space<hbm>> -> memref<512xi32, #tpu.memory_space<hbm>>
      tpu.wait_dma2 semaphore(%run_scoped3A : memref<!tpu.dma_semaphore, #tpu.memory_space<semaphore_mem>>) src(%dma_wait3A_680 : memref<512xi32, #tpu.memory_space<hbm>>) dst(%arg7 : memref<512xi32, #tpu.memory_space<vmem>>)
      tpu.yield
    }) : () -> ()
    "tpu.region"() ({
      %run_scoped3A = tpu.sem_alloc : memref<!tpu.dma_semaphore, #tpu.memory_space<semaphore_mem>>
      %dma_start3A_678 = tpu.memref_slice %arg5[%mul3A_2] : memref<16384xi32, #tpu.memory_space<hbm>> -> memref<512xi32, #tpu.memory_space<hbm>>
      %dma_start3A_679 = tpu.memref_slice %arg5[%mul3A_2] : memref<16384xi32, #tpu.memory_space<hbm>> -> memref<512xi32, #tpu.memory_space<hbm>>
      tpu.enqueue_dma source(%dma_start3A_679 : memref<512xi32, #tpu.memory_space<hbm>>) target(%arg8 : memref<512xi32, #tpu.memory_space<vmem>>) target_semaphore(%run_scoped3A : memref<!tpu.dma_semaphore, #tpu.memory_space<semaphore_mem>>)
      %dma_wait3A = tpu.memref_slice %arg5[%mul3A_2] : memref<16384xi32, #tpu.memory_space<hbm>> -> memref<512xi32, #tpu.memory_space<hbm>>
      %dma_wait3A_680 = tpu.memref_slice %arg5[%mul3A_2] : memref<16384xi32, #tpu.memory_space<hbm>> -> memref<512xi32, #tpu.memory_space<hbm>>
      tpu.wait_dma2 semaphore(%run_scoped3A : memref<!tpu.dma_semaphore, #tpu.memory_space<semaphore_mem>>) src(%dma_wait3A_680 : memref<512xi32, #tpu.memory_space<hbm>>) dst(%arg8 : memref<512xi32, #tpu.memory_space<vmem>>)
      tpu.yield
    }) : () -> ()
    %iota3A = tpu.iota {dimensions = array<i32: 0>} : vector<16xi32>
    %get3A = arith.constant 0 : index
    %get3A_3 = tpu.vector_load %arg7[%get3A] {strides = array<i32>} : memref<512xi32, #tpu.memory_space<vmem>>, vector<16xi32>,
    %get3A_4 = arith.constant 0 : index
    %get3A_5 = tpu.vector_load %arg8[%get3A_4] {strides = array<i32>} : memref<512xi32, #tpu.memory_space<vmem>>, vector<16xi32>,
    %slice3A = vector.extract_strided_slice %get3A_3 {offsets = [0], sizes = [1], strides = [1]} : vector<16xi32> to vector<1xi32>
    %squeeze3A = vector.extract %slice3A[0] : i32 from vector<1xi32>
    %shift_right_logical3A = arith.constant 7 : i32
    %shift_right_logical3A_6 = arith.shrui %squeeze3A, %shift_right_logical3A : i32
    %mul3A_7 = arith.constant 128 : i32
    %mul3A_8 = arith.muli %shift_right_logical3A_6, %mul3A_7 : i32
    %slice3A_9 = vector.extract_strided_slice %get3A_5 {offsets = [0], sizes = [1], strides = [1]} : vector<16xi32> to vector<1xi32>
    %squeeze3A_10 = vector.extract %slice3A_9[0] : i32 from vector<1xi32>
    %shift_right_logical3A_11 = arith.constant 7 : i32
    %shift_right_logical3A_12 = arith.shrui %squeeze3A_10, %shift_right_logical3A_11 : i32
    %mul3A_13 = arith.constant 128 : i32
    %mul3A_14 = arith.muli %shift_right_logical3A_12, %mul3A_13 : i32
    %dma_start3A = arith.constant 0 : i32
    %dma_start3A_15 = arith.constant 0 : i32
    %dma_start3A_16 = arith.constant 0 : i32
    %dma_start3A_17 = arith.constant 0 : i32
    %dma_start3A_18 = tpu.memref_slice %arg9[%dma_start3A, %dma_start3A_15, %dma_start3A_16, %dma_start3A_17] : memref<2x16x8x128xf32, #tpu.memory_space<vmem>> -> memref<1x1x8x128xf32, #tpu.memory_space<vmem>>
    %dma_start3A_19 = tpu.memref_squeeze %dma_start3A_18 : memref<1x1x8x128xf32, #tpu.memory_space<vmem>> -> memref<8x128xf32, #tpu.memory_space<vmem>>
    %dma_start3A_20 = arith.constant 0 : i32
    %dma_start3A_21 = tpu.memref_slice %arg2[%dma_start3A_20, %mul3A_8] : memref<8x1000000xf32, #tpu.memory_space<hbm>> -> memref<8x128xf32, #tpu.memory_space<hbm>>
    %dma_start3A_22 = arith.constant 0 : i32
    %dma_start3A_23 = arith.constant 0 : i32
    %dma_start3A_24 = tpu.memref_slice %arg9[%dma_start3A, %dma_start3A_15, %dma_start3A_22, %dma_start3A_23] : memref<2x16x8x128xf32, #tpu.memory_space<vmem>> -> memref<1x1x8x128xf32, #tpu.memory_space<vmem>>
    %dma_start3A_25 = tpu.memref_squeeze %dma_start3A_24 : memref<1x1x8x128xf32, #tpu.memory_space<vmem>> -> memref<8x128xf32, #tpu.memory_space<vmem>>
    %dma_start3A_26 = arith.constant 0 : i32
    %dma_start3A_27 = tpu.memref_slice %arg2[%dma_start3A_26, %mul3A_8] : memref<8x1000000xf32, #tpu.memory_space<hbm>> -> memref<8x128xf32, #tpu.memory_space<hbm>>
    tpu.enqueue_dma source(%dma_start3A_27 : memref<8x128xf32, #tpu.memory_space<hbm>>) target(%dma_start3A_25 : memref<8x128xf32, #tpu.memory_space<vmem>>) target_semaphore(%arg12 : memref<!tpu.dma_semaphore, #tpu.memory_space<semaphore_mem>>)
    %dma_start3A_28 = arith.constant 0 : i32
    %dma_start3A_29 = arith.constant 0 : i32
    %dma_start3A_30 = arith.constant 0 : i32
    %dma_start3A_31 = arith.constant 0 : i32
    %dma_start3A_32 = tpu.memref_slice %arg10[%dma_start3A_28, %dma_start3A_29, %dma_start3A_30, %dma_start3A_31] : memref<2x16x8x128xf32, #tpu.memory_space<vmem>> -> memref<1x1x8x128xf32, #tpu.memory_space<vmem>>
    %dma_start3A_33 = tpu.memref_squeeze %dma_start3A_32 : memref<1x1x8x128xf32, #tpu.memory_space<vmem>> -> memref<8x128xf32, #tpu.memory_space<vmem>>
    %dma_start3A_34 = arith.constant 0 : i32
    %dma_start3A_35 = tpu.memref_slice %arg4[%dma_start3A_34, %mul3A_14] : memref<8x1000000xf32, #tpu.memory_space<hbm>> -> memref<8x128xf32, #tpu.memory_space<hbm>>
    %dma_start3A_36 = arith.constant 0 : i32
    %dma_start3A_37 = arith.constant 0 : i32
    %dma_start3A_38 = tpu.memref_slice %arg10[%dma_start3A_28, %dma_start3A_29, %dma_start3A_36, %dma_start3A_37] : memref<2x16x8x128xf32, #tpu.memory_space<vmem>> -> memref<1x1x8x128xf32, #tpu.memory_space<vmem>>
    %dma_start3A_39 = tpu.memref_squeeze %dma_start3A_38 : memref<1x1x8x128xf32, #tpu.memory_space<vmem>> -> memref<8x128xf32, #tpu.memory_space<vmem>>
    %dma_start3A_40 = arith.constant 0 : i32
    %dma_start3A_41 = tpu.memref_slice %arg4[%dma_start3A_40, %mul3A_14] : memref<8x1000000xf32, #tpu.memory_space<hbm>> -> memref<8x128xf32, #tpu.memory_space<hbm>>
    tpu.enqueue_dma source(%dma_start3A_41 : memref<8x128xf32, #tpu.memory_space<hbm>>) target(%dma_start3A_39 : memref<8x128xf32, #tpu.memory_space<vmem>>) target_semaphore(%arg13 : memref<!tpu.dma_semaphore, #tpu.memory_space<semaphore_mem>>)
    %slice3A_42 = vector.extract_strided_slice %get3A_3 {offsets = [1], sizes = [1], strides = [1]} : vector<16xi32> to vector<1xi32>
    %squeeze3A_43 = vector.extract %slice3A_42[0] : i32 from vector<1xi32>
    %shift_right_logical3A_44 = arith.constant 7 : i32
    %shift_right_logical3A_45 = arith.shrui %squeeze3A_43, %shift_right_logical3A_44 : i32
    %mul3A_46 = arith.constant 128 : i32
    %mul3A_47 = arith.muli %shift_right_logical3A_45, %mul3A_46 : i32
    %slice3A_48 = vector.extract_strided_slice %get3A_5 {offsets = [1], sizes = [1], strides = [1]} : vector<16xi32> to vector<1xi32>
    %squeeze3A_49 = vector.extract %slice3A_48[0] : i32 from vector<1xi32>
    %shift_right_logical3A_50 = arith.constant 7 : i32
    %shift_right_logical3A_51 = arith.shrui %squeeze3A_49, %shift_right_logical3A_50 : i32
    %mul3A_52 = arith.constant 128 : i32
    %mul3A_53 = arith.muli %shift_right_logical3A_51, %mul3A_52 : i32
    %dma_start3A_54 = arith.constant 0 : i32
    %dma_start3A_55 = arith.constant 1 : i32
    %dma_start3A_56 = arith.constant 0 : i32
    %dma_start3A_57 = arith.constant 0 : i32
    %dma_start3A_58 = tpu.memref_slice %arg9[%dma_start3A_54, %dma_start3A_55, %dma_start3A_56, %dma_start3A_57] : memref<2x16x8x128xf32, #tpu.memory_space<vmem>> -> memref<1x1x8x128xf32, #tpu.memory_space<vmem>>
    %dma_start3A_59 = tpu.memref_squeeze %dma_start3A_58 : memref<1x1x8x128xf32, #tpu.memory_space<vmem>> -> memref<8x128xf32, #tpu.memory_space<vmem>>
    %dma_start3A_60 = arith.constant 0 : i32
    %dma_start3A_61 = tpu.memref_slice %arg2[%dma_start3A_60, %mul3A_47] : memref<8x1000000xf32, #tpu.memory_space<hbm>> -> memref<8x128xf32, #tpu.memory_space<hbm>>
    %dma_start3A_62 = arith.constant 0 : i32
    %dma_start3A_63 = arith.constant 0 : i32
    %dma_start3A_64 = tpu.memref_slice %arg9[%dma_start3A_54, %dma_start3A_55, %dma_start3A_62, %dma_start3A_63] : memref<2x16x8x128xf32, #tpu.memory_space<vmem>> -> memref<1x1x8x128xf32, #tpu.memory_space<vmem>>
    %dma_start3A_65 = tpu.memref_squeeze %dma_start3A_64 : memref<1x1x8x128xf32, #tpu.memory_space<vmem>> -> memref<8x128xf32, #tpu.memory_space<vmem>>
    %dma_start3A_66 = arith.constant 0 : i32
    %dma_start3A_67 = tpu.memref_slice %arg2[%dma_start3A_66, %mul3A_47] : memref<8x1000000xf32, #tpu.memory_space<hbm>> -> memref<8x128xf32, #tpu.memory_space<hbm>>
    tpu.enqueue_dma source(%dma_start3A_67 : memref<8x128xf32, #tpu.memory_space<hbm>>) target(%dma_start3A_65 : memref<8x128xf32, #tpu.memory_space<vmem>>) target_semaphore(%arg12 : memref<!tpu.dma_semaphore, #tpu.memory_space<semaphore_mem>>)
    %dma_start3A_68 = arith.constant 0 : i32
    %dma_start3A_69 = arith.constant 1 : i32
    %dma_start3A_70 = arith.constant 0 : i32
    %dma_start3A_71 = arith.constant 0 : i32
    %dma_start3A_72 = tpu.memref_slice %arg10[%dma_start3A_68, %dma_start3A_69, %dma_start3A_70, %dma_start3A_71] : memref<2x16x8x128xf32, #tpu.memory_space<vmem>> -> memref<1x1x8x128xf32, #tpu.memory_space<vmem>>
    %dma_start3A_73 = tpu.memref_squeeze %dma_start3A_72 : memref<1x1x8x128xf32, #tpu.memory_space<vmem>> -> memref<8x128xf32, #tpu.memory_space<vmem>>
    %dma_start3A_74 = arith.constant 0 : i32
    %dma_start3A_75 = tpu.memref_slice %arg4[%dma_start3A_74, %mul3A_53] : memref<8x1000000xf32, #tpu.memory_space<hbm>> -> memref<8x128xf32, #tpu.memory_space<hbm>>
    %dma_start3A_76 = arith.constant 0 : i32
    %dma_start3A_77 = arith.constant 0 : i32
    %dma_start3A_78 = tpu.memref_slice %arg10[%dma_start3A_68, %dma_start3A_69, %dma_start3A_76, %dma_start3A_77] : memref<2x16x8x128xf32, #tpu.memory_space<vmem>> -> memref<1x1x8x128xf32, #tpu.memory_space<vmem>>
    %dma_start3A_79 = tpu.memref_squeeze %dma_start3A_78 : memref<1x1x8x128xf32, #tpu.memory_space<vmem>> -> memref<8x128xf32, #tpu.memory_space<vmem>>
    %dma_start3A_80 = arith.constant 0 : i32
    %dma_start3A_81 = tpu.memref_slice %arg4[%dma_start3A_80, %mul3A_53] : memref<8x1000000xf32, #tpu.memory_space<hbm>> -> memref<8x128xf32, #tpu.memory_space<hbm>>
    tpu.enqueue_dma source(%dma_start3A_81 : memref<8x128xf32, #tpu.memory_space<hbm>>) target(%dma_start3A_79 : memref<8x128xf32, #tpu.memory_space<vmem>>) target_semaphore(%arg13 : memref<!tpu.dma_semaphore, #tpu.memory_space<semaphore_mem>>)
    %slice3A_82 = vector.extract_strided_slice %get3A_3 {offsets = [2], sizes = [1], strides = [1]} : vector<16xi32> to vector<1xi32>
    %squeeze3A_83 = vector.extract %slice3A_82[0] : i32 from vector<1xi32>
    %shift_right_logical3A_84 = arith.constant 7 : i32
    %shift_right_logical3A_85 = arith.shrui %squeeze3A_83, %shift_right_logical3A_84 : i32
    %mul3A_86 = arith.constant 128 : i32
    %mul3A_87 = arith.muli %shift_right_logical3A_85, %mul3A_86 : i32
    %slice3A_88 = vector.extract_strided_slice %get3A_5 {offsets = [2], sizes = [1], strides = [1]} : vector<16xi32> to vector<1xi32>
    %squeeze3A_89 = vector.extract %slice3A_88[0] : i32 from vector<1xi32>
    %shift_right_logical3A_90 = arith.constant 7 : i32
    %shift_right_logical3A_91 = arith.shrui %squeeze3A_89, %shift_right_logical3A_90 : i32
    %mul3A_92 = arith.constant 128 : i32
    %mul3A_93 = arith.muli %shift_right_logical3A_91, %mul3A_92 : i32
    %dma_start3A_94 = arith.constant 0 : i32
    %dma_start3A_95 = arith.constant 2 : i32
    %dma_start3A_96 = arith.constant 0 : i32
    %dma_start3A_97 = arith.constant 0 : i32
    %dma_start3A_98 = tpu.memref_slice %arg9[%dma_start3A_94, %dma_start3A_95, %dma_start3A_96, %dma_start3A_97] : memref<2x16x8x128xf32, #tpu.memory_space<vmem>> -> memref<1x1x8x128xf32, #tpu.memory_space<vmem>>
    %dma_start3A_99 = tpu.memref_squeeze %dma_start3A_98 : memref<1x1x8x128xf32, #tpu.memory_space<vmem>> -> memref<8x128xf32, #tpu.memory_space<vmem>>
    %dma_start3A_100 = arith.constant 0 : i32
    %dma_start3A_101 = tpu.memref_slice %arg2[%dma_start3A_100, %mul3A_87] : memref<8x1000000xf32, #tpu.memory_space<hbm>> -> memref<8x128xf32, #tpu.memory_space<hbm>>
    %dma_start3A_102 = arith.constant 0 : i32
    %dma_start3A_103 = arith.constant 0 : i32
    %dma_start3A_104 = tpu.memref_slice %arg9[%dma_start3A_94, %dma_start3A_95, %dma_start3A_102, %dma_start3A_103] : memref<2x16x8x128xf32, #tpu.memory_space<vmem>> -> memref<1x1x8x128xf32, #tpu.memory_space<vmem>>
    %dma_start3A_105 = tpu.memref_squeeze %dma_start3A_104 : memref<1x1x8x128xf32, #tpu.memory_space<vmem>> -> memref<8x128xf32, #tpu.memory_space<vmem>>
    %dma_start3A_106 = arith.constant 0 : i32
    %dma_start3A_107 = tpu.memref_slice %arg2[%dma_start3A_106, %mul3A_87] : memref<8x1000000xf32, #tpu.memory_space<hbm>> -> memref<8x128xf32, #tpu.memory_space<hbm>>
    tpu.enqueue_dma source(%dma_start3A_107 : memref<8x128xf32, #tpu.memory_space<hbm>>) target(%dma_start3A_105 : memref<8x128xf32, #tpu.memory_space<vmem>>) target_semaphore(%arg12 : memref<!tpu.dma_semaphore, #tpu.memory_space<semaphore_mem>>)
    %dma_start3A_108 = arith.constant 0 : i32
    %dma_start3A_109 = arith.constant 2 : i32
    %dma_start3A_110 = arith.constant 0 : i32
    %dma_start3A_111 = arith.constant 0 : i32
    %dma_start3A_112 = tpu.memref_slice %arg10[%dma_start3A_108, %dma_start3A_109, %dma_start3A_110, %dma_start3A_111] : memref<2x16x8x128xf32, #tpu.memory_space<vmem>> -> memref<1x1x8x128xf32, #tpu.memory_space<vmem>>
    %dma_start3A_113 = tpu.memref_squeeze %dma_start3A_112 : memref<1x1x8x128xf32, #tpu.memory_space<vmem>> -> memref<8x128xf32, #tpu.memory_space<vmem>>
    %dma_start3A_114 = arith.constant 0 : i32
    %dma_start3A_115 = tpu.memref_slice %arg4[%dma_start3A_114, %mul3A_93] : memref<8x1000000xf32, #tpu.memory_space<hbm>> -> memref<8x128xf32, #tpu.memory_space<hbm>>
    %dma_start3A_116 = arith.constant 0 : i32
    %dma_start3A_117 = arith.constant 0 : i32
    %dma_start3A_118 = tpu.memref_slice %arg10[%dma_start3A_108, %dma_start3A_109, %dma_start3A_116, %dma_start3A_117] : memref<2x16x8x128xf32, #tpu.memory_space<vmem>> -> memref<1x1x8x128xf32, #tpu.memory_space<vmem>>
    %dma_start3A_119 = tpu.memref_squeeze %dma_start3A_118 : memref<1x1x8x128xf32, #tpu.memory_space<vmem>> -> memref<8x128xf32, #tpu.memory_space<vmem>>
    %dma_start3A_120 = arith.constant 0 : i32
    %dma_start3A_121 = tpu.memref_slice %arg4[%dma_start3A_120, %mul3A_93] : memref<8x1000000xf32, #tpu.memory_space<hbm>> -> memref<8x128xf32, #tpu.memory_space<hbm>>
    tpu.enqueue_dma source(%dma_start3A_121 : memref<8x128xf32, #tpu.memory_space<hbm>>) target(%dma_start3A_119 : memref<8x128xf32, #tpu.memory_space<vmem>>) target_semaphore(%arg13 : memref<!tpu.dma_semaphore, #tpu.memory_space<semaphore_mem>>)
    %slice3A_122 = vector.extract_strided_slice %get3A_3 {offsets = [3], sizes = [1], strides = [1]} : vector<16xi32> to vector<1xi32>
    %squeeze3A_123 = vector.extract %slice3A_122[0] : i32 from vector<1xi32>
    %shift_right_logical3A_124 = arith.constant 7 : i32
    %shift_right_logical3A_125 = arith.shrui %squeeze3A_123, %shift_right_logical3A_124 : i32
    %mul3A_126 = arith.constant 128 : i32
    %mul3A_127 = arith.muli %shift_right_logical3A_125, %mul3A_126 : i32
    %slice3A_128 = vector.extract_strided_slice %get3A_5 {offsets = [3], sizes = [1], strides = [1]} : vector<16xi32> to vector<1xi32>
    %squeeze3A_129 = vector.extract %slice3A_128[0] : i32 from vector<1xi32>
    %shift_right_logical3A_130 = arith.constant 7 : i32
    %shift_right_logical3A_131 = arith.shrui %squeeze3A_129, %shift_right_logical3A_130 : i32
    %mul3A_132 = arith.constant 128 : i32
    %mul3A_133 = arith.muli %shift_right_logical3A_131, %mul3A_132 : i32
    %dma_start3A_134 = arith.constant 0 : i32
    %dma_start3A_135 = arith.constant 3 : i32
    %dma_start3A_136 = arith.constant 0 : i32
    %dma_start3A_137 = arith.constant 0 : i32
    %dma_start3A_138 = tpu.memref_slice %arg9[%dma_start3A_134, %dma_start3A_135, %dma_start3A_136, %dma_start3A_137] : memref<2x16x8x128xf32, #tpu.memory_space<vmem>> -> memref<1x1x8x128xf32, #tpu.memory_space<vmem>>
    %dma_start3A_139 = tpu.memref_squeeze %dma_start3A_138 : memref<1x1x8x128xf32, #tpu.memory_space<vmem>> -> memref<8x128xf32, #tpu.memory_space<vmem>>
    %dma_start3A_140 = arith.constant 0 : i32
    %dma_start3A_141 = tpu.memref_slice %arg2[%dma_start3A_140, %mul3A_127] : memref<8x1000000xf32, #tpu.memory_space<hbm>> -> memref<8x128xf32, #tpu.memory_space<hbm>>
    %dma_start3A_142 = arith.constant 0 : i32
    %dma_start3A_143 = arith.constant 0 : i32
    %dma_start3A_144 = tpu.memref_slice %arg9[%dma_start3A_134, %dma_start3A_135, %dma_start3A_142, %dma_start3A_143] : memref<2x16x8x128xf32, #tpu.memory_space<vmem>> -> memref<1x1x8x128xf32, #tpu.memory_space<vmem>>
    %dma_start3A_145 = tpu.memref_squeeze %dma_start3A_144 : memref<1x1x8x128xf32, #tpu.memory_space<vmem>> -> memref<8x128xf32, #tpu.memory_space<vmem>>
    %dma_start3A_146 = arith.constant 0 : i32
    %dma_start3A_147 = tpu.memref_slice %arg2[%dma_start3A_146, %mul3A_127] : memref<8x1000000xf32, #tpu.memory_space<hbm>> -> memref<8x128xf32, #tpu.memory_space<hbm>>
    tpu.enqueue_dma source(%dma_start3A_147 : memref<8x128xf32, #tpu.memory_space<hbm>>) target(%dma_start3A_145 : memref<8x128xf32, #tpu.memory_space<vmem>>) target_semaphore(%arg12 : memref<!tpu.dma_semaphore, #tpu.memory_space<semaphore_mem>>)
    %dma_start3A_148 = arith.constant 0 : i32
    %dma_start3A_149 = arith.constant 3 : i32
    %dma_start3A_150 = arith.constant 0 : i32
    %dma_start3A_151 = arith.constant 0 : i32
    %dma_start3A_152 = tpu.memref_slice %arg10[%dma_start3A_148, %dma_start3A_149, %dma_start3A_150, %dma_start3A_151] : memref<2x16x8x128xf32, #tpu.memory_space<vmem>> -> memref<1x1x8x128xf32, #tpu.memory_space<vmem>>
    %dma_start3A_153 = tpu.memref_squeeze %dma_start3A_152 : memref<1x1x8x128xf32, #tpu.memory_space<vmem>> -> memref<8x128xf32, #tpu.memory_space<vmem>>
    %dma_start3A_154 = arith.constant 0 : i32
    %dma_start3A_155 = tpu.memref_slice %arg4[%dma_start3A_154, %mul3A_133] : memref<8x1000000xf32, #tpu.memory_space<hbm>> -> memref<8x128xf32, #tpu.memory_space<hbm>>
    %dma_start3A_156 = arith.constant 0 : i32
    %dma_start3A_157 = arith.constant 0 : i32
    %dma_start3A_158 = tpu.memref_slice %arg10[%dma_start3A_148, %dma_start3A_149, %dma_start3A_156, %dma_start3A_157] : memref<2x16x8x128xf32, #tpu.memory_space<vmem>> -> memref<1x1x8x128xf32, #tpu.memory_space<vmem>>
    %dma_start3A_159 = tpu.memref_squeeze %dma_start3A_158 : memref<1x1x8x128xf32, #tpu.memory_space<vmem>> -> memref<8x128xf32, #tpu.memory_space<vmem>>
    %dma_start3A_160 = arith.constant 0 : i32
    %dma_start3A_161 = tpu.memref_slice %arg4[%dma_start3A_160, %mul3A_133] : memref<8x1000000xf32, #tpu.memory_space<hbm>> -> memref<8x128xf32, #tpu.memory_space<hbm>>
    tpu.enqueue_dma source(%dma_start3A_161 : memref<8x128xf32, #tpu.memory_space<hbm>>) target(%dma_start3A_159 : memref<8x128xf32, #tpu.memory_space<vmem>>) target_semaphore(%arg13 : memref<!tpu.dma_semaphore, #tpu.memory_space<semaphore_mem>>)
    %slice3A_162 = vector.extract_strided_slice %get3A_3 {offsets = [4], sizes = [1], strides = [1]} : vector<16xi32> to vector<1xi32>
    %squeeze3A_163 = vector.extract %slice3A_162[0] : i32 from vector<1xi32>
    %shift_right_logical3A_164 = arith.constant 7 : i32
    %shift_right_logical3A_165 = arith.shrui %squeeze3A_163, %shift_right_logical3A_164 : i32
    %mul3A_166 = arith.constant 128 : i32
    %mul3A_167 = arith.muli %shift_right_logical3A_165, %mul3A_166 : i32
    %slice3A_168 = vector.extract_strided_slice %get3A_5 {offsets = [4], sizes = [1], strides = [1]} : vector<16xi32> to vector<1xi32>
    %squeeze3A_169 = vector.extract %slice3A_168[0] : i32 from vector<1xi32>
    %shift_right_logical3A_170 = arith.constant 7 : i32
    %shift_right_logical3A_171 = arith.shrui %squeeze3A_169, %shift_right_logical3A_170 : i32
    %mul3A_172 = arith.constant 128 : i32
    %mul3A_173 = arith.muli %shift_right_logical3A_171, %mul3A_172 : i32
    %dma_start3A_174 = arith.constant 0 : i32
    %dma_start3A_175 = arith.constant 4 : i32
    %dma_start3A_176 = arith.constant 0 : i32
    %dma_start3A_177 = arith.constant 0 : i32
    %dma_start3A_178 = tpu.memref_slice %arg9[%dma_start3A_174, %dma_start3A_175, %dma_start3A_176, %dma_start3A_177] : memref<2x16x8x128xf32, #tpu.memory_space<vmem>> -> memref<1x1x8x128xf32, #tpu.memory_space<vmem>>
    %dma_start3A_179 = tpu.memref_squeeze %dma_start3A_178 : memref<1x1x8x128xf32, #tpu.memory_space<vmem>> -> memref<8x128xf32, #tpu.memory_space<vmem>>
    %dma_start3A_180 = arith.constant 0 : i32
    %dma_start3A_181 = tpu.memref_slice %arg2[%dma_start3A_180, %mul3A_167] : memref<8x1000000xf32, #tpu.memory_space<hbm>> -> memref<8x128xf32, #tpu.memory_space<hbm>>
    %dma_start3A_182 = arith.constant 0 : i32
    %dma_start3A_183 = arith.constant 0 : i32
    %dma_start3A_184 = tpu.memref_slice %arg9[%dma_start3A_174, %dma_start3A_175, %dma_start3A_182, %dma_start3A_183] : memref<2x16x8x128xf32, #tpu.memory_space<vmem>> -> memref<1x1x8x128xf32, #tpu.memory_space<vmem>>
    %dma_start3A_185 = tpu.memref_squeeze %dma_start3A_184 : memref<1x1x8x128xf32, #tpu.memory_space<vmem>> -> memref<8x128xf32, #tpu.memory_space<vmem>>
    %dma_start3A_186 = arith.constant 0 : i32
    %dma_start3A_187 = tpu.memref_slice %arg2[%dma_start3A_186, %mul3A_167] : memref<8x1000000xf32, #tpu.memory_space<hbm>> -> memref<8x128xf32, #tpu.memory_space<hbm>>
    tpu.enqueue_dma source(%dma_start3A_187 : memref<8x128xf32, #tpu.memory_space<hbm>>) target(%dma_start3A_185 : memref<8x128xf32, #tpu.memory_space<vmem>>) target_semaphore(%arg12 : memref<!tpu.dma_semaphore, #tpu.memory_space<semaphore_mem>>)
    %dma_start3A_188 = arith.constant 0 : i32
    %dma_start3A_189 = arith.constant 4 : i32
    %dma_start3A_190 = arith.constant 0 : i32
    %dma_start3A_191 = arith.constant 0 : i32
    %dma_start3A_192 = tpu.memref_slice %arg10[%dma_start3A_188, %dma_start3A_189, %dma_start3A_190, %dma_start3A_191] : memref<2x16x8x128xf32, #tpu.memory_space<vmem>> -> memref<1x1x8x128xf32, #tpu.memory_space<vmem>>
    %dma_start3A_193 = tpu.memref_squeeze %dma_start3A_192 : memref<1x1x8x128xf32, #tpu.memory_space<vmem>> -> memref<8x128xf32, #tpu.memory_space<vmem>>
    %dma_start3A_194 = arith.constant 0 : i32
    %dma_start3A_195 = tpu.memref_slice %arg4[%dma_start3A_194, %mul3A_173] : memref<8x1000000xf32, #tpu.memory_space<hbm>> -> memref<8x128xf32, #tpu.memory_space<hbm>>
    %dma_start3A_196 = arith.constant 0 : i32
    %dma_start3A_197 = arith.constant 0 : i32
    %dma_start3A_198 = tpu.memref_slice %arg10[%dma_start3A_188, %dma_start3A_189, %dma_start3A_196, %dma_start3A_197] : memref<2x16x8x128xf32, #tpu.memory_space<vmem>> -> memref<1x1x8x128xf32, #tpu.memory_space<vmem>>
    %dma_start3A_199 = tpu.memref_squeeze %dma_start3A_198 : memref<1x1x8x128xf32, #tpu.memory_space<vmem>> -> memref<8x128xf32, #tpu.memory_space<vmem>>
    %dma_start3A_200 = arith.constant 0 : i32
    %dma_start3A_201 = tpu.memref_slice %arg4[%dma_start3A_200, %mul3A_173] : memref<8x1000000xf32, #tpu.memory_space<hbm>> -> memref<8x128xf32, #tpu.memory_space<hbm>>
    tpu.enqueue_dma source(%dma_start3A_201 : memref<8x128xf32, #tpu.memory_space<hbm>>) target(%dma_start3A_199 : memref<8x128xf32, #tpu.memory_space<vmem>>) target_semaphore(%arg13 : memref<!tpu.dma_semaphore, #tpu.memory_space<semaphore_mem>>)
    %slice3A_202 = vector.extract_strided_slice %get3A_3 {offsets = [5], sizes = [1], strides = [1]} : vector<16xi32> to vector<1xi32>
    %squeeze3A_203 = vector.extract %slice3A_202[0] : i32 from vector<1xi32>
    %shift_right_logical3A_204 = arith.constant 7 : i32
    %shift_right_logical3A_205 = arith.shrui %squeeze3A_203, %shift_right_logical3A_204 : i32
    %mul3A_206 = arith.constant 128 : i32
    %mul3A_207 = arith.muli %shift_right_logical3A_205, %mul3A_206 : i32
    %slice3A_208 = vector.extract_strided_slice %get3A_5 {offsets = [5], sizes = [1], strides = [1]} : vector<16xi32> to vector<1xi32>
    %squeeze3A_209 = vector.extract %slice3A_208[0] : i32 from vector<1xi32>
    %shift_right_logical3A_210 = arith.constant 7 : i32
    %shift_right_logical3A_211 = arith.shrui %squeeze3A_209, %shift_right_logical3A_210 : i32
    %mul3A_212 = arith.constant 128 : i32
    %mul3A_213 = arith.muli %shift_right_logical3A_211, %mul3A_212 : i32
    %dma_start3A_214 = arith.constant 0 : i32
    %dma_start3A_215 = arith.constant 5 : i32
    %dma_start3A_216 = arith.constant 0 : i32
    %dma_start3A_217 = arith.constant 0 : i32
    %dma_start3A_218 = tpu.memref_slice %arg9[%dma_start3A_214, %dma_start3A_215, %dma_start3A_216, %dma_start3A_217] : memref<2x16x8x128xf32, #tpu.memory_space<vmem>> -> memref<1x1x8x128xf32, #tpu.memory_space<vmem>>
    %dma_start3A_219 = tpu.memref_squeeze %dma_start3A_218 : memref<1x1x8x128xf32, #tpu.memory_space<vmem>> -> memref<8x128xf32, #tpu.memory_space<vmem>>
    %dma_start3A_220 = arith.constant 0 : i32
    %dma_start3A_221 = tpu.memref_slice %arg2[%dma_start3A_220, %mul3A_207] : memref<8x1000000xf32, #tpu.memory_space<hbm>> -> memref<8x128xf32, #tpu.memory_space<hbm>>
    %dma_start3A_222 = arith.constant 0 : i32
    %dma_start3A_223 = arith.constant 0 : i32
    %dma_start3A_224 = tpu.memref_slice %arg9[%dma_start3A_214, %dma_start3A_215, %dma_start3A_222, %dma_start3A_223] : memref<2x16x8x128xf32, #tpu.memory_space<vmem>> -> memref<1x1x8x128xf32, #tpu.memory_space<vmem>>
    %dma_start3A_225 = tpu.memref_squeeze %dma_start3A_224 : memref<1x1x8x128xf32, #tpu.memory_space<vmem>> -> memref<8x128xf32, #tpu.memory_space<vmem>>
    %dma_start3A_226 = arith.constant 0 : i32
    %dma_start3A_227 = tpu.memref_slice %arg2[%dma_start3A_226, %mul3A_207] : memref<8x1000000xf32, #tpu.memory_space<hbm>> -> memref<8x128xf32, #tpu.memory_space<hbm>>
    tpu.enqueue_dma source(%dma_start3A_227 : memref<8x128xf32, #tpu.memory_space<hbm>>) target(%dma_start3A_225 : memref<8x128xf32, #tpu.memory_space<vmem>>) target_semaphore(%arg12 : memref<!tpu.dma_semaphore, #tpu.memory_space<semaphore_mem>>)
    %dma_start3A_228 = arith.constant 0 : i32
    %dma_start3A_229 = arith.constant 5 : i32
    %dma_start3A_230 = arith.constant 0 : i32
    %dma_start3A_231 = arith.constant 0 : i32
    %dma_start3A_232 = tpu.memref_slice %arg10[%dma_start3A_228, %dma_start3A_229, %dma_start3A_230, %dma_start3A_231] : memref<2x16x8x128xf32, #tpu.memory_space<vmem>> -> memref<1x1x8x128xf32, #tpu.memory_space<vmem>>
    %dma_start3A_233 = tpu.memref_squeeze %dma_start3A_232 : memref<1x1x8x128xf32, #tpu.memory_space<vmem>> -> memref<8x128xf32, #tpu.memory_space<vmem>>
    %dma_start3A_234 = arith.constant 0 : i32
    %dma_start3A_235 = tpu.memref_slice %arg4[%dma_start3A_234, %mul3A_213] : memref<8x1000000xf32, #tpu.memory_space<hbm>> -> memref<8x128xf32, #tpu.memory_space<hbm>>
    %dma_start3A_236 = arith.constant 0 : i32
    %dma_start3A_237 = arith.constant 0 : i32
    %dma_start3A_238 = tpu.memref_slice %arg10[%dma_start3A_228, %dma_start3A_229, %dma_start3A_236, %dma_start3A_237] : memref<2x16x8x128xf32, #tpu.memory_space<vmem>> -> memref<1x1x8x128xf32, #tpu.memory_space<vmem>>
    %dma_start3A_239 = tpu.memref_squeeze %dma_start3A_238 : memref<1x1x8x128xf32, #tpu.memory_space<vmem>> -> memref<8x128xf32, #tpu.memory_space<vmem>>
    %dma_start3A_240 = arith.constant 0 : i32
    %dma_start3A_241 = tpu.memref_slice %arg4[%dma_start3A_240, %mul3A_213] : memref<8x1000000xf32, #tpu.memory_space<hbm>> -> memref<8x128xf32, #tpu.memory_space<hbm>>
    tpu.enqueue_dma source(%dma_start3A_241 : memref<8x128xf32, #tpu.memory_space<hbm>>) target(%dma_start3A_239 : memref<8x128xf32, #tpu.memory_space<vmem>>) target_semaphore(%arg13 : memref<!tpu.dma_semaphore, #tpu.memory_space<semaphore_mem>>)
    %slice3A_242 = vector.extract_strided_slice %get3A_3 {offsets = [6], sizes = [1], strides = [1]} : vector<16xi32> to vector<1xi32>
    %squeeze3A_243 = vector.extract %slice3A_242[0] : i32 from vector<1xi32>
    %shift_right_logical3A_244 = arith.constant 7 : i32
    %shift_right_logical3A_245 = arith.shrui %squeeze3A_243, %shift_right_logical3A_244 : i32
    %mul3A_246 = arith.constant 128 : i32
    %mul3A_247 = arith.muli %shift_right_logical3A_245, %mul3A_246 : i32
    %slice3A_248 = vector.extract_strided_slice %get3A_5 {offsets = [6], sizes = [1], strides = [1]} : vector<16xi32> to vector<1xi32>
    %squeeze3A_249 = vector.extract %slice3A_248[0] : i32 from vector<1xi32>
    %shift_right_logical3A_250 = arith.constant 7 : i32
    %shift_right_logical3A_251 = arith.shrui %squeeze3A_249, %shift_right_logical3A_250 : i32
    %mul3A_252 = arith.constant 128 : i32
    %mul3A_253 = arith.muli %shift_right_logical3A_251, %mul3A_252 : i32
    %dma_start3A_254 = arith.constant 0 : i32
    %dma_start3A_255 = arith.constant 6 : i32
    %dma_start3A_256 = arith.constant 0 : i32
    %dma_start3A_257 = arith.constant 0 : i32
    %dma_start3A_258 = tpu.memref_slice %arg9[%dma_start3A_254, %dma_start3A_255, %dma_start3A_256, %dma_start3A_257] : memref<2x16x8x128xf32, #tpu.memory_space<vmem>> -> memref<1x1x8x128xf32, #tpu.memory_space<vmem>>
    %dma_start3A_259 = tpu.memref_squeeze %dma_start3A_258 : memref<1x1x8x128xf32, #tpu.memory_space<vmem>> -> memref<8x128xf32, #tpu.memory_space<vmem>>
    %dma_start3A_260 = arith.constant 0 : i32
    %dma_start3A_261 = tpu.memref_slice %arg2[%dma_start3A_260, %mul3A_247] : memref<8x1000000xf32, #tpu.memory_space<hbm>> -> memref<8x128xf32, #tpu.memory_space<hbm>>
    %dma_start3A_262 = arith.constant 0 : i32
    %dma_start3A_263 = arith.constant 0 : i32
    %dma_start3A_264 = tpu.memref_slice %arg9[%dma_start3A_254, %dma_start3A_255, %dma_start3A_262, %dma_start3A_263] : memref<2x16x8x128xf32, #tpu.memory_space<vmem>> -> memref<1x1x8x128xf32, #tpu.memory_space<vmem>>
    %dma_start3A_265 = tpu.memref_squeeze %dma_start3A_264 : memref<1x1x8x128xf32, #tpu.memory_space<vmem>> -> memref<8x128xf32, #tpu.memory_space<vmem>>
    %dma_start3A_266 = arith.constant 0 : i32
    %dma_start3A_267 = tpu.memref_slice %arg2[%dma_start3A_266, %mul3A_247] : memref<8x1000000xf32, #tpu.memory_space<hbm>> -> memref<8x128xf32, #tpu.memory_space<hbm>>
    tpu.enqueue_dma source(%dma_start3A_267 : memref<8x128xf32, #tpu.memory_space<hbm>>) target(%dma_start3A_265 : memref<8x128xf32, #tpu.memory_space<vmem>>) target_semaphore(%arg12 : memref<!tpu.dma_semaphore, #tpu.memory_space<semaphore_mem>>)
    %dma_start3A_268 = arith.constant 0 : i32
    %dma_start3A_269 = arith.constant 6 : i32
    %dma_start3A_270 = arith.constant 0 : i32
    %dma_start3A_271 = arith.constant 0 : i32
    %dma_start3A_272 = tpu.memref_slice %arg10[%dma_start3A_268, %dma_start3A_269, %dma_start3A_270, %dma_start3A_271] : memref<2x16x8x128xf32, #tpu.memory_space<vmem>> -> memref<1x1x8x128xf32, #tpu.memory_space<vmem>>
    %dma_start3A_273 = tpu.memref_squeeze %dma_start3A_272 : memref<1x1x8x128xf32, #tpu.memory_space<vmem>> -> memref<8x128xf32, #tpu.memory_space<vmem>>
    %dma_start3A_274 = arith.constant 0 : i32
    %dma_start3A_275 = tpu.memref_slice %arg4[%dma_start3A_274, %mul3A_253] : memref<8x1000000xf32, #tpu.memory_space<hbm>> -> memref<8x128xf32, #tpu.memory_space<hbm>>
    %dma_start3A_276 = arith.constant 0 : i32
    %dma_start3A_277 = arith.constant 0 : i32
    %dma_start3A_278 = tpu.memref_slice %arg10[%dma_start3A_268, %dma_start3A_269, %dma_start3A_276, %dma_start3A_277] : memref<2x16x8x128xf32, #tpu.memory_space<vmem>> -> memref<1x1x8x128xf32, #tpu.memory_space<vmem>>
    %dma_start3A_279 = tpu.memref_squeeze %dma_start3A_278 : memref<1x1x8x128xf32, #tpu.memory_space<vmem>> -> memref<8x128xf32, #tpu.memory_space<vmem>>
    %dma_start3A_280 = arith.constant 0 : i32
    %dma_start3A_281 = tpu.memref_slice %arg4[%dma_start3A_280, %mul3A_253] : memref<8x1000000xf32, #tpu.memory_space<hbm>> -> memref<8x128xf32, #tpu.memory_space<hbm>>
    tpu.enqueue_dma source(%dma_start3A_281 : memref<8x128xf32, #tpu.memory_space<hbm>>) target(%dma_start3A_279 : memref<8x128xf32, #tpu.memory_space<vmem>>) target_semaphore(%arg13 : memref<!tpu.dma_semaphore, #tpu.memory_space<semaphore_mem>>)
    %slice3A_282 = vector.extract_strided_slice %get3A_3 {offsets = [7], sizes = [1], strides = [1]} : vector<16xi32> to vector<1xi32>
    %squeeze3A_283 = vector.extract %slice3A_282[0] : i32 from vector<1xi32>
    %shift_right_logical3A_284 = arith.constant 7 : i32
    %shift_right_logical3A_285 = arith.shrui %squeeze3A_283, %shift_right_logical3A_284 : i32
    %mul3A_286 = arith.constant 128 : i32
    %mul3A_287 = arith.muli %shift_right_logical3A_285, %mul3A_286 : i32
    %slice3A_288 = vector.extract_strided_slice %get3A_5 {offsets = [7], sizes = [1], strides = [1]} : vector<16xi32> to vector<1xi32>
    %squeeze3A_289 = vector.extract %slice3A_288[0] : i32 from vector<1xi32>
    %shift_right_logical3A_290 = arith.constant 7 : i32
    %shift_right_logical3A_291 = arith.shrui %squeeze3A_289, %shift_right_logical3A_290 : i32
    %mul3A_292 = arith.constant 128 : i32
    %mul3A_293 = arith.muli %shift_right_logical3A_291, %mul3A_292 : i32
    %dma_start3A_294 = arith.constant 0 : i32
    %dma_start3A_295 = arith.constant 7 : i32
    %dma_start3A_296 = arith.constant 0 : i32
    %dma_start3A_297 = arith.constant 0 : i32
    %dma_start3A_298 = tpu.memref_slice %arg9[%dma_start3A_294, %dma_start3A_295, %dma_start3A_296, %dma_start3A_297] : memref<2x16x8x128xf32, #tpu.memory_space<vmem>> -> memref<1x1x8x128xf32, #tpu.memory_space<vmem>>
    %dma_start3A_299 = tpu.memref_squeeze %dma_start3A_298 : memref<1x1x8x128xf32, #tpu.memory_space<vmem>> -> memref<8x128xf32, #tpu.memory_space<vmem>>
    %dma_start3A_300 = arith.constant 0 : i32
    %dma_start3A_301 = tpu.memref_slice %arg2[%dma_start3A_300, %mul3A_287] : memref<8x1000000xf32, #tpu.memory_space<hbm>> -> memref<8x128xf32, #tpu.memory_space<hbm>>
    %dma_start3A_302 = arith.constant 0 : i32
    %dma_start3A_303 = arith.constant 0 : i32
    %dma_start3A_304 = tpu.memref_slice %arg9[%dma_start3A_294, %dma_start3A_295, %dma_start3A_302, %dma_start3A_303] : memref<2x16x8x128xf32, #tpu.memory_space<vmem>> -> memref<1x1x8x128xf32, #tpu.memory_space<vmem>>
    %dma_start3A_305 = tpu.memref_squeeze %dma_start3A_304 : memref<1x1x8x128xf32, #tpu.memory_space<vmem>> -> memref<8x128xf32, #tpu.memory_space<vmem>>
    %dma_start3A_306 = arith.constant 0 : i32
    %dma_start3A_307 = tpu.memref_slice %arg2[%dma_start3A_306, %mul3A_287] : memref<8x1000000xf32, #tpu.memory_space<hbm>> -> memref<8x128xf32, #tpu.memory_space<hbm>>
    tpu.enqueue_dma source(%dma_start3A_307 : memref<8x128xf32, #tpu.memory_space<hbm>>) target(%dma_start3A_305 : memref<8x128xf32, #tpu.memory_space<vmem>>) target_semaphore(%arg12 : memref<!tpu.dma_semaphore, #tpu.memory_space<semaphore_mem>>)
    %dma_start3A_308 = arith.constant 0 : i32
    %dma_start3A_309 = arith.constant 7 : i32
    %dma_start3A_310 = arith.constant 0 : i32
    %dma_start3A_311 = arith.constant 0 : i32
    %dma_start3A_312 = tpu.memref_slice %arg10[%dma_start3A_308, %dma_start3A_309, %dma_start3A_310, %dma_start3A_311] : memref<2x16x8x128xf32, #tpu.memory_space<vmem>> -> memref<1x1x8x128xf32, #tpu.memory_space<vmem>>
    %dma_start3A_313 = tpu.memref_squeeze %dma_start3A_312 : memref<1x1x8x128xf32, #tpu.memory_space<vmem>> -> memref<8x128xf32, #tpu.memory_space<vmem>>
    %dma_start3A_314 = arith.constant 0 : i32
    %dma_start3A_315 = tpu.memref_slice %arg4[%dma_start3A_314, %mul3A_293] : memref<8x1000000xf32, #tpu.memory_space<hbm>> -> memref<8x128xf32, #tpu.memory_space<hbm>>
    %dma_start3A_316 = arith.constant 0 : i32
    %dma_start3A_317 = arith.constant 0 : i32
    %dma_start3A_318 = tpu.memref_slice %arg10[%dma_start3A_308, %dma_start3A_309, %dma_start3A_316, %dma_start3A_317] : memref<2x16x8x128xf32, #tpu.memory_space<vmem>> -> memref<1x1x8x128xf32, #tpu.memory_space<vmem>>
    %dma_start3A_319 = tpu.memref_squeeze %dma_start3A_318 : memref<1x1x8x128xf32, #tpu.memory_space<vmem>> -> memref<8x128xf32, #tpu.memory_space<vmem>>
    %dma_start3A_320 = arith.constant 0 : i32
    %dma_start3A_321 = tpu.memref_slice %arg4[%dma_start3A_320, %mul3A_293] : memref<8x1000000xf32, #tpu.memory_space<hbm>> -> memref<8x128xf32, #tpu.memory_space<hbm>>
    tpu.enqueue_dma source(%dma_start3A_321 : memref<8x128xf32, #tpu.memory_space<hbm>>) target(%dma_start3A_319 : memref<8x128xf32, #tpu.memory_space<vmem>>) target_semaphore(%arg13 : memref<!tpu.dma_semaphore, #tpu.memory_space<semaphore_mem>>)
    %slice3A_322 = vector.extract_strided_slice %get3A_3 {offsets = [8], sizes = [1], strides = [1]} : vector<16xi32> to vector<1xi32>
    %squeeze3A_323 = vector.extract %slice3A_322[0] : i32 from vector<1xi32>
    %shift_right_logical3A_324 = arith.constant 7 : i32
    %shift_right_logical3A_325 = arith.shrui %squeeze3A_323, %shift_right_logical3A_324 : i32
    %mul3A_326 = arith.constant 128 : i32
    %mul3A_327 = arith.muli %shift_right_logical3A_325, %mul3A_326 : i32
    %slice3A_328 = vector.extract_strided_slice %get3A_5 {offsets = [8], sizes = [1], strides = [1]} : vector<16xi32> to vector<1xi32>
    %squeeze3A_329 = vector.extract %slice3A_328[0] : i32 from vector<1xi32>
    %shift_right_logical3A_330 = arith.constant 7 : i32
    %shift_right_logical3A_331 = arith.shrui %squeeze3A_329, %shift_right_logical3A_330 : i32
    %mul3A_332 = arith.constant 128 : i32
    %mul3A_333 = arith.muli %shift_right_logical3A_331, %mul3A_332 : i32
    %dma_start3A_334 = arith.constant 0 : i32
    %dma_start3A_335 = arith.constant 8 : i32
    %dma_start3A_336 = arith.constant 0 : i32
    %dma_start3A_337 = arith.constant 0 : i32
    %dma_start3A_338 = tpu.memref_slice %arg9[%dma_start3A_334, %dma_start3A_335, %dma_start3A_336, %dma_start3A_337] : memref<2x16x8x128xf32, #tpu.memory_space<vmem>> -> memref<1x1x8x128xf32, #tpu.memory_space<vmem>>
    %dma_start3A_339 = tpu.memref_squeeze %dma_start3A_338 : memref<1x1x8x128xf32, #tpu.memory_space<vmem>> -> memref<8x128xf32, #tpu.memory_space<vmem>>
    %dma_start3A_340 = arith.constant 0 : i32
    %dma_start3A_341 = tpu.memref_slice %arg2[%dma_start3A_340, %mul3A_327] : memref<8x1000000xf32, #tpu.memory_space<hbm>> -> memref<8x128xf32, #tpu.memory_space<hbm>>
    %dma_start3A_342 = arith.constant 0 : i32
    %dma_start3A_343 = arith.constant 0 : i32
    %dma_start3A_344 = tpu.memref_slice %arg9[%dma_start3A_334, %dma_start3A_335, %dma_start3A_342, %dma_start3A_343] : memref<2x16x8x128xf32, #tpu.memory_space<vmem>> -> memref<1x1x8x128xf32, #tpu.memory_space<vmem>>
    %dma_start3A_345 = tpu.memref_squeeze %dma_start3A_344 : memref<1x1x8x128xf32, #tpu.memory_space<vmem>> -> memref<8x128xf32, #tpu.memory_space<vmem>>
    %dma_start3A_346 = arith.constant 0 : i32
    %dma_start3A_347 = tpu.memref_slice %arg2[%dma_start3A_346, %mul3A_327] : memref<8x1000000xf32, #tpu.memory_space<hbm>> -> memref<8x128xf32, #tpu.memory_space<hbm>>
    tpu.enqueue_dma source(%dma_start3A_347 : memref<8x128xf32, #tpu.memory_space<hbm>>) target(%dma_start3A_345 : memref<8x128xf32, #tpu.memory_space<vmem>>) target_semaphore(%arg12 : memref<!tpu.dma_semaphore, #tpu.memory_space<semaphore_mem>>)
    %dma_start3A_348 = arith.constant 0 : i32
    %dma_start3A_349 = arith.constant 8 : i32
    %dma_start3A_350 = arith.constant 0 : i32
    %dma_start3A_351 = arith.constant 0 : i32
    %dma_start3A_352 = tpu.memref_slice %arg10[%dma_start3A_348, %dma_start3A_349, %dma_start3A_350, %dma_start3A_351] : memref<2x16x8x128xf32, #tpu.memory_space<vmem>> -> memref<1x1x8x128xf32, #tpu.memory_space<vmem>>
    %dma_start3A_353 = tpu.memref_squeeze %dma_start3A_352 : memref<1x1x8x128xf32, #tpu.memory_space<vmem>> -> memref<8x128xf32, #tpu.memory_space<vmem>>
    %dma_start3A_354 = arith.constant 0 : i32
    %dma_start3A_355 = tpu.memref_slice %arg4[%dma_start3A_354, %mul3A_333] : memref<8x1000000xf32, #tpu.memory_space<hbm>> -> memref<8x128xf32, #tpu.memory_space<hbm>>
    %dma_start3A_356 = arith.constant 0 : i32
    %dma_start3A_357 = arith.constant 0 : i32
    %dma_start3A_358 = tpu.memref_slice %arg10[%dma_start3A_348, %dma_start3A_349, %dma_start3A_356, %dma_start3A_357] : memref<2x16x8x128xf32, #tpu.memory_space<vmem>> -> memref<1x1x8x128xf32, #tpu.memory_space<vmem>>
    %dma_start3A_359 = tpu.memref_squeeze %dma_start3A_358 : memref<1x1x8x128xf32, #tpu.memory_space<vmem>> -> memref<8x128xf32, #tpu.memory_space<vmem>>
    %dma_start3A_360 = arith.constant 0 : i32
    %dma_start3A_361 = tpu.memref_slice %arg4[%dma_start3A_360, %mul3A_333] : memref<8x1000000xf32, #tpu.memory_space<hbm>> -> memref<8x128xf32, #tpu.memory_space<hbm>>
    tpu.enqueue_dma source(%dma_start3A_361 : memref<8x128xf32, #tpu.memory_space<hbm>>) target(%dma_start3A_359 : memref<8x128xf32, #tpu.memory_space<vmem>>) target_semaphore(%arg13 : memref<!tpu.dma_semaphore, #tpu.memory_space<semaphore_mem>>)
    %slice3A_362 = vector.extract_strided_slice %get3A_3 {offsets = [9], sizes = [1], strides = [1]} : vector<16xi32> to vector<1xi32>
    %squeeze3A_363 = vector.extract %slice3A_362[0] : i32 from vector<1xi32>
    %shift_right_logical3A_364 = arith.constant 7 : i32
    %shift_right_logical3A_365 = arith.shrui %squeeze3A_363, %shift_right_logical3A_364 : i32
    %mul3A_366 = arith.constant 128 : i32
    %mul3A_367 = arith.muli %shift_right_logical3A_365, %mul3A_366 : i32
    %slice3A_368 = vector.extract_strided_slice %get3A_5 {offsets = [9], sizes = [1], strides = [1]} : vector<16xi32> to vector<1xi32>
    %squeeze3A_369 = vector.extract %slice3A_368[0] : i32 from vector<1xi32>
    %shift_right_logical3A_370 = arith.constant 7 : i32
    %shift_right_logical3A_371 = arith.shrui %squeeze3A_369, %shift_right_logical3A_370 : i32
    %mul3A_372 = arith.constant 128 : i32
    %mul3A_373 = arith.muli %shift_right_logical3A_371, %mul3A_372 : i32
    %dma_start3A_374 = arith.constant 0 : i32
    %dma_start3A_375 = arith.constant 9 : i32
    %dma_start3A_376 = arith.constant 0 : i32
    %dma_start3A_377 = arith.constant 0 : i32
    %dma_start3A_378 = tpu.memref_slice %arg9[%dma_start3A_374, %dma_start3A_375, %dma_start3A_376, %dma_start3A_377] : memref<2x16x8x128xf32, #tpu.memory_space<vmem>> -> memref<1x1x8x128xf32, #tpu.memory_space<vmem>>
    %dma_start3A_379 = tpu.memref_squeeze %dma_start3A_378 : memref<1x1x8x128xf32, #tpu.memory_space<vmem>> -> memref<8x128xf32, #tpu.memory_space<vmem>>
    %dma_start3A_380 = arith.constant 0 : i32
    %dma_start3A_381 = tpu.memref_slice %arg2[%dma_start3A_380, %mul3A_367] : memref<8x1000000xf32, #tpu.memory_space<hbm>> -> memref<8x128xf32, #tpu.memory_space<hbm>>
    %dma_start3A_382 = arith.constant 0 : i32
    %dma_start3A_383 = arith.constant 0 : i32
    %dma_start3A_384 = tpu.memref_slice %arg9[%dma_start3A_374, %dma_start3A_375, %dma_start3A_382, %dma_start3A_383] : memref<2x16x8x128xf32, #tpu.memory_space<vmem>> -> memref<1x1x8x128xf32, #tpu.memory_space<vmem>>
    %dma_start3A_385 = tpu.memref_squeeze %dma_start3A_384 : memref<1x1x8x128xf32, #tpu.memory_space<vmem>> -> memref<8x128xf32, #tpu.memory_space<vmem>>
    %dma_start3A_386 = arith.constant 0 : i32
    %dma_start3A_387 = tpu.memref_slice %arg2[%dma_start3A_386, %mul3A_367] : memref<8x1000000xf32, #tpu.memory_space<hbm>> -> memref<8x128xf32, #tpu.memory_space<hbm>>
    tpu.enqueue_dma source(%dma_start3A_387 : memref<8x128xf32, #tpu.memory_space<hbm>>) target(%dma_start3A_385 : memref<8x128xf32, #tpu.memory_space<vmem>>) target_semaphore(%arg12 : memref<!tpu.dma_semaphore, #tpu.memory_space<semaphore_mem>>)
    %dma_start3A_388 = arith.constant 0 : i32
    %dma_start3A_389 = arith.constant 9 : i32
    %dma_start3A_390 = arith.constant 0 : i32
    %dma_start3A_391 = arith.constant 0 : i32
    %dma_start3A_392 = tpu.memref_slice %arg10[%dma_start3A_388, %dma_start3A_389, %dma_start3A_390, %dma_start3A_391] : memref<2x16x8x128xf32, #tpu.memory_space<vmem>> -> memref<1x1x8x128xf32, #tpu.memory_space<vmem>>
    %dma_start3A_393 = tpu.memref_squeeze %dma_start3A_392 : memref<1x1x8x128xf32, #tpu.memory_space<vmem>> -> memref<8x128xf32, #tpu.memory_space<vmem>>
    %dma_start3A_394 = arith.constant 0 : i32
    %dma_start3A_395 = tpu.memref_slice %arg4[%dma_start3A_394, %mul3A_373] : memref<8x1000000xf32, #tpu.memory_space<hbm>> -> memref<8x128xf32, #tpu.memory_space<hbm>>
    %dma_start3A_396 = arith.constant 0 : i32
    %dma_start3A_397 = arith.constant 0 : i32
    %dma_start3A_398 = tpu.memref_slice %arg10[%dma_start3A_388, %dma_start3A_389, %dma_start3A_396, %dma_start3A_397] : memref<2x16x8x128xf32, #tpu.memory_space<vmem>> -> memref<1x1x8x128xf32, #tpu.memory_space<vmem>>
    %dma_start3A_399 = tpu.memref_squeeze %dma_start3A_398 : memref<1x1x8x128xf32, #tpu.memory_space<vmem>> -> memref<8x128xf32, #tpu.memory_space<vmem>>
    %dma_start3A_400 = arith.constant 0 : i32
    %dma_start3A_401 = tpu.memref_slice %arg4[%dma_start3A_400, %mul3A_373] : memref<8x1000000xf32, #tpu.memory_space<hbm>> -> memref<8x128xf32, #tpu.memory_space<hbm>>
    tpu.enqueue_dma source(%dma_start3A_401 : memref<8x128xf32, #tpu.memory_space<hbm>>) target(%dma_start3A_399 : memref<8x128xf32, #tpu.memory_space<vmem>>) target_semaphore(%arg13 : memref<!tpu.dma_semaphore, #tpu.memory_space<semaphore_mem>>)
    %slice3A_402 = vector.extract_strided_slice %get3A_3 {offsets = [10], sizes = [1], strides = [1]} : vector<16xi32> to vector<1xi32>
    %squeeze3A_403 = vector.extract %slice3A_402[0] : i32 from vector<1xi32>
    %shift_right_logical3A_404 = arith.constant 7 : i32
    %shift_right_logical3A_405 = arith.shrui %squeeze3A_403, %shift_right_logical3A_404 : i32
    %mul3A_406 = arith.constant 128 : i32
    %mul3A_407 = arith.muli %shift_right_logical3A_405, %mul3A_406 : i32
    %slice3A_408 = vector.extract_strided_slice %get3A_5 {offsets = [10], sizes = [1], strides = [1]} : vector<16xi32> to vector<1xi32>
    %squeeze3A_409 = vector.extract %slice3A_408[0] : i32 from vector<1xi32>
    %shift_right_logical3A_410 = arith.constant 7 : i32
    %shift_right_logical3A_411 = arith.shrui %squeeze3A_409, %shift_right_logical3A_410 : i32
    %mul3A_412 = arith.constant 128 : i32
    %mul3A_413 = arith.muli %shift_right_logical3A_411, %mul3A_412 : i32
    %dma_start3A_414 = arith.constant 0 : i32
    %dma_start3A_415 = arith.constant 10 : i32
    %dma_start3A_416 = arith.constant 0 : i32
    %dma_start3A_417 = arith.constant 0 : i32
    %dma_start3A_418 = tpu.memref_slice %arg9[%dma_start3A_414, %dma_start3A_415, %dma_start3A_416, %dma_start3A_417] : memref<2x16x8x128xf32, #tpu.memory_space<vmem>> -> memref<1x1x8x128xf32, #tpu.memory_space<vmem>>
    %dma_start3A_419 = tpu.memref_squeeze %dma_start3A_418 : memref<1x1x8x128xf32, #tpu.memory_space<vmem>> -> memref<8x128xf32, #tpu.memory_space<vmem>>
    %dma_start3A_420 = arith.constant 0 : i32
    %dma_start3A_421 = tpu.memref_slice %arg2[%dma_start3A_420, %mul3A_407] : memref<8x1000000xf32, #tpu.memory_space<hbm>> -> memref<8x128xf32, #tpu.memory_space<hbm>>
    %dma_start3A_422 = arith.constant 0 : i32
    %dma_start3A_423 = arith.constant 0 : i32
    %dma_start3A_424 = tpu.memref_slice %arg9[%dma_start3A_414, %dma_start3A_415, %dma_start3A_422, %dma_start3A_423] : memref<2x16x8x128xf32, #tpu.memory_space<vmem>> -> memref<1x1x8x128xf32, #tpu.memory_space<vmem>>
    %dma_start3A_425 = tpu.memref_squeeze %dma_start3A_424 : memref<1x1x8x128xf32, #tpu.memory_space<vmem>> -> memref<8x128xf32, #tpu.memory_space<vmem>>
    %dma_start3A_426 = arith.constant 0 : i32
    %dma_start3A_427 = tpu.memref_slice %arg2[%dma_start3A_426, %mul3A_407] : memref<8x1000000xf32, #tpu.memory_space<hbm>> -> memref<8x128xf32, #tpu.memory_space<hbm>>
    tpu.enqueue_dma source(%dma_start3A_427 : memref<8x128xf32, #tpu.memory_space<hbm>>) target(%dma_start3A_425 : memref<8x128xf32, #tpu.memory_space<vmem>>) target_semaphore(%arg12 : memref<!tpu.dma_semaphore, #tpu.memory_space<semaphore_mem>>)
    %dma_start3A_428 = arith.constant 0 : i32
    %dma_start3A_429 = arith.constant 10 : i32
    %dma_start3A_430 = arith.constant 0 : i32
    %dma_start3A_431 = arith.constant 0 : i32
    %dma_start3A_432 = tpu.memref_slice %arg10[%dma_start3A_428, %dma_start3A_429, %dma_start3A_430, %dma_start3A_431] : memref<2x16x8x128xf32, #tpu.memory_space<vmem>> -> memref<1x1x8x128xf32, #tpu.memory_space<vmem>>
    %dma_start3A_433 = tpu.memref_squeeze %dma_start3A_432 : memref<1x1x8x128xf32, #tpu.memory_space<vmem>> -> memref<8x128xf32, #tpu.memory_space<vmem>>
    %dma_start3A_434 = arith.constant 0 : i32
    %dma_start3A_435 = tpu.memref_slice %arg4[%dma_start3A_434, %mul3A_413] : memref<8x1000000xf32, #tpu.memory_space<hbm>> -> memref<8x128xf32, #tpu.memory_space<hbm>>
    %dma_start3A_436 = arith.constant 0 : i32
    %dma_start3A_437 = arith.constant 0 : i32
    %dma_start3A_438 = tpu.memref_slice %arg10[%dma_start3A_428, %dma_start3A_429, %dma_start3A_436, %dma_start3A_437] : memref<2x16x8x128xf32, #tpu.memory_space<vmem>> -> memref<1x1x8x128xf32, #tpu.memory_space<vmem>>
    %dma_start3A_439 = tpu.memref_squeeze %dma_start3A_438 : memref<1x1x8x128xf32, #tpu.memory_space<vmem>> -> memref<8x128xf32, #tpu.memory_space<vmem>>
    %dma_start3A_440 = arith.constant 0 : i32
    %dma_start3A_441 = tpu.memref_slice %arg4[%dma_start3A_440, %mul3A_413] : memref<8x1000000xf32, #tpu.memory_space<hbm>> -> memref<8x128xf32, #tpu.memory_space<hbm>>
    tpu.enqueue_dma source(%dma_start3A_441 : memref<8x128xf32, #tpu.memory_space<hbm>>) target(%dma_start3A_439 : memref<8x128xf32, #tpu.memory_space<vmem>>) target_semaphore(%arg13 : memref<!tpu.dma_semaphore, #tpu.memory_space<semaphore_mem>>)
    %slice3A_442 = vector.extract_strided_slice %get3A_3 {offsets = [11], sizes = [1], strides = [1]} : vector<16xi32> to vector<1xi32>
    %squeeze3A_443 = vector.extract %slice3A_442[0] : i32 from vector<1xi32>
    %shift_right_logical3A_444 = arith.constant 7 : i32
    %shift_right_logical3A_445 = arith.shrui %squeeze3A_443, %shift_right_logical3A_444 : i32
    %mul3A_446 = arith.constant 128 : i32
    %mul3A_447 = arith.muli %shift_right_logical3A_445, %mul3A_446 : i32
    %slice3A_448 = vector.extract_strided_slice %get3A_5 {offsets = [11], sizes = [1], strides = [1]} : vector<16xi32> to vector<1xi32>
    %squeeze3A_449 = vector.extract %slice3A_448[0] : i32 from vector<1xi32>
    %shift_right_logical3A_450 = arith.constant 7 : i32
    %shift_right_logical3A_451 = arith.shrui %squeeze3A_449, %shift_right_logical3A_450 : i32
    %mul3A_452 = arith.constant 128 : i32
    %mul3A_453 = arith.muli %shift_right_logical3A_451, %mul3A_452 : i32
    %dma_start3A_454 = arith.constant 0 : i32
    %dma_start3A_455 = arith.constant 11 : i32
    %dma_start3A_456 = arith.constant 0 : i32
    %dma_start3A_457 = arith.constant 0 : i32
    %dma_start3A_458 = tpu.memref_slice %arg9[%dma_start3A_454, %dma_start3A_455, %dma_start3A_456, %dma_start3A_457] : memref<2x16x8x128xf32, #tpu.memory_space<vmem>> -> memref<1x1x8x128xf32, #tpu.memory_space<vmem>>
    %dma_start3A_459 = tpu.memref_squeeze %dma_start3A_458 : memref<1x1x8x128xf32, #tpu.memory_space<vmem>> -> memref<8x128xf32, #tpu.memory_space<vmem>>
    %dma_start3A_460 = arith.constant 0 : i32
    %dma_start3A_461 = tpu.memref_slice %arg2[%dma_start3A_460, %mul3A_447] : memref<8x1000000xf32, #tpu.memory_space<hbm>> -> memref<8x128xf32, #tpu.memory_space<hbm>>
    %dma_start3A_462 = arith.constant 0 : i32
    %dma_start3A_463 = arith.constant 0 : i32
    %dma_start3A_464 = tpu.memref_slice %arg9[%dma_start3A_454, %dma_start3A_455, %dma_start3A_462, %dma_start3A_463] : memref<2x16x8x128xf32, #tpu.memory_space<vmem>> -> memref<1x1x8x128xf32, #tpu.memory_space<vmem>>
    %dma_start3A_465 = tpu.memref_squeeze %dma_start3A_464 : memref<1x1x8x128xf32, #tpu.memory_space<vmem>> -> memref<8x128xf32, #tpu.memory_space<vmem>>
    %dma_start3A_466 = arith.constant 0 : i32
    %dma_start3A_467 = tpu.memref_slice %arg2[%dma_start3A_466, %mul3A_447] : memref<8x1000000xf32, #tpu.memory_space<hbm>> -> memref<8x128xf32, #tpu.memory_space<hbm>>
    tpu.enqueue_dma source(%dma_start3A_467 : memref<8x128xf32, #tpu.memory_space<hbm>>) target(%dma_start3A_465 : memref<8x128xf32, #tpu.memory_space<vmem>>) target_semaphore(%arg12 : memref<!tpu.dma_semaphore, #tpu.memory_space<semaphore_mem>>)
    %dma_start3A_468 = arith.constant 0 : i32
    %dma_start3A_469 = arith.constant 11 : i32
    %dma_start3A_470 = arith.constant 0 : i32
    %dma_start3A_471 = arith.constant 0 : i32
    %dma_start3A_472 = tpu.memref_slice %arg10[%dma_start3A_468, %dma_start3A_469, %dma_start3A_470, %dma_start3A_471] : memref<2x16x8x128xf32, #tpu.memory_space<vmem>> -> memref<1x1x8x128xf32, #tpu.memory_space<vmem>>
    %dma_start3A_473 = tpu.memref_squeeze %dma_start3A_472 : memref<1x1x8x128xf32, #tpu.memory_space<vmem>> -> memref<8x128xf32, #tpu.memory_space<vmem>>
    %dma_start3A_474 = arith.constant 0 : i32
    %dma_start3A_475 = tpu.memref_slice %arg4[%dma_start3A_474, %mul3A_453] : memref<8x1000000xf32, #tpu.memory_space<hbm>> -> memref<8x128xf32, #tpu.memory_space<hbm>>
    %dma_start3A_476 = arith.constant 0 : i32
    %dma_start3A_477 = arith.constant 0 : i32
    %dma_start3A_478 = tpu.memref_slice %arg10[%dma_start3A_468, %dma_start3A_469, %dma_start3A_476, %dma_start3A_477] : memref<2x16x8x128xf32, #tpu.memory_space<vmem>> -> memref<1x1x8x128xf32, #tpu.memory_space<vmem>>
    %dma_start3A_479 = tpu.memref_squeeze %dma_start3A_478 : memref<1x1x8x128xf32, #tpu.memory_space<vmem>> -> memref<8x128xf32, #tpu.memory_space<vmem>>
    %dma_start3A_480 = arith.constant 0 : i32
    %dma_start3A_481 = tpu.memref_slice %arg4[%dma_start3A_480, %mul3A_453] : memref<8x1000000xf32, #tpu.memory_space<hbm>> -> memref<8x128xf32, #tpu.memory_space<hbm>>
    tpu.enqueue_dma source(%dma_start3A_481 : memref<8x128xf32, #tpu.memory_space<hbm>>) target(%dma_start3A_479 : memref<8x128xf32, #tpu.memory_space<vmem>>) target_semaphore(%arg13 : memref<!tpu.dma_semaphore, #tpu.memory_space<semaphore_mem>>)
    %slice3A_482 = vector.extract_strided_slice %get3A_3 {offsets = [12], sizes = [1], strides = [1]} : vector<16xi32> to vector<1xi32>
    %squeeze3A_483 = vector.extract %slice3A_482[0] : i32 from vector<1xi32>
    %shift_right_logical3A_484 = arith.constant 7 : i32
    %shift_right_logical3A_485 = arith.shrui %squeeze3A_483, %shift_right_logical3A_484 : i32
    %mul3A_486 = arith.constant 128 : i32
    %mul3A_487 = arith.muli %shift_right_logical3A_485, %mul3A_486 : i32
    %slice3A_488 = vector.extract_strided_slice %get3A_5 {offsets = [12], sizes = [1], strides = [1]} : vector<16xi32> to vector<1xi32>
    %squeeze3A_489 = vector.extract %slice3A_488[0] : i32 from vector<1xi32>
    %shift_right_logical3A_490 = arith.constant 7 : i32
    %shift_right_logical3A_491 = arith.shrui %squeeze3A_489, %shift_right_logical3A_490 : i32
    %mul3A_492 = arith.constant 128 : i32
    %mul3A_493 = arith.muli %shift_right_logical3A_491, %mul3A_492 : i32
    %dma_start3A_494 = arith.constant 0 : i32
    %dma_start3A_495 = arith.constant 12 : i32
    %dma_start3A_496 = arith.constant 0 : i32
    %dma_start3A_497 = arith.constant 0 : i32
    %dma_start3A_498 = tpu.memref_slice %arg9[%dma_start3A_494, %dma_start3A_495, %dma_start3A_496, %dma_start3A_497] : memref<2x16x8x128xf32, #tpu.memory_space<vmem>> -> memref<1x1x8x128xf32, #tpu.memory_space<vmem>>
    %dma_start3A_499 = tpu.memref_squeeze %dma_start3A_498 : memref<1x1x8x128xf32, #tpu.memory_space<vmem>> -> memref<8x128xf32, #tpu.memory_space<vmem>>
    %dma_start3A_500 = arith.constant 0 : i32
    %dma_start3A_501 = tpu.memref_slice %arg2[%dma_start3A_500, %mul3A_487] : memref<8x1000000xf32, #tpu.memory_space<hbm>> -> memref<8x128xf32, #tpu.memory_space<hbm>>
    %dma_start3A_502 = arith.constant 0 : i32
    %dma_start3A_503 = arith.constant 0 : i32
    %dma_start3A_504 = tpu.memref_slice %arg9[%dma_start3A_494, %dma_start3A_495, %dma_start3A_502, %dma_start3A_503] : memref<2x16x8x128xf32, #tpu.memory_space<vmem>> -> memref<1x1x8x128xf32, #tpu.memory_space<vmem>>
    %dma_start3A_505 = tpu.memref_squeeze %dma_start3A_504 : memref<1x1x8x128xf32, #tpu.memory_space<vmem>> -> memref<8x128xf32, #tpu.memory_space<vmem>>
    %dma_start3A_506 = arith.constant 0 : i32
    %dma_start3A_507 = tpu.memref_slice %arg2[%dma_start3A_506, %mul3A_487] : memref<8x1000000xf32, #tpu.memory_space<hbm>> -> memref<8x128xf32, #tpu.memory_space<hbm>>
    tpu.enqueue_dma source(%dma_start3A_507 : memref<8x128xf32, #tpu.memory_space<hbm>>) target(%dma_start3A_505 : memref<8x128xf32, #tpu.memory_space<vmem>>) target_semaphore(%arg12 : memref<!tpu.dma_semaphore, #tpu.memory_space<semaphore_mem>>)
    %dma_start3A_508 = arith.constant 0 : i32
    %dma_start3A_509 = arith.constant 12 : i32
    %dma_start3A_510 = arith.constant 0 : i32
    %dma_start3A_511 = arith.constant 0 : i32
    %dma_start3A_512 = tpu.memref_slice %arg10[%dma_start3A_508, %dma_start3A_509, %dma_start3A_510, %dma_start3A_511] : memref<2x16x8x128xf32, #tpu.memory_space<vmem>> -> memref<1x1x8x128xf32, #tpu.memory_space<vmem>>
    %dma_start3A_513 = tpu.memref_squeeze %dma_start3A_512 : memref<1x1x8x128xf32, #tpu.memory_space<vmem>> -> memref<8x128xf32, #tpu.memory_space<vmem>>
    %dma_start3A_514 = arith.constant 0 : i32
    %dma_start3A_515 = tpu.memref_slice %arg4[%dma_start3A_514, %mul3A_493] : memref<8x1000000xf32, #tpu.memory_space<hbm>> -> memref<8x128xf32, #tpu.memory_space<hbm>>
    %dma_start3A_516 = arith.constant 0 : i32
    %dma_start3A_517 = arith.constant 0 : i32
    %dma_start3A_518 = tpu.memref_slice %arg10[%dma_start3A_508, %dma_start3A_509, %dma_start3A_516, %dma_start3A_517] : memref<2x16x8x128xf32, #tpu.memory_space<vmem>> -> memref<1x1x8x128xf32, #tpu.memory_space<vmem>>
    %dma_start3A_519 = tpu.memref_squeeze %dma_start3A_518 : memref<1x1x8x128xf32, #tpu.memory_space<vmem>> -> memref<8x128xf32, #tpu.memory_space<vmem>>
    %dma_start3A_520 = arith.constant 0 : i32
    %dma_start3A_521 = tpu.memref_slice %arg4[%dma_start3A_520, %mul3A_493] : memref<8x1000000xf32, #tpu.memory_space<hbm>> -> memref<8x128xf32, #tpu.memory_space<hbm>>
    tpu.enqueue_dma source(%dma_start3A_521 : memref<8x128xf32, #tpu.memory_space<hbm>>) target(%dma_start3A_519 : memref<8x128xf32, #tpu.memory_space<vmem>>) target_semaphore(%arg13 : memref<!tpu.dma_semaphore, #tpu.memory_space<semaphore_mem>>)
    %slice3A_522 = vector.extract_strided_slice %get3A_3 {offsets = [13], sizes = [1], strides = [1]} : vector<16xi32> to vector<1xi32>
    %squeeze3A_523 = vector.extract %slice3A_522[0] : i32 from vector<1xi32>
    %shift_right_logical3A_524 = arith.constant 7 : i32
    %shift_right_logical3A_525 = arith.shrui %squeeze3A_523, %shift_right_logical3A_524 : i32
    %mul3A_526 = arith.constant 128 : i32
    %mul3A_527 = arith.muli %shift_right_logical3A_525, %mul3A_526 : i32
    %slice3A_528 = vector.extract_strided_slice %get3A_5 {offsets = [13], sizes = [1], strides = [1]} : vector<16xi32> to vector<1xi32>
    %squeeze3A_529 = vector.extract %slice3A_528[0] : i32 from vector<1xi32>
    %shift_right_logical3A_530 = arith.constant 7 : i32
    %shift_right_logical3A_531 = arith.shrui %squeeze3A_529, %shift_right_logical3A_530 : i32
    %mul3A_532 = arith.constant 128 : i32
    %mul3A_533 = arith.muli %shift_right_logical3A_531, %mul3A_532 : i32
    %dma_start3A_534 = arith.constant 0 : i32
    %dma_start3A_535 = arith.constant 13 : i32
    %dma_start3A_536 = arith.constant 0 : i32
    %dma_start3A_537 = arith.constant 0 : i32
    %dma_start3A_538 = tpu.memref_slice %arg9[%dma_start3A_534, %dma_start3A_535, %dma_start3A_536, %dma_start3A_537] : memref<2x16x8x128xf32, #tpu.memory_space<vmem>> -> memref<1x1x8x128xf32, #tpu.memory_space<vmem>>
    %dma_start3A_539 = tpu.memref_squeeze %dma_start3A_538 : memref<1x1x8x128xf32, #tpu.memory_space<vmem>> -> memref<8x128xf32, #tpu.memory_space<vmem>>
    %dma_start3A_540 = arith.constant 0 : i32
    %dma_start3A_541 = tpu.memref_slice %arg2[%dma_start3A_540, %mul3A_527] : memref<8x1000000xf32, #tpu.memory_space<hbm>> -> memref<8x128xf32, #tpu.memory_space<hbm>>
    %dma_start3A_542 = arith.constant 0 : i32
    %dma_start3A_543 = arith.constant 0 : i32
    %dma_start3A_544 = tpu.memref_slice %arg9[%dma_start3A_534, %dma_start3A_535, %dma_start3A_542, %dma_start3A_543] : memref<2x16x8x128xf32, #tpu.memory_space<vmem>> -> memref<1x1x8x128xf32, #tpu.memory_space<vmem>>
    %dma_start3A_545 = tpu.memref_squeeze %dma_start3A_544 : memref<1x1x8x128xf32, #tpu.memory_space<vmem>> -> memref<8x128xf32, #tpu.memory_space<vmem>>
    %dma_start3A_546 = arith.constant 0 : i32
    %dma_start3A_547 = tpu.memref_slice %arg2[%dma_start3A_546, %mul3A_527] : memref<8x1000000xf32, #tpu.memory_space<hbm>> -> memref<8x128xf32, #tpu.memory_space<hbm>>
    tpu.enqueue_dma source(%dma_start3A_547 : memref<8x128xf32, #tpu.memory_space<hbm>>) target(%dma_start3A_545 : memref<8x128xf32, #tpu.memory_space<vmem>>) target_semaphore(%arg12 : memref<!tpu.dma_semaphore, #tpu.memory_space<semaphore_mem>>)
    %dma_start3A_548 = arith.constant 0 : i32
    %dma_start3A_549 = arith.constant 13 : i32
    %dma_start3A_550 = arith.constant 0 : i32
    %dma_start3A_551 = arith.constant 0 : i32
    %dma_start3A_552 = tpu.memref_slice %arg10[%dma_start3A_548, %dma_start3A_549, %dma_start3A_550, %dma_start3A_551] : memref<2x16x8x128xf32, #tpu.memory_space<vmem>> -> memref<1x1x8x128xf32, #tpu.memory_space<vmem>>
    %dma_start3A_553 = tpu.memref_squeeze %dma_start3A_552 : memref<1x1x8x128xf32, #tpu.memory_space<vmem>> -> memref<8x128xf32, #tpu.memory_space<vmem>>
    %dma_start3A_554 = arith.constant 0 : i32
    %dma_start3A_555 = tpu.memref_slice %arg4[%dma_start3A_554, %mul3A_533] : memref<8x1000000xf32, #tpu.memory_space<hbm>> -> memref<8x128xf32, #tpu.memory_space<hbm>>
    %dma_start3A_556 = arith.constant 0 : i32
    %dma_start3A_557 = arith.constant 0 : i32
    %dma_start3A_558 = tpu.memref_slice %arg10[%dma_start3A_548, %dma_start3A_549, %dma_start3A_556, %dma_start3A_557] : memref<2x16x8x128xf32, #tpu.memory_space<vmem>> -> memref<1x1x8x128xf32, #tpu.memory_space<vmem>>
    %dma_start3A_559 = tpu.memref_squeeze %dma_start3A_558 : memref<1x1x8x128xf32, #tpu.memory_space<vmem>> -> memref<8x128xf32, #tpu.memory_space<vmem>>
    %dma_start3A_560 = arith.constant 0 : i32
    %dma_start3A_561 = tpu.memref_slice %arg4[%dma_start3A_560, %mul3A_533] : memref<8x1000000xf32, #tpu.memory_space<hbm>> -> memref<8x128xf32, #tpu.memory_space<hbm>>
    tpu.enqueue_dma source(%dma_start3A_561 : memref<8x128xf32, #tpu.memory_space<hbm>>) target(%dma_start3A_559 : memref<8x128xf32, #tpu.memory_space<vmem>>) target_semaphore(%arg13 : memref<!tpu.dma_semaphore, #tpu.memory_space<semaphore_mem>>)
    %slice3A_562 = vector.extract_strided_slice %get3A_3 {offsets = [14], sizes = [1], strides = [1]} : vector<16xi32> to vector<1xi32>
    %squeeze3A_563 = vector.extract %slice3A_562[0] : i32 from vector<1xi32>
    %shift_right_logical3A_564 = arith.constant 7 : i32
    %shift_right_logical3A_565 = arith.shrui %squeeze3A_563, %shift_right_logical3A_564 : i32
    %mul3A_566 = arith.constant 128 : i32
    %mul3A_567 = arith.muli %shift_right_logical3A_565, %mul3A_566 : i32
    %slice3A_568 = vector.extract_strided_slice %get3A_5 {offsets = [14], sizes = [1], strides = [1]} : vector<16xi32> to vector<1xi32>
    %squeeze3A_569 = vector.extract %slice3A_568[0] : i32 from vector<1xi32>
    %shift_right_logical3A_570 = arith.constant 7 : i32
    %shift_right_logical3A_571 = arith.shrui %squeeze3A_569, %shift_right_logical3A_570 : i32
    %mul3A_572 = arith.constant 128 : i32
    %mul3A_573 = arith.muli %shift_right_logical3A_571, %mul3A_572 : i32
    %dma_start3A_574 = arith.constant 0 : i32
    %dma_start3A_575 = arith.constant 14 : i32
    %dma_start3A_576 = arith.constant 0 : i32
    %dma_start3A_577 = arith.constant 0 : i32
    %dma_start3A_578 = tpu.memref_slice %arg9[%dma_start3A_574, %dma_start3A_575, %dma_start3A_576, %dma_start3A_577] : memref<2x16x8x128xf32, #tpu.memory_space<vmem>> -> memref<1x1x8x128xf32, #tpu.memory_space<vmem>>
    %dma_start3A_579 = tpu.memref_squeeze %dma_start3A_578 : memref<1x1x8x128xf32, #tpu.memory_space<vmem>> -> memref<8x128xf32, #tpu.memory_space<vmem>>
    %dma_start3A_580 = arith.constant 0 : i32
    %dma_start3A_581 = tpu.memref_slice %arg2[%dma_start3A_580, %mul3A_567] : memref<8x1000000xf32, #tpu.memory_space<hbm>> -> memref<8x128xf32, #tpu.memory_space<hbm>>
    %dma_start3A_582 = arith.constant 0 : i32
    %dma_start3A_583 = arith.constant 0 : i32
    %dma_start3A_584 = tpu.memref_slice %arg9[%dma_start3A_574, %dma_start3A_575, %dma_start3A_582, %dma_start3A_583] : memref<2x16x8x128xf32, #tpu.memory_space<vmem>> -> memref<1x1x8x128xf32, #tpu.memory_space<vmem>>
    %dma_start3A_585 = tpu.memref_squeeze %dma_start3A_584 : memref<1x1x8x128xf32, #tpu.memory_space<vmem>> -> memref<8x128xf32, #tpu.memory_space<vmem>>
    %dma_start3A_586 = arith.constant 0 : i32
    %dma_start3A_587 = tpu.memref_slice %arg2[%dma_start3A_586, %mul3A_567] : memref<8x1000000xf32, #tpu.memory_space<hbm>> -> memref<8x128xf32, #tpu.memory_space<hbm>>
    tpu.enqueue_dma source(%dma_start3A_587 : memref<8x128xf32, #tpu.memory_space<hbm>>) target(%dma_start3A_585 : memref<8x128xf32, #tpu.memory_space<vmem>>) target_semaphore(%arg12 : memref<!tpu.dma_semaphore, #tpu.memory_space<semaphore_mem>>)
    %dma_start3A_588 = arith.constant 0 : i32
    %dma_start3A_589 = arith.constant 14 : i32
    %dma_start3A_590 = arith.constant 0 : i32
    %dma_start3A_591 = arith.constant 0 : i32
    %dma_start3A_592 = tpu.memref_slice %arg10[%dma_start3A_588, %dma_start3A_589, %dma_start3A_590, %dma_start3A_591] : memref<2x16x8x128xf32, #tpu.memory_space<vmem>> -> memref<1x1x8x128xf32, #tpu.memory_space<vmem>>
    %dma_start3A_593 = tpu.memref_squeeze %dma_start3A_592 : memref<1x1x8x128xf32, #tpu.memory_space<vmem>> -> memref<8x128xf32, #tpu.memory_space<vmem>>
    %dma_start3A_594 = arith.constant 0 : i32
    %dma_start3A_595 = tpu.memref_slice %arg4[%dma_start3A_594, %mul3A_573] : memref<8x1000000xf32, #tpu.memory_space<hbm>> -> memref<8x128xf32, #tpu.memory_space<hbm>>
    %dma_start3A_596 = arith.constant 0 : i32
    %dma_start3A_597 = arith.constant 0 : i32
    %dma_start3A_598 = tpu.memref_slice %arg10[%dma_start3A_588, %dma_start3A_589, %dma_start3A_596, %dma_start3A_597] : memref<2x16x8x128xf32, #tpu.memory_space<vmem>> -> memref<1x1x8x128xf32, #tpu.memory_space<vmem>>
    %dma_start3A_599 = tpu.memref_squeeze %dma_start3A_598 : memref<1x1x8x128xf32, #tpu.memory_space<vmem>> -> memref<8x128xf32, #tpu.memory_space<vmem>>
    %dma_start3A_600 = arith.constant 0 : i32
    %dma_start3A_601 = tpu.memref_slice %arg4[%dma_start3A_600, %mul3A_573] : memref<8x1000000xf32, #tpu.memory_space<hbm>> -> memref<8x128xf32, #tpu.memory_space<hbm>>
    tpu.enqueue_dma source(%dma_start3A_601 : memref<8x128xf32, #tpu.memory_space<hbm>>) target(%dma_start3A_599 : memref<8x128xf32, #tpu.memory_space<vmem>>) target_semaphore(%arg13 : memref<!tpu.dma_semaphore, #tpu.memory_space<semaphore_mem>>)
    %slice3A_602 = vector.extract_strided_slice %get3A_3 {offsets = [15], sizes = [1], strides = [1]} : vector<16xi32> to vector<1xi32>
    %squeeze3A_603 = vector.extract %slice3A_602[0] : i32 from vector<1xi32>
    %shift_right_logical3A_604 = arith.constant 7 : i32
    %shift_right_logical3A_605 = arith.shrui %squeeze3A_603, %shift_right_logical3A_604 : i32
    %mul3A_606 = arith.constant 128 : i32
    %mul3A_607 = arith.muli %shift_right_logical3A_605, %mul3A_606 : i32
    %slice3A_608 = vector.extract_strided_slice %get3A_5 {offsets = [15], sizes = [1], strides = [1]} : vector<16xi32> to vector<1xi32>
    %squeeze3A_609 = vector.extract %slice3A_608[0] : i32 from vector<1xi32>
    %shift_right_logical3A_610 = arith.constant 7 : i32
    %shift_right_logical3A_611 = arith.shrui %squeeze3A_609, %shift_right_logical3A_610 : i32
    %mul3A_612 = arith.constant 128 : i32
    %mul3A_613 = arith.muli %shift_right_logical3A_611, %mul3A_612 : i32
    %dma_start3A_614 = arith.constant 0 : i32
    %dma_start3A_615 = arith.constant 15 : i32
    %dma_start3A_616 = arith.constant 0 : i32
    %dma_start3A_617 = arith.constant 0 : i32
    %dma_start3A_618 = tpu.memref_slice %arg9[%dma_start3A_614, %dma_start3A_615, %dma_start3A_616, %dma_start3A_617] : memref<2x16x8x128xf32, #tpu.memory_space<vmem>> -> memref<1x1x8x128xf32, #tpu.memory_space<vmem>>
    %dma_start3A_619 = tpu.memref_squeeze %dma_start3A_618 : memref<1x1x8x128xf32, #tpu.memory_space<vmem>> -> memref<8x128xf32, #tpu.memory_space<vmem>>
    %dma_start3A_620 = arith.constant 0 : i32
    %dma_start3A_621 = tpu.memref_slice %arg2[%dma_start3A_620, %mul3A_607] : memref<8x1000000xf32, #tpu.memory_space<hbm>> -> memref<8x128xf32, #tpu.memory_space<hbm>>
    %dma_start3A_622 = arith.constant 0 : i32
    %dma_start3A_623 = arith.constant 0 : i32
    %dma_start3A_624 = tpu.memref_slice %arg9[%dma_start3A_614, %dma_start3A_615, %dma_start3A_622, %dma_start3A_623] : memref<2x16x8x128xf32, #tpu.memory_space<vmem>> -> memref<1x1x8x128xf32, #tpu.memory_space<vmem>>
    %dma_start3A_625 = tpu.memref_squeeze %dma_start3A_624 : memref<1x1x8x128xf32, #tpu.memory_space<vmem>> -> memref<8x128xf32, #tpu.memory_space<vmem>>
    %dma_start3A_626 = arith.constant 0 : i32
    %dma_start3A_627 = tpu.memref_slice %arg2[%dma_start3A_626, %mul3A_607] : memref<8x1000000xf32, #tpu.memory_space<hbm>> -> memref<8x128xf32, #tpu.memory_space<hbm>>
    tpu.enqueue_dma source(%dma_start3A_627 : memref<8x128xf32, #tpu.memory_space<hbm>>) target(%dma_start3A_625 : memref<8x128xf32, #tpu.memory_space<vmem>>) target_semaphore(%arg12 : memref<!tpu.dma_semaphore, #tpu.memory_space<semaphore_mem>>)
    %dma_start3A_628 = arith.constant 0 : i32
    %dma_start3A_629 = arith.constant 15 : i32
    %dma_start3A_630 = arith.constant 0 : i32
    %dma_start3A_631 = arith.constant 0 : i32
    %dma_start3A_632 = tpu.memref_slice %arg10[%dma_start3A_628, %dma_start3A_629, %dma_start3A_630, %dma_start3A_631] : memref<2x16x8x128xf32, #tpu.memory_space<vmem>> -> memref<1x1x8x128xf32, #tpu.memory_space<vmem>>
    %dma_start3A_633 = tpu.memref_squeeze %dma_start3A_632 : memref<1x1x8x128xf32, #tpu.memory_space<vmem>> -> memref<8x128xf32, #tpu.memory_space<vmem>>
    %dma_start3A_634 = arith.constant 0 : i32
    %dma_start3A_635 = tpu.memref_slice %arg4[%dma_start3A_634, %mul3A_613] : memref<8x1000000xf32, #tpu.memory_space<hbm>> -> memref<8x128xf32, #tpu.memory_space<hbm>>
    %dma_start3A_636 = arith.constant 0 : i32
    %dma_start3A_637 = arith.constant 0 : i32
    %dma_start3A_638 = tpu.memref_slice %arg10[%dma_start3A_628, %dma_start3A_629, %dma_start3A_636, %dma_start3A_637] : memref<2x16x8x128xf32, #tpu.memory_space<vmem>> -> memref<1x1x8x128xf32, #tpu.memory_space<vmem>>
    %dma_start3A_639 = tpu.memref_squeeze %dma_start3A_638 : memref<1x1x8x128xf32, #tpu.memory_space<vmem>> -> memref<8x128xf32, #tpu.memory_space<vmem>>
    %dma_start3A_640 = arith.constant 0 : i32
    %dma_start3A_641 = tpu.memref_slice %arg4[%dma_start3A_640, %mul3A_613] : memref<8x1000000xf32, #tpu.memory_space<hbm>> -> memref<8x128xf32, #tpu.memory_space<hbm>>
    tpu.enqueue_dma source(%dma_start3A_641 : memref<8x128xf32, #tpu.memory_space<hbm>>) target(%dma_start3A_639 : memref<8x128xf32, #tpu.memory_space<vmem>>) target_semaphore(%arg13 : memref<!tpu.dma_semaphore, #tpu.memory_space<semaphore_mem>>)
    %scan3A = arith.constant 0 : i32
    %scan3A_642 = arith.constant 16 : i32
    %scan3A_643 = arith.addi %scan3A, %scan3A_642 : i32
    %scan3A_644 = arith.constant 1 : i32
    scf.for %scan3A_678 = %scan3A to %scan3A_643 step %scan3A_644  : i32 {
      %mul3A_679 = arith.constant 2 : i32
      %mul3A_680 = arith.muli %scan3A_678, %mul3A_679 : i32
      %add3A_681 = arith.constant 1 : i32
      %add3A_682 = arith.addi %mul3A_680, %add3A_681 : i32
      %mul3A_683 = arith.constant 16 : i32
      %mul3A_684 = arith.muli %add3A_682, %mul3A_683 : i32
      %get3A_685 = arith.index_cast %mul3A_684 : i32 to index
      %get3A_686 = tpu.vector_load %arg7[%get3A_685] {strides = array<i32>} : memref<512xi32, #tpu.memory_space<vmem>>, vector<16xi32>,
      %get3A_687 = arith.index_cast %mul3A_684 : i32 to index
      %get3A_688 = tpu.vector_load %arg8[%get3A_687] {strides = array<i32>} : memref<512xi32, #tpu.memory_space<vmem>>, vector<16xi32>,
      %slice3A_689 = vector.extract_strided_slice %get3A_686 {offsets = [0], sizes = [1], strides = [1]} : vector<16xi32> to vector<1xi32>
      %squeeze3A_690 = vector.extract %slice3A_689[0] : i32 from vector<1xi32>
      %shift_right_logical3A_691 = arith.constant 7 : i32
      %shift_right_logical3A_692 = arith.shrui %squeeze3A_690, %shift_right_logical3A_691 : i32
      %mul3A_693 = arith.constant 128 : i32
      %mul3A_694 = arith.muli %shift_right_logical3A_692, %mul3A_693 : i32
      %slice3A_695 = vector.extract_strided_slice %get3A_688 {offsets = [0], sizes = [1], strides = [1]} : vector<16xi32> to vector<1xi32>
      %squeeze3A_696 = vector.extract %slice3A_695[0] : i32 from vector<1xi32>
      %shift_right_logical3A_697 = arith.constant 7 : i32
      %shift_right_logical3A_698 = arith.shrui %squeeze3A_696, %shift_right_logical3A_697 : i32
      %mul3A_699 = arith.constant 128 : i32
      %mul3A_700 = arith.muli %shift_right_logical3A_698, %mul3A_699 : i32
      %dma_start3A_701 = arith.constant 1 : i32
      %dma_start3A_702 = arith.constant 0 : i32
      %dma_start3A_703 = arith.constant 0 : i32
      %dma_start3A_704 = arith.constant 0 : i32
      %dma_start3A_705 = tpu.memref_slice %arg9[%dma_start3A_701, %dma_start3A_702, %dma_start3A_703, %dma_start3A_704] : memref<2x16x8x128xf32, #tpu.memory_space<vmem>> -> memref<1x1x8x128xf32, #tpu.memory_space<vmem>>
      %dma_start3A_706 = tpu.memref_squeeze %dma_start3A_705 : memref<1x1x8x128xf32, #tpu.memory_space<vmem>> -> memref<8x128xf32, #tpu.memory_space<vmem>>
      %dma_start3A_707 = arith.constant 0 : i32
      %dma_start3A_708 = tpu.memref_slice %arg2[%dma_start3A_707, %mul3A_694] : memref<8x1000000xf32, #tpu.memory_space<hbm>> -> memref<8x128xf32, #tpu.memory_space<hbm>>
      %dma_start3A_709 = arith.constant 0 : i32
      %dma_start3A_710 = arith.constant 0 : i32
      %dma_start3A_711 = tpu.memref_slice %arg9[%dma_start3A_701, %dma_start3A_702, %dma_start3A_709, %dma_start3A_710] : memref<2x16x8x128xf32, #tpu.memory_space<vmem>> -> memref<1x1x8x128xf32, #tpu.memory_space<vmem>>
      %dma_start3A_712 = tpu.memref_squeeze %dma_start3A_711 : memref<1x1x8x128xf32, #tpu.memory_space<vmem>> -> memref<8x128xf32, #tpu.memory_space<vmem>>
      %dma_start3A_713 = arith.constant 0 : i32
      %dma_start3A_714 = tpu.memref_slice %arg2[%dma_start3A_713, %mul3A_694] : memref<8x1000000xf32, #tpu.memory_space<hbm>> -> memref<8x128xf32, #tpu.memory_space<hbm>>
      tpu.enqueue_dma source(%dma_start3A_714 : memref<8x128xf32, #tpu.memory_space<hbm>>) target(%dma_start3A_712 : memref<8x128xf32, #tpu.memory_space<vmem>>) target_semaphore(%arg12 : memref<!tpu.dma_semaphore, #tpu.memory_space<semaphore_mem>>)
      %dma_start3A_715 = arith.constant 1 : i32
      %dma_start3A_716 = arith.constant 0 : i32
      %dma_start3A_717 = arith.constant 0 : i32
      %dma_start3A_718 = arith.constant 0 : i32
      %dma_start3A_719 = tpu.memref_slice %arg10[%dma_start3A_715, %dma_start3A_716, %dma_start3A_717, %dma_start3A_718] : memref<2x16x8x128xf32, #tpu.memory_space<vmem>> -> memref<1x1x8x128xf32, #tpu.memory_space<vmem>>
      %dma_start3A_720 = tpu.memref_squeeze %dma_start3A_719 : memref<1x1x8x128xf32, #tpu.memory_space<vmem>> -> memref<8x128xf32, #tpu.memory_space<vmem>>
      %dma_start3A_721 = arith.constant 0 : i32
      %dma_start3A_722 = tpu.memref_slice %arg4[%dma_start3A_721, %mul3A_700] : memref<8x1000000xf32, #tpu.memory_space<hbm>> -> memref<8x128xf32, #tpu.memory_space<hbm>>
      %dma_start3A_723 = arith.constant 0 : i32
      %dma_start3A_724 = arith.constant 0 : i32
      %dma_start3A_725 = tpu.memref_slice %arg10[%dma_start3A_715, %dma_start3A_716, %dma_start3A_723, %dma_start3A_724] : memref<2x16x8x128xf32, #tpu.memory_space<vmem>> -> memref<1x1x8x128xf32, #tpu.memory_space<vmem>>
      %dma_start3A_726 = tpu.memref_squeeze %dma_start3A_725 : memref<1x1x8x128xf32, #tpu.memory_space<vmem>> -> memref<8x128xf32, #tpu.memory_space<vmem>>
      %dma_start3A_727 = arith.constant 0 : i32
      %dma_start3A_728 = tpu.memref_slice %arg4[%dma_start3A_727, %mul3A_700] : memref<8x1000000xf32, #tpu.memory_space<hbm>> -> memref<8x128xf32, #tpu.memory_space<hbm>>
      tpu.enqueue_dma source(%dma_start3A_728 : memref<8x128xf32, #tpu.memory_space<hbm>>) target(%dma_start3A_726 : memref<8x128xf32, #tpu.memory_space<vmem>>) target_semaphore(%arg13 : memref<!tpu.dma_semaphore, #tpu.memory_space<semaphore_mem>>)
      %slice3A_729 = vector.extract_strided_slice %get3A_686 {offsets = [1], sizes = [1], strides = [1]} : vector<16xi32> to vector<1xi32>
      %squeeze3A_730 = vector.extract %slice3A_729[0] : i32 from vector<1xi32>
      %shift_right_logical3A_731 = arith.constant 7 : i32
      %shift_right_logical3A_732 = arith.shrui %squeeze3A_730, %shift_right_logical3A_731 : i32
      %mul3A_733 = arith.constant 128 : i32
      %mul3A_734 = arith.muli %shift_right_logical3A_732, %mul3A_733 : i32
      %slice3A_735 = vector.extract_strided_slice %get3A_688 {offsets = [1], sizes = [1], strides = [1]} : vector<16xi32> to vector<1xi32>
      %squeeze3A_736 = vector.extract %slice3A_735[0] : i32 from vector<1xi32>
      %shift_right_logical3A_737 = arith.constant 7 : i32
      %shift_right_logical3A_738 = arith.shrui %squeeze3A_736, %shift_right_logical3A_737 : i32
      %mul3A_739 = arith.constant 128 : i32
      %mul3A_740 = arith.muli %shift_right_logical3A_738, %mul3A_739 : i32
      %dma_start3A_741 = arith.constant 1 : i32
      %dma_start3A_742 = arith.constant 1 : i32
      %dma_start3A_743 = arith.constant 0 : i32
      %dma_start3A_744 = arith.constant 0 : i32
      %dma_start3A_745 = tpu.memref_slice %arg9[%dma_start3A_741, %dma_start3A_742, %dma_start3A_743, %dma_start3A_744] : memref<2x16x8x128xf32, #tpu.memory_space<vmem>> -> memref<1x1x8x128xf32, #tpu.memory_space<vmem>>
      %dma_start3A_746 = tpu.memref_squeeze %dma_start3A_745 : memref<1x1x8x128xf32, #tpu.memory_space<vmem>> -> memref<8x128xf32, #tpu.memory_space<vmem>>
      %dma_start3A_747 = arith.constant 0 : i32
      %dma_start3A_748 = tpu.memref_slice %arg2[%dma_start3A_747, %mul3A_734] : memref<8x1000000xf32, #tpu.memory_space<hbm>> -> memref<8x128xf32, #tpu.memory_space<hbm>>
      %dma_start3A_749 = arith.constant 0 : i32
      %dma_start3A_750 = arith.constant 0 : i32
      %dma_start3A_751 = tpu.memref_slice %arg9[%dma_start3A_741, %dma_start3A_742, %dma_start3A_749, %dma_start3A_750] : memref<2x16x8x128xf32, #tpu.memory_space<vmem>> -> memref<1x1x8x128xf32, #tpu.memory_space<vmem>>
      %dma_start3A_752 = tpu.memref_squeeze %dma_start3A_751 : memref<1x1x8x128xf32, #tpu.memory_space<vmem>> -> memref<8x128xf32, #tpu.memory_space<vmem>>
      %dma_start3A_753 = arith.constant 0 : i32
      %dma_start3A_754 = tpu.memref_slice %arg2[%dma_start3A_753, %mul3A_734] : memref<8x1000000xf32, #tpu.memory_space<hbm>> -> memref<8x128xf32, #tpu.memory_space<hbm>>
      tpu.enqueue_dma source(%dma_start3A_754 : memref<8x128xf32, #tpu.memory_space<hbm>>) target(%dma_start3A_752 : memref<8x128xf32, #tpu.memory_space<vmem>>) target_semaphore(%arg12 : memref<!tpu.dma_semaphore, #tpu.memory_space<semaphore_mem>>)
      %dma_start3A_755 = arith.constant 1 : i32
      %dma_start3A_756 = arith.constant 1 : i32
      %dma_start3A_757 = arith.constant 0 : i32
      %dma_start3A_758 = arith.constant 0 : i32
      %dma_start3A_759 = tpu.memref_slice %arg10[%dma_start3A_755, %dma_start3A_756, %dma_start3A_757, %dma_start3A_758] : memref<2x16x8x128xf32, #tpu.memory_space<vmem>> -> memref<1x1x8x128xf32, #tpu.memory_space<vmem>>
      %dma_start3A_760 = tpu.memref_squeeze %dma_start3A_759 : memref<1x1x8x128xf32, #tpu.memory_space<vmem>> -> memref<8x128xf32, #tpu.memory_space<vmem>>
      %dma_start3A_761 = arith.constant 0 : i32
      %dma_start3A_762 = tpu.memref_slice %arg4[%dma_start3A_761, %mul3A_740] : memref<8x1000000xf32, #tpu.memory_space<hbm>> -> memref<8x128xf32, #tpu.memory_space<hbm>>
      %dma_start3A_763 = arith.constant 0 : i32
      %dma_start3A_764 = arith.constant 0 : i32
      %dma_start3A_765 = tpu.memref_slice %arg10[%dma_start3A_755, %dma_start3A_756, %dma_start3A_763, %dma_start3A_764] : memref<2x16x8x128xf32, #tpu.memory_space<vmem>> -> memref<1x1x8x128xf32, #tpu.memory_space<vmem>>
      %dma_start3A_766 = tpu.memref_squeeze %dma_start3A_765 : memref<1x1x8x128xf32, #tpu.memory_space<vmem>> -> memref<8x128xf32, #tpu.memory_space<vmem>>
      %dma_start3A_767 = arith.constant 0 : i32
      %dma_start3A_768 = tpu.memref_slice %arg4[%dma_start3A_767, %mul3A_740] : memref<8x1000000xf32, #tpu.memory_space<hbm>> -> memref<8x128xf32, #tpu.memory_space<hbm>>
      tpu.enqueue_dma source(%dma_start3A_768 : memref<8x128xf32, #tpu.memory_space<hbm>>) target(%dma_start3A_766 : memref<8x128xf32, #tpu.memory_space<vmem>>) target_semaphore(%arg13 : memref<!tpu.dma_semaphore, #tpu.memory_space<semaphore_mem>>)
      %slice3A_769 = vector.extract_strided_slice %get3A_686 {offsets = [2], sizes = [1], strides = [1]} : vector<16xi32> to vector<1xi32>
      %squeeze3A_770 = vector.extract %slice3A_769[0] : i32 from vector<1xi32>
      %shift_right_logical3A_771 = arith.constant 7 : i32
      %shift_right_logical3A_772 = arith.shrui %squeeze3A_770, %shift_right_logical3A_771 : i32
      %mul3A_773 = arith.constant 128 : i32
      %mul3A_774 = arith.muli %shift_right_logical3A_772, %mul3A_773 : i32
      %slice3A_775 = vector.extract_strided_slice %get3A_688 {offsets = [2], sizes = [1], strides = [1]} : vector<16xi32> to vector<1xi32>
      %squeeze3A_776 = vector.extract %slice3A_775[0] : i32 from vector<1xi32>
      %shift_right_logical3A_777 = arith.constant 7 : i32
      %shift_right_logical3A_778 = arith.shrui %squeeze3A_776, %shift_right_logical3A_777 : i32
      %mul3A_779 = arith.constant 128 : i32
      %mul3A_780 = arith.muli %shift_right_logical3A_778, %mul3A_779 : i32
      %dma_start3A_781 = arith.constant 1 : i32
      %dma_start3A_782 = arith.constant 2 : i32
      %dma_start3A_783 = arith.constant 0 : i32
      %dma_start3A_784 = arith.constant 0 : i32
      %dma_start3A_785 = tpu.memref_slice %arg9[%dma_start3A_781, %dma_start3A_782, %dma_start3A_783, %dma_start3A_784] : memref<2x16x8x128xf32, #tpu.memory_space<vmem>> -> memref<1x1x8x128xf32, #tpu.memory_space<vmem>>
      %dma_start3A_786 = tpu.memref_squeeze %dma_start3A_785 : memref<1x1x8x128xf32, #tpu.memory_space<vmem>> -> memref<8x128xf32, #tpu.memory_space<vmem>>
      %dma_start3A_787 = arith.constant 0 : i32
      %dma_start3A_788 = tpu.memref_slice %arg2[%dma_start3A_787, %mul3A_774] : memref<8x1000000xf32, #tpu.memory_space<hbm>> -> memref<8x128xf32, #tpu.memory_space<hbm>>
      %dma_start3A_789 = arith.constant 0 : i32
      %dma_start3A_790 = arith.constant 0 : i32
      %dma_start3A_791 = tpu.memref_slice %arg9[%dma_start3A_781, %dma_start3A_782, %dma_start3A_789, %dma_start3A_790] : memref<2x16x8x128xf32, #tpu.memory_space<vmem>> -> memref<1x1x8x128xf32, #tpu.memory_space<vmem>>
      %dma_start3A_792 = tpu.memref_squeeze %dma_start3A_791 : memref<1x1x8x128xf32, #tpu.memory_space<vmem>> -> memref<8x128xf32, #tpu.memory_space<vmem>>
      %dma_start3A_793 = arith.constant 0 : i32
      %dma_start3A_794 = tpu.memref_slice %arg2[%dma_start3A_793, %mul3A_774] : memref<8x1000000xf32, #tpu.memory_space<hbm>> -> memref<8x128xf32, #tpu.memory_space<hbm>>
      tpu.enqueue_dma source(%dma_start3A_794 : memref<8x128xf32, #tpu.memory_space<hbm>>) target(%dma_start3A_792 : memref<8x128xf32, #tpu.memory_space<vmem>>) target_semaphore(%arg12 : memref<!tpu.dma_semaphore, #tpu.memory_space<semaphore_mem>>)
      %dma_start3A_795 = arith.constant 1 : i32
      %dma_start3A_796 = arith.constant 2 : i32
      %dma_start3A_797 = arith.constant 0 : i32
      %dma_start3A_798 = arith.constant 0 : i32
      %dma_start3A_799 = tpu.memref_slice %arg10[%dma_start3A_795, %dma_start3A_796, %dma_start3A_797, %dma_start3A_798] : memref<2x16x8x128xf32, #tpu.memory_space<vmem>> -> memref<1x1x8x128xf32, #tpu.memory_space<vmem>>
      %dma_start3A_800 = tpu.memref_squeeze %dma_start3A_799 : memref<1x1x8x128xf32, #tpu.memory_space<vmem>> -> memref<8x128xf32, #tpu.memory_space<vmem>>
      %dma_start3A_801 = arith.constant 0 : i32
      %dma_start3A_802 = tpu.memref_slice %arg4[%dma_start3A_801, %mul3A_780] : memref<8x1000000xf32, #tpu.memory_space<hbm>> -> memref<8x128xf32, #tpu.memory_space<hbm>>
      %dma_start3A_803 = arith.constant 0 : i32
      %dma_start3A_804 = arith.constant 0 : i32
      %dma_start3A_805 = tpu.memref_slice %arg10[%dma_start3A_795, %dma_start3A_796, %dma_start3A_803, %dma_start3A_804] : memref<2x16x8x128xf32, #tpu.memory_space<vmem>> -> memref<1x1x8x128xf32, #tpu.memory_space<vmem>>
      %dma_start3A_806 = tpu.memref_squeeze %dma_start3A_805 : memref<1x1x8x128xf32, #tpu.memory_space<vmem>> -> memref<8x128xf32, #tpu.memory_space<vmem>>
      %dma_start3A_807 = arith.constant 0 : i32
      %dma_start3A_808 = tpu.memref_slice %arg4[%dma_start3A_807, %mul3A_780] : memref<8x1000000xf32, #tpu.memory_space<hbm>> -> memref<8x128xf32, #tpu.memory_space<hbm>>
      tpu.enqueue_dma source(%dma_start3A_808 : memref<8x128xf32, #tpu.memory_space<hbm>>) target(%dma_start3A_806 : memref<8x128xf32, #tpu.memory_space<vmem>>) target_semaphore(%arg13 : memref<!tpu.dma_semaphore, #tpu.memory_space<semaphore_mem>>)
      %slice3A_809 = vector.extract_strided_slice %get3A_686 {offsets = [3], sizes = [1], strides = [1]} : vector<16xi32> to vector<1xi32>
      %squeeze3A_810 = vector.extract %slice3A_809[0] : i32 from vector<1xi32>
      %shift_right_logical3A_811 = arith.constant 7 : i32
      %shift_right_logical3A_812 = arith.shrui %squeeze3A_810, %shift_right_logical3A_811 : i32
      %mul3A_813 = arith.constant 128 : i32
      %mul3A_814 = arith.muli %shift_right_logical3A_812, %mul3A_813 : i32
      %slice3A_815 = vector.extract_strided_slice %get3A_688 {offsets = [3], sizes = [1], strides = [1]} : vector<16xi32> to vector<1xi32>
      %squeeze3A_816 = vector.extract %slice3A_815[0] : i32 from vector<1xi32>
      %shift_right_logical3A_817 = arith.constant 7 : i32
      %shift_right_logical3A_818 = arith.shrui %squeeze3A_816, %shift_right_logical3A_817 : i32
      %mul3A_819 = arith.constant 128 : i32
      %mul3A_820 = arith.muli %shift_right_logical3A_818, %mul3A_819 : i32
      %dma_start3A_821 = arith.constant 1 : i32
      %dma_start3A_822 = arith.constant 3 : i32
      %dma_start3A_823 = arith.constant 0 : i32
      %dma_start3A_824 = arith.constant 0 : i32
      %dma_start3A_825 = tpu.memref_slice %arg9[%dma_start3A_821, %dma_start3A_822, %dma_start3A_823, %dma_start3A_824] : memref<2x16x8x128xf32, #tpu.memory_space<vmem>> -> memref<1x1x8x128xf32, #tpu.memory_space<vmem>>
      %dma_start3A_826 = tpu.memref_squeeze %dma_start3A_825 : memref<1x1x8x128xf32, #tpu.memory_space<vmem>> -> memref<8x128xf32, #tpu.memory_space<vmem>>
      %dma_start3A_827 = arith.constant 0 : i32
      %dma_start3A_828 = tpu.memref_slice %arg2[%dma_start3A_827, %mul3A_814] : memref<8x1000000xf32, #tpu.memory_space<hbm>> -> memref<8x128xf32, #tpu.memory_space<hbm>>
      %dma_start3A_829 = arith.constant 0 : i32
      %dma_start3A_830 = arith.constant 0 : i32
      %dma_start3A_831 = tpu.memref_slice %arg9[%dma_start3A_821, %dma_start3A_822, %dma_start3A_829, %dma_start3A_830] : memref<2x16x8x128xf32, #tpu.memory_space<vmem>> -> memref<1x1x8x128xf32, #tpu.memory_space<vmem>>
      %dma_start3A_832 = tpu.memref_squeeze %dma_start3A_831 : memref<1x1x8x128xf32, #tpu.memory_space<vmem>> -> memref<8x128xf32, #tpu.memory_space<vmem>>
      %dma_start3A_833 = arith.constant 0 : i32
      %dma_start3A_834 = tpu.memref_slice %arg2[%dma_start3A_833, %mul3A_814] : memref<8x1000000xf32, #tpu.memory_space<hbm>> -> memref<8x128xf32, #tpu.memory_space<hbm>>
      tpu.enqueue_dma source(%dma_start3A_834 : memref<8x128xf32, #tpu.memory_space<hbm>>) target(%dma_start3A_832 : memref<8x128xf32, #tpu.memory_space<vmem>>) target_semaphore(%arg12 : memref<!tpu.dma_semaphore, #tpu.memory_space<semaphore_mem>>)
      %dma_start3A_835 = arith.constant 1 : i32
      %dma_start3A_836 = arith.constant 3 : i32
      %dma_start3A_837 = arith.constant 0 : i32
      %dma_start3A_838 = arith.constant 0 : i32
      %dma_start3A_839 = tpu.memref_slice %arg10[%dma_start3A_835, %dma_start3A_836, %dma_start3A_837, %dma_start3A_838] : memref<2x16x8x128xf32, #tpu.memory_space<vmem>> -> memref<1x1x8x128xf32, #tpu.memory_space<vmem>>
      %dma_start3A_840 = tpu.memref_squeeze %dma_start3A_839 : memref<1x1x8x128xf32, #tpu.memory_space<vmem>> -> memref<8x128xf32, #tpu.memory_space<vmem>>
      %dma_start3A_841 = arith.constant 0 : i32
      %dma_start3A_842 = tpu.memref_slice %arg4[%dma_start3A_841, %mul3A_820] : memref<8x1000000xf32, #tpu.memory_space<hbm>> -> memref<8x128xf32, #tpu.memory_space<hbm>>
      %dma_start3A_843 = arith.constant 0 : i32
      %dma_start3A_844 = arith.constant 0 : i32
      %dma_start3A_845 = tpu.memref_slice %arg10[%dma_start3A_835, %dma_start3A_836, %dma_start3A_843, %dma_start3A_844] : memref<2x16x8x128xf32, #tpu.memory_space<vmem>> -> memref<1x1x8x128xf32, #tpu.memory_space<vmem>>
      %dma_start3A_846 = tpu.memref_squeeze %dma_start3A_845 : memref<1x1x8x128xf32, #tpu.memory_space<vmem>> -> memref<8x128xf32, #tpu.memory_space<vmem>>
      %dma_start3A_847 = arith.constant 0 : i32
      %dma_start3A_848 = tpu.memref_slice %arg4[%dma_start3A_847, %mul3A_820] : memref<8x1000000xf32, #tpu.memory_space<hbm>> -> memref<8x128xf32, #tpu.memory_space<hbm>>
      tpu.enqueue_dma source(%dma_start3A_848 : memref<8x128xf32, #tpu.memory_space<hbm>>) target(%dma_start3A_846 : memref<8x128xf32, #tpu.memory_space<vmem>>) target_semaphore(%arg13 : memref<!tpu.dma_semaphore, #tpu.memory_space<semaphore_mem>>)
      %slice3A_849 = vector.extract_strided_slice %get3A_686 {offsets = [4], sizes = [1], strides = [1]} : vector<16xi32> to vector<1xi32>
      %squeeze3A_850 = vector.extract %slice3A_849[0] : i32 from vector<1xi32>
      %shift_right_logical3A_851 = arith.constant 7 : i32
      %shift_right_logical3A_852 = arith.shrui %squeeze3A_850, %shift_right_logical3A_851 : i32
      %mul3A_853 = arith.constant 128 : i32
      %mul3A_854 = arith.muli %shift_right_logical3A_852, %mul3A_853 : i32
      %slice3A_855 = vector.extract_strided_slice %get3A_688 {offsets = [4], sizes = [1], strides = [1]} : vector<16xi32> to vector<1xi32>
      %squeeze3A_856 = vector.extract %slice3A_855[0] : i32 from vector<1xi32>
      %shift_right_logical3A_857 = arith.constant 7 : i32
      %shift_right_logical3A_858 = arith.shrui %squeeze3A_856, %shift_right_logical3A_857 : i32
      %mul3A_859 = arith.constant 128 : i32
      %mul3A_860 = arith.muli %shift_right_logical3A_858, %mul3A_859 : i32
      %dma_start3A_861 = arith.constant 1 : i32
      %dma_start3A_862 = arith.constant 4 : i32
      %dma_start3A_863 = arith.constant 0 : i32
      %dma_start3A_864 = arith.constant 0 : i32
      %dma_start3A_865 = tpu.memref_slice %arg9[%dma_start3A_861, %dma_start3A_862, %dma_start3A_863, %dma_start3A_864] : memref<2x16x8x128xf32, #tpu.memory_space<vmem>> -> memref<1x1x8x128xf32, #tpu.memory_space<vmem>>
      %dma_start3A_866 = tpu.memref_squeeze %dma_start3A_865 : memref<1x1x8x128xf32, #tpu.memory_space<vmem>> -> memref<8x128xf32, #tpu.memory_space<vmem>>
      %dma_start3A_867 = arith.constant 0 : i32
      %dma_start3A_868 = tpu.memref_slice %arg2[%dma_start3A_867, %mul3A_854] : memref<8x1000000xf32, #tpu.memory_space<hbm>> -> memref<8x128xf32, #tpu.memory_space<hbm>>
      %dma_start3A_869 = arith.constant 0 : i32
      %dma_start3A_870 = arith.constant 0 : i32
      %dma_start3A_871 = tpu.memref_slice %arg9[%dma_start3A_861, %dma_start3A_862, %dma_start3A_869, %dma_start3A_870] : memref<2x16x8x128xf32, #tpu.memory_space<vmem>> -> memref<1x1x8x128xf32, #tpu.memory_space<vmem>>
      %dma_start3A_872 = tpu.memref_squeeze %dma_start3A_871 : memref<1x1x8x128xf32, #tpu.memory_space<vmem>> -> memref<8x128xf32, #tpu.memory_space<vmem>>
      %dma_start3A_873 = arith.constant 0 : i32
      %dma_start3A_874 = tpu.memref_slice %arg2[%dma_start3A_873, %mul3A_854] : memref<8x1000000xf32, #tpu.memory_space<hbm>> -> memref<8x128xf32, #tpu.memory_space<hbm>>
      tpu.enqueue_dma source(%dma_start3A_874 : memref<8x128xf32, #tpu.memory_space<hbm>>) target(%dma_start3A_872 : memref<8x128xf32, #tpu.memory_space<vmem>>) target_semaphore(%arg12 : memref<!tpu.dma_semaphore, #tpu.memory_space<semaphore_mem>>)
      %dma_start3A_875 = arith.constant 1 : i32
      %dma_start3A_876 = arith.constant 4 : i32
      %dma_start3A_877 = arith.constant 0 : i32
      %dma_start3A_878 = arith.constant 0 : i32
      %dma_start3A_879 = tpu.memref_slice %arg10[%dma_start3A_875, %dma_start3A_876, %dma_start3A_877, %dma_start3A_878] : memref<2x16x8x128xf32, #tpu.memory_space<vmem>> -> memref<1x1x8x128xf32, #tpu.memory_space<vmem>>
      %dma_start3A_880 = tpu.memref_squeeze %dma_start3A_879 : memref<1x1x8x128xf32, #tpu.memory_space<vmem>> -> memref<8x128xf32, #tpu.memory_space<vmem>>
      %dma_start3A_881 = arith.constant 0 : i32
      %dma_start3A_882 = tpu.memref_slice %arg4[%dma_start3A_881, %mul3A_860] : memref<8x1000000xf32, #tpu.memory_space<hbm>> -> memref<8x128xf32, #tpu.memory_space<hbm>>
      %dma_start3A_883 = arith.constant 0 : i32
      %dma_start3A_884 = arith.constant 0 : i32
      %dma_start3A_885 = tpu.memref_slice %arg10[%dma_start3A_875, %dma_start3A_876, %dma_start3A_883, %dma_start3A_884] : memref<2x16x8x128xf32, #tpu.memory_space<vmem>> -> memref<1x1x8x128xf32, #tpu.memory_space<vmem>>
      %dma_start3A_886 = tpu.memref_squeeze %dma_start3A_885 : memref<1x1x8x128xf32, #tpu.memory_space<vmem>> -> memref<8x128xf32, #tpu.memory_space<vmem>>
      %dma_start3A_887 = arith.constant 0 : i32
      %dma_start3A_888 = tpu.memref_slice %arg4[%dma_start3A_887, %mul3A_860] : memref<8x1000000xf32, #tpu.memory_space<hbm>> -> memref<8x128xf32, #tpu.memory_space<hbm>>
      tpu.enqueue_dma source(%dma_start3A_888 : memref<8x128xf32, #tpu.memory_space<hbm>>) target(%dma_start3A_886 : memref<8x128xf32, #tpu.memory_space<vmem>>) target_semaphore(%arg13 : memref<!tpu.dma_semaphore, #tpu.memory_space<semaphore_mem>>)
      %slice3A_889 = vector.extract_strided_slice %get3A_686 {offsets = [5], sizes = [1], strides = [1]} : vector<16xi32> to vector<1xi32>
      %squeeze3A_890 = vector.extract %slice3A_889[0] : i32 from vector<1xi32>
      %shift_right_logical3A_891 = arith.constant 7 : i32
      %shift_right_logical3A_892 = arith.shrui %squeeze3A_890, %shift_right_logical3A_891 : i32
      %mul3A_893 = arith.constant 128 : i32
      %mul3A_894 = arith.muli %shift_right_logical3A_892, %mul3A_893 : i32
      %slice3A_895 = vector.extract_strided_slice %get3A_688 {offsets = [5], sizes = [1], strides = [1]} : vector<16xi32> to vector<1xi32>
      %squeeze3A_896 = vector.extract %slice3A_895[0] : i32 from vector<1xi32>
      %shift_right_logical3A_897 = arith.constant 7 : i32
      %shift_right_logical3A_898 = arith.shrui %squeeze3A_896, %shift_right_logical3A_897 : i32
      %mul3A_899 = arith.constant 128 : i32
      %mul3A_900 = arith.muli %shift_right_logical3A_898, %mul3A_899 : i32
      %dma_start3A_901 = arith.constant 1 : i32
      %dma_start3A_902 = arith.constant 5 : i32
      %dma_start3A_903 = arith.constant 0 : i32
      %dma_start3A_904 = arith.constant 0 : i32
      %dma_start3A_905 = tpu.memref_slice %arg9[%dma_start3A_901, %dma_start3A_902, %dma_start3A_903, %dma_start3A_904] : memref<2x16x8x128xf32, #tpu.memory_space<vmem>> -> memref<1x1x8x128xf32, #tpu.memory_space<vmem>>
      %dma_start3A_906 = tpu.memref_squeeze %dma_start3A_905 : memref<1x1x8x128xf32, #tpu.memory_space<vmem>> -> memref<8x128xf32, #tpu.memory_space<vmem>>
      %dma_start3A_907 = arith.constant 0 : i32
      %dma_start3A_908 = tpu.memref_slice %arg2[%dma_start3A_907, %mul3A_894] : memref<8x1000000xf32, #tpu.memory_space<hbm>> -> memref<8x128xf32, #tpu.memory_space<hbm>>
      %dma_start3A_909 = arith.constant 0 : i32
      %dma_start3A_910 = arith.constant 0 : i32
      %dma_start3A_911 = tpu.memref_slice %arg9[%dma_start3A_901, %dma_start3A_902, %dma_start3A_909, %dma_start3A_910] : memref<2x16x8x128xf32, #tpu.memory_space<vmem>> -> memref<1x1x8x128xf32, #tpu.memory_space<vmem>>
      %dma_start3A_912 = tpu.memref_squeeze %dma_start3A_911 : memref<1x1x8x128xf32, #tpu.memory_space<vmem>> -> memref<8x128xf32, #tpu.memory_space<vmem>>
      %dma_start3A_913 = arith.constant 0 : i32
      %dma_start3A_914 = tpu.memref_slice %arg2[%dma_start3A_913, %mul3A_894] : memref<8x1000000xf32, #tpu.memory_space<hbm>> -> memref<8x128xf32, #tpu.memory_space<hbm>>
      tpu.enqueue_dma source(%dma_start3A_914 : memref<8x128xf32, #tpu.memory_space<hbm>>) target(%dma_start3A_912 : memref<8x128xf32, #tpu.memory_space<vmem>>) target_semaphore(%arg12 : memref<!tpu.dma_semaphore, #tpu.memory_space<semaphore_mem>>)
      %dma_start3A_915 = arith.constant 1 : i32
      %dma_start3A_916 = arith.constant 5 : i32
      %dma_start3A_917 = arith.constant 0 : i32
      %dma_start3A_918 = arith.constant 0 : i32
      %dma_start3A_919 = tpu.memref_slice %arg10[%dma_start3A_915, %dma_start3A_916, %dma_start3A_917, %dma_start3A_918] : memref<2x16x8x128xf32, #tpu.memory_space<vmem>> -> memref<1x1x8x128xf32, #tpu.memory_space<vmem>>
      %dma_start3A_920 = tpu.memref_squeeze %dma_start3A_919 : memref<1x1x8x128xf32, #tpu.memory_space<vmem>> -> memref<8x128xf32, #tpu.memory_space<vmem>>
      %dma_start3A_921 = arith.constant 0 : i32
      %dma_start3A_922 = tpu.memref_slice %arg4[%dma_start3A_921, %mul3A_900] : memref<8x1000000xf32, #tpu.memory_space<hbm>> -> memref<8x128xf32, #tpu.memory_space<hbm>>
      %dma_start3A_923 = arith.constant 0 : i32
      %dma_start3A_924 = arith.constant 0 : i32
      %dma_start3A_925 = tpu.memref_slice %arg10[%dma_start3A_915, %dma_start3A_916, %dma_start3A_923, %dma_start3A_924] : memref<2x16x8x128xf32, #tpu.memory_space<vmem>> -> memref<1x1x8x128xf32, #tpu.memory_space<vmem>>
      %dma_start3A_926 = tpu.memref_squeeze %dma_start3A_925 : memref<1x1x8x128xf32, #tpu.memory_space<vmem>> -> memref<8x128xf32, #tpu.memory_space<vmem>>
      %dma_start3A_927 = arith.constant 0 : i32
      %dma_start3A_928 = tpu.memref_slice %arg4[%dma_start3A_927, %mul3A_900] : memref<8x1000000xf32, #tpu.memory_space<hbm>> -> memref<8x128xf32, #tpu.memory_space<hbm>>
      tpu.enqueue_dma source(%dma_start3A_928 : memref<8x128xf32, #tpu.memory_space<hbm>>) target(%dma_start3A_926 : memref<8x128xf32, #tpu.memory_space<vmem>>) target_semaphore(%arg13 : memref<!tpu.dma_semaphore, #tpu.memory_space<semaphore_mem>>)
      %slice3A_929 = vector.extract_strided_slice %get3A_686 {offsets = [6], sizes = [1], strides = [1]} : vector<16xi32> to vector<1xi32>
      %squeeze3A_930 = vector.extract %slice3A_929[0] : i32 from vector<1xi32>
      %shift_right_logical3A_931 = arith.constant 7 : i32
      %shift_right_logical3A_932 = arith.shrui %squeeze3A_930, %shift_right_logical3A_931 : i32
      %mul3A_933 = arith.constant 128 : i32
      %mul3A_934 = arith.muli %shift_right_logical3A_932, %mul3A_933 : i32
      %slice3A_935 = vector.extract_strided_slice %get3A_688 {offsets = [6], sizes = [1], strides = [1]} : vector<16xi32> to vector<1xi32>
      %squeeze3A_936 = vector.extract %slice3A_935[0] : i32 from vector<1xi32>
      %shift_right_logical3A_937 = arith.constant 7 : i32
      %shift_right_logical3A_938 = arith.shrui %squeeze3A_936, %shift_right_logical3A_937 : i32
      %mul3A_939 = arith.constant 128 : i32
      %mul3A_940 = arith.muli %shift_right_logical3A_938, %mul3A_939 : i32
      %dma_start3A_941 = arith.constant 1 : i32
      %dma_start3A_942 = arith.constant 6 : i32
      %dma_start3A_943 = arith.constant 0 : i32
      %dma_start3A_944 = arith.constant 0 : i32
      %dma_start3A_945 = tpu.memref_slice %arg9[%dma_start3A_941, %dma_start3A_942, %dma_start3A_943, %dma_start3A_944] : memref<2x16x8x128xf32, #tpu.memory_space<vmem>> -> memref<1x1x8x128xf32, #tpu.memory_space<vmem>>
      %dma_start3A_946 = tpu.memref_squeeze %dma_start3A_945 : memref<1x1x8x128xf32, #tpu.memory_space<vmem>> -> memref<8x128xf32, #tpu.memory_space<vmem>>
      %dma_start3A_947 = arith.constant 0 : i32
      %dma_start3A_948 = tpu.memref_slice %arg2[%dma_start3A_947, %mul3A_934] : memref<8x1000000xf32, #tpu.memory_space<hbm>> -> memref<8x128xf32, #tpu.memory_space<hbm>>
      %dma_start3A_949 = arith.constant 0 : i32
      %dma_start3A_950 = arith.constant 0 : i32
      %dma_start3A_951 = tpu.memref_slice %arg9[%dma_start3A_941, %dma_start3A_942, %dma_start3A_949, %dma_start3A_950] : memref<2x16x8x128xf32, #tpu.memory_space<vmem>> -> memref<1x1x8x128xf32, #tpu.memory_space<vmem>>
      %dma_start3A_952 = tpu.memref_squeeze %dma_start3A_951 : memref<1x1x8x128xf32, #tpu.memory_space<vmem>> -> memref<8x128xf32, #tpu.memory_space<vmem>>
      %dma_start3A_953 = arith.constant 0 : i32
      %dma_start3A_954 = tpu.memref_slice %arg2[%dma_start3A_953, %mul3A_934] : memref<8x1000000xf32, #tpu.memory_space<hbm>> -> memref<8x128xf32, #tpu.memory_space<hbm>>
      tpu.enqueue_dma source(%dma_start3A_954 : memref<8x128xf32, #tpu.memory_space<hbm>>) target(%dma_start3A_952 : memref<8x128xf32, #tpu.memory_space<vmem>>) target_semaphore(%arg12 : memref<!tpu.dma_semaphore, #tpu.memory_space<semaphore_mem>>)
      %dma_start3A_955 = arith.constant 1 : i32
      %dma_start3A_956 = arith.constant 6 : i32
      %dma_start3A_957 = arith.constant 0 : i32
      %dma_start3A_958 = arith.constant 0 : i32
      %dma_start3A_959 = tpu.memref_slice %arg10[%dma_start3A_955, %dma_start3A_956, %dma_start3A_957, %dma_start3A_958] : memref<2x16x8x128xf32, #tpu.memory_space<vmem>> -> memref<1x1x8x128xf32, #tpu.memory_space<vmem>>
      %dma_start3A_960 = tpu.memref_squeeze %dma_start3A_959 : memref<1x1x8x128xf32, #tpu.memory_space<vmem>> -> memref<8x128xf32, #tpu.memory_space<vmem>>
      %dma_start3A_961 = arith.constant 0 : i32
      %dma_start3A_962 = tpu.memref_slice %arg4[%dma_start3A_961, %mul3A_940] : memref<8x1000000xf32, #tpu.memory_space<hbm>> -> memref<8x128xf32, #tpu.memory_space<hbm>>
      %dma_start3A_963 = arith.constant 0 : i32
      %dma_start3A_964 = arith.constant 0 : i32
      %dma_start3A_965 = tpu.memref_slice %arg10[%dma_start3A_955, %dma_start3A_956, %dma_start3A_963, %dma_start3A_964] : memref<2x16x8x128xf32, #tpu.memory_space<vmem>> -> memref<1x1x8x128xf32, #tpu.memory_space<vmem>>
      %dma_start3A_966 = tpu.memref_squeeze %dma_start3A_965 : memref<1x1x8x128xf32, #tpu.memory_space<vmem>> -> memref<8x128xf32, #tpu.memory_space<vmem>>
      %dma_start3A_967 = arith.constant 0 : i32
      %dma_start3A_968 = tpu.memref_slice %arg4[%dma_start3A_967, %mul3A_940] : memref<8x1000000xf32, #tpu.memory_space<hbm>> -> memref<8x128xf32, #tpu.memory_space<hbm>>
      tpu.enqueue_dma source(%dma_start3A_968 : memref<8x128xf32, #tpu.memory_space<hbm>>) target(%dma_start3A_966 : memref<8x128xf32, #tpu.memory_space<vmem>>) target_semaphore(%arg13 : memref<!tpu.dma_semaphore, #tpu.memory_space<semaphore_mem>>)
      %slice3A_969 = vector.extract_strided_slice %get3A_686 {offsets = [7], sizes = [1], strides = [1]} : vector<16xi32> to vector<1xi32>
      %squeeze3A_970 = vector.extract %slice3A_969[0] : i32 from vector<1xi32>
      %shift_right_logical3A_971 = arith.constant 7 : i32
      %shift_right_logical3A_972 = arith.shrui %squeeze3A_970, %shift_right_logical3A_971 : i32
      %mul3A_973 = arith.constant 128 : i32
      %mul3A_974 = arith.muli %shift_right_logical3A_972, %mul3A_973 : i32
      %slice3A_975 = vector.extract_strided_slice %get3A_688 {offsets = [7], sizes = [1], strides = [1]} : vector<16xi32> to vector<1xi32>
      %squeeze3A_976 = vector.extract %slice3A_975[0] : i32 from vector<1xi32>
      %shift_right_logical3A_977 = arith.constant 7 : i32
      %shift_right_logical3A_978 = arith.shrui %squeeze3A_976, %shift_right_logical3A_977 : i32
      %mul3A_979 = arith.constant 128 : i32
      %mul3A_980 = arith.muli %shift_right_logical3A_978, %mul3A_979 : i32
      %dma_start3A_981 = arith.constant 1 : i32
      %dma_start3A_982 = arith.constant 7 : i32
      %dma_start3A_983 = arith.constant 0 : i32
      %dma_start3A_984 = arith.constant 0 : i32
      %dma_start3A_985 = tpu.memref_slice %arg9[%dma_start3A_981, %dma_start3A_982, %dma_start3A_983, %dma_start3A_984] : memref<2x16x8x128xf32, #tpu.memory_space<vmem>> -> memref<1x1x8x128xf32, #tpu.memory_space<vmem>>
      %dma_start3A_986 = tpu.memref_squeeze %dma_start3A_985 : memref<1x1x8x128xf32, #tpu.memory_space<vmem>> -> memref<8x128xf32, #tpu.memory_space<vmem>>
      %dma_start3A_987 = arith.constant 0 : i32
      %dma_start3A_988 = tpu.memref_slice %arg2[%dma_start3A_987, %mul3A_974] : memref<8x1000000xf32, #tpu.memory_space<hbm>> -> memref<8x128xf32, #tpu.memory_space<hbm>>
      %dma_start3A_989 = arith.constant 0 : i32
      %dma_start3A_990 = arith.constant 0 : i32
      %dma_start3A_991 = tpu.memref_slice %arg9[%dma_start3A_981, %dma_start3A_982, %dma_start3A_989, %dma_start3A_990] : memref<2x16x8x128xf32, #tpu.memory_space<vmem>> -> memref<1x1x8x128xf32, #tpu.memory_space<vmem>>
      %dma_start3A_992 = tpu.memref_squeeze %dma_start3A_991 : memref<1x1x8x128xf32, #tpu.memory_space<vmem>> -> memref<8x128xf32, #tpu.memory_space<vmem>>
      %dma_start3A_993 = arith.constant 0 : i32
      %dma_start3A_994 = tpu.memref_slice %arg2[%dma_start3A_993, %mul3A_974] : memref<8x1000000xf32, #tpu.memory_space<hbm>> -> memref<8x128xf32, #tpu.memory_space<hbm>>
      tpu.enqueue_dma source(%dma_start3A_994 : memref<8x128xf32, #tpu.memory_space<hbm>>) target(%dma_start3A_992 : memref<8x128xf32, #tpu.memory_space<vmem>>) target_semaphore(%arg12 : memref<!tpu.dma_semaphore, #tpu.memory_space<semaphore_mem>>)
      %dma_start3A_995 = arith.constant 1 : i32
      %dma_start3A_996 = arith.constant 7 : i32
      %dma_start3A_997 = arith.constant 0 : i32
      %dma_start3A_998 = arith.constant 0 : i32
      %dma_start3A_999 = tpu.memref_slice %arg10[%dma_start3A_995, %dma_start3A_996, %dma_start3A_997, %dma_start3A_998] : memref<2x16x8x128xf32, #tpu.memory_space<vmem>> -> memref<1x1x8x128xf32, #tpu.memory_space<vmem>>
      %dma_start3A_1000 = tpu.memref_squeeze %dma_start3A_999 : memref<1x1x8x128xf32, #tpu.memory_space<vmem>> -> memref<8x128xf32, #tpu.memory_space<vmem>>
      %dma_start3A_1001 = arith.constant 0 : i32
      %dma_start3A_1002 = tpu.memref_slice %arg4[%dma_start3A_1001, %mul3A_980] : memref<8x1000000xf32, #tpu.memory_space<hbm>> -> memref<8x128xf32, #tpu.memory_space<hbm>>
      %dma_start3A_1003 = arith.constant 0 : i32
      %dma_start3A_1004 = arith.constant 0 : i32
      %dma_start3A_1005 = tpu.memref_slice %arg10[%dma_start3A_995, %dma_start3A_996, %dma_start3A_1003, %dma_start3A_1004] : memref<2x16x8x128xf32, #tpu.memory_space<vmem>> -> memref<1x1x8x128xf32, #tpu.memory_space<vmem>>
      %dma_start3A_1006 = tpu.memref_squeeze %dma_start3A_1005 : memref<1x1x8x128xf32, #tpu.memory_space<vmem>> -> memref<8x128xf32, #tpu.memory_space<vmem>>
      %dma_start3A_1007 = arith.constant 0 : i32
      %dma_start3A_1008 = tpu.memref_slice %arg4[%dma_start3A_1007, %mul3A_980] : memref<8x1000000xf32, #tpu.memory_space<hbm>> -> memref<8x128xf32, #tpu.memory_space<hbm>>
      tpu.enqueue_dma source(%dma_start3A_1008 : memref<8x128xf32, #tpu.memory_space<hbm>>) target(%dma_start3A_1006 : memref<8x128xf32, #tpu.memory_space<vmem>>) target_semaphore(%arg13 : memref<!tpu.dma_semaphore, #tpu.memory_space<semaphore_mem>>)
      %slice3A_1009 = vector.extract_strided_slice %get3A_686 {offsets = [8], sizes = [1], strides = [1]} : vector<16xi32> to vector<1xi32>
      %squeeze3A_1010 = vector.extract %slice3A_1009[0] : i32 from vector<1xi32>
      %shift_right_logical3A_1011 = arith.constant 7 : i32
      %shift_right_logical3A_1012 = arith.shrui %squeeze3A_1010, %shift_right_logical3A_1011 : i32
      %mul3A_1013 = arith.constant 128 : i32
      %mul3A_1014 = arith.muli %shift_right_logical3A_1012, %mul3A_1013 : i32
      %slice3A_1015 = vector.extract_strided_slice %get3A_688 {offsets = [8], sizes = [1], strides = [1]} : vector<16xi32> to vector<1xi32>
      %squeeze3A_1016 = vector.extract %slice3A_1015[0] : i32 from vector<1xi32>
      %shift_right_logical3A_1017 = arith.constant 7 : i32
      %shift_right_logical3A_1018 = arith.shrui %squeeze3A_1016, %shift_right_logical3A_1017 : i32
      %mul3A_1019 = arith.constant 128 : i32
      %mul3A_1020 = arith.muli %shift_right_logical3A_1018, %mul3A_1019 : i32
      %dma_start3A_1021 = arith.constant 1 : i32
      %dma_start3A_1022 = arith.constant 8 : i32
      %dma_start3A_1023 = arith.constant 0 : i32
      %dma_start3A_1024 = arith.constant 0 : i32
      %dma_start3A_1025 = tpu.memref_slice %arg9[%dma_start3A_1021, %dma_start3A_1022, %dma_start3A_1023, %dma_start3A_1024] : memref<2x16x8x128xf32, #tpu.memory_space<vmem>> -> memref<1x1x8x128xf32, #tpu.memory_space<vmem>>
      %dma_start3A_1026 = tpu.memref_squeeze %dma_start3A_1025 : memref<1x1x8x128xf32, #tpu.memory_space<vmem>> -> memref<8x128xf32, #tpu.memory_space<vmem>>
      %dma_start3A_1027 = arith.constant 0 : i32
      %dma_start3A_1028 = tpu.memref_slice %arg2[%dma_start3A_1027, %mul3A_1014] : memref<8x1000000xf32, #tpu.memory_space<hbm>> -> memref<8x128xf32, #tpu.memory_space<hbm>>
      %dma_start3A_1029 = arith.constant 0 : i32
      %dma_start3A_1030 = arith.constant 0 : i32
      %dma_start3A_1031 = tpu.memref_slice %arg9[%dma_start3A_1021, %dma_start3A_1022, %dma_start3A_1029, %dma_start3A_1030] : memref<2x16x8x128xf32, #tpu.memory_space<vmem>> -> memref<1x1x8x128xf32, #tpu.memory_space<vmem>>
      %dma_start3A_1032 = tpu.memref_squeeze %dma_start3A_1031 : memref<1x1x8x128xf32, #tpu.memory_space<vmem>> -> memref<8x128xf32, #tpu.memory_space<vmem>>
      %dma_start3A_1033 = arith.constant 0 : i32
      %dma_start3A_1034 = tpu.memref_slice %arg2[%dma_start3A_1033, %mul3A_1014] : memref<8x1000000xf32, #tpu.memory_space<hbm>> -> memref<8x128xf32, #tpu.memory_space<hbm>>
      tpu.enqueue_dma source(%dma_start3A_1034 : memref<8x128xf32, #tpu.memory_space<hbm>>) target(%dma_start3A_1032 : memref<8x128xf32, #tpu.memory_space<vmem>>) target_semaphore(%arg12 : memref<!tpu.dma_semaphore, #tpu.memory_space<semaphore_mem>>)
      %dma_start3A_1035 = arith.constant 1 : i32
      %dma_start3A_1036 = arith.constant 8 : i32
      %dma_start3A_1037 = arith.constant 0 : i32
      %dma_start3A_1038 = arith.constant 0 : i32
      %dma_start3A_1039 = tpu.memref_slice %arg10[%dma_start3A_1035, %dma_start3A_1036, %dma_start3A_1037, %dma_start3A_1038] : memref<2x16x8x128xf32, #tpu.memory_space<vmem>> -> memref<1x1x8x128xf32, #tpu.memory_space<vmem>>
      %dma_start3A_1040 = tpu.memref_squeeze %dma_start3A_1039 : memref<1x1x8x128xf32, #tpu.memory_space<vmem>> -> memref<8x128xf32, #tpu.memory_space<vmem>>
      %dma_start3A_1041 = arith.constant 0 : i32
      %dma_start3A_1042 = tpu.memref_slice %arg4[%dma_start3A_1041, %mul3A_1020] : memref<8x1000000xf32, #tpu.memory_space<hbm>> -> memref<8x128xf32, #tpu.memory_space<hbm>>
      %dma_start3A_1043 = arith.constant 0 : i32
      %dma_start3A_1044 = arith.constant 0 : i32
      %dma_start3A_1045 = tpu.memref_slice %arg10[%dma_start3A_1035, %dma_start3A_1036, %dma_start3A_1043, %dma_start3A_1044] : memref<2x16x8x128xf32, #tpu.memory_space<vmem>> -> memref<1x1x8x128xf32, #tpu.memory_space<vmem>>
      %dma_start3A_1046 = tpu.memref_squeeze %dma_start3A_1045 : memref<1x1x8x128xf32, #tpu.memory_space<vmem>> -> memref<8x128xf32, #tpu.memory_space<vmem>>
      %dma_start3A_1047 = arith.constant 0 : i32
      %dma_start3A_1048 = tpu.memref_slice %arg4[%dma_start3A_1047, %mul3A_1020] : memref<8x1000000xf32, #tpu.memory_space<hbm>> -> memref<8x128xf32, #tpu.memory_space<hbm>>
      tpu.enqueue_dma source(%dma_start3A_1048 : memref<8x128xf32, #tpu.memory_space<hbm>>) target(%dma_start3A_1046 : memref<8x128xf32, #tpu.memory_space<vmem>>) target_semaphore(%arg13 : memref<!tpu.dma_semaphore, #tpu.memory_space<semaphore_mem>>)
      %slice3A_1049 = vector.extract_strided_slice %get3A_686 {offsets = [9], sizes = [1], strides = [1]} : vector<16xi32> to vector<1xi32>
      %squeeze3A_1050 = vector.extract %slice3A_1049[0] : i32 from vector<1xi32>
      %shift_right_logical3A_1051 = arith.constant 7 : i32
      %shift_right_logical3A_1052 = arith.shrui %squeeze3A_1050, %shift_right_logical3A_1051 : i32
      %mul3A_1053 = arith.constant 128 : i32
      %mul3A_1054 = arith.muli %shift_right_logical3A_1052, %mul3A_1053 : i32
      %slice3A_1055 = vector.extract_strided_slice %get3A_688 {offsets = [9], sizes = [1], strides = [1]} : vector<16xi32> to vector<1xi32>
      %squeeze3A_1056 = vector.extract %slice3A_1055[0] : i32 from vector<1xi32>
      %shift_right_logical3A_1057 = arith.constant 7 : i32
      %shift_right_logical3A_1058 = arith.shrui %squeeze3A_1056, %shift_right_logical3A_1057 : i32
      %mul3A_1059 = arith.constant 128 : i32
      %mul3A_1060 = arith.muli %shift_right_logical3A_1058, %mul3A_1059 : i32
      %dma_start3A_1061 = arith.constant 1 : i32
      %dma_start3A_1062 = arith.constant 9 : i32
      %dma_start3A_1063 = arith.constant 0 : i32
      %dma_start3A_1064 = arith.constant 0 : i32
      %dma_start3A_1065 = tpu.memref_slice %arg9[%dma_start3A_1061, %dma_start3A_1062, %dma_start3A_1063, %dma_start3A_1064] : memref<2x16x8x128xf32, #tpu.memory_space<vmem>> -> memref<1x1x8x128xf32, #tpu.memory_space<vmem>>
      %dma_start3A_1066 = tpu.memref_squeeze %dma_start3A_1065 : memref<1x1x8x128xf32, #tpu.memory_space<vmem>> -> memref<8x128xf32, #tpu.memory_space<vmem>>
      %dma_start3A_1067 = arith.constant 0 : i32
      %dma_start3A_1068 = tpu.memref_slice %arg2[%dma_start3A_1067, %mul3A_1054] : memref<8x1000000xf32, #tpu.memory_space<hbm>> -> memref<8x128xf32, #tpu.memory_space<hbm>>
      %dma_start3A_1069 = arith.constant 0 : i32
      %dma_start3A_1070 = arith.constant 0 : i32
      %dma_start3A_1071 = tpu.memref_slice %arg9[%dma_start3A_1061, %dma_start3A_1062, %dma_start3A_1069, %dma_start3A_1070] : memref<2x16x8x128xf32, #tpu.memory_space<vmem>> -> memref<1x1x8x128xf32, #tpu.memory_space<vmem>>
      %dma_start3A_1072 = tpu.memref_squeeze %dma_start3A_1071 : memref<1x1x8x128xf32, #tpu.memory_space<vmem>> -> memref<8x128xf32, #tpu.memory_space<vmem>>
      %dma_start3A_1073 = arith.constant 0 : i32
      %dma_start3A_1074 = tpu.memref_slice %arg2[%dma_start3A_1073, %mul3A_1054] : memref<8x1000000xf32, #tpu.memory_space<hbm>> -> memref<8x128xf32, #tpu.memory_space<hbm>>
      tpu.enqueue_dma source(%dma_start3A_1074 : memref<8x128xf32, #tpu.memory_space<hbm>>) target(%dma_start3A_1072 : memref<8x128xf32, #tpu.memory_space<vmem>>) target_semaphore(%arg12 : memref<!tpu.dma_semaphore, #tpu.memory_space<semaphore_mem>>)
      %dma_start3A_1075 = arith.constant 1 : i32
      %dma_start3A_1076 = arith.constant 9 : i32
      %dma_start3A_1077 = arith.constant 0 : i32
      %dma_start3A_1078 = arith.constant 0 : i32
      %dma_start3A_1079 = tpu.memref_slice %arg10[%dma_start3A_1075, %dma_start3A_1076, %dma_start3A_1077, %dma_start3A_1078] : memref<2x16x8x128xf32, #tpu.memory_space<vmem>> -> memref<1x1x8x128xf32, #tpu.memory_space<vmem>>
      %dma_start3A_1080 = tpu.memref_squeeze %dma_start3A_1079 : memref<1x1x8x128xf32, #tpu.memory_space<vmem>> -> memref<8x128xf32, #tpu.memory_space<vmem>>
      %dma_start3A_1081 = arith.constant 0 : i32
      %dma_start3A_1082 = tpu.memref_slice %arg4[%dma_start3A_1081, %mul3A_1060] : memref<8x1000000xf32, #tpu.memory_space<hbm>> -> memref<8x128xf32, #tpu.memory_space<hbm>>
      %dma_start3A_1083 = arith.constant 0 : i32
      %dma_start3A_1084 = arith.constant 0 : i32
      %dma_start3A_1085 = tpu.memref_slice %arg10[%dma_start3A_1075, %dma_start3A_1076, %dma_start3A_1083, %dma_start3A_1084] : memref<2x16x8x128xf32, #tpu.memory_space<vmem>> -> memref<1x1x8x128xf32, #tpu.memory_space<vmem>>
      %dma_start3A_1086 = tpu.memref_squeeze %dma_start3A_1085 : memref<1x1x8x128xf32, #tpu.memory_space<vmem>> -> memref<8x128xf32, #tpu.memory_space<vmem>>
      %dma_start3A_1087 = arith.constant 0 : i32
      %dma_start3A_1088 = tpu.memref_slice %arg4[%dma_start3A_1087, %mul3A_1060] : memref<8x1000000xf32, #tpu.memory_space<hbm>> -> memref<8x128xf32, #tpu.memory_space<hbm>>
      tpu.enqueue_dma source(%dma_start3A_1088 : memref<8x128xf32, #tpu.memory_space<hbm>>) target(%dma_start3A_1086 : memref<8x128xf32, #tpu.memory_space<vmem>>) target_semaphore(%arg13 : memref<!tpu.dma_semaphore, #tpu.memory_space<semaphore_mem>>)
      %slice3A_1089 = vector.extract_strided_slice %get3A_686 {offsets = [10], sizes = [1], strides = [1]} : vector<16xi32> to vector<1xi32>
      %squeeze3A_1090 = vector.extract %slice3A_1089[0] : i32 from vector<1xi32>
      %shift_right_logical3A_1091 = arith.constant 7 : i32
      %shift_right_logical3A_1092 = arith.shrui %squeeze3A_1090, %shift_right_logical3A_1091 : i32
      %mul3A_1093 = arith.constant 128 : i32
      %mul3A_1094 = arith.muli %shift_right_logical3A_1092, %mul3A_1093 : i32
      %slice3A_1095 = vector.extract_strided_slice %get3A_688 {offsets = [10], sizes = [1], strides = [1]} : vector<16xi32> to vector<1xi32>
      %squeeze3A_1096 = vector.extract %slice3A_1095[0] : i32 from vector<1xi32>
      %shift_right_logical3A_1097 = arith.constant 7 : i32
      %shift_right_logical3A_1098 = arith.shrui %squeeze3A_1096, %shift_right_logical3A_1097 : i32
      %mul3A_1099 = arith.constant 128 : i32
      %mul3A_1100 = arith.muli %shift_right_logical3A_1098, %mul3A_1099 : i32
      %dma_start3A_1101 = arith.constant 1 : i32
      %dma_start3A_1102 = arith.constant 10 : i32
      %dma_start3A_1103 = arith.constant 0 : i32
      %dma_start3A_1104 = arith.constant 0 : i32
      %dma_start3A_1105 = tpu.memref_slice %arg9[%dma_start3A_1101, %dma_start3A_1102, %dma_start3A_1103, %dma_start3A_1104] : memref<2x16x8x128xf32, #tpu.memory_space<vmem>> -> memref<1x1x8x128xf32, #tpu.memory_space<vmem>>
      %dma_start3A_1106 = tpu.memref_squeeze %dma_start3A_1105 : memref<1x1x8x128xf32, #tpu.memory_space<vmem>> -> memref<8x128xf32, #tpu.memory_space<vmem>>
      %dma_start3A_1107 = arith.constant 0 : i32
      %dma_start3A_1108 = tpu.memref_slice %arg2[%dma_start3A_1107, %mul3A_1094] : memref<8x1000000xf32, #tpu.memory_space<hbm>> -> memref<8x128xf32, #tpu.memory_space<hbm>>
      %dma_start3A_1109 = arith.constant 0 : i32
      %dma_start3A_1110 = arith.constant 0 : i32
      %dma_start3A_1111 = tpu.memref_slice %arg9[%dma_start3A_1101, %dma_start3A_1102, %dma_start3A_1109, %dma_start3A_1110] : memref<2x16x8x128xf32, #tpu.memory_space<vmem>> -> memref<1x1x8x128xf32, #tpu.memory_space<vmem>>
      %dma_start3A_1112 = tpu.memref_squeeze %dma_start3A_1111 : memref<1x1x8x128xf32, #tpu.memory_space<vmem>> -> memref<8x128xf32, #tpu.memory_space<vmem>>
      %dma_start3A_1113 = arith.constant 0 : i32
      %dma_start3A_1114 = tpu.memref_slice %arg2[%dma_start3A_1113, %mul3A_1094] : memref<8x1000000xf32, #tpu.memory_space<hbm>> -> memref<8x128xf32, #tpu.memory_space<hbm>>
      tpu.enqueue_dma source(%dma_start3A_1114 : memref<8x128xf32, #tpu.memory_space<hbm>>) target(%dma_start3A_1112 : memref<8x128xf32, #tpu.memory_space<vmem>>) target_semaphore(%arg12 : memref<!tpu.dma_semaphore, #tpu.memory_space<semaphore_mem>>)
      %dma_start3A_1115 = arith.constant 1 : i32
      %dma_start3A_1116 = arith.constant 10 : i32
      %dma_start3A_1117 = arith.constant 0 : i32
      %dma_start3A_1118 = arith.constant 0 : i32
      %dma_start3A_1119 = tpu.memref_slice %arg10[%dma_start3A_1115, %dma_start3A_1116, %dma_start3A_1117, %dma_start3A_1118] : memref<2x16x8x128xf32, #tpu.memory_space<vmem>> -> memref<1x1x8x128xf32, #tpu.memory_space<vmem>>
      %dma_start3A_1120 = tpu.memref_squeeze %dma_start3A_1119 : memref<1x1x8x128xf32, #tpu.memory_space<vmem>> -> memref<8x128xf32, #tpu.memory_space<vmem>>
      %dma_start3A_1121 = arith.constant 0 : i32
      %dma_start3A_1122 = tpu.memref_slice %arg4[%dma_start3A_1121, %mul3A_1100] : memref<8x1000000xf32, #tpu.memory_space<hbm>> -> memref<8x128xf32, #tpu.memory_space<hbm>>
      %dma_start3A_1123 = arith.constant 0 : i32
      %dma_start3A_1124 = arith.constant 0 : i32
      %dma_start3A_1125 = tpu.memref_slice %arg10[%dma_start3A_1115, %dma_start3A_1116, %dma_start3A_1123, %dma_start3A_1124] : memref<2x16x8x128xf32, #tpu.memory_space<vmem>> -> memref<1x1x8x128xf32, #tpu.memory_space<vmem>>
      %dma_start3A_1126 = tpu.memref_squeeze %dma_start3A_1125 : memref<1x1x8x128xf32, #tpu.memory_space<vmem>> -> memref<8x128xf32, #tpu.memory_space<vmem>>
      %dma_start3A_1127 = arith.constant 0 : i32
      %dma_start3A_1128 = tpu.memref_slice %arg4[%dma_start3A_1127, %mul3A_1100] : memref<8x1000000xf32, #tpu.memory_space<hbm>> -> memref<8x128xf32, #tpu.memory_space<hbm>>
      tpu.enqueue_dma source(%dma_start3A_1128 : memref<8x128xf32, #tpu.memory_space<hbm>>) target(%dma_start3A_1126 : memref<8x128xf32, #tpu.memory_space<vmem>>) target_semaphore(%arg13 : memref<!tpu.dma_semaphore, #tpu.memory_space<semaphore_mem>>)
      %slice3A_1129 = vector.extract_strided_slice %get3A_686 {offsets = [11], sizes = [1], strides = [1]} : vector<16xi32> to vector<1xi32>
      %squeeze3A_1130 = vector.extract %slice3A_1129[0] : i32 from vector<1xi32>
      %shift_right_logical3A_1131 = arith.constant 7 : i32
      %shift_right_logical3A_1132 = arith.shrui %squeeze3A_1130, %shift_right_logical3A_1131 : i32
      %mul3A_1133 = arith.constant 128 : i32
      %mul3A_1134 = arith.muli %shift_right_logical3A_1132, %mul3A_1133 : i32
      %slice3A_1135 = vector.extract_strided_slice %get3A_688 {offsets = [11], sizes = [1], strides = [1]} : vector<16xi32> to vector<1xi32>
      %squeeze3A_1136 = vector.extract %slice3A_1135[0] : i32 from vector<1xi32>
      %shift_right_logical3A_1137 = arith.constant 7 : i32
      %shift_right_logical3A_1138 = arith.shrui %squeeze3A_1136, %shift_right_logical3A_1137 : i32
      %mul3A_1139 = arith.constant 128 : i32
      %mul3A_1140 = arith.muli %shift_right_logical3A_1138, %mul3A_1139 : i32
      %dma_start3A_1141 = arith.constant 1 : i32
      %dma_start3A_1142 = arith.constant 11 : i32
      %dma_start3A_1143 = arith.constant 0 : i32
      %dma_start3A_1144 = arith.constant 0 : i32
      %dma_start3A_1145 = tpu.memref_slice %arg9[%dma_start3A_1141, %dma_start3A_1142, %dma_start3A_1143, %dma_start3A_1144] : memref<2x16x8x128xf32, #tpu.memory_space<vmem>> -> memref<1x1x8x128xf32, #tpu.memory_space<vmem>>
      %dma_start3A_1146 = tpu.memref_squeeze %dma_start3A_1145 : memref<1x1x8x128xf32, #tpu.memory_space<vmem>> -> memref<8x128xf32, #tpu.memory_space<vmem>>
      %dma_start3A_1147 = arith.constant 0 : i32
      %dma_start3A_1148 = tpu.memref_slice %arg2[%dma_start3A_1147, %mul3A_1134] : memref<8x1000000xf32, #tpu.memory_space<hbm>> -> memref<8x128xf32, #tpu.memory_space<hbm>>
      %dma_start3A_1149 = arith.constant 0 : i32
      %dma_start3A_1150 = arith.constant 0 : i32
      %dma_start3A_1151 = tpu.memref_slice %arg9[%dma_start3A_1141, %dma_start3A_1142, %dma_start3A_1149, %dma_start3A_1150] : memref<2x16x8x128xf32, #tpu.memory_space<vmem>> -> memref<1x1x8x128xf32, #tpu.memory_space<vmem>>
      %dma_start3A_1152 = tpu.memref_squeeze %dma_start3A_1151 : memref<1x1x8x128xf32, #tpu.memory_space<vmem>> -> memref<8x128xf32, #tpu.memory_space<vmem>>
      %dma_start3A_1153 = arith.constant 0 : i32
      %dma_start3A_1154 = tpu.memref_slice %arg2[%dma_start3A_1153, %mul3A_1134] : memref<8x1000000xf32, #tpu.memory_space<hbm>> -> memref<8x128xf32, #tpu.memory_space<hbm>>
      tpu.enqueue_dma source(%dma_start3A_1154 : memref<8x128xf32, #tpu.memory_space<hbm>>) target(%dma_start3A_1152 : memref<8x128xf32, #tpu.memory_space<vmem>>) target_semaphore(%arg12 : memref<!tpu.dma_semaphore, #tpu.memory_space<semaphore_mem>>)
      %dma_start3A_1155 = arith.constant 1 : i32
      %dma_start3A_1156 = arith.constant 11 : i32
      %dma_start3A_1157 = arith.constant 0 : i32
      %dma_start3A_1158 = arith.constant 0 : i32
      %dma_start3A_1159 = tpu.memref_slice %arg10[%dma_start3A_1155, %dma_start3A_1156, %dma_start3A_1157, %dma_start3A_1158] : memref<2x16x8x128xf32, #tpu.memory_space<vmem>> -> memref<1x1x8x128xf32, #tpu.memory_space<vmem>>
      %dma_start3A_1160 = tpu.memref_squeeze %dma_start3A_1159 : memref<1x1x8x128xf32, #tpu.memory_space<vmem>> -> memref<8x128xf32, #tpu.memory_space<vmem>>
      %dma_start3A_1161 = arith.constant 0 : i32
      %dma_start3A_1162 = tpu.memref_slice %arg4[%dma_start3A_1161, %mul3A_1140] : memref<8x1000000xf32, #tpu.memory_space<hbm>> -> memref<8x128xf32, #tpu.memory_space<hbm>>
      %dma_start3A_1163 = arith.constant 0 : i32
      %dma_start3A_1164 = arith.constant 0 : i32
      %dma_start3A_1165 = tpu.memref_slice %arg10[%dma_start3A_1155, %dma_start3A_1156, %dma_start3A_1163, %dma_start3A_1164] : memref<2x16x8x128xf32, #tpu.memory_space<vmem>> -> memref<1x1x8x128xf32, #tpu.memory_space<vmem>>
      %dma_start3A_1166 = tpu.memref_squeeze %dma_start3A_1165 : memref<1x1x8x128xf32, #tpu.memory_space<vmem>> -> memref<8x128xf32, #tpu.memory_space<vmem>>
      %dma_start3A_1167 = arith.constant 0 : i32
      %dma_start3A_1168 = tpu.memref_slice %arg4[%dma_start3A_1167, %mul3A_1140] : memref<8x1000000xf32, #tpu.memory_space<hbm>> -> memref<8x128xf32, #tpu.memory_space<hbm>>
      tpu.enqueue_dma source(%dma_start3A_1168 : memref<8x128xf32, #tpu.memory_space<hbm>>) target(%dma_start3A_1166 : memref<8x128xf32, #tpu.memory_space<vmem>>) target_semaphore(%arg13 : memref<!tpu.dma_semaphore, #tpu.memory_space<semaphore_mem>>)
      %slice3A_1169 = vector.extract_strided_slice %get3A_686 {offsets = [12], sizes = [1], strides = [1]} : vector<16xi32> to vector<1xi32>
      %squeeze3A_1170 = vector.extract %slice3A_1169[0] : i32 from vector<1xi32>
      %shift_right_logical3A_1171 = arith.constant 7 : i32
      %shift_right_logical3A_1172 = arith.shrui %squeeze3A_1170, %shift_right_logical3A_1171 : i32
      %mul3A_1173 = arith.constant 128 : i32
      %mul3A_1174 = arith.muli %shift_right_logical3A_1172, %mul3A_1173 : i32
      %slice3A_1175 = vector.extract_strided_slice %get3A_688 {offsets = [12], sizes = [1], strides = [1]} : vector<16xi32> to vector<1xi32>
      %squeeze3A_1176 = vector.extract %slice3A_1175[0] : i32 from vector<1xi32>
      %shift_right_logical3A_1177 = arith.constant 7 : i32
      %shift_right_logical3A_1178 = arith.shrui %squeeze3A_1176, %shift_right_logical3A_1177 : i32
      %mul3A_1179 = arith.constant 128 : i32
      %mul3A_1180 = arith.muli %shift_right_logical3A_1178, %mul3A_1179 : i32
      %dma_start3A_1181 = arith.constant 1 : i32
      %dma_start3A_1182 = arith.constant 12 : i32
      %dma_start3A_1183 = arith.constant 0 : i32
      %dma_start3A_1184 = arith.constant 0 : i32
      %dma_start3A_1185 = tpu.memref_slice %arg9[%dma_start3A_1181, %dma_start3A_1182, %dma_start3A_1183, %dma_start3A_1184] : memref<2x16x8x128xf32, #tpu.memory_space<vmem>> -> memref<1x1x8x128xf32, #tpu.memory_space<vmem>>
      %dma_start3A_1186 = tpu.memref_squeeze %dma_start3A_1185 : memref<1x1x8x128xf32, #tpu.memory_space<vmem>> -> memref<8x128xf32, #tpu.memory_space<vmem>>
      %dma_start3A_1187 = arith.constant 0 : i32
      %dma_start3A_1188 = tpu.memref_slice %arg2[%dma_start3A_1187, %mul3A_1174] : memref<8x1000000xf32, #tpu.memory_space<hbm>> -> memref<8x128xf32, #tpu.memory_space<hbm>>
      %dma_start3A_1189 = arith.constant 0 : i32
      %dma_start3A_1190 = arith.constant 0 : i32
      %dma_start3A_1191 = tpu.memref_slice %arg9[%dma_start3A_1181, %dma_start3A_1182, %dma_start3A_1189, %dma_start3A_1190] : memref<2x16x8x128xf32, #tpu.memory_space<vmem>> -> memref<1x1x8x128xf32, #tpu.memory_space<vmem>>
      %dma_start3A_1192 = tpu.memref_squeeze %dma_start3A_1191 : memref<1x1x8x128xf32, #tpu.memory_space<vmem>> -> memref<8x128xf32, #tpu.memory_space<vmem>>
      %dma_start3A_1193 = arith.constant 0 : i32
      %dma_start3A_1194 = tpu.memref_slice %arg2[%dma_start3A_1193, %mul3A_1174] : memref<8x1000000xf32, #tpu.memory_space<hbm>> -> memref<8x128xf32, #tpu.memory_space<hbm>>
      tpu.enqueue_dma source(%dma_start3A_1194 : memref<8x128xf32, #tpu.memory_space<hbm>>) target(%dma_start3A_1192 : memref<8x128xf32, #tpu.memory_space<vmem>>) target_semaphore(%arg12 : memref<!tpu.dma_semaphore, #tpu.memory_space<semaphore_mem>>)
      %dma_start3A_1195 = arith.constant 1 : i32
      %dma_start3A_1196 = arith.constant 12 : i32
      %dma_start3A_1197 = arith.constant 0 : i32
      %dma_start3A_1198 = arith.constant 0 : i32
      %dma_start3A_1199 = tpu.memref_slice %arg10[%dma_start3A_1195, %dma_start3A_1196, %dma_start3A_1197, %dma_start3A_1198] : memref<2x16x8x128xf32, #tpu.memory_space<vmem>> -> memref<1x1x8x128xf32, #tpu.memory_space<vmem>>
      %dma_start3A_1200 = tpu.memref_squeeze %dma_start3A_1199 : memref<1x1x8x128xf32, #tpu.memory_space<vmem>> -> memref<8x128xf32, #tpu.memory_space<vmem>>
      %dma_start3A_1201 = arith.constant 0 : i32
      %dma_start3A_1202 = tpu.memref_slice %arg4[%dma_start3A_1201, %mul3A_1180] : memref<8x1000000xf32, #tpu.memory_space<hbm>> -> memref<8x128xf32, #tpu.memory_space<hbm>>
      %dma_start3A_1203 = arith.constant 0 : i32
      %dma_start3A_1204 = arith.constant 0 : i32
      %dma_start3A_1205 = tpu.memref_slice %arg10[%dma_start3A_1195, %dma_start3A_1196, %dma_start3A_1203, %dma_start3A_1204] : memref<2x16x8x128xf32, #tpu.memory_space<vmem>> -> memref<1x1x8x128xf32, #tpu.memory_space<vmem>>
      %dma_start3A_1206 = tpu.memref_squeeze %dma_start3A_1205 : memref<1x1x8x128xf32, #tpu.memory_space<vmem>> -> memref<8x128xf32, #tpu.memory_space<vmem>>
      %dma_start3A_1207 = arith.constant 0 : i32
      %dma_start3A_1208 = tpu.memref_slice %arg4[%dma_start3A_1207, %mul3A_1180] : memref<8x1000000xf32, #tpu.memory_space<hbm>> -> memref<8x128xf32, #tpu.memory_space<hbm>>
      tpu.enqueue_dma source(%dma_start3A_1208 : memref<8x128xf32, #tpu.memory_space<hbm>>) target(%dma_start3A_1206 : memref<8x128xf32, #tpu.memory_space<vmem>>) target_semaphore(%arg13 : memref<!tpu.dma_semaphore, #tpu.memory_space<semaphore_mem>>)
      %slice3A_1209 = vector.extract_strided_slice %get3A_686 {offsets = [13], sizes = [1], strides = [1]} : vector<16xi32> to vector<1xi32>
      %squeeze3A_1210 = vector.extract %slice3A_1209[0] : i32 from vector<1xi32>
      %shift_right_logical3A_1211 = arith.constant 7 : i32
      %shift_right_logical3A_1212 = arith.shrui %squeeze3A_1210, %shift_right_logical3A_1211 : i32
      %mul3A_1213 = arith.constant 128 : i32
      %mul3A_1214 = arith.muli %shift_right_logical3A_1212, %mul3A_1213 : i32
      %slice3A_1215 = vector.extract_strided_slice %get3A_688 {offsets = [13], sizes = [1], strides = [1]} : vector<16xi32> to vector<1xi32>
      %squeeze3A_1216 = vector.extract %slice3A_1215[0] : i32 from vector<1xi32>
      %shift_right_logical3A_1217 = arith.constant 7 : i32
      %shift_right_logical3A_1218 = arith.shrui %squeeze3A_1216, %shift_right_logical3A_1217 : i32
      %mul3A_1219 = arith.constant 128 : i32
      %mul3A_1220 = arith.muli %shift_right_logical3A_1218, %mul3A_1219 : i32
      %dma_start3A_1221 = arith.constant 1 : i32
      %dma_start3A_1222 = arith.constant 13 : i32
      %dma_start3A_1223 = arith.constant 0 : i32
      %dma_start3A_1224 = arith.constant 0 : i32
      %dma_start3A_1225 = tpu.memref_slice %arg9[%dma_start3A_1221, %dma_start3A_1222, %dma_start3A_1223, %dma_start3A_1224] : memref<2x16x8x128xf32, #tpu.memory_space<vmem>> -> memref<1x1x8x128xf32, #tpu.memory_space<vmem>>
      %dma_start3A_1226 = tpu.memref_squeeze %dma_start3A_1225 : memref<1x1x8x128xf32, #tpu.memory_space<vmem>> -> memref<8x128xf32, #tpu.memory_space<vmem>>
      %dma_start3A_1227 = arith.constant 0 : i32
      %dma_start3A_1228 = tpu.memref_slice %arg2[%dma_start3A_1227, %mul3A_1214] : memref<8x1000000xf32, #tpu.memory_space<hbm>> -> memref<8x128xf32, #tpu.memory_space<hbm>>
      %dma_start3A_1229 = arith.constant 0 : i32
      %dma_start3A_1230 = arith.constant 0 : i32
      %dma_start3A_1231 = tpu.memref_slice %arg9[%dma_start3A_1221, %dma_start3A_1222, %dma_start3A_1229, %dma_start3A_1230] : memref<2x16x8x128xf32, #tpu.memory_space<vmem>> -> memref<1x1x8x128xf32, #tpu.memory_space<vmem>>
      %dma_start3A_1232 = tpu.memref_squeeze %dma_start3A_1231 : memref<1x1x8x128xf32, #tpu.memory_space<vmem>> -> memref<8x128xf32, #tpu.memory_space<vmem>>
      %dma_start3A_1233 = arith.constant 0 : i32
      %dma_start3A_1234 = tpu.memref_slice %arg2[%dma_start3A_1233, %mul3A_1214] : memref<8x1000000xf32, #tpu.memory_space<hbm>> -> memref<8x128xf32, #tpu.memory_space<hbm>>
      tpu.enqueue_dma source(%dma_start3A_1234 : memref<8x128xf32, #tpu.memory_space<hbm>>) target(%dma_start3A_1232 : memref<8x128xf32, #tpu.memory_space<vmem>>) target_semaphore(%arg12 : memref<!tpu.dma_semaphore, #tpu.memory_space<semaphore_mem>>)
      %dma_start3A_1235 = arith.constant 1 : i32
      %dma_start3A_1236 = arith.constant 13 : i32
      %dma_start3A_1237 = arith.constant 0 : i32
      %dma_start3A_1238 = arith.constant 0 : i32
      %dma_start3A_1239 = tpu.memref_slice %arg10[%dma_start3A_1235, %dma_start3A_1236, %dma_start3A_1237, %dma_start3A_1238] : memref<2x16x8x128xf32, #tpu.memory_space<vmem>> -> memref<1x1x8x128xf32, #tpu.memory_space<vmem>>
      %dma_start3A_1240 = tpu.memref_squeeze %dma_start3A_1239 : memref<1x1x8x128xf32, #tpu.memory_space<vmem>> -> memref<8x128xf32, #tpu.memory_space<vmem>>
      %dma_start3A_1241 = arith.constant 0 : i32
      %dma_start3A_1242 = tpu.memref_slice %arg4[%dma_start3A_1241, %mul3A_1220] : memref<8x1000000xf32, #tpu.memory_space<hbm>> -> memref<8x128xf32, #tpu.memory_space<hbm>>
      %dma_start3A_1243 = arith.constant 0 : i32
      %dma_start3A_1244 = arith.constant 0 : i32
      %dma_start3A_1245 = tpu.memref_slice %arg10[%dma_start3A_1235, %dma_start3A_1236, %dma_start3A_1243, %dma_start3A_1244] : memref<2x16x8x128xf32, #tpu.memory_space<vmem>> -> memref<1x1x8x128xf32, #tpu.memory_space<vmem>>
      %dma_start3A_1246 = tpu.memref_squeeze %dma_start3A_1245 : memref<1x1x8x128xf32, #tpu.memory_space<vmem>> -> memref<8x128xf32, #tpu.memory_space<vmem>>
      %dma_start3A_1247 = arith.constant 0 : i32
      %dma_start3A_1248 = tpu.memref_slice %arg4[%dma_start3A_1247, %mul3A_1220] : memref<8x1000000xf32, #tpu.memory_space<hbm>> -> memref<8x128xf32, #tpu.memory_space<hbm>>
      tpu.enqueue_dma source(%dma_start3A_1248 : memref<8x128xf32, #tpu.memory_space<hbm>>) target(%dma_start3A_1246 : memref<8x128xf32, #tpu.memory_space<vmem>>) target_semaphore(%arg13 : memref<!tpu.dma_semaphore, #tpu.memory_space<semaphore_mem>>)
      %slice3A_1249 = vector.extract_strided_slice %get3A_686 {offsets = [14], sizes = [1], strides = [1]} : vector<16xi32> to vector<1xi32>
      %squeeze3A_1250 = vector.extract %slice3A_1249[0] : i32 from vector<1xi32>
      %shift_right_logical3A_1251 = arith.constant 7 : i32
      %shift_right_logical3A_1252 = arith.shrui %squeeze3A_1250, %shift_right_logical3A_1251 : i32
      %mul3A_1253 = arith.constant 128 : i32
      %mul3A_1254 = arith.muli %shift_right_logical3A_1252, %mul3A_1253 : i32
      %slice3A_1255 = vector.extract_strided_slice %get3A_688 {offsets = [14], sizes = [1], strides = [1]} : vector<16xi32> to vector<1xi32>
      %squeeze3A_1256 = vector.extract %slice3A_1255[0] : i32 from vector<1xi32>
      %shift_right_logical3A_1257 = arith.constant 7 : i32
      %shift_right_logical3A_1258 = arith.shrui %squeeze3A_1256, %shift_right_logical3A_1257 : i32
      %mul3A_1259 = arith.constant 128 : i32
      %mul3A_1260 = arith.muli %shift_right_logical3A_1258, %mul3A_1259 : i32
      %dma_start3A_1261 = arith.constant 1 : i32
      %dma_start3A_1262 = arith.constant 14 : i32
      %dma_start3A_1263 = arith.constant 0 : i32
      %dma_start3A_1264 = arith.constant 0 : i32
      %dma_start3A_1265 = tpu.memref_slice %arg9[%dma_start3A_1261, %dma_start3A_1262, %dma_start3A_1263, %dma_start3A_1264] : memref<2x16x8x128xf32, #tpu.memory_space<vmem>> -> memref<1x1x8x128xf32, #tpu.memory_space<vmem>>
      %dma_start3A_1266 = tpu.memref_squeeze %dma_start3A_1265 : memref<1x1x8x128xf32, #tpu.memory_space<vmem>> -> memref<8x128xf32, #tpu.memory_space<vmem>>
      %dma_start3A_1267 = arith.constant 0 : i32
      %dma_start3A_1268 = tpu.memref_slice %arg2[%dma_start3A_1267, %mul3A_1254] : memref<8x1000000xf32, #tpu.memory_space<hbm>> -> memref<8x128xf32, #tpu.memory_space<hbm>>
      %dma_start3A_1269 = arith.constant 0 : i32
      %dma_start3A_1270 = arith.constant 0 : i32
      %dma_start3A_1271 = tpu.memref_slice %arg9[%dma_start3A_1261, %dma_start3A_1262, %dma_start3A_1269, %dma_start3A_1270] : memref<2x16x8x128xf32, #tpu.memory_space<vmem>> -> memref<1x1x8x128xf32, #tpu.memory_space<vmem>>
      %dma_start3A_1272 = tpu.memref_squeeze %dma_start3A_1271 : memref<1x1x8x128xf32, #tpu.memory_space<vmem>> -> memref<8x128xf32, #tpu.memory_space<vmem>>
      %dma_start3A_1273 = arith.constant 0 : i32
      %dma_start3A_1274 = tpu.memref_slice %arg2[%dma_start3A_1273, %mul3A_1254] : memref<8x1000000xf32, #tpu.memory_space<hbm>> -> memref<8x128xf32, #tpu.memory_space<hbm>>
      tpu.enqueue_dma source(%dma_start3A_1274 : memref<8x128xf32, #tpu.memory_space<hbm>>) target(%dma_start3A_1272 : memref<8x128xf32, #tpu.memory_space<vmem>>) target_semaphore(%arg12 : memref<!tpu.dma_semaphore, #tpu.memory_space<semaphore_mem>>)
      %dma_start3A_1275 = arith.constant 1 : i32
      %dma_start3A_1276 = arith.constant 14 : i32
      %dma_start3A_1277 = arith.constant 0 : i32
      %dma_start3A_1278 = arith.constant 0 : i32
      %dma_start3A_1279 = tpu.memref_slice %arg10[%dma_start3A_1275, %dma_start3A_1276, %dma_start3A_1277, %dma_start3A_1278] : memref<2x16x8x128xf32, #tpu.memory_space<vmem>> -> memref<1x1x8x128xf32, #tpu.memory_space<vmem>>
      %dma_start3A_1280 = tpu.memref_squeeze %dma_start3A_1279 : memref<1x1x8x128xf32, #tpu.memory_space<vmem>> -> memref<8x128xf32, #tpu.memory_space<vmem>>
      %dma_start3A_1281 = arith.constant 0 : i32
      %dma_start3A_1282 = tpu.memref_slice %arg4[%dma_start3A_1281, %mul3A_1260] : memref<8x1000000xf32, #tpu.memory_space<hbm>> -> memref<8x128xf32, #tpu.memory_space<hbm>>
      %dma_start3A_1283 = arith.constant 0 : i32
      %dma_start3A_1284 = arith.constant 0 : i32
      %dma_start3A_1285 = tpu.memref_slice %arg10[%dma_start3A_1275, %dma_start3A_1276, %dma_start3A_1283, %dma_start3A_1284] : memref<2x16x8x128xf32, #tpu.memory_space<vmem>> -> memref<1x1x8x128xf32, #tpu.memory_space<vmem>>
      %dma_start3A_1286 = tpu.memref_squeeze %dma_start3A_1285 : memref<1x1x8x128xf32, #tpu.memory_space<vmem>> -> memref<8x128xf32, #tpu.memory_space<vmem>>
      %dma_start3A_1287 = arith.constant 0 : i32
      %dma_start3A_1288 = tpu.memref_slice %arg4[%dma_start3A_1287, %mul3A_1260] : memref<8x1000000xf32, #tpu.memory_space<hbm>> -> memref<8x128xf32, #tpu.memory_space<hbm>>
      tpu.enqueue_dma source(%dma_start3A_1288 : memref<8x128xf32, #tpu.memory_space<hbm>>) target(%dma_start3A_1286 : memref<8x128xf32, #tpu.memory_space<vmem>>) target_semaphore(%arg13 : memref<!tpu.dma_semaphore, #tpu.memory_space<semaphore_mem>>)
      %slice3A_1289 = vector.extract_strided_slice %get3A_686 {offsets = [15], sizes = [1], strides = [1]} : vector<16xi32> to vector<1xi32>
      %squeeze3A_1290 = vector.extract %slice3A_1289[0] : i32 from vector<1xi32>
      %shift_right_logical3A_1291 = arith.constant 7 : i32
      %shift_right_logical3A_1292 = arith.shrui %squeeze3A_1290, %shift_right_logical3A_1291 : i32
      %mul3A_1293 = arith.constant 128 : i32
      %mul3A_1294 = arith.muli %shift_right_logical3A_1292, %mul3A_1293 : i32
      %slice3A_1295 = vector.extract_strided_slice %get3A_688 {offsets = [15], sizes = [1], strides = [1]} : vector<16xi32> to vector<1xi32>
      %squeeze3A_1296 = vector.extract %slice3A_1295[0] : i32 from vector<1xi32>
      %shift_right_logical3A_1297 = arith.constant 7 : i32
      %shift_right_logical3A_1298 = arith.shrui %squeeze3A_1296, %shift_right_logical3A_1297 : i32
      %mul3A_1299 = arith.constant 128 : i32
      %mul3A_1300 = arith.muli %shift_right_logical3A_1298, %mul3A_1299 : i32
      %dma_start3A_1301 = arith.constant 1 : i32
      %dma_start3A_1302 = arith.constant 15 : i32
      %dma_start3A_1303 = arith.constant 0 : i32
      %dma_start3A_1304 = arith.constant 0 : i32
      %dma_start3A_1305 = tpu.memref_slice %arg9[%dma_start3A_1301, %dma_start3A_1302, %dma_start3A_1303, %dma_start3A_1304] : memref<2x16x8x128xf32, #tpu.memory_space<vmem>> -> memref<1x1x8x128xf32, #tpu.memory_space<vmem>>
      %dma_start3A_1306 = tpu.memref_squeeze %dma_start3A_1305 : memref<1x1x8x128xf32, #tpu.memory_space<vmem>> -> memref<8x128xf32, #tpu.memory_space<vmem>>
      %dma_start3A_1307 = arith.constant 0 : i32
      %dma_start3A_1308 = tpu.memref_slice %arg2[%dma_start3A_1307, %mul3A_1294] : memref<8x1000000xf32, #tpu.memory_space<hbm>> -> memref<8x128xf32, #tpu.memory_space<hbm>>
      %dma_start3A_1309 = arith.constant 0 : i32
      %dma_start3A_1310 = arith.constant 0 : i32
      %dma_start3A_1311 = tpu.memref_slice %arg9[%dma_start3A_1301, %dma_start3A_1302, %dma_start3A_1309, %dma_start3A_1310] : memref<2x16x8x128xf32, #tpu.memory_space<vmem>> -> memref<1x1x8x128xf32, #tpu.memory_space<vmem>>
      %dma_start3A_1312 = tpu.memref_squeeze %dma_start3A_1311 : memref<1x1x8x128xf32, #tpu.memory_space<vmem>> -> memref<8x128xf32, #tpu.memory_space<vmem>>
      %dma_start3A_1313 = arith.constant 0 : i32
      %dma_start3A_1314 = tpu.memref_slice %arg2[%dma_start3A_1313, %mul3A_1294] : memref<8x1000000xf32, #tpu.memory_space<hbm>> -> memref<8x128xf32, #tpu.memory_space<hbm>>
      tpu.enqueue_dma source(%dma_start3A_1314 : memref<8x128xf32, #tpu.memory_space<hbm>>) target(%dma_start3A_1312 : memref<8x128xf32, #tpu.memory_space<vmem>>) target_semaphore(%arg12 : memref<!tpu.dma_semaphore, #tpu.memory_space<semaphore_mem>>)
      %dma_start3A_1315 = arith.constant 1 : i32
      %dma_start3A_1316 = arith.constant 15 : i32
      %dma_start3A_1317 = arith.constant 0 : i32
      %dma_start3A_1318 = arith.constant 0 : i32
      %dma_start3A_1319 = tpu.memref_slice %arg10[%dma_start3A_1315, %dma_start3A_1316, %dma_start3A_1317, %dma_start3A_1318] : memref<2x16x8x128xf32, #tpu.memory_space<vmem>> -> memref<1x1x8x128xf32, #tpu.memory_space<vmem>>
      %dma_start3A_1320 = tpu.memref_squeeze %dma_start3A_1319 : memref<1x1x8x128xf32, #tpu.memory_space<vmem>> -> memref<8x128xf32, #tpu.memory_space<vmem>>
      %dma_start3A_1321 = arith.constant 0 : i32
      %dma_start3A_1322 = tpu.memref_slice %arg4[%dma_start3A_1321, %mul3A_1300] : memref<8x1000000xf32, #tpu.memory_space<hbm>> -> memref<8x128xf32, #tpu.memory_space<hbm>>
      %dma_start3A_1323 = arith.constant 0 : i32
      %dma_start3A_1324 = arith.constant 0 : i32
      %dma_start3A_1325 = tpu.memref_slice %arg10[%dma_start3A_1315, %dma_start3A_1316, %dma_start3A_1323, %dma_start3A_1324] : memref<2x16x8x128xf32, #tpu.memory_space<vmem>> -> memref<1x1x8x128xf32, #tpu.memory_space<vmem>>
      %dma_start3A_1326 = tpu.memref_squeeze %dma_start3A_1325 : memref<1x1x8x128xf32, #tpu.memory_space<vmem>> -> memref<8x128xf32, #tpu.memory_space<vmem>>
      %dma_start3A_1327 = arith.constant 0 : i32
      %dma_start3A_1328 = tpu.memref_slice %arg4[%dma_start3A_1327, %mul3A_1300] : memref<8x1000000xf32, #tpu.memory_space<hbm>> -> memref<8x128xf32, #tpu.memory_space<hbm>>
      tpu.enqueue_dma source(%dma_start3A_1328 : memref<8x128xf32, #tpu.memory_space<hbm>>) target(%dma_start3A_1326 : memref<8x128xf32, #tpu.memory_space<vmem>>) target_semaphore(%arg13 : memref<!tpu.dma_semaphore, #tpu.memory_space<semaphore_mem>>)
      %dma_wait3A = arith.constant 0 : i32
      %dma_wait3A_1329 = arith.constant 0 : i32
      %dma_wait3A_1330 = arith.constant 0 : i32
      %dma_wait3A_1331 = arith.constant 0 : i32
      %dma_wait3A_1332 = tpu.memref_slice %arg9[%dma_wait3A, %dma_wait3A_1329, %dma_wait3A_1330, %dma_wait3A_1331] : memref<2x16x8x128xf32, #tpu.memory_space<vmem>> -> memref<1x1x8x128xf32, #tpu.memory_space<vmem>>
      %dma_wait3A_1333 = tpu.memref_squeeze %dma_wait3A_1332 : memref<1x1x8x128xf32, #tpu.memory_space<vmem>> -> memref<8x128xf32, #tpu.memory_space<vmem>>
      %dma_wait3A_1334 = arith.constant 0 : i32
      %dma_wait3A_1335 = arith.constant 0 : i32
      %dma_wait3A_1336 = tpu.memref_slice %arg2[%dma_wait3A_1334, %dma_wait3A_1335] : memref<8x1000000xf32, #tpu.memory_space<hbm>> -> memref<8x128xf32, #tpu.memory_space<hbm>>
      %dma_wait3A_1337 = arith.constant 0 : i32
      %dma_wait3A_1338 = arith.constant 0 : i32
      %dma_wait3A_1339 = tpu.memref_slice %arg9[%dma_wait3A, %dma_wait3A_1329, %dma_wait3A_1337, %dma_wait3A_1338] : memref<2x16x8x128xf32, #tpu.memory_space<vmem>> -> memref<1x1x8x128xf32, #tpu.memory_space<vmem>>
      %dma_wait3A_1340 = tpu.memref_squeeze %dma_wait3A_1339 : memref<1x1x8x128xf32, #tpu.memory_space<vmem>> -> memref<8x128xf32, #tpu.memory_space<vmem>>
      %dma_wait3A_1341 = arith.constant 0 : i32
      %dma_wait3A_1342 = arith.constant 0 : i32
      %dma_wait3A_1343 = tpu.memref_slice %arg2[%dma_wait3A_1341, %dma_wait3A_1342] : memref<8x1000000xf32, #tpu.memory_space<hbm>> -> memref<8x128xf32, #tpu.memory_space<hbm>>
      tpu.wait_dma2 semaphore(%arg12 : memref<!tpu.dma_semaphore, #tpu.memory_space<semaphore_mem>>) src(%dma_wait3A_1343 : memref<8x128xf32, #tpu.memory_space<hbm>>) dst(%dma_wait3A_1340 : memref<8x128xf32, #tpu.memory_space<vmem>>)
      %dma_wait3A_1344 = arith.constant 0 : i32
      %dma_wait3A_1345 = arith.constant 0 : i32
      %dma_wait3A_1346 = arith.constant 0 : i32
      %dma_wait3A_1347 = arith.constant 0 : i32
      %dma_wait3A_1348 = tpu.memref_slice %arg10[%dma_wait3A_1344, %dma_wait3A_1345, %dma_wait3A_1346, %dma_wait3A_1347] : memref<2x16x8x128xf32, #tpu.memory_space<vmem>> -> memref<1x1x8x128xf32, #tpu.memory_space<vmem>>
      %dma_wait3A_1349 = tpu.memref_squeeze %dma_wait3A_1348 : memref<1x1x8x128xf32, #tpu.memory_space<vmem>> -> memref<8x128xf32, #tpu.memory_space<vmem>>
      %dma_wait3A_1350 = arith.constant 0 : i32
      %dma_wait3A_1351 = arith.constant 0 : i32
      %dma_wait3A_1352 = tpu.memref_slice %arg4[%dma_wait3A_1350, %dma_wait3A_1351] : memref<8x1000000xf32, #tpu.memory_space<hbm>> -> memref<8x128xf32, #tpu.memory_space<hbm>>
      %dma_wait3A_1353 = arith.constant 0 : i32
      %dma_wait3A_1354 = arith.constant 0 : i32
      %dma_wait3A_1355 = tpu.memref_slice %arg10[%dma_wait3A_1344, %dma_wait3A_1345, %dma_wait3A_1353, %dma_wait3A_1354] : memref<2x16x8x128xf32, #tpu.memory_space<vmem>> -> memref<1x1x8x128xf32, #tpu.memory_space<vmem>>
      %dma_wait3A_1356 = tpu.memref_squeeze %dma_wait3A_1355 : memref<1x1x8x128xf32, #tpu.memory_space<vmem>> -> memref<8x128xf32, #tpu.memory_space<vmem>>
      %dma_wait3A_1357 = arith.constant 0 : i32
      %dma_wait3A_1358 = arith.constant 0 : i32
      %dma_wait3A_1359 = tpu.memref_slice %arg4[%dma_wait3A_1357, %dma_wait3A_1358] : memref<8x1000000xf32, #tpu.memory_space<hbm>> -> memref<8x128xf32, #tpu.memory_space<hbm>>
      tpu.wait_dma2 semaphore(%arg13 : memref<!tpu.dma_semaphore, #tpu.memory_space<semaphore_mem>>) src(%dma_wait3A_1359 : memref<8x128xf32, #tpu.memory_space<hbm>>) dst(%dma_wait3A_1356 : memref<8x128xf32, #tpu.memory_space<vmem>>)
      %dma_wait3A_1360 = arith.constant 0 : i32
      %dma_wait3A_1361 = arith.constant 0 : i32
      %dma_wait3A_1362 = arith.constant 0 : i32
      %dma_wait3A_1363 = arith.constant 0 : i32
      %dma_wait3A_1364 = tpu.memref_slice %arg9[%dma_wait3A_1360, %dma_wait3A_1361, %dma_wait3A_1362, %dma_wait3A_1363] : memref<2x16x8x128xf32, #tpu.memory_space<vmem>> -> memref<1x1x8x128xf32, #tpu.memory_space<vmem>>
      %dma_wait3A_1365 = tpu.memref_squeeze %dma_wait3A_1364 : memref<1x1x8x128xf32, #tpu.memory_space<vmem>> -> memref<8x128xf32, #tpu.memory_space<vmem>>
      %dma_wait3A_1366 = arith.constant 0 : i32
      %dma_wait3A_1367 = arith.constant 0 : i32
      %dma_wait3A_1368 = tpu.memref_slice %arg2[%dma_wait3A_1366, %dma_wait3A_1367] : memref<8x1000000xf32, #tpu.memory_space<hbm>> -> memref<8x128xf32, #tpu.memory_space<hbm>>
      %dma_wait3A_1369 = arith.constant 0 : i32
      %dma_wait3A_1370 = arith.constant 0 : i32
      %dma_wait3A_1371 = tpu.memref_slice %arg9[%dma_wait3A_1360, %dma_wait3A_1361, %dma_wait3A_1369, %dma_wait3A_1370] : memref<2x16x8x128xf32, #tpu.memory_space<vmem>> -> memref<1x1x8x128xf32, #tpu.memory_space<vmem>>
      %dma_wait3A_1372 = tpu.memref_squeeze %dma_wait3A_1371 : memref<1x1x8x128xf32, #tpu.memory_space<vmem>> -> memref<8x128xf32, #tpu.memory_space<vmem>>
      %dma_wait3A_1373 = arith.constant 0 : i32
      %dma_wait3A_1374 = arith.constant 0 : i32
      %dma_wait3A_1375 = tpu.memref_slice %arg2[%dma_wait3A_1373, %dma_wait3A_1374] : memref<8x1000000xf32, #tpu.memory_space<hbm>> -> memref<8x128xf32, #tpu.memory_space<hbm>>
      tpu.wait_dma2 semaphore(%arg12 : memref<!tpu.dma_semaphore, #tpu.memory_space<semaphore_mem>>) src(%dma_wait3A_1375 : memref<8x128xf32, #tpu.memory_space<hbm>>) dst(%dma_wait3A_1372 : memref<8x128xf32, #tpu.memory_space<vmem>>)
      %dma_wait3A_1376 = arith.constant 0 : i32
      %dma_wait3A_1377 = arith.constant 0 : i32
      %dma_wait3A_1378 = arith.constant 0 : i32
      %dma_wait3A_1379 = arith.constant 0 : i32
      %dma_wait3A_1380 = tpu.memref_slice %arg10[%dma_wait3A_1376, %dma_wait3A_1377, %dma_wait3A_1378, %dma_wait3A_1379] : memref<2x16x8x128xf32, #tpu.memory_space<vmem>> -> memref<1x1x8x128xf32, #tpu.memory_space<vmem>>
      %dma_wait3A_1381 = tpu.memref_squeeze %dma_wait3A_1380 : memref<1x1x8x128xf32, #tpu.memory_space<vmem>> -> memref<8x128xf32, #tpu.memory_space<vmem>>
      %dma_wait3A_1382 = arith.constant 0 : i32
      %dma_wait3A_1383 = arith.constant 0 : i32
      %dma_wait3A_1384 = tpu.memref_slice %arg4[%dma_wait3A_1382, %dma_wait3A_1383] : memref<8x1000000xf32, #tpu.memory_space<hbm>> -> memref<8x128xf32, #tpu.memory_space<hbm>>
      %dma_wait3A_1385 = arith.constant 0 : i32
      %dma_wait3A_1386 = arith.constant 0 : i32
      %dma_wait3A_1387 = tpu.memref_slice %arg10[%dma_wait3A_1376, %dma_wait3A_1377, %dma_wait3A_1385, %dma_wait3A_1386] : memref<2x16x8x128xf32, #tpu.memory_space<vmem>> -> memref<1x1x8x128xf32, #tpu.memory_space<vmem>>
      %dma_wait3A_1388 = tpu.memref_squeeze %dma_wait3A_1387 : memref<1x1x8x128xf32, #tpu.memory_space<vmem>> -> memref<8x128xf32, #tpu.memory_space<vmem>>
      %dma_wait3A_1389 = arith.constant 0 : i32
      %dma_wait3A_1390 = arith.constant 0 : i32
      %dma_wait3A_1391 = tpu.memref_slice %arg4[%dma_wait3A_1389, %dma_wait3A_1390] : memref<8x1000000xf32, #tpu.memory_space<hbm>> -> memref<8x128xf32, #tpu.memory_space<hbm>>
      tpu.wait_dma2 semaphore(%arg13 : memref<!tpu.dma_semaphore, #tpu.memory_space<semaphore_mem>>) src(%dma_wait3A_1391 : memref<8x128xf32, #tpu.memory_space<hbm>>) dst(%dma_wait3A_1388 : memref<8x128xf32, #tpu.memory_space<vmem>>)
      %dma_wait3A_1392 = arith.constant 0 : i32
      %dma_wait3A_1393 = arith.constant 0 : i32
      %dma_wait3A_1394 = arith.constant 0 : i32
      %dma_wait3A_1395 = arith.constant 0 : i32
      %dma_wait3A_1396 = tpu.memref_slice %arg9[%dma_wait3A_1392, %dma_wait3A_1393, %dma_wait3A_1394, %dma_wait3A_1395] : memref<2x16x8x128xf32, #tpu.memory_space<vmem>> -> memref<1x1x8x128xf32, #tpu.memory_space<vmem>>
      %dma_wait3A_1397 = tpu.memref_squeeze %dma_wait3A_1396 : memref<1x1x8x128xf32, #tpu.memory_space<vmem>> -> memref<8x128xf32, #tpu.memory_space<vmem>>
      %dma_wait3A_1398 = arith.constant 0 : i32
      %dma_wait3A_1399 = arith.constant 0 : i32
      %dma_wait3A_1400 = tpu.memref_slice %arg2[%dma_wait3A_1398, %dma_wait3A_1399] : memref<8x1000000xf32, #tpu.memory_space<hbm>> -> memref<8x128xf32, #tpu.memory_space<hbm>>
      %dma_wait3A_1401 = arith.constant 0 : i32
      %dma_wait3A_1402 = arith.constant 0 : i32
      %dma_wait3A_1403 = tpu.memref_slice %arg9[%dma_wait3A_1392, %dma_wait3A_1393, %dma_wait3A_1401, %dma_wait3A_1402] : memref<2x16x8x128xf32, #tpu.memory_space<vmem>> -> memref<1x1x8x128xf32, #tpu.memory_space<vmem>>
      %dma_wait3A_1404 = tpu.memref_squeeze %dma_wait3A_1403 : memref<1x1x8x128xf32, #tpu.memory_space<vmem>> -> memref<8x128xf32, #tpu.memory_space<vmem>>
      %dma_wait3A_1405 = arith.constant 0 : i32
      %dma_wait3A_1406 = arith.constant 0 : i32
      %dma_wait3A_1407 = tpu.memref_slice %arg2[%dma_wait3A_1405, %dma_wait3A_1406] : memref<8x1000000xf32, #tpu.memory_space<hbm>> -> memref<8x128xf32, #tpu.memory_space<hbm>>
      tpu.wait_dma2 semaphore(%arg12 : memref<!tpu.dma_semaphore, #tpu.memory_space<semaphore_mem>>) src(%dma_wait3A_1407 : memref<8x128xf32, #tpu.memory_space<hbm>>) dst(%dma_wait3A_1404 : memref<8x128xf32, #tpu.memory_space<vmem>>)
      %dma_wait3A_1408 = arith.constant 0 : i32
      %dma_wait3A_1409 = arith.constant 0 : i32
      %dma_wait3A_1410 = arith.constant 0 : i32
      %dma_wait3A_1411 = arith.constant 0 : i32
      %dma_wait3A_1412 = tpu.memref_slice %arg10[%dma_wait3A_1408, %dma_wait3A_1409, %dma_wait3A_1410, %dma_wait3A_1411] : memref<2x16x8x128xf32, #tpu.memory_space<vmem>> -> memref<1x1x8x128xf32, #tpu.memory_space<vmem>>
      %dma_wait3A_1413 = tpu.memref_squeeze %dma_wait3A_1412 : memref<1x1x8x128xf32, #tpu.memory_space<vmem>> -> memref<8x128xf32, #tpu.memory_space<vmem>>
      %dma_wait3A_1414 = arith.constant 0 : i32
      %dma_wait3A_1415 = arith.constant 0 : i32
      %dma_wait3A_1416 = tpu.memref_slice %arg4[%dma_wait3A_1414, %dma_wait3A_1415] : memref<8x1000000xf32, #tpu.memory_space<hbm>> -> memref<8x128xf32, #tpu.memory_space<hbm>>
      %dma_wait3A_1417 = arith.constant 0 : i32
      %dma_wait3A_1418 = arith.constant 0 : i32
      %dma_wait3A_1419 = tpu.memref_slice %arg10[%dma_wait3A_1408, %dma_wait3A_1409, %dma_wait3A_1417, %dma_wait3A_1418] : memref<2x16x8x128xf32, #tpu.memory_space<vmem>> -> memref<1x1x8x128xf32, #tpu.memory_space<vmem>>
      %dma_wait3A_1420 = tpu.memref_squeeze %dma_wait3A_1419 : memref<1x1x8x128xf32, #tpu.memory_space<vmem>> -> memref<8x128xf32, #tpu.memory_space<vmem>>
      %dma_wait3A_1421 = arith.constant 0 : i32
      %dma_wait3A_1422 = arith.constant 0 : i32
      %dma_wait3A_1423 = tpu.memref_slice %arg4[%dma_wait3A_1421, %dma_wait3A_1422] : memref<8x1000000xf32, #tpu.memory_space<hbm>> -> memref<8x128xf32, #tpu.memory_space<hbm>>
      tpu.wait_dma2 semaphore(%arg13 : memref<!tpu.dma_semaphore, #tpu.memory_space<semaphore_mem>>) src(%dma_wait3A_1423 : memref<8x128xf32, #tpu.memory_space<hbm>>) dst(%dma_wait3A_1420 : memref<8x128xf32, #tpu.memory_space<vmem>>)
      %dma_wait3A_1424 = arith.constant 0 : i32
      %dma_wait3A_1425 = arith.constant 0 : i32
      %dma_wait3A_1426 = arith.constant 0 : i32
      %dma_wait3A_1427 = arith.constant 0 : i32
      %dma_wait3A_1428 = tpu.memref_slice %arg9[%dma_wait3A_1424, %dma_wait3A_1425, %dma_wait3A_1426, %dma_wait3A_1427] : memref<2x16x8x128xf32, #tpu.memory_space<vmem>> -> memref<1x1x8x128xf32, #tpu.memory_space<vmem>>
      %dma_wait3A_1429 = tpu.memref_squeeze %dma_wait3A_1428 : memref<1x1x8x128xf32, #tpu.memory_space<vmem>> -> memref<8x128xf32, #tpu.memory_space<vmem>>
      %dma_wait3A_1430 = arith.constant 0 : i32
      %dma_wait3A_1431 = arith.constant 0 : i32
      %dma_wait3A_1432 = tpu.memref_slice %arg2[%dma_wait3A_1430, %dma_wait3A_1431] : memref<8x1000000xf32, #tpu.memory_space<hbm>> -> memref<8x128xf32, #tpu.memory_space<hbm>>
      %dma_wait3A_1433 = arith.constant 0 : i32
      %dma_wait3A_1434 = arith.constant 0 : i32
      %dma_wait3A_1435 = tpu.memref_slice %arg9[%dma_wait3A_1424, %dma_wait3A_1425, %dma_wait3A_1433, %dma_wait3A_1434] : memref<2x16x8x128xf32, #tpu.memory_space<vmem>> -> memref<1x1x8x128xf32, #tpu.memory_space<vmem>>
      %dma_wait3A_1436 = tpu.memref_squeeze %dma_wait3A_1435 : memref<1x1x8x128xf32, #tpu.memory_space<vmem>> -> memref<8x128xf32, #tpu.memory_space<vmem>>
      %dma_wait3A_1437 = arith.constant 0 : i32
      %dma_wait3A_1438 = arith.constant 0 : i32
      %dma_wait3A_1439 = tpu.memref_slice %arg2[%dma_wait3A_1437, %dma_wait3A_1438] : memref<8x1000000xf32, #tpu.memory_space<hbm>> -> memref<8x128xf32, #tpu.memory_space<hbm>>
      tpu.wait_dma2 semaphore(%arg12 : memref<!tpu.dma_semaphore, #tpu.memory_space<semaphore_mem>>) src(%dma_wait3A_1439 : memref<8x128xf32, #tpu.memory_space<hbm>>) dst(%dma_wait3A_1436 : memref<8x128xf32, #tpu.memory_space<vmem>>)
      %dma_wait3A_1440 = arith.constant 0 : i32
      %dma_wait3A_1441 = arith.constant 0 : i32
      %dma_wait3A_1442 = arith.constant 0 : i32
      %dma_wait3A_1443 = arith.constant 0 : i32
      %dma_wait3A_1444 = tpu.memref_slice %arg10[%dma_wait3A_1440, %dma_wait3A_1441, %dma_wait3A_1442, %dma_wait3A_1443] : memref<2x16x8x128xf32, #tpu.memory_space<vmem>> -> memref<1x1x8x128xf32, #tpu.memory_space<vmem>>
      %dma_wait3A_1445 = tpu.memref_squeeze %dma_wait3A_1444 : memref<1x1x8x128xf32, #tpu.memory_space<vmem>> -> memref<8x128xf32, #tpu.memory_space<vmem>>
      %dma_wait3A_1446 = arith.constant 0 : i32
      %dma_wait3A_1447 = arith.constant 0 : i32
      %dma_wait3A_1448 = tpu.memref_slice %arg4[%dma_wait3A_1446, %dma_wait3A_1447] : memref<8x1000000xf32, #tpu.memory_space<hbm>> -> memref<8x128xf32, #tpu.memory_space<hbm>>
      %dma_wait3A_1449 = arith.constant 0 : i32
      %dma_wait3A_1450 = arith.constant 0 : i32
      %dma_wait3A_1451 = tpu.memref_slice %arg10[%dma_wait3A_1440, %dma_wait3A_1441, %dma_wait3A_1449, %dma_wait3A_1450] : memref<2x16x8x128xf32, #tpu.memory_space<vmem>> -> memref<1x1x8x128xf32, #tpu.memory_space<vmem>>
      %dma_wait3A_1452 = tpu.memref_squeeze %dma_wait3A_1451 : memref<1x1x8x128xf32, #tpu.memory_space<vmem>> -> memref<8x128xf32, #tpu.memory_space<vmem>>
      %dma_wait3A_1453 = arith.constant 0 : i32
      %dma_wait3A_1454 = arith.constant 0 : i32
      %dma_wait3A_1455 = tpu.memref_slice %arg4[%dma_wait3A_1453, %dma_wait3A_1454] : memref<8x1000000xf32, #tpu.memory_space<hbm>> -> memref<8x128xf32, #tpu.memory_space<hbm>>
      tpu.wait_dma2 semaphore(%arg13 : memref<!tpu.dma_semaphore, #tpu.memory_space<semaphore_mem>>) src(%dma_wait3A_1455 : memref<8x128xf32, #tpu.memory_space<hbm>>) dst(%dma_wait3A_1452 : memref<8x128xf32, #tpu.memory_space<vmem>>)
      %dma_wait3A_1456 = arith.constant 0 : i32
      %dma_wait3A_1457 = arith.constant 0 : i32
      %dma_wait3A_1458 = arith.constant 0 : i32
      %dma_wait3A_1459 = arith.constant 0 : i32
      %dma_wait3A_1460 = tpu.memref_slice %arg9[%dma_wait3A_1456, %dma_wait3A_1457, %dma_wait3A_1458, %dma_wait3A_1459] : memref<2x16x8x128xf32, #tpu.memory_space<vmem>> -> memref<1x1x8x128xf32, #tpu.memory_space<vmem>>
      %dma_wait3A_1461 = tpu.memref_squeeze %dma_wait3A_1460 : memref<1x1x8x128xf32, #tpu.memory_space<vmem>> -> memref<8x128xf32, #tpu.memory_space<vmem>>
      %dma_wait3A_1462 = arith.constant 0 : i32
      %dma_wait3A_1463 = arith.constant 0 : i32
      %dma_wait3A_1464 = tpu.memref_slice %arg2[%dma_wait3A_1462, %dma_wait3A_1463] : memref<8x1000000xf32, #tpu.memory_space<hbm>> -> memref<8x128xf32, #tpu.memory_space<hbm>>
      %dma_wait3A_1465 = arith.constant 0 : i32
      %dma_wait3A_1466 = arith.constant 0 : i32
      %dma_wait3A_1467 = tpu.memref_slice %arg9[%dma_wait3A_1456, %dma_wait3A_1457, %dma_wait3A_1465, %dma_wait3A_1466] : memref<2x16x8x128xf32, #tpu.memory_space<vmem>> -> memref<1x1x8x128xf32, #tpu.memory_space<vmem>>
      %dma_wait3A_1468 = tpu.memref_squeeze %dma_wait3A_1467 : memref<1x1x8x128xf32, #tpu.memory_space<vmem>> -> memref<8x128xf32, #tpu.memory_space<vmem>>
      %dma_wait3A_1469 = arith.constant 0 : i32
      %dma_wait3A_1470 = arith.constant 0 : i32
      %dma_wait3A_1471 = tpu.memref_slice %arg2[%dma_wait3A_1469, %dma_wait3A_1470] : memref<8x1000000xf32, #tpu.memory_space<hbm>> -> memref<8x128xf32, #tpu.memory_space<hbm>>
      tpu.wait_dma2 semaphore(%arg12 : memref<!tpu.dma_semaphore, #tpu.memory_space<semaphore_mem>>) src(%dma_wait3A_1471 : memref<8x128xf32, #tpu.memory_space<hbm>>) dst(%dma_wait3A_1468 : memref<8x128xf32, #tpu.memory_space<vmem>>)
      %dma_wait3A_1472 = arith.constant 0 : i32
      %dma_wait3A_1473 = arith.constant 0 : i32
      %dma_wait3A_1474 = arith.constant 0 : i32
      %dma_wait3A_1475 = arith.constant 0 : i32
      %dma_wait3A_1476 = tpu.memref_slice %arg10[%dma_wait3A_1472, %dma_wait3A_1473, %dma_wait3A_1474, %dma_wait3A_1475] : memref<2x16x8x128xf32, #tpu.memory_space<vmem>> -> memref<1x1x8x128xf32, #tpu.memory_space<vmem>>
      %dma_wait3A_1477 = tpu.memref_squeeze %dma_wait3A_1476 : memref<1x1x8x128xf32, #tpu.memory_space<vmem>> -> memref<8x128xf32, #tpu.memory_space<vmem>>
      %dma_wait3A_1478 = arith.constant 0 : i32
      %dma_wait3A_1479 = arith.constant 0 : i32
      %dma_wait3A_1480 = tpu.memref_slice %arg4[%dma_wait3A_1478, %dma_wait3A_1479] : memref<8x1000000xf32, #tpu.memory_space<hbm>> -> memref<8x128xf32, #tpu.memory_space<hbm>>
      %dma_wait3A_1481 = arith.constant 0 : i32
      %dma_wait3A_1482 = arith.constant 0 : i32
      %dma_wait3A_1483 = tpu.memref_slice %arg10[%dma_wait3A_1472, %dma_wait3A_1473, %dma_wait3A_1481, %dma_wait3A_1482] : memref<2x16x8x128xf32, #tpu.memory_space<vmem>> -> memref<1x1x8x128xf32, #tpu.memory_space<vmem>>
      %dma_wait3A_1484 = tpu.memref_squeeze %dma_wait3A_1483 : memref<1x1x8x128xf32, #tpu.memory_space<vmem>> -> memref<8x128xf32, #tpu.memory_space<vmem>>
      %dma_wait3A_1485 = arith.constant 0 : i32
      %dma_wait3A_1486 = arith.constant 0 : i32
      %dma_wait3A_1487 = tpu.memref_slice %arg4[%dma_wait3A_1485, %dma_wait3A_1486] : memref<8x1000000xf32, #tpu.memory_space<hbm>> -> memref<8x128xf32, #tpu.memory_space<hbm>>
      tpu.wait_dma2 semaphore(%arg13 : memref<!tpu.dma_semaphore, #tpu.memory_space<semaphore_mem>>) src(%dma_wait3A_1487 : memref<8x128xf32, #tpu.memory_space<hbm>>) dst(%dma_wait3A_1484 : memref<8x128xf32, #tpu.memory_space<vmem>>)
      %dma_wait3A_1488 = arith.constant 0 : i32
      %dma_wait3A_1489 = arith.constant 0 : i32
      %dma_wait3A_1490 = arith.constant 0 : i32
      %dma_wait3A_1491 = arith.constant 0 : i32
      %dma_wait3A_1492 = tpu.memref_slice %arg9[%dma_wait3A_1488, %dma_wait3A_1489, %dma_wait3A_1490, %dma_wait3A_1491] : memref<2x16x8x128xf32, #tpu.memory_space<vmem>> -> memref<1x1x8x128xf32, #tpu.memory_space<vmem>>
      %dma_wait3A_1493 = tpu.memref_squeeze %dma_wait3A_1492 : memref<1x1x8x128xf32, #tpu.memory_space<vmem>> -> memref<8x128xf32, #tpu.memory_space<vmem>>
      %dma_wait3A_1494 = arith.constant 0 : i32
      %dma_wait3A_1495 = arith.constant 0 : i32
      %dma_wait3A_1496 = tpu.memref_slice %arg2[%dma_wait3A_1494, %dma_wait3A_1495] : memref<8x1000000xf32, #tpu.memory_space<hbm>> -> memref<8x128xf32, #tpu.memory_space<hbm>>
      %dma_wait3A_1497 = arith.constant 0 : i32
      %dma_wait3A_1498 = arith.constant 0 : i32
      %dma_wait3A_1499 = tpu.memref_slice %arg9[%dma_wait3A_1488, %dma_wait3A_1489, %dma_wait3A_1497, %dma_wait3A_1498] : memref<2x16x8x128xf32, #tpu.memory_space<vmem>> -> memref<1x1x8x128xf32, #tpu.memory_space<vmem>>
      %dma_wait3A_1500 = tpu.memref_squeeze %dma_wait3A_1499 : memref<1x1x8x128xf32, #tpu.memory_space<vmem>> -> memref<8x128xf32, #tpu.memory_space<vmem>>
      %dma_wait3A_1501 = arith.constant 0 : i32
      %dma_wait3A_1502 = arith.constant 0 : i32
      %dma_wait3A_1503 = tpu.memref_slice %arg2[%dma_wait3A_1501, %dma_wait3A_1502] : memref<8x1000000xf32, #tpu.memory_space<hbm>> -> memref<8x128xf32, #tpu.memory_space<hbm>>
      tpu.wait_dma2 semaphore(%arg12 : memref<!tpu.dma_semaphore, #tpu.memory_space<semaphore_mem>>) src(%dma_wait3A_1503 : memref<8x128xf32, #tpu.memory_space<hbm>>) dst(%dma_wait3A_1500 : memref<8x128xf32, #tpu.memory_space<vmem>>)
      %dma_wait3A_1504 = arith.constant 0 : i32
      %dma_wait3A_1505 = arith.constant 0 : i32
      %dma_wait3A_1506 = arith.constant 0 : i32
      %dma_wait3A_1507 = arith.constant 0 : i32
      %dma_wait3A_1508 = tpu.memref_slice %arg10[%dma_wait3A_1504, %dma_wait3A_1505, %dma_wait3A_1506, %dma_wait3A_1507] : memref<2x16x8x128xf32, #tpu.memory_space<vmem>> -> memref<1x1x8x128xf32, #tpu.memory_space<vmem>>
      %dma_wait3A_1509 = tpu.memref_squeeze %dma_wait3A_1508 : memref<1x1x8x128xf32, #tpu.memory_space<vmem>> -> memref<8x128xf32, #tpu.memory_space<vmem>>
      %dma_wait3A_1510 = arith.constant 0 : i32
      %dma_wait3A_1511 = arith.constant 0 : i32
      %dma_wait3A_1512 = tpu.memref_slice %arg4[%dma_wait3A_1510, %dma_wait3A_1511] : memref<8x1000000xf32, #tpu.memory_space<hbm>> -> memref<8x128xf32, #tpu.memory_space<hbm>>
      %dma_wait3A_1513 = arith.constant 0 : i32
      %dma_wait3A_1514 = arith.constant 0 : i32
      %dma_wait3A_1515 = tpu.memref_slice %arg10[%dma_wait3A_1504, %dma_wait3A_1505, %dma_wait3A_1513, %dma_wait3A_1514] : memref<2x16x8x128xf32, #tpu.memory_space<vmem>> -> memref<1x1x8x128xf32, #tpu.memory_space<vmem>>
      %dma_wait3A_1516 = tpu.memref_squeeze %dma_wait3A_1515 : memref<1x1x8x128xf32, #tpu.memory_space<vmem>> -> memref<8x128xf32, #tpu.memory_space<vmem>>
      %dma_wait3A_1517 = arith.constant 0 : i32
      %dma_wait3A_1518 = arith.constant 0 : i32
      %dma_wait3A_1519 = tpu.memref_slice %arg4[%dma_wait3A_1517, %dma_wait3A_1518] : memref<8x1000000xf32, #tpu.memory_space<hbm>> -> memref<8x128xf32, #tpu.memory_space<hbm>>
      tpu.wait_dma2 semaphore(%arg13 : memref<!tpu.dma_semaphore, #tpu.memory_space<semaphore_mem>>) src(%dma_wait3A_1519 : memref<8x128xf32, #tpu.memory_space<hbm>>) dst(%dma_wait3A_1516 : memref<8x128xf32, #tpu.memory_space<vmem>>)
      %dma_wait3A_1520 = arith.constant 0 : i32
      %dma_wait3A_1521 = arith.constant 0 : i32
      %dma_wait3A_1522 = arith.constant 0 : i32
      %dma_wait3A_1523 = arith.constant 0 : i32
      %dma_wait3A_1524 = tpu.memref_slice %arg9[%dma_wait3A_1520, %dma_wait3A_1521, %dma_wait3A_1522, %dma_wait3A_1523] : memref<2x16x8x128xf32, #tpu.memory_space<vmem>> -> memref<1x1x8x128xf32, #tpu.memory_space<vmem>>
      %dma_wait3A_1525 = tpu.memref_squeeze %dma_wait3A_1524 : memref<1x1x8x128xf32, #tpu.memory_space<vmem>> -> memref<8x128xf32, #tpu.memory_space<vmem>>
      %dma_wait3A_1526 = arith.constant 0 : i32
      %dma_wait3A_1527 = arith.constant 0 : i32
      %dma_wait3A_1528 = tpu.memref_slice %arg2[%dma_wait3A_1526, %dma_wait3A_1527] : memref<8x1000000xf32, #tpu.memory_space<hbm>> -> memref<8x128xf32, #tpu.memory_space<hbm>>
      %dma_wait3A_1529 = arith.constant 0 : i32
      %dma_wait3A_1530 = arith.constant 0 : i32
      %dma_wait3A_1531 = tpu.memref_slice %arg9[%dma_wait3A_1520, %dma_wait3A_1521, %dma_wait3A_1529, %dma_wait3A_1530] : memref<2x16x8x128xf32, #tpu.memory_space<vmem>> -> memref<1x1x8x128xf32, #tpu.memory_space<vmem>>
      %dma_wait3A_1532 = tpu.memref_squeeze %dma_wait3A_1531 : memref<1x1x8x128xf32, #tpu.memory_space<vmem>> -> memref<8x128xf32, #tpu.memory_space<vmem>>
      %dma_wait3A_1533 = arith.constant 0 : i32
      %dma_wait3A_1534 = arith.constant 0 : i32
      %dma_wait3A_1535 = tpu.memref_slice %arg2[%dma_wait3A_1533, %dma_wait3A_1534] : memref<8x1000000xf32, #tpu.memory_space<hbm>> -> memref<8x128xf32, #tpu.memory_space<hbm>>
      tpu.wait_dma2 semaphore(%arg12 : memref<!tpu.dma_semaphore, #tpu.memory_space<semaphore_mem>>) src(%dma_wait3A_1535 : memref<8x128xf32, #tpu.memory_space<hbm>>) dst(%dma_wait3A_1532 : memref<8x128xf32, #tpu.memory_space<vmem>>)
      %dma_wait3A_1536 = arith.constant 0 : i32
      %dma_wait3A_1537 = arith.constant 0 : i32
      %dma_wait3A_1538 = arith.constant 0 : i32
      %dma_wait3A_1539 = arith.constant 0 : i32
      %dma_wait3A_1540 = tpu.memref_slice %arg10[%dma_wait3A_1536, %dma_wait3A_1537, %dma_wait3A_1538, %dma_wait3A_1539] : memref<2x16x8x128xf32, #tpu.memory_space<vmem>> -> memref<1x1x8x128xf32, #tpu.memory_space<vmem>>
      %dma_wait3A_1541 = tpu.memref_squeeze %dma_wait3A_1540 : memref<1x1x8x128xf32, #tpu.memory_space<vmem>> -> memref<8x128xf32, #tpu.memory_space<vmem>>
      %dma_wait3A_1542 = arith.constant 0 : i32
      %dma_wait3A_1543 = arith.constant 0 : i32
      %dma_wait3A_1544 = tpu.memref_slice %arg4[%dma_wait3A_1542, %dma_wait3A_1543] : memref<8x1000000xf32, #tpu.memory_space<hbm>> -> memref<8x128xf32, #tpu.memory_space<hbm>>
      %dma_wait3A_1545 = arith.constant 0 : i32
      %dma_wait3A_1546 = arith.constant 0 : i32
      %dma_wait3A_1547 = tpu.memref_slice %arg10[%dma_wait3A_1536, %dma_wait3A_1537, %dma_wait3A_1545, %dma_wait3A_1546] : memref<2x16x8x128xf32, #tpu.memory_space<vmem>> -> memref<1x1x8x128xf32, #tpu.memory_space<vmem>>
      %dma_wait3A_1548 = tpu.memref_squeeze %dma_wait3A_1547 : memref<1x1x8x128xf32, #tpu.memory_space<vmem>> -> memref<8x128xf32, #tpu.memory_space<vmem>>
      %dma_wait3A_1549 = arith.constant 0 : i32
      %dma_wait3A_1550 = arith.constant 0 : i32
      %dma_wait3A_1551 = tpu.memref_slice %arg4[%dma_wait3A_1549, %dma_wait3A_1550] : memref<8x1000000xf32, #tpu.memory_space<hbm>> -> memref<8x128xf32, #tpu.memory_space<hbm>>
      tpu.wait_dma2 semaphore(%arg13 : memref<!tpu.dma_semaphore, #tpu.memory_space<semaphore_mem>>) src(%dma_wait3A_1551 : memref<8x128xf32, #tpu.memory_space<hbm>>) dst(%dma_wait3A_1548 : memref<8x128xf32, #tpu.memory_space<vmem>>)
      %dma_wait3A_1552 = arith.constant 0 : i32
      %dma_wait3A_1553 = arith.constant 0 : i32
      %dma_wait3A_1554 = arith.constant 0 : i32
      %dma_wait3A_1555 = arith.constant 0 : i32
      %dma_wait3A_1556 = tpu.memref_slice %arg9[%dma_wait3A_1552, %dma_wait3A_1553, %dma_wait3A_1554, %dma_wait3A_1555] : memref<2x16x8x128xf32, #tpu.memory_space<vmem>> -> memref<1x1x8x128xf32, #tpu.memory_space<vmem>>
      %dma_wait3A_1557 = tpu.memref_squeeze %dma_wait3A_1556 : memref<1x1x8x128xf32, #tpu.memory_space<vmem>> -> memref<8x128xf32, #tpu.memory_space<vmem>>
      %dma_wait3A_1558 = arith.constant 0 : i32
      %dma_wait3A_1559 = arith.constant 0 : i32
      %dma_wait3A_1560 = tpu.memref_slice %arg2[%dma_wait3A_1558, %dma_wait3A_1559] : memref<8x1000000xf32, #tpu.memory_space<hbm>> -> memref<8x128xf32, #tpu.memory_space<hbm>>
      %dma_wait3A_1561 = arith.constant 0 : i32
      %dma_wait3A_1562 = arith.constant 0 : i32
      %dma_wait3A_1563 = tpu.memref_slice %arg9[%dma_wait3A_1552, %dma_wait3A_1553, %dma_wait3A_1561, %dma_wait3A_1562] : memref<2x16x8x128xf32, #tpu.memory_space<vmem>> -> memref<1x1x8x128xf32, #tpu.memory_space<vmem>>
      %dma_wait3A_1564 = tpu.memref_squeeze %dma_wait3A_1563 : memref<1x1x8x128xf32, #tpu.memory_space<vmem>> -> memref<8x128xf32, #tpu.memory_space<vmem>>
      %dma_wait3A_1565 = arith.constant 0 : i32
      %dma_wait3A_1566 = arith.constant 0 : i32
      %dma_wait3A_1567 = tpu.memref_slice %arg2[%dma_wait3A_1565, %dma_wait3A_1566] : memref<8x1000000xf32, #tpu.memory_space<hbm>> -> memref<8x128xf32, #tpu.memory_space<hbm>>
      tpu.wait_dma2 semaphore(%arg12 : memref<!tpu.dma_semaphore, #tpu.memory_space<semaphore_mem>>) src(%dma_wait3A_1567 : memref<8x128xf32, #tpu.memory_space<hbm>>) dst(%dma_wait3A_1564 : memref<8x128xf32, #tpu.memory_space<vmem>>)
      %dma_wait3A_1568 = arith.constant 0 : i32
      %dma_wait3A_1569 = arith.constant 0 : i32
      %dma_wait3A_1570 = arith.constant 0 : i32
      %dma_wait3A_1571 = arith.constant 0 : i32
      %dma_wait3A_1572 = tpu.memref_slice %arg10[%dma_wait3A_1568, %dma_wait3A_1569, %dma_wait3A_1570, %dma_wait3A_1571] : memref<2x16x8x128xf32, #tpu.memory_space<vmem>> -> memref<1x1x8x128xf32, #tpu.memory_space<vmem>>
      %dma_wait3A_1573 = tpu.memref_squeeze %dma_wait3A_1572 : memref<1x1x8x128xf32, #tpu.memory_space<vmem>> -> memref<8x128xf32, #tpu.memory_space<vmem>>
      %dma_wait3A_1574 = arith.constant 0 : i32
      %dma_wait3A_1575 = arith.constant 0 : i32
      %dma_wait3A_1576 = tpu.memref_slice %arg4[%dma_wait3A_1574, %dma_wait3A_1575] : memref<8x1000000xf32, #tpu.memory_space<hbm>> -> memref<8x128xf32, #tpu.memory_space<hbm>>
      %dma_wait3A_1577 = arith.constant 0 : i32
      %dma_wait3A_1578 = arith.constant 0 : i32
      %dma_wait3A_1579 = tpu.memref_slice %arg10[%dma_wait3A_1568, %dma_wait3A_1569, %dma_wait3A_1577, %dma_wait3A_1578] : memref<2x16x8x128xf32, #tpu.memory_space<vmem>> -> memref<1x1x8x128xf32, #tpu.memory_space<vmem>>
      %dma_wait3A_1580 = tpu.memref_squeeze %dma_wait3A_1579 : memref<1x1x8x128xf32, #tpu.memory_space<vmem>> -> memref<8x128xf32, #tpu.memory_space<vmem>>
      %dma_wait3A_1581 = arith.constant 0 : i32
      %dma_wait3A_1582 = arith.constant 0 : i32
      %dma_wait3A_1583 = tpu.memref_slice %arg4[%dma_wait3A_1581, %dma_wait3A_1582] : memref<8x1000000xf32, #tpu.memory_space<hbm>> -> memref<8x128xf32, #tpu.memory_space<hbm>>
      tpu.wait_dma2 semaphore(%arg13 : memref<!tpu.dma_semaphore, #tpu.memory_space<semaphore_mem>>) src(%dma_wait3A_1583 : memref<8x128xf32, #tpu.memory_space<hbm>>) dst(%dma_wait3A_1580 : memref<8x128xf32, #tpu.memory_space<vmem>>)
      %dma_wait3A_1584 = arith.constant 0 : i32
      %dma_wait3A_1585 = arith.constant 0 : i32
      %dma_wait3A_1586 = arith.constant 0 : i32
      %dma_wait3A_1587 = arith.constant 0 : i32
      %dma_wait3A_1588 = tpu.memref_slice %arg9[%dma_wait3A_1584, %dma_wait3A_1585, %dma_wait3A_1586, %dma_wait3A_1587] : memref<2x16x8x128xf32, #tpu.memory_space<vmem>> -> memref<1x1x8x128xf32, #tpu.memory_space<vmem>>
      %dma_wait3A_1589 = tpu.memref_squeeze %dma_wait3A_1588 : memref<1x1x8x128xf32, #tpu.memory_space<vmem>> -> memref<8x128xf32, #tpu.memory_space<vmem>>
      %dma_wait3A_1590 = arith.constant 0 : i32
      %dma_wait3A_1591 = arith.constant 0 : i32
      %dma_wait3A_1592 = tpu.memref_slice %arg2[%dma_wait3A_1590, %dma_wait3A_1591] : memref<8x1000000xf32, #tpu.memory_space<hbm>> -> memref<8x128xf32, #tpu.memory_space<hbm>>
      %dma_wait3A_1593 = arith.constant 0 : i32
      %dma_wait3A_1594 = arith.constant 0 : i32
      %dma_wait3A_1595 = tpu.memref_slice %arg9[%dma_wait3A_1584, %dma_wait3A_1585, %dma_wait3A_1593, %dma_wait3A_1594] : memref<2x16x8x128xf32, #tpu.memory_space<vmem>> -> memref<1x1x8x128xf32, #tpu.memory_space<vmem>>
      %dma_wait3A_1596 = tpu.memref_squeeze %dma_wait3A_1595 : memref<1x1x8x128xf32, #tpu.memory_space<vmem>> -> memref<8x128xf32, #tpu.memory_space<vmem>>
      %dma_wait3A_1597 = arith.constant 0 : i32
      %dma_wait3A_1598 = arith.constant 0 : i32
      %dma_wait3A_1599 = tpu.memref_slice %arg2[%dma_wait3A_1597, %dma_wait3A_1598] : memref<8x1000000xf32, #tpu.memory_space<hbm>> -> memref<8x128xf32, #tpu.memory_space<hbm>>
      tpu.wait_dma2 semaphore(%arg12 : memref<!tpu.dma_semaphore, #tpu.memory_space<semaphore_mem>>) src(%dma_wait3A_1599 : memref<8x128xf32, #tpu.memory_space<hbm>>) dst(%dma_wait3A_1596 : memref<8x128xf32, #tpu.memory_space<vmem>>)
      %dma_wait3A_1600 = arith.constant 0 : i32
      %dma_wait3A_1601 = arith.constant 0 : i32
      %dma_wait3A_1602 = arith.constant 0 : i32
      %dma_wait3A_1603 = arith.constant 0 : i32
      %dma_wait3A_1604 = tpu.memref_slice %arg10[%dma_wait3A_1600, %dma_wait3A_1601, %dma_wait3A_1602, %dma_wait3A_1603] : memref<2x16x8x128xf32, #tpu.memory_space<vmem>> -> memref<1x1x8x128xf32, #tpu.memory_space<vmem>>
      %dma_wait3A_1605 = tpu.memref_squeeze %dma_wait3A_1604 : memref<1x1x8x128xf32, #tpu.memory_space<vmem>> -> memref<8x128xf32, #tpu.memory_space<vmem>>
      %dma_wait3A_1606 = arith.constant 0 : i32
      %dma_wait3A_1607 = arith.constant 0 : i32
      %dma_wait3A_1608 = tpu.memref_slice %arg4[%dma_wait3A_1606, %dma_wait3A_1607] : memref<8x1000000xf32, #tpu.memory_space<hbm>> -> memref<8x128xf32, #tpu.memory_space<hbm>>
      %dma_wait3A_1609 = arith.constant 0 : i32
      %dma_wait3A_1610 = arith.constant 0 : i32
      %dma_wait3A_1611 = tpu.memref_slice %arg10[%dma_wait3A_1600, %dma_wait3A_1601, %dma_wait3A_1609, %dma_wait3A_1610] : memref<2x16x8x128xf32, #tpu.memory_space<vmem>> -> memref<1x1x8x128xf32, #tpu.memory_space<vmem>>
      %dma_wait3A_1612 = tpu.memref_squeeze %dma_wait3A_1611 : memref<1x1x8x128xf32, #tpu.memory_space<vmem>> -> memref<8x128xf32, #tpu.memory_space<vmem>>
      %dma_wait3A_1613 = arith.constant 0 : i32
      %dma_wait3A_1614 = arith.constant 0 : i32
      %dma_wait3A_1615 = tpu.memref_slice %arg4[%dma_wait3A_1613, %dma_wait3A_1614] : memref<8x1000000xf32, #tpu.memory_space<hbm>> -> memref<8x128xf32, #tpu.memory_space<hbm>>
      tpu.wait_dma2 semaphore(%arg13 : memref<!tpu.dma_semaphore, #tpu.memory_space<semaphore_mem>>) src(%dma_wait3A_1615 : memref<8x128xf32, #tpu.memory_space<hbm>>) dst(%dma_wait3A_1612 : memref<8x128xf32, #tpu.memory_space<vmem>>)
      %dma_wait3A_1616 = arith.constant 0 : i32
      %dma_wait3A_1617 = arith.constant 0 : i32
      %dma_wait3A_1618 = arith.constant 0 : i32
      %dma_wait3A_1619 = arith.constant 0 : i32
      %dma_wait3A_1620 = tpu.memref_slice %arg9[%dma_wait3A_1616, %dma_wait3A_1617, %dma_wait3A_1618, %dma_wait3A_1619] : memref<2x16x8x128xf32, #tpu.memory_space<vmem>> -> memref<1x1x8x128xf32, #tpu.memory_space<vmem>>
      %dma_wait3A_1621 = tpu.memref_squeeze %dma_wait3A_1620 : memref<1x1x8x128xf32, #tpu.memory_space<vmem>> -> memref<8x128xf32, #tpu.memory_space<vmem>>
      %dma_wait3A_1622 = arith.constant 0 : i32
      %dma_wait3A_1623 = arith.constant 0 : i32
      %dma_wait3A_1624 = tpu.memref_slice %arg2[%dma_wait3A_1622, %dma_wait3A_1623] : memref<8x1000000xf32, #tpu.memory_space<hbm>> -> memref<8x128xf32, #tpu.memory_space<hbm>>
      %dma_wait3A_1625 = arith.constant 0 : i32
      %dma_wait3A_1626 = arith.constant 0 : i32
      %dma_wait3A_1627 = tpu.memref_slice %arg9[%dma_wait3A_1616, %dma_wait3A_1617, %dma_wait3A_1625, %dma_wait3A_1626] : memref<2x16x8x128xf32, #tpu.memory_space<vmem>> -> memref<1x1x8x128xf32, #tpu.memory_space<vmem>>
      %dma_wait3A_1628 = tpu.memref_squeeze %dma_wait3A_1627 : memref<1x1x8x128xf32, #tpu.memory_space<vmem>> -> memref<8x128xf32, #tpu.memory_space<vmem>>
      %dma_wait3A_1629 = arith.constant 0 : i32
      %dma_wait3A_1630 = arith.constant 0 : i32
      %dma_wait3A_1631 = tpu.memref_slice %arg2[%dma_wait3A_1629, %dma_wait3A_1630] : memref<8x1000000xf32, #tpu.memory_space<hbm>> -> memref<8x128xf32, #tpu.memory_space<hbm>>
      tpu.wait_dma2 semaphore(%arg12 : memref<!tpu.dma_semaphore, #tpu.memory_space<semaphore_mem>>) src(%dma_wait3A_1631 : memref<8x128xf32, #tpu.memory_space<hbm>>) dst(%dma_wait3A_1628 : memref<8x128xf32, #tpu.memory_space<vmem>>)
      %dma_wait3A_1632 = arith.constant 0 : i32
      %dma_wait3A_1633 = arith.constant 0 : i32
      %dma_wait3A_1634 = arith.constant 0 : i32
      %dma_wait3A_1635 = arith.constant 0 : i32
      %dma_wait3A_1636 = tpu.memref_slice %arg10[%dma_wait3A_1632, %dma_wait3A_1633, %dma_wait3A_1634, %dma_wait3A_1635] : memref<2x16x8x128xf32, #tpu.memory_space<vmem>> -> memref<1x1x8x128xf32, #tpu.memory_space<vmem>>
      %dma_wait3A_1637 = tpu.memref_squeeze %dma_wait3A_1636 : memref<1x1x8x128xf32, #tpu.memory_space<vmem>> -> memref<8x128xf32, #tpu.memory_space<vmem>>
      %dma_wait3A_1638 = arith.constant 0 : i32
      %dma_wait3A_1639 = arith.constant 0 : i32
      %dma_wait3A_1640 = tpu.memref_slice %arg4[%dma_wait3A_1638, %dma_wait3A_1639] : memref<8x1000000xf32, #tpu.memory_space<hbm>> -> memref<8x128xf32, #tpu.memory_space<hbm>>
      %dma_wait3A_1641 = arith.constant 0 : i32
      %dma_wait3A_1642 = arith.constant 0 : i32
      %dma_wait3A_1643 = tpu.memref_slice %arg10[%dma_wait3A_1632, %dma_wait3A_1633, %dma_wait3A_1641, %dma_wait3A_1642] : memref<2x16x8x128xf32, #tpu.memory_space<vmem>> -> memref<1x1x8x128xf32, #tpu.memory_space<vmem>>
      %dma_wait3A_1644 = tpu.memref_squeeze %dma_wait3A_1643 : memref<1x1x8x128xf32, #tpu.memory_space<vmem>> -> memref<8x128xf32, #tpu.memory_space<vmem>>
      %dma_wait3A_1645 = arith.constant 0 : i32
      %dma_wait3A_1646 = arith.constant 0 : i32
      %dma_wait3A_1647 = tpu.memref_slice %arg4[%dma_wait3A_1645, %dma_wait3A_1646] : memref<8x1000000xf32, #tpu.memory_space<hbm>> -> memref<8x128xf32, #tpu.memory_space<hbm>>
      tpu.wait_dma2 semaphore(%arg13 : memref<!tpu.dma_semaphore, #tpu.memory_space<semaphore_mem>>) src(%dma_wait3A_1647 : memref<8x128xf32, #tpu.memory_space<hbm>>) dst(%dma_wait3A_1644 : memref<8x128xf32, #tpu.memory_space<vmem>>)
      %dma_wait3A_1648 = arith.constant 0 : i32
      %dma_wait3A_1649 = arith.constant 0 : i32
      %dma_wait3A_1650 = arith.constant 0 : i32
      %dma_wait3A_1651 = arith.constant 0 : i32
      %dma_wait3A_1652 = tpu.memref_slice %arg9[%dma_wait3A_1648, %dma_wait3A_1649, %dma_wait3A_1650, %dma_wait3A_1651] : memref<2x16x8x128xf32, #tpu.memory_space<vmem>> -> memref<1x1x8x128xf32, #tpu.memory_space<vmem>>
      %dma_wait3A_1653 = tpu.memref_squeeze %dma_wait3A_1652 : memref<1x1x8x128xf32, #tpu.memory_space<vmem>> -> memref<8x128xf32, #tpu.memory_space<vmem>>
      %dma_wait3A_1654 = arith.constant 0 : i32
      %dma_wait3A_1655 = arith.constant 0 : i32
      %dma_wait3A_1656 = tpu.memref_slice %arg2[%dma_wait3A_1654, %dma_wait3A_1655] : memref<8x1000000xf32, #tpu.memory_space<hbm>> -> memref<8x128xf32, #tpu.memory_space<hbm>>
      %dma_wait3A_1657 = arith.constant 0 : i32
      %dma_wait3A_1658 = arith.constant 0 : i32
      %dma_wait3A_1659 = tpu.memref_slice %arg9[%dma_wait3A_1648, %dma_wait3A_1649, %dma_wait3A_1657, %dma_wait3A_1658] : memref<2x16x8x128xf32, #tpu.memory_space<vmem>> -> memref<1x1x8x128xf32, #tpu.memory_space<vmem>>
      %dma_wait3A_1660 = tpu.memref_squeeze %dma_wait3A_1659 : memref<1x1x8x128xf32, #tpu.memory_space<vmem>> -> memref<8x128xf32, #tpu.memory_space<vmem>>
      %dma_wait3A_1661 = arith.constant 0 : i32
      %dma_wait3A_1662 = arith.constant 0 : i32
      %dma_wait3A_1663 = tpu.memref_slice %arg2[%dma_wait3A_1661, %dma_wait3A_1662] : memref<8x1000000xf32, #tpu.memory_space<hbm>> -> memref<8x128xf32, #tpu.memory_space<hbm>>
      tpu.wait_dma2 semaphore(%arg12 : memref<!tpu.dma_semaphore, #tpu.memory_space<semaphore_mem>>) src(%dma_wait3A_1663 : memref<8x128xf32, #tpu.memory_space<hbm>>) dst(%dma_wait3A_1660 : memref<8x128xf32, #tpu.memory_space<vmem>>)
      %dma_wait3A_1664 = arith.constant 0 : i32
      %dma_wait3A_1665 = arith.constant 0 : i32
      %dma_wait3A_1666 = arith.constant 0 : i32
      %dma_wait3A_1667 = arith.constant 0 : i32
      %dma_wait3A_1668 = tpu.memref_slice %arg10[%dma_wait3A_1664, %dma_wait3A_1665, %dma_wait3A_1666, %dma_wait3A_1667] : memref<2x16x8x128xf32, #tpu.memory_space<vmem>> -> memref<1x1x8x128xf32, #tpu.memory_space<vmem>>
      %dma_wait3A_1669 = tpu.memref_squeeze %dma_wait3A_1668 : memref<1x1x8x128xf32, #tpu.memory_space<vmem>> -> memref<8x128xf32, #tpu.memory_space<vmem>>
      %dma_wait3A_1670 = arith.constant 0 : i32
      %dma_wait3A_1671 = arith.constant 0 : i32
      %dma_wait3A_1672 = tpu.memref_slice %arg4[%dma_wait3A_1670, %dma_wait3A_1671] : memref<8x1000000xf32, #tpu.memory_space<hbm>> -> memref<8x128xf32, #tpu.memory_space<hbm>>
      %dma_wait3A_1673 = arith.constant 0 : i32
      %dma_wait3A_1674 = arith.constant 0 : i32
      %dma_wait3A_1675 = tpu.memref_slice %arg10[%dma_wait3A_1664, %dma_wait3A_1665, %dma_wait3A_1673, %dma_wait3A_1674] : memref<2x16x8x128xf32, #tpu.memory_space<vmem>> -> memref<1x1x8x128xf32, #tpu.memory_space<vmem>>
      %dma_wait3A_1676 = tpu.memref_squeeze %dma_wait3A_1675 : memref<1x1x8x128xf32, #tpu.memory_space<vmem>> -> memref<8x128xf32, #tpu.memory_space<vmem>>
      %dma_wait3A_1677 = arith.constant 0 : i32
      %dma_wait3A_1678 = arith.constant 0 : i32
      %dma_wait3A_1679 = tpu.memref_slice %arg4[%dma_wait3A_1677, %dma_wait3A_1678] : memref<8x1000000xf32, #tpu.memory_space<hbm>> -> memref<8x128xf32, #tpu.memory_space<hbm>>
      tpu.wait_dma2 semaphore(%arg13 : memref<!tpu.dma_semaphore, #tpu.memory_space<semaphore_mem>>) src(%dma_wait3A_1679 : memref<8x128xf32, #tpu.memory_space<hbm>>) dst(%dma_wait3A_1676 : memref<8x128xf32, #tpu.memory_space<vmem>>)
      %dma_wait3A_1680 = arith.constant 0 : i32
      %dma_wait3A_1681 = arith.constant 0 : i32
      %dma_wait3A_1682 = arith.constant 0 : i32
      %dma_wait3A_1683 = arith.constant 0 : i32
      %dma_wait3A_1684 = tpu.memref_slice %arg9[%dma_wait3A_1680, %dma_wait3A_1681, %dma_wait3A_1682, %dma_wait3A_1683] : memref<2x16x8x128xf32, #tpu.memory_space<vmem>> -> memref<1x1x8x128xf32, #tpu.memory_space<vmem>>
      %dma_wait3A_1685 = tpu.memref_squeeze %dma_wait3A_1684 : memref<1x1x8x128xf32, #tpu.memory_space<vmem>> -> memref<8x128xf32, #tpu.memory_space<vmem>>
      %dma_wait3A_1686 = arith.constant 0 : i32
      %dma_wait3A_1687 = arith.constant 0 : i32
      %dma_wait3A_1688 = tpu.memref_slice %arg2[%dma_wait3A_1686, %dma_wait3A_1687] : memref<8x1000000xf32, #tpu.memory_space<hbm>> -> memref<8x128xf32, #tpu.memory_space<hbm>>
      %dma_wait3A_1689 = arith.constant 0 : i32
      %dma_wait3A_1690 = arith.constant 0 : i32
      %dma_wait3A_1691 = tpu.memref_slice %arg9[%dma_wait3A_1680, %dma_wait3A_1681, %dma_wait3A_1689, %dma_wait3A_1690] : memref<2x16x8x128xf32, #tpu.memory_space<vmem>> -> memref<1x1x8x128xf32, #tpu.memory_space<vmem>>
      %dma_wait3A_1692 = tpu.memref_squeeze %dma_wait3A_1691 : memref<1x1x8x128xf32, #tpu.memory_space<vmem>> -> memref<8x128xf32, #tpu.memory_space<vmem>>
      %dma_wait3A_1693 = arith.constant 0 : i32
      %dma_wait3A_1694 = arith.constant 0 : i32
      %dma_wait3A_1695 = tpu.memref_slice %arg2[%dma_wait3A_1693, %dma_wait3A_1694] : memref<8x1000000xf32, #tpu.memory_space<hbm>> -> memref<8x128xf32, #tpu.memory_space<hbm>>
      tpu.wait_dma2 semaphore(%arg12 : memref<!tpu.dma_semaphore, #tpu.memory_space<semaphore_mem>>) src(%dma_wait3A_1695 : memref<8x128xf32, #tpu.memory_space<hbm>>) dst(%dma_wait3A_1692 : memref<8x128xf32, #tpu.memory_space<vmem>>)
      %dma_wait3A_1696 = arith.constant 0 : i32
      %dma_wait3A_1697 = arith.constant 0 : i32
      %dma_wait3A_1698 = arith.constant 0 : i32
      %dma_wait3A_1699 = arith.constant 0 : i32
      %dma_wait3A_1700 = tpu.memref_slice %arg10[%dma_wait3A_1696, %dma_wait3A_1697, %dma_wait3A_1698, %dma_wait3A_1699] : memref<2x16x8x128xf32, #tpu.memory_space<vmem>> -> memref<1x1x8x128xf32, #tpu.memory_space<vmem>>
      %dma_wait3A_1701 = tpu.memref_squeeze %dma_wait3A_1700 : memref<1x1x8x128xf32, #tpu.memory_space<vmem>> -> memref<8x128xf32, #tpu.memory_space<vmem>>
      %dma_wait3A_1702 = arith.constant 0 : i32
      %dma_wait3A_1703 = arith.constant 0 : i32
      %dma_wait3A_1704 = tpu.memref_slice %arg4[%dma_wait3A_1702, %dma_wait3A_1703] : memref<8x1000000xf32, #tpu.memory_space<hbm>> -> memref<8x128xf32, #tpu.memory_space<hbm>>
      %dma_wait3A_1705 = arith.constant 0 : i32
      %dma_wait3A_1706 = arith.constant 0 : i32
      %dma_wait3A_1707 = tpu.memref_slice %arg10[%dma_wait3A_1696, %dma_wait3A_1697, %dma_wait3A_1705, %dma_wait3A_1706] : memref<2x16x8x128xf32, #tpu.memory_space<vmem>> -> memref<1x1x8x128xf32, #tpu.memory_space<vmem>>
      %dma_wait3A_1708 = tpu.memref_squeeze %dma_wait3A_1707 : memref<1x1x8x128xf32, #tpu.memory_space<vmem>> -> memref<8x128xf32, #tpu.memory_space<vmem>>
      %dma_wait3A_1709 = arith.constant 0 : i32
      %dma_wait3A_1710 = arith.constant 0 : i32
      %dma_wait3A_1711 = tpu.memref_slice %arg4[%dma_wait3A_1709, %dma_wait3A_1710] : memref<8x1000000xf32, #tpu.memory_space<hbm>> -> memref<8x128xf32, #tpu.memory_space<hbm>>
      tpu.wait_dma2 semaphore(%arg13 : memref<!tpu.dma_semaphore, #tpu.memory_space<semaphore_mem>>) src(%dma_wait3A_1711 : memref<8x128xf32, #tpu.memory_space<hbm>>) dst(%dma_wait3A_1708 : memref<8x128xf32, #tpu.memory_space<vmem>>)
      %dma_wait3A_1712 = arith.constant 0 : i32
      %dma_wait3A_1713 = arith.constant 0 : i32
      %dma_wait3A_1714 = arith.constant 0 : i32
      %dma_wait3A_1715 = arith.constant 0 : i32
      %dma_wait3A_1716 = tpu.memref_slice %arg9[%dma_wait3A_1712, %dma_wait3A_1713, %dma_wait3A_1714, %dma_wait3A_1715] : memref<2x16x8x128xf32, #tpu.memory_space<vmem>> -> memref<1x1x8x128xf32, #tpu.memory_space<vmem>>
      %dma_wait3A_1717 = tpu.memref_squeeze %dma_wait3A_1716 : memref<1x1x8x128xf32, #tpu.memory_space<vmem>> -> memref<8x128xf32, #tpu.memory_space<vmem>>
      %dma_wait3A_1718 = arith.constant 0 : i32
      %dma_wait3A_1719 = arith.constant 0 : i32
      %dma_wait3A_1720 = tpu.memref_slice %arg2[%dma_wait3A_1718, %dma_wait3A_1719] : memref<8x1000000xf32, #tpu.memory_space<hbm>> -> memref<8x128xf32, #tpu.memory_space<hbm>>
      %dma_wait3A_1721 = arith.constant 0 : i32
      %dma_wait3A_1722 = arith.constant 0 : i32
      %dma_wait3A_1723 = tpu.memref_slice %arg9[%dma_wait3A_1712, %dma_wait3A_1713, %dma_wait3A_1721, %dma_wait3A_1722] : memref<2x16x8x128xf32, #tpu.memory_space<vmem>> -> memref<1x1x8x128xf32, #tpu.memory_space<vmem>>
      %dma_wait3A_1724 = tpu.memref_squeeze %dma_wait3A_1723 : memref<1x1x8x128xf32, #tpu.memory_space<vmem>> -> memref<8x128xf32, #tpu.memory_space<vmem>>
      %dma_wait3A_1725 = arith.constant 0 : i32
      %dma_wait3A_1726 = arith.constant 0 : i32
      %dma_wait3A_1727 = tpu.memref_slice %arg2[%dma_wait3A_1725, %dma_wait3A_1726] : memref<8x1000000xf32, #tpu.memory_space<hbm>> -> memref<8x128xf32, #tpu.memory_space<hbm>>
      tpu.wait_dma2 semaphore(%arg12 : memref<!tpu.dma_semaphore, #tpu.memory_space<semaphore_mem>>) src(%dma_wait3A_1727 : memref<8x128xf32, #tpu.memory_space<hbm>>) dst(%dma_wait3A_1724 : memref<8x128xf32, #tpu.memory_space<vmem>>)
      %dma_wait3A_1728 = arith.constant 0 : i32
      %dma_wait3A_1729 = arith.constant 0 : i32
      %dma_wait3A_1730 = arith.constant 0 : i32
      %dma_wait3A_1731 = arith.constant 0 : i32
      %dma_wait3A_1732 = tpu.memref_slice %arg10[%dma_wait3A_1728, %dma_wait3A_1729, %dma_wait3A_1730, %dma_wait3A_1731] : memref<2x16x8x128xf32, #tpu.memory_space<vmem>> -> memref<1x1x8x128xf32, #tpu.memory_space<vmem>>
      %dma_wait3A_1733 = tpu.memref_squeeze %dma_wait3A_1732 : memref<1x1x8x128xf32, #tpu.memory_space<vmem>> -> memref<8x128xf32, #tpu.memory_space<vmem>>
      %dma_wait3A_1734 = arith.constant 0 : i32
      %dma_wait3A_1735 = arith.constant 0 : i32
      %dma_wait3A_1736 = tpu.memref_slice %arg4[%dma_wait3A_1734, %dma_wait3A_1735] : memref<8x1000000xf32, #tpu.memory_space<hbm>> -> memref<8x128xf32, #tpu.memory_space<hbm>>
      %dma_wait3A_1737 = arith.constant 0 : i32
      %dma_wait3A_1738 = arith.constant 0 : i32
      %dma_wait3A_1739 = tpu.memref_slice %arg10[%dma_wait3A_1728, %dma_wait3A_1729, %dma_wait3A_1737, %dma_wait3A_1738] : memref<2x16x8x128xf32, #tpu.memory_space<vmem>> -> memref<1x1x8x128xf32, #tpu.memory_space<vmem>>
      %dma_wait3A_1740 = tpu.memref_squeeze %dma_wait3A_1739 : memref<1x1x8x128xf32, #tpu.memory_space<vmem>> -> memref<8x128xf32, #tpu.memory_space<vmem>>
      %dma_wait3A_1741 = arith.constant 0 : i32
      %dma_wait3A_1742 = arith.constant 0 : i32
      %dma_wait3A_1743 = tpu.memref_slice %arg4[%dma_wait3A_1741, %dma_wait3A_1742] : memref<8x1000000xf32, #tpu.memory_space<hbm>> -> memref<8x128xf32, #tpu.memory_space<hbm>>
      tpu.wait_dma2 semaphore(%arg13 : memref<!tpu.dma_semaphore, #tpu.memory_space<semaphore_mem>>) src(%dma_wait3A_1743 : memref<8x128xf32, #tpu.memory_space<hbm>>) dst(%dma_wait3A_1740 : memref<8x128xf32, #tpu.memory_space<vmem>>)
      %dma_wait3A_1744 = arith.constant 0 : i32
      %dma_wait3A_1745 = arith.constant 0 : i32
      %dma_wait3A_1746 = arith.constant 0 : i32
      %dma_wait3A_1747 = arith.constant 0 : i32
      %dma_wait3A_1748 = tpu.memref_slice %arg9[%dma_wait3A_1744, %dma_wait3A_1745, %dma_wait3A_1746, %dma_wait3A_1747] : memref<2x16x8x128xf32, #tpu.memory_space<vmem>> -> memref<1x1x8x128xf32, #tpu.memory_space<vmem>>
      %dma_wait3A_1749 = tpu.memref_squeeze %dma_wait3A_1748 : memref<1x1x8x128xf32, #tpu.memory_space<vmem>> -> memref<8x128xf32, #tpu.memory_space<vmem>>
      %dma_wait3A_1750 = arith.constant 0 : i32
      %dma_wait3A_1751 = arith.constant 0 : i32
      %dma_wait3A_1752 = tpu.memref_slice %arg2[%dma_wait3A_1750, %dma_wait3A_1751] : memref<8x1000000xf32, #tpu.memory_space<hbm>> -> memref<8x128xf32, #tpu.memory_space<hbm>>
      %dma_wait3A_1753 = arith.constant 0 : i32
      %dma_wait3A_1754 = arith.constant 0 : i32
      %dma_wait3A_1755 = tpu.memref_slice %arg9[%dma_wait3A_1744, %dma_wait3A_1745, %dma_wait3A_1753, %dma_wait3A_1754] : memref<2x16x8x128xf32, #tpu.memory_space<vmem>> -> memref<1x1x8x128xf32, #tpu.memory_space<vmem>>
      %dma_wait3A_1756 = tpu.memref_squeeze %dma_wait3A_1755 : memref<1x1x8x128xf32, #tpu.memory_space<vmem>> -> memref<8x128xf32, #tpu.memory_space<vmem>>
      %dma_wait3A_1757 = arith.constant 0 : i32
      %dma_wait3A_1758 = arith.constant 0 : i32
      %dma_wait3A_1759 = tpu.memref_slice %arg2[%dma_wait3A_1757, %dma_wait3A_1758] : memref<8x1000000xf32, #tpu.memory_space<hbm>> -> memref<8x128xf32, #tpu.memory_space<hbm>>
      tpu.wait_dma2 semaphore(%arg12 : memref<!tpu.dma_semaphore, #tpu.memory_space<semaphore_mem>>) src(%dma_wait3A_1759 : memref<8x128xf32, #tpu.memory_space<hbm>>) dst(%dma_wait3A_1756 : memref<8x128xf32, #tpu.memory_space<vmem>>)
      %dma_wait3A_1760 = arith.constant 0 : i32
      %dma_wait3A_1761 = arith.constant 0 : i32
      %dma_wait3A_1762 = arith.constant 0 : i32
      %dma_wait3A_1763 = arith.constant 0 : i32
      %dma_wait3A_1764 = tpu.memref_slice %arg10[%dma_wait3A_1760, %dma_wait3A_1761, %dma_wait3A_1762, %dma_wait3A_1763] : memref<2x16x8x128xf32, #tpu.memory_space<vmem>> -> memref<1x1x8x128xf32, #tpu.memory_space<vmem>>
      %dma_wait3A_1765 = tpu.memref_squeeze %dma_wait3A_1764 : memref<1x1x8x128xf32, #tpu.memory_space<vmem>> -> memref<8x128xf32, #tpu.memory_space<vmem>>
      %dma_wait3A_1766 = arith.constant 0 : i32
      %dma_wait3A_1767 = arith.constant 0 : i32
      %dma_wait3A_1768 = tpu.memref_slice %arg4[%dma_wait3A_1766, %dma_wait3A_1767] : memref<8x1000000xf32, #tpu.memory_space<hbm>> -> memref<8x128xf32, #tpu.memory_space<hbm>>
      %dma_wait3A_1769 = arith.constant 0 : i32
      %dma_wait3A_1770 = arith.constant 0 : i32
      %dma_wait3A_1771 = tpu.memref_slice %arg10[%dma_wait3A_1760, %dma_wait3A_1761, %dma_wait3A_1769, %dma_wait3A_1770] : memref<2x16x8x128xf32, #tpu.memory_space<vmem>> -> memref<1x1x8x128xf32, #tpu.memory_space<vmem>>
      %dma_wait3A_1772 = tpu.memref_squeeze %dma_wait3A_1771 : memref<1x1x8x128xf32, #tpu.memory_space<vmem>> -> memref<8x128xf32, #tpu.memory_space<vmem>>
      %dma_wait3A_1773 = arith.constant 0 : i32
      %dma_wait3A_1774 = arith.constant 0 : i32
      %dma_wait3A_1775 = tpu.memref_slice %arg4[%dma_wait3A_1773, %dma_wait3A_1774] : memref<8x1000000xf32, #tpu.memory_space<hbm>> -> memref<8x128xf32, #tpu.memory_space<hbm>>
      tpu.wait_dma2 semaphore(%arg13 : memref<!tpu.dma_semaphore, #tpu.memory_space<semaphore_mem>>) src(%dma_wait3A_1775 : memref<8x128xf32, #tpu.memory_space<hbm>>) dst(%dma_wait3A_1772 : memref<8x128xf32, #tpu.memory_space<vmem>>)
      %dma_wait3A_1776 = arith.constant 0 : i32
      %dma_wait3A_1777 = arith.constant 0 : i32
      %dma_wait3A_1778 = arith.constant 0 : i32
      %dma_wait3A_1779 = arith.constant 0 : i32
      %dma_wait3A_1780 = tpu.memref_slice %arg9[%dma_wait3A_1776, %dma_wait3A_1777, %dma_wait3A_1778, %dma_wait3A_1779] : memref<2x16x8x128xf32, #tpu.memory_space<vmem>> -> memref<1x1x8x128xf32, #tpu.memory_space<vmem>>
      %dma_wait3A_1781 = tpu.memref_squeeze %dma_wait3A_1780 : memref<1x1x8x128xf32, #tpu.memory_space<vmem>> -> memref<8x128xf32, #tpu.memory_space<vmem>>
      %dma_wait3A_1782 = arith.constant 0 : i32
      %dma_wait3A_1783 = arith.constant 0 : i32
      %dma_wait3A_1784 = tpu.memref_slice %arg2[%dma_wait3A_1782, %dma_wait3A_1783] : memref<8x1000000xf32, #tpu.memory_space<hbm>> -> memref<8x128xf32, #tpu.memory_space<hbm>>
      %dma_wait3A_1785 = arith.constant 0 : i32
      %dma_wait3A_1786 = arith.constant 0 : i32
      %dma_wait3A_1787 = tpu.memref_slice %arg9[%dma_wait3A_1776, %dma_wait3A_1777, %dma_wait3A_1785, %dma_wait3A_1786] : memref<2x16x8x128xf32, #tpu.memory_space<vmem>> -> memref<1x1x8x128xf32, #tpu.memory_space<vmem>>
      %dma_wait3A_1788 = tpu.memref_squeeze %dma_wait3A_1787 : memref<1x1x8x128xf32, #tpu.memory_space<vmem>> -> memref<8x128xf32, #tpu.memory_space<vmem>>
      %dma_wait3A_1789 = arith.constant 0 : i32
      %dma_wait3A_1790 = arith.constant 0 : i32
      %dma_wait3A_1791 = tpu.memref_slice %arg2[%dma_wait3A_1789, %dma_wait3A_1790] : memref<8x1000000xf32, #tpu.memory_space<hbm>> -> memref<8x128xf32, #tpu.memory_space<hbm>>
      tpu.wait_dma2 semaphore(%arg12 : memref<!tpu.dma_semaphore, #tpu.memory_space<semaphore_mem>>) src(%dma_wait3A_1791 : memref<8x128xf32, #tpu.memory_space<hbm>>) dst(%dma_wait3A_1788 : memref<8x128xf32, #tpu.memory_space<vmem>>)
      %dma_wait3A_1792 = arith.constant 0 : i32
      %dma_wait3A_1793 = arith.constant 0 : i32
      %dma_wait3A_1794 = arith.constant 0 : i32
      %dma_wait3A_1795 = arith.constant 0 : i32
      %dma_wait3A_1796 = tpu.memref_slice %arg10[%dma_wait3A_1792, %dma_wait3A_1793, %dma_wait3A_1794, %dma_wait3A_1795] : memref<2x16x8x128xf32, #tpu.memory_space<vmem>> -> memref<1x1x8x128xf32, #tpu.memory_space<vmem>>
      %dma_wait3A_1797 = tpu.memref_squeeze %dma_wait3A_1796 : memref<1x1x8x128xf32, #tpu.memory_space<vmem>> -> memref<8x128xf32, #tpu.memory_space<vmem>>
      %dma_wait3A_1798 = arith.constant 0 : i32
      %dma_wait3A_1799 = arith.constant 0 : i32
      %dma_wait3A_1800 = tpu.memref_slice %arg4[%dma_wait3A_1798, %dma_wait3A_1799] : memref<8x1000000xf32, #tpu.memory_space<hbm>> -> memref<8x128xf32, #tpu.memory_space<hbm>>
      %dma_wait3A_1801 = arith.constant 0 : i32
      %dma_wait3A_1802 = arith.constant 0 : i32
      %dma_wait3A_1803 = tpu.memref_slice %arg10[%dma_wait3A_1792, %dma_wait3A_1793, %dma_wait3A_1801, %dma_wait3A_1802] : memref<2x16x8x128xf32, #tpu.memory_space<vmem>> -> memref<1x1x8x128xf32, #tpu.memory_space<vmem>>
      %dma_wait3A_1804 = tpu.memref_squeeze %dma_wait3A_1803 : memref<1x1x8x128xf32, #tpu.memory_space<vmem>> -> memref<8x128xf32, #tpu.memory_space<vmem>>
      %dma_wait3A_1805 = arith.constant 0 : i32
      %dma_wait3A_1806 = arith.constant 0 : i32
      %dma_wait3A_1807 = tpu.memref_slice %arg4[%dma_wait3A_1805, %dma_wait3A_1806] : memref<8x1000000xf32, #tpu.memory_space<hbm>> -> memref<8x128xf32, #tpu.memory_space<hbm>>
      tpu.wait_dma2 semaphore(%arg13 : memref<!tpu.dma_semaphore, #tpu.memory_space<semaphore_mem>>) src(%dma_wait3A_1807 : memref<8x128xf32, #tpu.memory_space<hbm>>) dst(%dma_wait3A_1804 : memref<8x128xf32, #tpu.memory_space<vmem>>)
      %dma_wait3A_1808 = arith.constant 0 : i32
      %dma_wait3A_1809 = arith.constant 0 : i32
      %dma_wait3A_1810 = arith.constant 0 : i32
      %dma_wait3A_1811 = arith.constant 0 : i32
      %dma_wait3A_1812 = tpu.memref_slice %arg9[%dma_wait3A_1808, %dma_wait3A_1809, %dma_wait3A_1810, %dma_wait3A_1811] : memref<2x16x8x128xf32, #tpu.memory_space<vmem>> -> memref<1x1x8x128xf32, #tpu.memory_space<vmem>>
      %dma_wait3A_1813 = tpu.memref_squeeze %dma_wait3A_1812 : memref<1x1x8x128xf32, #tpu.memory_space<vmem>> -> memref<8x128xf32, #tpu.memory_space<vmem>>
      %dma_wait3A_1814 = arith.constant 0 : i32
      %dma_wait3A_1815 = arith.constant 0 : i32
      %dma_wait3A_1816 = tpu.memref_slice %arg2[%dma_wait3A_1814, %dma_wait3A_1815] : memref<8x1000000xf32, #tpu.memory_space<hbm>> -> memref<8x128xf32, #tpu.memory_space<hbm>>
      %dma_wait3A_1817 = arith.constant 0 : i32
      %dma_wait3A_1818 = arith.constant 0 : i32
      %dma_wait3A_1819 = tpu.memref_slice %arg9[%dma_wait3A_1808, %dma_wait3A_1809, %dma_wait3A_1817, %dma_wait3A_1818] : memref<2x16x8x128xf32, #tpu.memory_space<vmem>> -> memref<1x1x8x128xf32, #tpu.memory_space<vmem>>
      %dma_wait3A_1820 = tpu.memref_squeeze %dma_wait3A_1819 : memref<1x1x8x128xf32, #tpu.memory_space<vmem>> -> memref<8x128xf32, #tpu.memory_space<vmem>>
      %dma_wait3A_1821 = arith.constant 0 : i32
      %dma_wait3A_1822 = arith.constant 0 : i32
      %dma_wait3A_1823 = tpu.memref_slice %arg2[%dma_wait3A_1821, %dma_wait3A_1822] : memref<8x1000000xf32, #tpu.memory_space<hbm>> -> memref<8x128xf32, #tpu.memory_space<hbm>>
      tpu.wait_dma2 semaphore(%arg12 : memref<!tpu.dma_semaphore, #tpu.memory_space<semaphore_mem>>) src(%dma_wait3A_1823 : memref<8x128xf32, #tpu.memory_space<hbm>>) dst(%dma_wait3A_1820 : memref<8x128xf32, #tpu.memory_space<vmem>>)
      %dma_wait3A_1824 = arith.constant 0 : i32
      %dma_wait3A_1825 = arith.constant 0 : i32
      %dma_wait3A_1826 = arith.constant 0 : i32
      %dma_wait3A_1827 = arith.constant 0 : i32
      %dma_wait3A_1828 = tpu.memref_slice %arg10[%dma_wait3A_1824, %dma_wait3A_1825, %dma_wait3A_1826, %dma_wait3A_1827] : memref<2x16x8x128xf32, #tpu.memory_space<vmem>> -> memref<1x1x8x128xf32, #tpu.memory_space<vmem>>
      %dma_wait3A_1829 = tpu.memref_squeeze %dma_wait3A_1828 : memref<1x1x8x128xf32, #tpu.memory_space<vmem>> -> memref<8x128xf32, #tpu.memory_space<vmem>>
      %dma_wait3A_1830 = arith.constant 0 : i32
      %dma_wait3A_1831 = arith.constant 0 : i32
      %dma_wait3A_1832 = tpu.memref_slice %arg4[%dma_wait3A_1830, %dma_wait3A_1831] : memref<8x1000000xf32, #tpu.memory_space<hbm>> -> memref<8x128xf32, #tpu.memory_space<hbm>>
      %dma_wait3A_1833 = arith.constant 0 : i32
      %dma_wait3A_1834 = arith.constant 0 : i32
      %dma_wait3A_1835 = tpu.memref_slice %arg10[%dma_wait3A_1824, %dma_wait3A_1825, %dma_wait3A_1833, %dma_wait3A_1834] : memref<2x16x8x128xf32, #tpu.memory_space<vmem>> -> memref<1x1x8x128xf32, #tpu.memory_space<vmem>>
      %dma_wait3A_1836 = tpu.memref_squeeze %dma_wait3A_1835 : memref<1x1x8x128xf32, #tpu.memory_space<vmem>> -> memref<8x128xf32, #tpu.memory_space<vmem>>
      %dma_wait3A_1837 = arith.constant 0 : i32
      %dma_wait3A_1838 = arith.constant 0 : i32
      %dma_wait3A_1839 = tpu.memref_slice %arg4[%dma_wait3A_1837, %dma_wait3A_1838] : memref<8x1000000xf32, #tpu.memory_space<hbm>> -> memref<8x128xf32, #tpu.memory_space<hbm>>
      tpu.wait_dma2 semaphore(%arg13 : memref<!tpu.dma_semaphore, #tpu.memory_space<semaphore_mem>>) src(%dma_wait3A_1839 : memref<8x128xf32, #tpu.memory_space<hbm>>) dst(%dma_wait3A_1836 : memref<8x128xf32, #tpu.memory_space<vmem>>)
      %mul3A_1840 = arith.constant 16 : i32
      %mul3A_1841 = arith.muli %mul3A_680, %mul3A_1840 : i32
      %get3A_1842 = arith.index_cast %mul3A_1841 : i32 to index
      %get3A_1843 = tpu.vector_load %arg7[%get3A_1842] {strides = array<i32>} : memref<512xi32, #tpu.memory_space<vmem>>, vector<16xi32>,
      %get3A_1844 = arith.index_cast %mul3A_1841 : i32 to index
      %get3A_1845 = tpu.vector_load %arg8[%get3A_1844] {strides = array<i32>} : memref<512xi32, #tpu.memory_space<vmem>>, vector<16xi32>,
      %and3A = arith.constant 127 : i32
      %and3A_1846 = vector.broadcast %and3A : i32 to vector<16xi32>
      %and3A_1847 = arith.andi %get3A_1843, %and3A_1846 : vector<16xi32>
      %and3A_1848 = arith.constant 127 : i32
      %and3A_1849 = vector.broadcast %and3A_1848 : i32 to vector<16xi32>
      %and3A_1850 = arith.andi %get3A_1845, %and3A_1849 : vector<16xi32>
      %broadcast_in_dim3A = arith.constant 0 : i32
      %broadcast_in_dim3A_1851 = vector.broadcast %broadcast_in_dim3A : i32 to vector<16xi32>
      %gather3A = arith.constant 0 : i32
      %gather3A_1852 = arith.constant 0 : i32
      %gather3A_1853 = arith.constant 0 : i32
      %gather3A_1854 = arith.constant 0 : i32
      %gather3A_1855 = tpu.memref_slice %arg9[%gather3A, %gather3A_1852, %gather3A_1853, %gather3A_1854] : memref<2x16x8x128xf32, #tpu.memory_space<vmem>> -> memref<1x16x8x128xf32, #tpu.memory_space<vmem>>
      %gather3A_1856 = tpu.memref_squeeze %gather3A_1855 : memref<1x16x8x128xf32, #tpu.memory_space<vmem>> -> memref<16x8x128xf32, #tpu.memory_space<vmem>>
      %gather3A_1857 = tpu.vector_load_idx %gather3A_1856[%iota3A, %broadcast_in_dim3A_1851, %and3A_1847] : memref<16x8x128xf32, #tpu.memory_space<vmem>>[vector<16xi32>, vector<16xi32>, vector<16xi32>], vector<16xf32>,
      %gather3A_1858 = arith.constant 0 : i32
      %gather3A_1859 = arith.constant 0 : i32
      %gather3A_1860 = arith.constant 0 : i32
      %gather3A_1861 = arith.constant 0 : i32
      %gather3A_1862 = tpu.memref_slice %arg10[%gather3A_1858, %gather3A_1859, %gather3A_1860, %gather3A_1861] : memref<2x16x8x128xf32, #tpu.memory_space<vmem>> -> memref<1x16x8x128xf32, #tpu.memory_space<vmem>>
      %gather3A_1863 = tpu.memref_squeeze %gather3A_1862 : memref<1x16x8x128xf32, #tpu.memory_space<vmem>> -> memref<16x8x128xf32, #tpu.memory_space<vmem>>
      %gather3A_1864 = tpu.vector_load_idx %gather3A_1863[%iota3A, %broadcast_in_dim3A_1851, %and3A_1850] : memref<16x8x128xf32, #tpu.memory_space<vmem>>[vector<16xi32>, vector<16xi32>, vector<16xi32>], vector<16xf32>,
      %add3A_1865 = arith.constant 0 : i32
      %add3A_1866 = arith.addi %add3A_1865, %mul3A_1841 : i32
      %swap3A = arith.index_cast %add3A_1866 : i32 to index
      %swap3A_1867 = tpu.vector_load %arg11[%swap3A] {strides = array<i32>} : memref<8192xf32, #tpu.memory_space<vmem>>, vector<16xf32>,
      tpu.vector_store %arg11[%swap3A], %gather3A_1857 {strides = array<i32>} : memref<8192xf32, #tpu.memory_space<vmem>>, vector<16xf32>,
      %add3A_1868 = arith.constant 4096 : i32
      %add3A_1869 = arith.addi %add3A_1868, %mul3A_1841 : i32
      %swap3A_1870 = arith.index_cast %add3A_1869 : i32 to index
      %swap3A_1871 = tpu.vector_load %arg11[%swap3A_1870] {strides = array<i32>} : memref<8192xf32, #tpu.memory_space<vmem>>, vector<16xf32>,
      tpu.vector_store %arg11[%swap3A_1870], %gather3A_1864 {strides = array<i32>} : memref<8192xf32, #tpu.memory_space<vmem>>, vector<16xf32>,
      %broadcast_in_dim3A_1872 = arith.constant 1 : i32
      %broadcast_in_dim3A_1873 = vector.broadcast %broadcast_in_dim3A_1872 : i32 to vector<16xi32>
      %gather3A_1874 = arith.constant 0 : i32
      %gather3A_1875 = arith.constant 0 : i32
      %gather3A_1876 = arith.constant 0 : i32
      %gather3A_1877 = arith.constant 0 : i32
      %gather3A_1878 = tpu.memref_slice %arg9[%gather3A_1874, %gather3A_1875, %gather3A_1876, %gather3A_1877] : memref<2x16x8x128xf32, #tpu.memory_space<vmem>> -> memref<1x16x8x128xf32, #tpu.memory_space<vmem>>
      %gather3A_1879 = tpu.memref_squeeze %gather3A_1878 : memref<1x16x8x128xf32, #tpu.memory_space<vmem>> -> memref<16x8x128xf32, #tpu.memory_space<vmem>>
      %gather3A_1880 = tpu.vector_load_idx %gather3A_1879[%iota3A, %broadcast_in_dim3A_1873, %and3A_1847] : memref<16x8x128xf32, #tpu.memory_space<vmem>>[vector<16xi32>, vector<16xi32>, vector<16xi32>], vector<16xf32>,
      %gather3A_1881 = arith.constant 0 : i32
      %gather3A_1882 = arith.constant 0 : i32
      %gather3A_1883 = arith.constant 0 : i32
      %gather3A_1884 = arith.constant 0 : i32
      %gather3A_1885 = tpu.memref_slice %arg10[%gather3A_1881, %gather3A_1882, %gather3A_1883, %gather3A_1884] : memref<2x16x8x128xf32, #tpu.memory_space<vmem>> -> memref<1x16x8x128xf32, #tpu.memory_space<vmem>>
      %gather3A_1886 = tpu.memref_squeeze %gather3A_1885 : memref<1x16x8x128xf32, #tpu.memory_space<vmem>> -> memref<16x8x128xf32, #tpu.memory_space<vmem>>
      %gather3A_1887 = tpu.vector_load_idx %gather3A_1886[%iota3A, %broadcast_in_dim3A_1873, %and3A_1850] : memref<16x8x128xf32, #tpu.memory_space<vmem>>[vector<16xi32>, vector<16xi32>, vector<16xi32>], vector<16xf32>,
      %add3A_1888 = arith.constant 512 : i32
      %add3A_1889 = arith.addi %add3A_1888, %mul3A_1841 : i32
      %swap3A_1890 = arith.index_cast %add3A_1889 : i32 to index
      %swap3A_1891 = tpu.vector_load %arg11[%swap3A_1890] {strides = array<i32>} : memref<8192xf32, #tpu.memory_space<vmem>>, vector<16xf32>,
      tpu.vector_store %arg11[%swap3A_1890], %gather3A_1880 {strides = array<i32>} : memref<8192xf32, #tpu.memory_space<vmem>>, vector<16xf32>,
      %add3A_1892 = arith.constant 4608 : i32
      %add3A_1893 = arith.addi %add3A_1892, %mul3A_1841 : i32
      %swap3A_1894 = arith.index_cast %add3A_1893 : i32 to index
      %swap3A_1895 = tpu.vector_load %arg11[%swap3A_1894] {strides = array<i32>} : memref<8192xf32, #tpu.memory_space<vmem>>, vector<16xf32>,
      tpu.vector_store %arg11[%swap3A_1894], %gather3A_1887 {strides = array<i32>} : memref<8192xf32, #tpu.memory_space<vmem>>, vector<16xf32>,
      %broadcast_in_dim3A_1896 = arith.constant 2 : i32
      %broadcast_in_dim3A_1897 = vector.broadcast %broadcast_in_dim3A_1896 : i32 to vector<16xi32>
      %gather3A_1898 = arith.constant 0 : i32
      %gather3A_1899 = arith.constant 0 : i32
      %gather3A_1900 = arith.constant 0 : i32
      %gather3A_1901 = arith.constant 0 : i32
      %gather3A_1902 = tpu.memref_slice %arg9[%gather3A_1898, %gather3A_1899, %gather3A_1900, %gather3A_1901] : memref<2x16x8x128xf32, #tpu.memory_space<vmem>> -> memref<1x16x8x128xf32, #tpu.memory_space<vmem>>
      %gather3A_1903 = tpu.memref_squeeze %gather3A_1902 : memref<1x16x8x128xf32, #tpu.memory_space<vmem>> -> memref<16x8x128xf32, #tpu.memory_space<vmem>>
      %gather3A_1904 = tpu.vector_load_idx %gather3A_1903[%iota3A, %broadcast_in_dim3A_1897, %and3A_1847] : memref<16x8x128xf32, #tpu.memory_space<vmem>>[vector<16xi32>, vector<16xi32>, vector<16xi32>], vector<16xf32>,
      %gather3A_1905 = arith.constant 0 : i32
      %gather3A_1906 = arith.constant 0 : i32
      %gather3A_1907 = arith.constant 0 : i32
      %gather3A_1908 = arith.constant 0 : i32
      %gather3A_1909 = tpu.memref_slice %arg10[%gather3A_1905, %gather3A_1906, %gather3A_1907, %gather3A_1908] : memref<2x16x8x128xf32, #tpu.memory_space<vmem>> -> memref<1x16x8x128xf32, #tpu.memory_space<vmem>>
      %gather3A_1910 = tpu.memref_squeeze %gather3A_1909 : memref<1x16x8x128xf32, #tpu.memory_space<vmem>> -> memref<16x8x128xf32, #tpu.memory_space<vmem>>
      %gather3A_1911 = tpu.vector_load_idx %gather3A_1910[%iota3A, %broadcast_in_dim3A_1897, %and3A_1850] : memref<16x8x128xf32, #tpu.memory_space<vmem>>[vector<16xi32>, vector<16xi32>, vector<16xi32>], vector<16xf32>,
      %add3A_1912 = arith.constant 1024 : i32
      %add3A_1913 = arith.addi %add3A_1912, %mul3A_1841 : i32
      %swap3A_1914 = arith.index_cast %add3A_1913 : i32 to index
      %swap3A_1915 = tpu.vector_load %arg11[%swap3A_1914] {strides = array<i32>} : memref<8192xf32, #tpu.memory_space<vmem>>, vector<16xf32>,
      tpu.vector_store %arg11[%swap3A_1914], %gather3A_1904 {strides = array<i32>} : memref<8192xf32, #tpu.memory_space<vmem>>, vector<16xf32>,
      %add3A_1916 = arith.constant 5120 : i32
      %add3A_1917 = arith.addi %add3A_1916, %mul3A_1841 : i32
      %swap3A_1918 = arith.index_cast %add3A_1917 : i32 to index
      %swap3A_1919 = tpu.vector_load %arg11[%swap3A_1918] {strides = array<i32>} : memref<8192xf32, #tpu.memory_space<vmem>>, vector<16xf32>,
      tpu.vector_store %arg11[%swap3A_1918], %gather3A_1911 {strides = array<i32>} : memref<8192xf32, #tpu.memory_space<vmem>>, vector<16xf32>,
      %broadcast_in_dim3A_1920 = arith.constant 3 : i32
      %broadcast_in_dim3A_1921 = vector.broadcast %broadcast_in_dim3A_1920 : i32 to vector<16xi32>
      %gather3A_1922 = arith.constant 0 : i32
      %gather3A_1923 = arith.constant 0 : i32
      %gather3A_1924 = arith.constant 0 : i32
      %gather3A_1925 = arith.constant 0 : i32
      %gather3A_1926 = tpu.memref_slice %arg9[%gather3A_1922, %gather3A_1923, %gather3A_1924, %gather3A_1925] : memref<2x16x8x128xf32, #tpu.memory_space<vmem>> -> memref<1x16x8x128xf32, #tpu.memory_space<vmem>>
      %gather3A_1927 = tpu.memref_squeeze %gather3A_1926 : memref<1x16x8x128xf32, #tpu.memory_space<vmem>> -> memref<16x8x128xf32, #tpu.memory_space<vmem>>
      %gather3A_1928 = tpu.vector_load_idx %gather3A_1927[%iota3A, %broadcast_in_dim3A_1921, %and3A_1847] : memref<16x8x128xf32, #tpu.memory_space<vmem>>[vector<16xi32>, vector<16xi32>, vector<16xi32>], vector<16xf32>,
      %gather3A_1929 = arith.constant 0 : i32
      %gather3A_1930 = arith.constant 0 : i32
      %gather3A_1931 = arith.constant 0 : i32
      %gather3A_1932 = arith.constant 0 : i32
      %gather3A_1933 = tpu.memref_slice %arg10[%gather3A_1929, %gather3A_1930, %gather3A_1931, %gather3A_1932] : memref<2x16x8x128xf32, #tpu.memory_space<vmem>> -> memref<1x16x8x128xf32, #tpu.memory_space<vmem>>
      %gather3A_1934 = tpu.memref_squeeze %gather3A_1933 : memref<1x16x8x128xf32, #tpu.memory_space<vmem>> -> memref<16x8x128xf32, #tpu.memory_space<vmem>>
      %gather3A_1935 = tpu.vector_load_idx %gather3A_1934[%iota3A, %broadcast_in_dim3A_1921, %and3A_1850] : memref<16x8x128xf32, #tpu.memory_space<vmem>>[vector<16xi32>, vector<16xi32>, vector<16xi32>], vector<16xf32>,
      %add3A_1936 = arith.constant 1536 : i32
      %add3A_1937 = arith.addi %add3A_1936, %mul3A_1841 : i32
      %swap3A_1938 = arith.index_cast %add3A_1937 : i32 to index
      %swap3A_1939 = tpu.vector_load %arg11[%swap3A_1938] {strides = array<i32>} : memref<8192xf32, #tpu.memory_space<vmem>>, vector<16xf32>,
      tpu.vector_store %arg11[%swap3A_1938], %gather3A_1928 {strides = array<i32>} : memref<8192xf32, #tpu.memory_space<vmem>>, vector<16xf32>,
      %add3A_1940 = arith.constant 5632 : i32
      %add3A_1941 = arith.addi %add3A_1940, %mul3A_1841 : i32
      %swap3A_1942 = arith.index_cast %add3A_1941 : i32 to index
      %swap3A_1943 = tpu.vector_load %arg11[%swap3A_1942] {strides = array<i32>} : memref<8192xf32, #tpu.memory_space<vmem>>, vector<16xf32>,
      tpu.vector_store %arg11[%swap3A_1942], %gather3A_1935 {strides = array<i32>} : memref<8192xf32, #tpu.memory_space<vmem>>, vector<16xf32>,
      %broadcast_in_dim3A_1944 = arith.constant 4 : i32
      %broadcast_in_dim3A_1945 = vector.broadcast %broadcast_in_dim3A_1944 : i32 to vector<16xi32>
      %gather3A_1946 = arith.constant 0 : i32
      %gather3A_1947 = arith.constant 0 : i32
      %gather3A_1948 = arith.constant 0 : i32
      %gather3A_1949 = arith.constant 0 : i32
      %gather3A_1950 = tpu.memref_slice %arg9[%gather3A_1946, %gather3A_1947, %gather3A_1948, %gather3A_1949] : memref<2x16x8x128xf32, #tpu.memory_space<vmem>> -> memref<1x16x8x128xf32, #tpu.memory_space<vmem>>
      %gather3A_1951 = tpu.memref_squeeze %gather3A_1950 : memref<1x16x8x128xf32, #tpu.memory_space<vmem>> -> memref<16x8x128xf32, #tpu.memory_space<vmem>>
      %gather3A_1952 = tpu.vector_load_idx %gather3A_1951[%iota3A, %broadcast_in_dim3A_1945, %and3A_1847] : memref<16x8x128xf32, #tpu.memory_space<vmem>>[vector<16xi32>, vector<16xi32>, vector<16xi32>], vector<16xf32>,
      %gather3A_1953 = arith.constant 0 : i32
      %gather3A_1954 = arith.constant 0 : i32
      %gather3A_1955 = arith.constant 0 : i32
      %gather3A_1956 = arith.constant 0 : i32
      %gather3A_1957 = tpu.memref_slice %arg10[%gather3A_1953, %gather3A_1954, %gather3A_1955, %gather3A_1956] : memref<2x16x8x128xf32, #tpu.memory_space<vmem>> -> memref<1x16x8x128xf32, #tpu.memory_space<vmem>>
      %gather3A_1958 = tpu.memref_squeeze %gather3A_1957 : memref<1x16x8x128xf32, #tpu.memory_space<vmem>> -> memref<16x8x128xf32, #tpu.memory_space<vmem>>
      %gather3A_1959 = tpu.vector_load_idx %gather3A_1958[%iota3A, %broadcast_in_dim3A_1945, %and3A_1850] : memref<16x8x128xf32, #tpu.memory_space<vmem>>[vector<16xi32>, vector<16xi32>, vector<16xi32>], vector<16xf32>,
      %add3A_1960 = arith.constant 2048 : i32
      %add3A_1961 = arith.addi %add3A_1960, %mul3A_1841 : i32
      %swap3A_1962 = arith.index_cast %add3A_1961 : i32 to index
      %swap3A_1963 = tpu.vector_load %arg11[%swap3A_1962] {strides = array<i32>} : memref<8192xf32, #tpu.memory_space<vmem>>, vector<16xf32>,
      tpu.vector_store %arg11[%swap3A_1962], %gather3A_1952 {strides = array<i32>} : memref<8192xf32, #tpu.memory_space<vmem>>, vector<16xf32>,
      %add3A_1964 = arith.constant 6144 : i32
      %add3A_1965 = arith.addi %add3A_1964, %mul3A_1841 : i32
      %swap3A_1966 = arith.index_cast %add3A_1965 : i32 to index
      %swap3A_1967 = tpu.vector_load %arg11[%swap3A_1966] {strides = array<i32>} : memref<8192xf32, #tpu.memory_space<vmem>>, vector<16xf32>,
      tpu.vector_store %arg11[%swap3A_1966], %gather3A_1959 {strides = array<i32>} : memref<8192xf32, #tpu.memory_space<vmem>>, vector<16xf32>,
      %broadcast_in_dim3A_1968 = arith.constant 5 : i32
      %broadcast_in_dim3A_1969 = vector.broadcast %broadcast_in_dim3A_1968 : i32 to vector<16xi32>
      %gather3A_1970 = arith.constant 0 : i32
      %gather3A_1971 = arith.constant 0 : i32
      %gather3A_1972 = arith.constant 0 : i32
      %gather3A_1973 = arith.constant 0 : i32
      %gather3A_1974 = tpu.memref_slice %arg9[%gather3A_1970, %gather3A_1971, %gather3A_1972, %gather3A_1973] : memref<2x16x8x128xf32, #tpu.memory_space<vmem>> -> memref<1x16x8x128xf32, #tpu.memory_space<vmem>>
      %gather3A_1975 = tpu.memref_squeeze %gather3A_1974 : memref<1x16x8x128xf32, #tpu.memory_space<vmem>> -> memref<16x8x128xf32, #tpu.memory_space<vmem>>
      %gather3A_1976 = tpu.vector_load_idx %gather3A_1975[%iota3A, %broadcast_in_dim3A_1969, %and3A_1847] : memref<16x8x128xf32, #tpu.memory_space<vmem>>[vector<16xi32>, vector<16xi32>, vector<16xi32>], vector<16xf32>,
      %gather3A_1977 = arith.constant 0 : i32
      %gather3A_1978 = arith.constant 0 : i32
      %gather3A_1979 = arith.constant 0 : i32
      %gather3A_1980 = arith.constant 0 : i32
      %gather3A_1981 = tpu.memref_slice %arg10[%gather3A_1977, %gather3A_1978, %gather3A_1979, %gather3A_1980] : memref<2x16x8x128xf32, #tpu.memory_space<vmem>> -> memref<1x16x8x128xf32, #tpu.memory_space<vmem>>
      %gather3A_1982 = tpu.memref_squeeze %gather3A_1981 : memref<1x16x8x128xf32, #tpu.memory_space<vmem>> -> memref<16x8x128xf32, #tpu.memory_space<vmem>>
      %gather3A_1983 = tpu.vector_load_idx %gather3A_1982[%iota3A, %broadcast_in_dim3A_1969, %and3A_1850] : memref<16x8x128xf32, #tpu.memory_space<vmem>>[vector<16xi32>, vector<16xi32>, vector<16xi32>], vector<16xf32>,
      %add3A_1984 = arith.constant 2560 : i32
      %add3A_1985 = arith.addi %add3A_1984, %mul3A_1841 : i32
      %swap3A_1986 = arith.index_cast %add3A_1985 : i32 to index
      %swap3A_1987 = tpu.vector_load %arg11[%swap3A_1986] {strides = array<i32>} : memref<8192xf32, #tpu.memory_space<vmem>>, vector<16xf32>,
      tpu.vector_store %arg11[%swap3A_1986], %gather3A_1976 {strides = array<i32>} : memref<8192xf32, #tpu.memory_space<vmem>>, vector<16xf32>,
      %add3A_1988 = arith.constant 6656 : i32
      %add3A_1989 = arith.addi %add3A_1988, %mul3A_1841 : i32
      %swap3A_1990 = arith.index_cast %add3A_1989 : i32 to index
      %swap3A_1991 = tpu.vector_load %arg11[%swap3A_1990] {strides = array<i32>} : memref<8192xf32, #tpu.memory_space<vmem>>, vector<16xf32>,
      tpu.vector_store %arg11[%swap3A_1990], %gather3A_1983 {strides = array<i32>} : memref<8192xf32, #tpu.memory_space<vmem>>, vector<16xf32>,
      %broadcast_in_dim3A_1992 = arith.constant 6 : i32
      %broadcast_in_dim3A_1993 = vector.broadcast %broadcast_in_dim3A_1992 : i32 to vector<16xi32>
      %gather3A_1994 = arith.constant 0 : i32
      %gather3A_1995 = arith.constant 0 : i32
      %gather3A_1996 = arith.constant 0 : i32
      %gather3A_1997 = arith.constant 0 : i32
      %gather3A_1998 = tpu.memref_slice %arg9[%gather3A_1994, %gather3A_1995, %gather3A_1996, %gather3A_1997] : memref<2x16x8x128xf32, #tpu.memory_space<vmem>> -> memref<1x16x8x128xf32, #tpu.memory_space<vmem>>
      %gather3A_1999 = tpu.memref_squeeze %gather3A_1998 : memref<1x16x8x128xf32, #tpu.memory_space<vmem>> -> memref<16x8x128xf32, #tpu.memory_space<vmem>>
      %gather3A_2000 = tpu.vector_load_idx %gather3A_1999[%iota3A, %broadcast_in_dim3A_1993, %and3A_1847] : memref<16x8x128xf32, #tpu.memory_space<vmem>>[vector<16xi32>, vector<16xi32>, vector<16xi32>], vector<16xf32>,
      %gather3A_2001 = arith.constant 0 : i32
      %gather3A_2002 = arith.constant 0 : i32
      %gather3A_2003 = arith.constant 0 : i32
      %gather3A_2004 = arith.constant 0 : i32
      %gather3A_2005 = tpu.memref_slice %arg10[%gather3A_2001, %gather3A_2002, %gather3A_2003, %gather3A_2004] : memref<2x16x8x128xf32, #tpu.memory_space<vmem>> -> memref<1x16x8x128xf32, #tpu.memory_space<vmem>>
      %gather3A_2006 = tpu.memref_squeeze %gather3A_2005 : memref<1x16x8x128xf32, #tpu.memory_space<vmem>> -> memref<16x8x128xf32, #tpu.memory_space<vmem>>
      %gather3A_2007 = tpu.vector_load_idx %gather3A_2006[%iota3A, %broadcast_in_dim3A_1993, %and3A_1850] : memref<16x8x128xf32, #tpu.memory_space<vmem>>[vector<16xi32>, vector<16xi32>, vector<16xi32>], vector<16xf32>,
      %add3A_2008 = arith.constant 3072 : i32
      %add3A_2009 = arith.addi %add3A_2008, %mul3A_1841 : i32
      %swap3A_2010 = arith.index_cast %add3A_2009 : i32 to index
      %swap3A_2011 = tpu.vector_load %arg11[%swap3A_2010] {strides = array<i32>} : memref<8192xf32, #tpu.memory_space<vmem>>, vector<16xf32>,
      tpu.vector_store %arg11[%swap3A_2010], %gather3A_2000 {strides = array<i32>} : memref<8192xf32, #tpu.memory_space<vmem>>, vector<16xf32>,
      %add3A_2012 = arith.constant 7168 : i32
      %add3A_2013 = arith.addi %add3A_2012, %mul3A_1841 : i32
      %swap3A_2014 = arith.index_cast %add3A_2013 : i32 to index
      %swap3A_2015 = tpu.vector_load %arg11[%swap3A_2014] {strides = array<i32>} : memref<8192xf32, #tpu.memory_space<vmem>>, vector<16xf32>,
      tpu.vector_store %arg11[%swap3A_2014], %gather3A_2007 {strides = array<i32>} : memref<8192xf32, #tpu.memory_space<vmem>>, vector<16xf32>,
      %broadcast_in_dim3A_2016 = arith.constant 7 : i32
      %broadcast_in_dim3A_2017 = vector.broadcast %broadcast_in_dim3A_2016 : i32 to vector<16xi32>
      %gather3A_2018 = arith.constant 0 : i32
      %gather3A_2019 = arith.constant 0 : i32
      %gather3A_2020 = arith.constant 0 : i32
      %gather3A_2021 = arith.constant 0 : i32
      %gather3A_2022 = tpu.memref_slice %arg9[%gather3A_2018, %gather3A_2019, %gather3A_2020, %gather3A_2021] : memref<2x16x8x128xf32, #tpu.memory_space<vmem>> -> memref<1x16x8x128xf32, #tpu.memory_space<vmem>>
      %gather3A_2023 = tpu.memref_squeeze %gather3A_2022 : memref<1x16x8x128xf32, #tpu.memory_space<vmem>> -> memref<16x8x128xf32, #tpu.memory_space<vmem>>
      %gather3A_2024 = tpu.vector_load_idx %gather3A_2023[%iota3A, %broadcast_in_dim3A_2017, %and3A_1847] : memref<16x8x128xf32, #tpu.memory_space<vmem>>[vector<16xi32>, vector<16xi32>, vector<16xi32>], vector<16xf32>,
      %gather3A_2025 = arith.constant 0 : i32
      %gather3A_2026 = arith.constant 0 : i32
      %gather3A_2027 = arith.constant 0 : i32
      %gather3A_2028 = arith.constant 0 : i32
      %gather3A_2029 = tpu.memref_slice %arg10[%gather3A_2025, %gather3A_2026, %gather3A_2027, %gather3A_2028] : memref<2x16x8x128xf32, #tpu.memory_space<vmem>> -> memref<1x16x8x128xf32, #tpu.memory_space<vmem>>
      %gather3A_2030 = tpu.memref_squeeze %gather3A_2029 : memref<1x16x8x128xf32, #tpu.memory_space<vmem>> -> memref<16x8x128xf32, #tpu.memory_space<vmem>>
      %gather3A_2031 = tpu.vector_load_idx %gather3A_2030[%iota3A, %broadcast_in_dim3A_2017, %and3A_1850] : memref<16x8x128xf32, #tpu.memory_space<vmem>>[vector<16xi32>, vector<16xi32>, vector<16xi32>], vector<16xf32>,
      %add3A_2032 = arith.constant 3584 : i32
      %add3A_2033 = arith.addi %add3A_2032, %mul3A_1841 : i32
      %swap3A_2034 = arith.index_cast %add3A_2033 : i32 to index
      %swap3A_2035 = tpu.vector_load %arg11[%swap3A_2034] {strides = array<i32>} : memref<8192xf32, #tpu.memory_space<vmem>>, vector<16xf32>,
      tpu.vector_store %arg11[%swap3A_2034], %gather3A_2024 {strides = array<i32>} : memref<8192xf32, #tpu.memory_space<vmem>>, vector<16xf32>,
      %add3A_2036 = arith.constant 7680 : i32
      %add3A_2037 = arith.addi %add3A_2036, %mul3A_1841 : i32
      %swap3A_2038 = arith.index_cast %add3A_2037 : i32 to index
      %swap3A_2039 = tpu.vector_load %arg11[%swap3A_2038] {strides = array<i32>} : memref<8192xf32, #tpu.memory_space<vmem>>, vector<16xf32>,
      tpu.vector_store %arg11[%swap3A_2038], %gather3A_2031 {strides = array<i32>} : memref<8192xf32, #tpu.memory_space<vmem>>, vector<16xf32>,
      %add3A_2040 = arith.constant 2 : i32
      %add3A_2041 = arith.addi %mul3A_680, %add3A_2040 : i32
      %lt3A = arith.constant 32 : i32
      %lt3A_2042 = arith.cmpi slt, %add3A_2041, %lt3A : i32
      %convert_element_type3A = arith.extui %lt3A_2042 : i1 to i32
      %cond3A = arith.constant 0 : i32
      %cond3A_2043 = arith.cmpi ne, %convert_element_type3A, %cond3A : i32
      scf.if %cond3A_2043 {
        %add3A_2762 = arith.constant 2 : i32
        %add3A_2763 = arith.addi %mul3A_680, %add3A_2762 : i32
        %mul3A_2764 = arith.constant 16 : i32
        %mul3A_2765 = arith.muli %add3A_2763, %mul3A_2764 : i32
        %get3A_2766 = arith.index_cast %mul3A_2765 : i32 to index
        %get3A_2767 = tpu.vector_load %arg7[%get3A_2766] {strides = array<i32>} : memref<512xi32, #tpu.memory_space<vmem>>, vector<16xi32>,
        %get3A_2768 = arith.index_cast %mul3A_2765 : i32 to index
        %get3A_2769 = tpu.vector_load %arg8[%get3A_2768] {strides = array<i32>} : memref<512xi32, #tpu.memory_space<vmem>>, vector<16xi32>,
        %slice3A_2770 = vector.extract_strided_slice %get3A_2767 {offsets = [0], sizes = [1], strides = [1]} : vector<16xi32> to vector<1xi32>
        %squeeze3A_2771 = vector.extract %slice3A_2770[0] : i32 from vector<1xi32>
        %shift_right_logical3A_2772 = arith.constant 7 : i32
        %shift_right_logical3A_2773 = arith.shrui %squeeze3A_2771, %shift_right_logical3A_2772 : i32
        %mul3A_2774 = arith.constant 128 : i32
        %mul3A_2775 = arith.muli %shift_right_logical3A_2773, %mul3A_2774 : i32
        %slice3A_2776 = vector.extract_strided_slice %get3A_2769 {offsets = [0], sizes = [1], strides = [1]} : vector<16xi32> to vector<1xi32>
        %squeeze3A_2777 = vector.extract %slice3A_2776[0] : i32 from vector<1xi32>
        %shift_right_logical3A_2778 = arith.constant 7 : i32
        %shift_right_logical3A_2779 = arith.shrui %squeeze3A_2777, %shift_right_logical3A_2778 : i32
        %mul3A_2780 = arith.constant 128 : i32
        %mul3A_2781 = arith.muli %shift_right_logical3A_2779, %mul3A_2780 : i32
        %dma_start3A_2782 = arith.constant 0 : i32
        %dma_start3A_2783 = arith.constant 0 : i32
        %dma_start3A_2784 = arith.constant 0 : i32
        %dma_start3A_2785 = arith.constant 0 : i32
        %dma_start3A_2786 = tpu.memref_slice %arg9[%dma_start3A_2782, %dma_start3A_2783, %dma_start3A_2784, %dma_start3A_2785] : memref<2x16x8x128xf32, #tpu.memory_space<vmem>> -> memref<1x1x8x128xf32, #tpu.memory_space<vmem>>
        %dma_start3A_2787 = tpu.memref_squeeze %dma_start3A_2786 : memref<1x1x8x128xf32, #tpu.memory_space<vmem>> -> memref<8x128xf32, #tpu.memory_space<vmem>>
        %dma_start3A_2788 = arith.constant 0 : i32
        %dma_start3A_2789 = tpu.memref_slice %arg2[%dma_start3A_2788, %mul3A_2775] : memref<8x1000000xf32, #tpu.memory_space<hbm>> -> memref<8x128xf32, #tpu.memory_space<hbm>>
        %dma_start3A_2790 = arith.constant 0 : i32
        %dma_start3A_2791 = arith.constant 0 : i32
        %dma_start3A_2792 = tpu.memref_slice %arg9[%dma_start3A_2782, %dma_start3A_2783, %dma_start3A_2790, %dma_start3A_2791] : memref<2x16x8x128xf32, #tpu.memory_space<vmem>> -> memref<1x1x8x128xf32, #tpu.memory_space<vmem>>
        %dma_start3A_2793 = tpu.memref_squeeze %dma_start3A_2792 : memref<1x1x8x128xf32, #tpu.memory_space<vmem>> -> memref<8x128xf32, #tpu.memory_space<vmem>>
        %dma_start3A_2794 = arith.constant 0 : i32
        %dma_start3A_2795 = tpu.memref_slice %arg2[%dma_start3A_2794, %mul3A_2775] : memref<8x1000000xf32, #tpu.memory_space<hbm>> -> memref<8x128xf32, #tpu.memory_space<hbm>>
        tpu.enqueue_dma source(%dma_start3A_2795 : memref<8x128xf32, #tpu.memory_space<hbm>>) target(%dma_start3A_2793 : memref<8x128xf32, #tpu.memory_space<vmem>>) target_semaphore(%arg12 : memref<!tpu.dma_semaphore, #tpu.memory_space<semaphore_mem>>)
        %dma_start3A_2796 = arith.constant 0 : i32
        %dma_start3A_2797 = arith.constant 0 : i32
        %dma_start3A_2798 = arith.constant 0 : i32
        %dma_start3A_2799 = arith.constant 0 : i32
        %dma_start3A_2800 = tpu.memref_slice %arg10[%dma_start3A_2796, %dma_start3A_2797, %dma_start3A_2798, %dma_start3A_2799] : memref<2x16x8x128xf32, #tpu.memory_space<vmem>> -> memref<1x1x8x128xf32, #tpu.memory_space<vmem>>
        %dma_start3A_2801 = tpu.memref_squeeze %dma_start3A_2800 : memref<1x1x8x128xf32, #tpu.memory_space<vmem>> -> memref<8x128xf32, #tpu.memory_space<vmem>>
        %dma_start3A_2802 = arith.constant 0 : i32
        %dma_start3A_2803 = tpu.memref_slice %arg4[%dma_start3A_2802, %mul3A_2781] : memref<8x1000000xf32, #tpu.memory_space<hbm>> -> memref<8x128xf32, #tpu.memory_space<hbm>>
        %dma_start3A_2804 = arith.constant 0 : i32
        %dma_start3A_2805 = arith.constant 0 : i32
        %dma_start3A_2806 = tpu.memref_slice %arg10[%dma_start3A_2796, %dma_start3A_2797, %dma_start3A_2804, %dma_start3A_2805] : memref<2x16x8x128xf32, #tpu.memory_space<vmem>> -> memref<1x1x8x128xf32, #tpu.memory_space<vmem>>
        %dma_start3A_2807 = tpu.memref_squeeze %dma_start3A_2806 : memref<1x1x8x128xf32, #tpu.memory_space<vmem>> -> memref<8x128xf32, #tpu.memory_space<vmem>>
        %dma_start3A_2808 = arith.constant 0 : i32
        %dma_start3A_2809 = tpu.memref_slice %arg4[%dma_start3A_2808, %mul3A_2781] : memref<8x1000000xf32, #tpu.memory_space<hbm>> -> memref<8x128xf32, #tpu.memory_space<hbm>>
        tpu.enqueue_dma source(%dma_start3A_2809 : memref<8x128xf32, #tpu.memory_space<hbm>>) target(%dma_start3A_2807 : memref<8x128xf32, #tpu.memory_space<vmem>>) target_semaphore(%arg13 : memref<!tpu.dma_semaphore, #tpu.memory_space<semaphore_mem>>)
        %slice3A_2810 = vector.extract_strided_slice %get3A_2767 {offsets = [1], sizes = [1], strides = [1]} : vector<16xi32> to vector<1xi32>
        %squeeze3A_2811 = vector.extract %slice3A_2810[0] : i32 from vector<1xi32>
        %shift_right_logical3A_2812 = arith.constant 7 : i32
        %shift_right_logical3A_2813 = arith.shrui %squeeze3A_2811, %shift_right_logical3A_2812 : i32
        %mul3A_2814 = arith.constant 128 : i32
        %mul3A_2815 = arith.muli %shift_right_logical3A_2813, %mul3A_2814 : i32
        %slice3A_2816 = vector.extract_strided_slice %get3A_2769 {offsets = [1], sizes = [1], strides = [1]} : vector<16xi32> to vector<1xi32>
        %squeeze3A_2817 = vector.extract %slice3A_2816[0] : i32 from vector<1xi32>
        %shift_right_logical3A_2818 = arith.constant 7 : i32
        %shift_right_logical3A_2819 = arith.shrui %squeeze3A_2817, %shift_right_logical3A_2818 : i32
        %mul3A_2820 = arith.constant 128 : i32
        %mul3A_2821 = arith.muli %shift_right_logical3A_2819, %mul3A_2820 : i32
        %dma_start3A_2822 = arith.constant 0 : i32
        %dma_start3A_2823 = arith.constant 1 : i32
        %dma_start3A_2824 = arith.constant 0 : i32
        %dma_start3A_2825 = arith.constant 0 : i32
        %dma_start3A_2826 = tpu.memref_slice %arg9[%dma_start3A_2822, %dma_start3A_2823, %dma_start3A_2824, %dma_start3A_2825] : memref<2x16x8x128xf32, #tpu.memory_space<vmem>> -> memref<1x1x8x128xf32, #tpu.memory_space<vmem>>
        %dma_start3A_2827 = tpu.memref_squeeze %dma_start3A_2826 : memref<1x1x8x128xf32, #tpu.memory_space<vmem>> -> memref<8x128xf32, #tpu.memory_space<vmem>>
        %dma_start3A_2828 = arith.constant 0 : i32
        %dma_start3A_2829 = tpu.memref_slice %arg2[%dma_start3A_2828, %mul3A_2815] : memref<8x1000000xf32, #tpu.memory_space<hbm>> -> memref<8x128xf32, #tpu.memory_space<hbm>>
        %dma_start3A_2830 = arith.constant 0 : i32
        %dma_start3A_2831 = arith.constant 0 : i32
        %dma_start3A_2832 = tpu.memref_slice %arg9[%dma_start3A_2822, %dma_start3A_2823, %dma_start3A_2830, %dma_start3A_2831] : memref<2x16x8x128xf32, #tpu.memory_space<vmem>> -> memref<1x1x8x128xf32, #tpu.memory_space<vmem>>
        %dma_start3A_2833 = tpu.memref_squeeze %dma_start3A_2832 : memref<1x1x8x128xf32, #tpu.memory_space<vmem>> -> memref<8x128xf32, #tpu.memory_space<vmem>>
        %dma_start3A_2834 = arith.constant 0 : i32
        %dma_start3A_2835 = tpu.memref_slice %arg2[%dma_start3A_2834, %mul3A_2815] : memref<8x1000000xf32, #tpu.memory_space<hbm>> -> memref<8x128xf32, #tpu.memory_space<hbm>>
        tpu.enqueue_dma source(%dma_start3A_2835 : memref<8x128xf32, #tpu.memory_space<hbm>>) target(%dma_start3A_2833 : memref<8x128xf32, #tpu.memory_space<vmem>>) target_semaphore(%arg12 : memref<!tpu.dma_semaphore, #tpu.memory_space<semaphore_mem>>)
        %dma_start3A_2836 = arith.constant 0 : i32
        %dma_start3A_2837 = arith.constant 1 : i32
        %dma_start3A_2838 = arith.constant 0 : i32
        %dma_start3A_2839 = arith.constant 0 : i32
        %dma_start3A_2840 = tpu.memref_slice %arg10[%dma_start3A_2836, %dma_start3A_2837, %dma_start3A_2838, %dma_start3A_2839] : memref<2x16x8x128xf32, #tpu.memory_space<vmem>> -> memref<1x1x8x128xf32, #tpu.memory_space<vmem>>
        %dma_start3A_2841 = tpu.memref_squeeze %dma_start3A_2840 : memref<1x1x8x128xf32, #tpu.memory_space<vmem>> -> memref<8x128xf32, #tpu.memory_space<vmem>>
        %dma_start3A_2842 = arith.constant 0 : i32
        %dma_start3A_2843 = tpu.memref_slice %arg4[%dma_start3A_2842, %mul3A_2821] : memref<8x1000000xf32, #tpu.memory_space<hbm>> -> memref<8x128xf32, #tpu.memory_space<hbm>>
        %dma_start3A_2844 = arith.constant 0 : i32
        %dma_start3A_2845 = arith.constant 0 : i32
        %dma_start3A_2846 = tpu.memref_slice %arg10[%dma_start3A_2836, %dma_start3A_2837, %dma_start3A_2844, %dma_start3A_2845] : memref<2x16x8x128xf32, #tpu.memory_space<vmem>> -> memref<1x1x8x128xf32, #tpu.memory_space<vmem>>
        %dma_start3A_2847 = tpu.memref_squeeze %dma_start3A_2846 : memref<1x1x8x128xf32, #tpu.memory_space<vmem>> -> memref<8x128xf32, #tpu.memory_space<vmem>>
        %dma_start3A_2848 = arith.constant 0 : i32
        %dma_start3A_2849 = tpu.memref_slice %arg4[%dma_start3A_2848, %mul3A_2821] : memref<8x1000000xf32, #tpu.memory_space<hbm>> -> memref<8x128xf32, #tpu.memory_space<hbm>>
        tpu.enqueue_dma source(%dma_start3A_2849 : memref<8x128xf32, #tpu.memory_space<hbm>>) target(%dma_start3A_2847 : memref<8x128xf32, #tpu.memory_space<vmem>>) target_semaphore(%arg13 : memref<!tpu.dma_semaphore, #tpu.memory_space<semaphore_mem>>)
        %slice3A_2850 = vector.extract_strided_slice %get3A_2767 {offsets = [2], sizes = [1], strides = [1]} : vector<16xi32> to vector<1xi32>
        %squeeze3A_2851 = vector.extract %slice3A_2850[0] : i32 from vector<1xi32>
        %shift_right_logical3A_2852 = arith.constant 7 : i32
        %shift_right_logical3A_2853 = arith.shrui %squeeze3A_2851, %shift_right_logical3A_2852 : i32
        %mul3A_2854 = arith.constant 128 : i32
        %mul3A_2855 = arith.muli %shift_right_logical3A_2853, %mul3A_2854 : i32
        %slice3A_2856 = vector.extract_strided_slice %get3A_2769 {offsets = [2], sizes = [1], strides = [1]} : vector<16xi32> to vector<1xi32>
        %squeeze3A_2857 = vector.extract %slice3A_2856[0] : i32 from vector<1xi32>
        %shift_right_logical3A_2858 = arith.constant 7 : i32
        %shift_right_logical3A_2859 = arith.shrui %squeeze3A_2857, %shift_right_logical3A_2858 : i32
        %mul3A_2860 = arith.constant 128 : i32
        %mul3A_2861 = arith.muli %shift_right_logical3A_2859, %mul3A_2860 : i32
        %dma_start3A_2862 = arith.constant 0 : i32
        %dma_start3A_2863 = arith.constant 2 : i32
        %dma_start3A_2864 = arith.constant 0 : i32
        %dma_start3A_2865 = arith.constant 0 : i32
        %dma_start3A_2866 = tpu.memref_slice %arg9[%dma_start3A_2862, %dma_start3A_2863, %dma_start3A_2864, %dma_start3A_2865] : memref<2x16x8x128xf32, #tpu.memory_space<vmem>> -> memref<1x1x8x128xf32, #tpu.memory_space<vmem>>
        %dma_start3A_2867 = tpu.memref_squeeze %dma_start3A_2866 : memref<1x1x8x128xf32, #tpu.memory_space<vmem>> -> memref<8x128xf32, #tpu.memory_space<vmem>>
        %dma_start3A_2868 = arith.constant 0 : i32
        %dma_start3A_2869 = tpu.memref_slice %arg2[%dma_start3A_2868, %mul3A_2855] : memref<8x1000000xf32, #tpu.memory_space<hbm>> -> memref<8x128xf32, #tpu.memory_space<hbm>>
        %dma_start3A_2870 = arith.constant 0 : i32
        %dma_start3A_2871 = arith.constant 0 : i32
        %dma_start3A_2872 = tpu.memref_slice %arg9[%dma_start3A_2862, %dma_start3A_2863, %dma_start3A_2870, %dma_start3A_2871] : memref<2x16x8x128xf32, #tpu.memory_space<vmem>> -> memref<1x1x8x128xf32, #tpu.memory_space<vmem>>
        %dma_start3A_2873 = tpu.memref_squeeze %dma_start3A_2872 : memref<1x1x8x128xf32, #tpu.memory_space<vmem>> -> memref<8x128xf32, #tpu.memory_space<vmem>>
        %dma_start3A_2874 = arith.constant 0 : i32
        %dma_start3A_2875 = tpu.memref_slice %arg2[%dma_start3A_2874, %mul3A_2855] : memref<8x1000000xf32, #tpu.memory_space<hbm>> -> memref<8x128xf32, #tpu.memory_space<hbm>>
        tpu.enqueue_dma source(%dma_start3A_2875 : memref<8x128xf32, #tpu.memory_space<hbm>>) target(%dma_start3A_2873 : memref<8x128xf32, #tpu.memory_space<vmem>>) target_semaphore(%arg12 : memref<!tpu.dma_semaphore, #tpu.memory_space<semaphore_mem>>)
        %dma_start3A_2876 = arith.constant 0 : i32
        %dma_start3A_2877 = arith.constant 2 : i32
        %dma_start3A_2878 = arith.constant 0 : i32
        %dma_start3A_2879 = arith.constant 0 : i32
        %dma_start3A_2880 = tpu.memref_slice %arg10[%dma_start3A_2876, %dma_start3A_2877, %dma_start3A_2878, %dma_start3A_2879] : memref<2x16x8x128xf32, #tpu.memory_space<vmem>> -> memref<1x1x8x128xf32, #tpu.memory_space<vmem>>
        %dma_start3A_2881 = tpu.memref_squeeze %dma_start3A_2880 : memref<1x1x8x128xf32, #tpu.memory_space<vmem>> -> memref<8x128xf32, #tpu.memory_space<vmem>>
        %dma_start3A_2882 = arith.constant 0 : i32
        %dma_start3A_2883 = tpu.memref_slice %arg4[%dma_start3A_2882, %mul3A_2861] : memref<8x1000000xf32, #tpu.memory_space<hbm>> -> memref<8x128xf32, #tpu.memory_space<hbm>>
        %dma_start3A_2884 = arith.constant 0 : i32
        %dma_start3A_2885 = arith.constant 0 : i32
        %dma_start3A_2886 = tpu.memref_slice %arg10[%dma_start3A_2876, %dma_start3A_2877, %dma_start3A_2884, %dma_start3A_2885] : memref<2x16x8x128xf32, #tpu.memory_space<vmem>> -> memref<1x1x8x128xf32, #tpu.memory_space<vmem>>
        %dma_start3A_2887 = tpu.memref_squeeze %dma_start3A_2886 : memref<1x1x8x128xf32, #tpu.memory_space<vmem>> -> memref<8x128xf32, #tpu.memory_space<vmem>>
        %dma_start3A_2888 = arith.constant 0 : i32
        %dma_start3A_2889 = tpu.memref_slice %arg4[%dma_start3A_2888, %mul3A_2861] : memref<8x1000000xf32, #tpu.memory_space<hbm>> -> memref<8x128xf32, #tpu.memory_space<hbm>>
        tpu.enqueue_dma source(%dma_start3A_2889 : memref<8x128xf32, #tpu.memory_space<hbm>>) target(%dma_start3A_2887 : memref<8x128xf32, #tpu.memory_space<vmem>>) target_semaphore(%arg13 : memref<!tpu.dma_semaphore, #tpu.memory_space<semaphore_mem>>)
        %slice3A_2890 = vector.extract_strided_slice %get3A_2767 {offsets = [3], sizes = [1], strides = [1]} : vector<16xi32> to vector<1xi32>
        %squeeze3A_2891 = vector.extract %slice3A_2890[0] : i32 from vector<1xi32>
        %shift_right_logical3A_2892 = arith.constant 7 : i32
        %shift_right_logical3A_2893 = arith.shrui %squeeze3A_2891, %shift_right_logical3A_2892 : i32
        %mul3A_2894 = arith.constant 128 : i32
        %mul3A_2895 = arith.muli %shift_right_logical3A_2893, %mul3A_2894 : i32
        %slice3A_2896 = vector.extract_strided_slice %get3A_2769 {offsets = [3], sizes = [1], strides = [1]} : vector<16xi32> to vector<1xi32>
        %squeeze3A_2897 = vector.extract %slice3A_2896[0] : i32 from vector<1xi32>
        %shift_right_logical3A_2898 = arith.constant 7 : i32
        %shift_right_logical3A_2899 = arith.shrui %squeeze3A_2897, %shift_right_logical3A_2898 : i32
        %mul3A_2900 = arith.constant 128 : i32
        %mul3A_2901 = arith.muli %shift_right_logical3A_2899, %mul3A_2900 : i32
        %dma_start3A_2902 = arith.constant 0 : i32
        %dma_start3A_2903 = arith.constant 3 : i32
        %dma_start3A_2904 = arith.constant 0 : i32
        %dma_start3A_2905 = arith.constant 0 : i32
        %dma_start3A_2906 = tpu.memref_slice %arg9[%dma_start3A_2902, %dma_start3A_2903, %dma_start3A_2904, %dma_start3A_2905] : memref<2x16x8x128xf32, #tpu.memory_space<vmem>> -> memref<1x1x8x128xf32, #tpu.memory_space<vmem>>
        %dma_start3A_2907 = tpu.memref_squeeze %dma_start3A_2906 : memref<1x1x8x128xf32, #tpu.memory_space<vmem>> -> memref<8x128xf32, #tpu.memory_space<vmem>>
        %dma_start3A_2908 = arith.constant 0 : i32
        %dma_start3A_2909 = tpu.memref_slice %arg2[%dma_start3A_2908, %mul3A_2895] : memref<8x1000000xf32, #tpu.memory_space<hbm>> -> memref<8x128xf32, #tpu.memory_space<hbm>>
        %dma_start3A_2910 = arith.constant 0 : i32
        %dma_start3A_2911 = arith.constant 0 : i32
        %dma_start3A_2912 = tpu.memref_slice %arg9[%dma_start3A_2902, %dma_start3A_2903, %dma_start3A_2910, %dma_start3A_2911] : memref<2x16x8x128xf32, #tpu.memory_space<vmem>> -> memref<1x1x8x128xf32, #tpu.memory_space<vmem>>
        %dma_start3A_2913 = tpu.memref_squeeze %dma_start3A_2912 : memref<1x1x8x128xf32, #tpu.memory_space<vmem>> -> memref<8x128xf32, #tpu.memory_space<vmem>>
        %dma_start3A_2914 = arith.constant 0 : i32
        %dma_start3A_2915 = tpu.memref_slice %arg2[%dma_start3A_2914, %mul3A_2895] : memref<8x1000000xf32, #tpu.memory_space<hbm>> -> memref<8x128xf32, #tpu.memory_space<hbm>>
        tpu.enqueue_dma source(%dma_start3A_2915 : memref<8x128xf32, #tpu.memory_space<hbm>>) target(%dma_start3A_2913 : memref<8x128xf32, #tpu.memory_space<vmem>>) target_semaphore(%arg12 : memref<!tpu.dma_semaphore, #tpu.memory_space<semaphore_mem>>)
        %dma_start3A_2916 = arith.constant 0 : i32
        %dma_start3A_2917 = arith.constant 3 : i32
        %dma_start3A_2918 = arith.constant 0 : i32
        %dma_start3A_2919 = arith.constant 0 : i32
        %dma_start3A_2920 = tpu.memref_slice %arg10[%dma_start3A_2916, %dma_start3A_2917, %dma_start3A_2918, %dma_start3A_2919] : memref<2x16x8x128xf32, #tpu.memory_space<vmem>> -> memref<1x1x8x128xf32, #tpu.memory_space<vmem>>
        %dma_start3A_2921 = tpu.memref_squeeze %dma_start3A_2920 : memref<1x1x8x128xf32, #tpu.memory_space<vmem>> -> memref<8x128xf32, #tpu.memory_space<vmem>>
        %dma_start3A_2922 = arith.constant 0 : i32
        %dma_start3A_2923 = tpu.memref_slice %arg4[%dma_start3A_2922, %mul3A_2901] : memref<8x1000000xf32, #tpu.memory_space<hbm>> -> memref<8x128xf32, #tpu.memory_space<hbm>>
        %dma_start3A_2924 = arith.constant 0 : i32
        %dma_start3A_2925 = arith.constant 0 : i32
        %dma_start3A_2926 = tpu.memref_slice %arg10[%dma_start3A_2916, %dma_start3A_2917, %dma_start3A_2924, %dma_start3A_2925] : memref<2x16x8x128xf32, #tpu.memory_space<vmem>> -> memref<1x1x8x128xf32, #tpu.memory_space<vmem>>
        %dma_start3A_2927 = tpu.memref_squeeze %dma_start3A_2926 : memref<1x1x8x128xf32, #tpu.memory_space<vmem>> -> memref<8x128xf32, #tpu.memory_space<vmem>>
        %dma_start3A_2928 = arith.constant 0 : i32
        %dma_start3A_2929 = tpu.memref_slice %arg4[%dma_start3A_2928, %mul3A_2901] : memref<8x1000000xf32, #tpu.memory_space<hbm>> -> memref<8x128xf32, #tpu.memory_space<hbm>>
        tpu.enqueue_dma source(%dma_start3A_2929 : memref<8x128xf32, #tpu.memory_space<hbm>>) target(%dma_start3A_2927 : memref<8x128xf32, #tpu.memory_space<vmem>>) target_semaphore(%arg13 : memref<!tpu.dma_semaphore, #tpu.memory_space<semaphore_mem>>)
        %slice3A_2930 = vector.extract_strided_slice %get3A_2767 {offsets = [4], sizes = [1], strides = [1]} : vector<16xi32> to vector<1xi32>
        %squeeze3A_2931 = vector.extract %slice3A_2930[0] : i32 from vector<1xi32>
        %shift_right_logical3A_2932 = arith.constant 7 : i32
        %shift_right_logical3A_2933 = arith.shrui %squeeze3A_2931, %shift_right_logical3A_2932 : i32
        %mul3A_2934 = arith.constant 128 : i32
        %mul3A_2935 = arith.muli %shift_right_logical3A_2933, %mul3A_2934 : i32
        %slice3A_2936 = vector.extract_strided_slice %get3A_2769 {offsets = [4], sizes = [1], strides = [1]} : vector<16xi32> to vector<1xi32>
        %squeeze3A_2937 = vector.extract %slice3A_2936[0] : i32 from vector<1xi32>
        %shift_right_logical3A_2938 = arith.constant 7 : i32
        %shift_right_logical3A_2939 = arith.shrui %squeeze3A_2937, %shift_right_logical3A_2938 : i32
        %mul3A_2940 = arith.constant 128 : i32
        %mul3A_2941 = arith.muli %shift_right_logical3A_2939, %mul3A_2940 : i32
        %dma_start3A_2942 = arith.constant 0 : i32
        %dma_start3A_2943 = arith.constant 4 : i32
        %dma_start3A_2944 = arith.constant 0 : i32
        %dma_start3A_2945 = arith.constant 0 : i32
        %dma_start3A_2946 = tpu.memref_slice %arg9[%dma_start3A_2942, %dma_start3A_2943, %dma_start3A_2944, %dma_start3A_2945] : memref<2x16x8x128xf32, #tpu.memory_space<vmem>> -> memref<1x1x8x128xf32, #tpu.memory_space<vmem>>
        %dma_start3A_2947 = tpu.memref_squeeze %dma_start3A_2946 : memref<1x1x8x128xf32, #tpu.memory_space<vmem>> -> memref<8x128xf32, #tpu.memory_space<vmem>>
        %dma_start3A_2948 = arith.constant 0 : i32
        %dma_start3A_2949 = tpu.memref_slice %arg2[%dma_start3A_2948, %mul3A_2935] : memref<8x1000000xf32, #tpu.memory_space<hbm>> -> memref<8x128xf32, #tpu.memory_space<hbm>>
        %dma_start3A_2950 = arith.constant 0 : i32
        %dma_start3A_2951 = arith.constant 0 : i32
        %dma_start3A_2952 = tpu.memref_slice %arg9[%dma_start3A_2942, %dma_start3A_2943, %dma_start3A_2950, %dma_start3A_2951] : memref<2x16x8x128xf32, #tpu.memory_space<vmem>> -> memref<1x1x8x128xf32, #tpu.memory_space<vmem>>
        %dma_start3A_2953 = tpu.memref_squeeze %dma_start3A_2952 : memref<1x1x8x128xf32, #tpu.memory_space<vmem>> -> memref<8x128xf32, #tpu.memory_space<vmem>>
        %dma_start3A_2954 = arith.constant 0 : i32
        %dma_start3A_2955 = tpu.memref_slice %arg2[%dma_start3A_2954, %mul3A_2935] : memref<8x1000000xf32, #tpu.memory_space<hbm>> -> memref<8x128xf32, #tpu.memory_space<hbm>>
        tpu.enqueue_dma source(%dma_start3A_2955 : memref<8x128xf32, #tpu.memory_space<hbm>>) target(%dma_start3A_2953 : memref<8x128xf32, #tpu.memory_space<vmem>>) target_semaphore(%arg12 : memref<!tpu.dma_semaphore, #tpu.memory_space<semaphore_mem>>)
        %dma_start3A_2956 = arith.constant 0 : i32
        %dma_start3A_2957 = arith.constant 4 : i32
        %dma_start3A_2958 = arith.constant 0 : i32
        %dma_start3A_2959 = arith.constant 0 : i32
        %dma_start3A_2960 = tpu.memref_slice %arg10[%dma_start3A_2956, %dma_start3A_2957, %dma_start3A_2958, %dma_start3A_2959] : memref<2x16x8x128xf32, #tpu.memory_space<vmem>> -> memref<1x1x8x128xf32, #tpu.memory_space<vmem>>
        %dma_start3A_2961 = tpu.memref_squeeze %dma_start3A_2960 : memref<1x1x8x128xf32, #tpu.memory_space<vmem>> -> memref<8x128xf32, #tpu.memory_space<vmem>>
        %dma_start3A_2962 = arith.constant 0 : i32
        %dma_start3A_2963 = tpu.memref_slice %arg4[%dma_start3A_2962, %mul3A_2941] : memref<8x1000000xf32, #tpu.memory_space<hbm>> -> memref<8x128xf32, #tpu.memory_space<hbm>>
        %dma_start3A_2964 = arith.constant 0 : i32
        %dma_start3A_2965 = arith.constant 0 : i32
        %dma_start3A_2966 = tpu.memref_slice %arg10[%dma_start3A_2956, %dma_start3A_2957, %dma_start3A_2964, %dma_start3A_2965] : memref<2x16x8x128xf32, #tpu.memory_space<vmem>> -> memref<1x1x8x128xf32, #tpu.memory_space<vmem>>
        %dma_start3A_2967 = tpu.memref_squeeze %dma_start3A_2966 : memref<1x1x8x128xf32, #tpu.memory_space<vmem>> -> memref<8x128xf32, #tpu.memory_space<vmem>>
        %dma_start3A_2968 = arith.constant 0 : i32
        %dma_start3A_2969 = tpu.memref_slice %arg4[%dma_start3A_2968, %mul3A_2941] : memref<8x1000000xf32, #tpu.memory_space<hbm>> -> memref<8x128xf32, #tpu.memory_space<hbm>>
        tpu.enqueue_dma source(%dma_start3A_2969 : memref<8x128xf32, #tpu.memory_space<hbm>>) target(%dma_start3A_2967 : memref<8x128xf32, #tpu.memory_space<vmem>>) target_semaphore(%arg13 : memref<!tpu.dma_semaphore, #tpu.memory_space<semaphore_mem>>)
        %slice3A_2970 = vector.extract_strided_slice %get3A_2767 {offsets = [5], sizes = [1], strides = [1]} : vector<16xi32> to vector<1xi32>
        %squeeze3A_2971 = vector.extract %slice3A_2970[0] : i32 from vector<1xi32>
        %shift_right_logical3A_2972 = arith.constant 7 : i32
        %shift_right_logical3A_2973 = arith.shrui %squeeze3A_2971, %shift_right_logical3A_2972 : i32
        %mul3A_2974 = arith.constant 128 : i32
        %mul3A_2975 = arith.muli %shift_right_logical3A_2973, %mul3A_2974 : i32
        %slice3A_2976 = vector.extract_strided_slice %get3A_2769 {offsets = [5], sizes = [1], strides = [1]} : vector<16xi32> to vector<1xi32>
        %squeeze3A_2977 = vector.extract %slice3A_2976[0] : i32 from vector<1xi32>
        %shift_right_logical3A_2978 = arith.constant 7 : i32
        %shift_right_logical3A_2979 = arith.shrui %squeeze3A_2977, %shift_right_logical3A_2978 : i32
        %mul3A_2980 = arith.constant 128 : i32
        %mul3A_2981 = arith.muli %shift_right_logical3A_2979, %mul3A_2980 : i32
        %dma_start3A_2982 = arith.constant 0 : i32
        %dma_start3A_2983 = arith.constant 5 : i32
        %dma_start3A_2984 = arith.constant 0 : i32
        %dma_start3A_2985 = arith.constant 0 : i32
        %dma_start3A_2986 = tpu.memref_slice %arg9[%dma_start3A_2982, %dma_start3A_2983, %dma_start3A_2984, %dma_start3A_2985] : memref<2x16x8x128xf32, #tpu.memory_space<vmem>> -> memref<1x1x8x128xf32, #tpu.memory_space<vmem>>
        %dma_start3A_2987 = tpu.memref_squeeze %dma_start3A_2986 : memref<1x1x8x128xf32, #tpu.memory_space<vmem>> -> memref<8x128xf32, #tpu.memory_space<vmem>>
        %dma_start3A_2988 = arith.constant 0 : i32
        %dma_start3A_2989 = tpu.memref_slice %arg2[%dma_start3A_2988, %mul3A_2975] : memref<8x1000000xf32, #tpu.memory_space<hbm>> -> memref<8x128xf32, #tpu.memory_space<hbm>>
        %dma_start3A_2990 = arith.constant 0 : i32
        %dma_start3A_2991 = arith.constant 0 : i32
        %dma_start3A_2992 = tpu.memref_slice %arg9[%dma_start3A_2982, %dma_start3A_2983, %dma_start3A_2990, %dma_start3A_2991] : memref<2x16x8x128xf32, #tpu.memory_space<vmem>> -> memref<1x1x8x128xf32, #tpu.memory_space<vmem>>
        %dma_start3A_2993 = tpu.memref_squeeze %dma_start3A_2992 : memref<1x1x8x128xf32, #tpu.memory_space<vmem>> -> memref<8x128xf32, #tpu.memory_space<vmem>>
        %dma_start3A_2994 = arith.constant 0 : i32
        %dma_start3A_2995 = tpu.memref_slice %arg2[%dma_start3A_2994, %mul3A_2975] : memref<8x1000000xf32, #tpu.memory_space<hbm>> -> memref<8x128xf32, #tpu.memory_space<hbm>>
        tpu.enqueue_dma source(%dma_start3A_2995 : memref<8x128xf32, #tpu.memory_space<hbm>>) target(%dma_start3A_2993 : memref<8x128xf32, #tpu.memory_space<vmem>>) target_semaphore(%arg12 : memref<!tpu.dma_semaphore, #tpu.memory_space<semaphore_mem>>)
        %dma_start3A_2996 = arith.constant 0 : i32
        %dma_start3A_2997 = arith.constant 5 : i32
        %dma_start3A_2998 = arith.constant 0 : i32
        %dma_start3A_2999 = arith.constant 0 : i32
        %dma_start3A_3000 = tpu.memref_slice %arg10[%dma_start3A_2996, %dma_start3A_2997, %dma_start3A_2998, %dma_start3A_2999] : memref<2x16x8x128xf32, #tpu.memory_space<vmem>> -> memref<1x1x8x128xf32, #tpu.memory_space<vmem>>
        %dma_start3A_3001 = tpu.memref_squeeze %dma_start3A_3000 : memref<1x1x8x128xf32, #tpu.memory_space<vmem>> -> memref<8x128xf32, #tpu.memory_space<vmem>>
        %dma_start3A_3002 = arith.constant 0 : i32
        %dma_start3A_3003 = tpu.memref_slice %arg4[%dma_start3A_3002, %mul3A_2981] : memref<8x1000000xf32, #tpu.memory_space<hbm>> -> memref<8x128xf32, #tpu.memory_space<hbm>>
        %dma_start3A_3004 = arith.constant 0 : i32
        %dma_start3A_3005 = arith.constant 0 : i32
        %dma_start3A_3006 = tpu.memref_slice %arg10[%dma_start3A_2996, %dma_start3A_2997, %dma_start3A_3004, %dma_start3A_3005] : memref<2x16x8x128xf32, #tpu.memory_space<vmem>> -> memref<1x1x8x128xf32, #tpu.memory_space<vmem>>
        %dma_start3A_3007 = tpu.memref_squeeze %dma_start3A_3006 : memref<1x1x8x128xf32, #tpu.memory_space<vmem>> -> memref<8x128xf32, #tpu.memory_space<vmem>>
        %dma_start3A_3008 = arith.constant 0 : i32
        %dma_start3A_3009 = tpu.memref_slice %arg4[%dma_start3A_3008, %mul3A_2981] : memref<8x1000000xf32, #tpu.memory_space<hbm>> -> memref<8x128xf32, #tpu.memory_space<hbm>>
        tpu.enqueue_dma source(%dma_start3A_3009 : memref<8x128xf32, #tpu.memory_space<hbm>>) target(%dma_start3A_3007 : memref<8x128xf32, #tpu.memory_space<vmem>>) target_semaphore(%arg13 : memref<!tpu.dma_semaphore, #tpu.memory_space<semaphore_mem>>)
        %slice3A_3010 = vector.extract_strided_slice %get3A_2767 {offsets = [6], sizes = [1], strides = [1]} : vector<16xi32> to vector<1xi32>
        %squeeze3A_3011 = vector.extract %slice3A_3010[0] : i32 from vector<1xi32>
        %shift_right_logical3A_3012 = arith.constant 7 : i32
        %shift_right_logical3A_3013 = arith.shrui %squeeze3A_3011, %shift_right_logical3A_3012 : i32
        %mul3A_3014 = arith.constant 128 : i32
        %mul3A_3015 = arith.muli %shift_right_logical3A_3013, %mul3A_3014 : i32
        %slice3A_3016 = vector.extract_strided_slice %get3A_2769 {offsets = [6], sizes = [1], strides = [1]} : vector<16xi32> to vector<1xi32>
        %squeeze3A_3017 = vector.extract %slice3A_3016[0] : i32 from vector<1xi32>
        %shift_right_logical3A_3018 = arith.constant 7 : i32
        %shift_right_logical3A_3019 = arith.shrui %squeeze3A_3017, %shift_right_logical3A_3018 : i32
        %mul3A_3020 = arith.constant 128 : i32
        %mul3A_3021 = arith.muli %shift_right_logical3A_3019, %mul3A_3020 : i32
        %dma_start3A_3022 = arith.constant 0 : i32
        %dma_start3A_3023 = arith.constant 6 : i32
        %dma_start3A_3024 = arith.constant 0 : i32
        %dma_start3A_3025 = arith.constant 0 : i32
        %dma_start3A_3026 = tpu.memref_slice %arg9[%dma_start3A_3022, %dma_start3A_3023, %dma_start3A_3024, %dma_start3A_3025] : memref<2x16x8x128xf32, #tpu.memory_space<vmem>> -> memref<1x1x8x128xf32, #tpu.memory_space<vmem>>
        %dma_start3A_3027 = tpu.memref_squeeze %dma_start3A_3026 : memref<1x1x8x128xf32, #tpu.memory_space<vmem>> -> memref<8x128xf32, #tpu.memory_space<vmem>>
        %dma_start3A_3028 = arith.constant 0 : i32
        %dma_start3A_3029 = tpu.memref_slice %arg2[%dma_start3A_3028, %mul3A_3015] : memref<8x1000000xf32, #tpu.memory_space<hbm>> -> memref<8x128xf32, #tpu.memory_space<hbm>>
        %dma_start3A_3030 = arith.constant 0 : i32
        %dma_start3A_3031 = arith.constant 0 : i32
        %dma_start3A_3032 = tpu.memref_slice %arg9[%dma_start3A_3022, %dma_start3A_3023, %dma_start3A_3030, %dma_start3A_3031] : memref<2x16x8x128xf32, #tpu.memory_space<vmem>> -> memref<1x1x8x128xf32, #tpu.memory_space<vmem>>
        %dma_start3A_3033 = tpu.memref_squeeze %dma_start3A_3032 : memref<1x1x8x128xf32, #tpu.memory_space<vmem>> -> memref<8x128xf32, #tpu.memory_space<vmem>>
        %dma_start3A_3034 = arith.constant 0 : i32
        %dma_start3A_3035 = tpu.memref_slice %arg2[%dma_start3A_3034, %mul3A_3015] : memref<8x1000000xf32, #tpu.memory_space<hbm>> -> memref<8x128xf32, #tpu.memory_space<hbm>>
        tpu.enqueue_dma source(%dma_start3A_3035 : memref<8x128xf32, #tpu.memory_space<hbm>>) target(%dma_start3A_3033 : memref<8x128xf32, #tpu.memory_space<vmem>>) target_semaphore(%arg12 : memref<!tpu.dma_semaphore, #tpu.memory_space<semaphore_mem>>)
        %dma_start3A_3036 = arith.constant 0 : i32
        %dma_start3A_3037 = arith.constant 6 : i32
        %dma_start3A_3038 = arith.constant 0 : i32
        %dma_start3A_3039 = arith.constant 0 : i32
        %dma_start3A_3040 = tpu.memref_slice %arg10[%dma_start3A_3036, %dma_start3A_3037, %dma_start3A_3038, %dma_start3A_3039] : memref<2x16x8x128xf32, #tpu.memory_space<vmem>> -> memref<1x1x8x128xf32, #tpu.memory_space<vmem>>
        %dma_start3A_3041 = tpu.memref_squeeze %dma_start3A_3040 : memref<1x1x8x128xf32, #tpu.memory_space<vmem>> -> memref<8x128xf32, #tpu.memory_space<vmem>>
        %dma_start3A_3042 = arith.constant 0 : i32
        %dma_start3A_3043 = tpu.memref_slice %arg4[%dma_start3A_3042, %mul3A_3021] : memref<8x1000000xf32, #tpu.memory_space<hbm>> -> memref<8x128xf32, #tpu.memory_space<hbm>>
        %dma_start3A_3044 = arith.constant 0 : i32
        %dma_start3A_3045 = arith.constant 0 : i32
        %dma_start3A_3046 = tpu.memref_slice %arg10[%dma_start3A_3036, %dma_start3A_3037, %dma_start3A_3044, %dma_start3A_3045] : memref<2x16x8x128xf32, #tpu.memory_space<vmem>> -> memref<1x1x8x128xf32, #tpu.memory_space<vmem>>
        %dma_start3A_3047 = tpu.memref_squeeze %dma_start3A_3046 : memref<1x1x8x128xf32, #tpu.memory_space<vmem>> -> memref<8x128xf32, #tpu.memory_space<vmem>>
        %dma_start3A_3048 = arith.constant 0 : i32
        %dma_start3A_3049 = tpu.memref_slice %arg4[%dma_start3A_3048, %mul3A_3021] : memref<8x1000000xf32, #tpu.memory_space<hbm>> -> memref<8x128xf32, #tpu.memory_space<hbm>>
        tpu.enqueue_dma source(%dma_start3A_3049 : memref<8x128xf32, #tpu.memory_space<hbm>>) target(%dma_start3A_3047 : memref<8x128xf32, #tpu.memory_space<vmem>>) target_semaphore(%arg13 : memref<!tpu.dma_semaphore, #tpu.memory_space<semaphore_mem>>)
        %slice3A_3050 = vector.extract_strided_slice %get3A_2767 {offsets = [7], sizes = [1], strides = [1]} : vector<16xi32> to vector<1xi32>
        %squeeze3A_3051 = vector.extract %slice3A_3050[0] : i32 from vector<1xi32>
        %shift_right_logical3A_3052 = arith.constant 7 : i32
        %shift_right_logical3A_3053 = arith.shrui %squeeze3A_3051, %shift_right_logical3A_3052 : i32
        %mul3A_3054 = arith.constant 128 : i32
        %mul3A_3055 = arith.muli %shift_right_logical3A_3053, %mul3A_3054 : i32
        %slice3A_3056 = vector.extract_strided_slice %get3A_2769 {offsets = [7], sizes = [1], strides = [1]} : vector<16xi32> to vector<1xi32>
        %squeeze3A_3057 = vector.extract %slice3A_3056[0] : i32 from vector<1xi32>
        %shift_right_logical3A_3058 = arith.constant 7 : i32
        %shift_right_logical3A_3059 = arith.shrui %squeeze3A_3057, %shift_right_logical3A_3058 : i32
        %mul3A_3060 = arith.constant 128 : i32
        %mul3A_3061 = arith.muli %shift_right_logical3A_3059, %mul3A_3060 : i32
        %dma_start3A_3062 = arith.constant 0 : i32
        %dma_start3A_3063 = arith.constant 7 : i32
        %dma_start3A_3064 = arith.constant 0 : i32
        %dma_start3A_3065 = arith.constant 0 : i32
        %dma_start3A_3066 = tpu.memref_slice %arg9[%dma_start3A_3062, %dma_start3A_3063, %dma_start3A_3064, %dma_start3A_3065] : memref<2x16x8x128xf32, #tpu.memory_space<vmem>> -> memref<1x1x8x128xf32, #tpu.memory_space<vmem>>
        %dma_start3A_3067 = tpu.memref_squeeze %dma_start3A_3066 : memref<1x1x8x128xf32, #tpu.memory_space<vmem>> -> memref<8x128xf32, #tpu.memory_space<vmem>>
        %dma_start3A_3068 = arith.constant 0 : i32
        %dma_start3A_3069 = tpu.memref_slice %arg2[%dma_start3A_3068, %mul3A_3055] : memref<8x1000000xf32, #tpu.memory_space<hbm>> -> memref<8x128xf32, #tpu.memory_space<hbm>>
        %dma_start3A_3070 = arith.constant 0 : i32
        %dma_start3A_3071 = arith.constant 0 : i32
        %dma_start3A_3072 = tpu.memref_slice %arg9[%dma_start3A_3062, %dma_start3A_3063, %dma_start3A_3070, %dma_start3A_3071] : memref<2x16x8x128xf32, #tpu.memory_space<vmem>> -> memref<1x1x8x128xf32, #tpu.memory_space<vmem>>
        %dma_start3A_3073 = tpu.memref_squeeze %dma_start3A_3072 : memref<1x1x8x128xf32, #tpu.memory_space<vmem>> -> memref<8x128xf32, #tpu.memory_space<vmem>>
        %dma_start3A_3074 = arith.constant 0 : i32
        %dma_start3A_3075 = tpu.memref_slice %arg2[%dma_start3A_3074, %mul3A_3055] : memref<8x1000000xf32, #tpu.memory_space<hbm>> -> memref<8x128xf32, #tpu.memory_space<hbm>>
        tpu.enqueue_dma source(%dma_start3A_3075 : memref<8x128xf32, #tpu.memory_space<hbm>>) target(%dma_start3A_3073 : memref<8x128xf32, #tpu.memory_space<vmem>>) target_semaphore(%arg12 : memref<!tpu.dma_semaphore, #tpu.memory_space<semaphore_mem>>)
        %dma_start3A_3076 = arith.constant 0 : i32
        %dma_start3A_3077 = arith.constant 7 : i32
        %dma_start3A_3078 = arith.constant 0 : i32
        %dma_start3A_3079 = arith.constant 0 : i32
        %dma_start3A_3080 = tpu.memref_slice %arg10[%dma_start3A_3076, %dma_start3A_3077, %dma_start3A_3078, %dma_start3A_3079] : memref<2x16x8x128xf32, #tpu.memory_space<vmem>> -> memref<1x1x8x128xf32, #tpu.memory_space<vmem>>
        %dma_start3A_3081 = tpu.memref_squeeze %dma_start3A_3080 : memref<1x1x8x128xf32, #tpu.memory_space<vmem>> -> memref<8x128xf32, #tpu.memory_space<vmem>>
        %dma_start3A_3082 = arith.constant 0 : i32
        %dma_start3A_3083 = tpu.memref_slice %arg4[%dma_start3A_3082, %mul3A_3061] : memref<8x1000000xf32, #tpu.memory_space<hbm>> -> memref<8x128xf32, #tpu.memory_space<hbm>>
        %dma_start3A_3084 = arith.constant 0 : i32
        %dma_start3A_3085 = arith.constant 0 : i32
        %dma_start3A_3086 = tpu.memref_slice %arg10[%dma_start3A_3076, %dma_start3A_3077, %dma_start3A_3084, %dma_start3A_3085] : memref<2x16x8x128xf32, #tpu.memory_space<vmem>> -> memref<1x1x8x128xf32, #tpu.memory_space<vmem>>
        %dma_start3A_3087 = tpu.memref_squeeze %dma_start3A_3086 : memref<1x1x8x128xf32, #tpu.memory_space<vmem>> -> memref<8x128xf32, #tpu.memory_space<vmem>>
        %dma_start3A_3088 = arith.constant 0 : i32
        %dma_start3A_3089 = tpu.memref_slice %arg4[%dma_start3A_3088, %mul3A_3061] : memref<8x1000000xf32, #tpu.memory_space<hbm>> -> memref<8x128xf32, #tpu.memory_space<hbm>>
        tpu.enqueue_dma source(%dma_start3A_3089 : memref<8x128xf32, #tpu.memory_space<hbm>>) target(%dma_start3A_3087 : memref<8x128xf32, #tpu.memory_space<vmem>>) target_semaphore(%arg13 : memref<!tpu.dma_semaphore, #tpu.memory_space<semaphore_mem>>)
        %slice3A_3090 = vector.extract_strided_slice %get3A_2767 {offsets = [8], sizes = [1], strides = [1]} : vector<16xi32> to vector<1xi32>
        %squeeze3A_3091 = vector.extract %slice3A_3090[0] : i32 from vector<1xi32>
        %shift_right_logical3A_3092 = arith.constant 7 : i32
        %shift_right_logical3A_3093 = arith.shrui %squeeze3A_3091, %shift_right_logical3A_3092 : i32
        %mul3A_3094 = arith.constant 128 : i32
        %mul3A_3095 = arith.muli %shift_right_logical3A_3093, %mul3A_3094 : i32
        %slice3A_3096 = vector.extract_strided_slice %get3A_2769 {offsets = [8], sizes = [1], strides = [1]} : vector<16xi32> to vector<1xi32>
        %squeeze3A_3097 = vector.extract %slice3A_3096[0] : i32 from vector<1xi32>
        %shift_right_logical3A_3098 = arith.constant 7 : i32
        %shift_right_logical3A_3099 = arith.shrui %squeeze3A_3097, %shift_right_logical3A_3098 : i32
        %mul3A_3100 = arith.constant 128 : i32
        %mul3A_3101 = arith.muli %shift_right_logical3A_3099, %mul3A_3100 : i32
        %dma_start3A_3102 = arith.constant 0 : i32
        %dma_start3A_3103 = arith.constant 8 : i32
        %dma_start3A_3104 = arith.constant 0 : i32
        %dma_start3A_3105 = arith.constant 0 : i32
        %dma_start3A_3106 = tpu.memref_slice %arg9[%dma_start3A_3102, %dma_start3A_3103, %dma_start3A_3104, %dma_start3A_3105] : memref<2x16x8x128xf32, #tpu.memory_space<vmem>> -> memref<1x1x8x128xf32, #tpu.memory_space<vmem>>
        %dma_start3A_3107 = tpu.memref_squeeze %dma_start3A_3106 : memref<1x1x8x128xf32, #tpu.memory_space<vmem>> -> memref<8x128xf32, #tpu.memory_space<vmem>>
        %dma_start3A_3108 = arith.constant 0 : i32
        %dma_start3A_3109 = tpu.memref_slice %arg2[%dma_start3A_3108, %mul3A_3095] : memref<8x1000000xf32, #tpu.memory_space<hbm>> -> memref<8x128xf32, #tpu.memory_space<hbm>>
        %dma_start3A_3110 = arith.constant 0 : i32
        %dma_start3A_3111 = arith.constant 0 : i32
        %dma_start3A_3112 = tpu.memref_slice %arg9[%dma_start3A_3102, %dma_start3A_3103, %dma_start3A_3110, %dma_start3A_3111] : memref<2x16x8x128xf32, #tpu.memory_space<vmem>> -> memref<1x1x8x128xf32, #tpu.memory_space<vmem>>
        %dma_start3A_3113 = tpu.memref_squeeze %dma_start3A_3112 : memref<1x1x8x128xf32, #tpu.memory_space<vmem>> -> memref<8x128xf32, #tpu.memory_space<vmem>>
        %dma_start3A_3114 = arith.constant 0 : i32
        %dma_start3A_3115 = tpu.memref_slice %arg2[%dma_start3A_3114, %mul3A_3095] : memref<8x1000000xf32, #tpu.memory_space<hbm>> -> memref<8x128xf32, #tpu.memory_space<hbm>>
        tpu.enqueue_dma source(%dma_start3A_3115 : memref<8x128xf32, #tpu.memory_space<hbm>>) target(%dma_start3A_3113 : memref<8x128xf32, #tpu.memory_space<vmem>>) target_semaphore(%arg12 : memref<!tpu.dma_semaphore, #tpu.memory_space<semaphore_mem>>)
        %dma_start3A_3116 = arith.constant 0 : i32
        %dma_start3A_3117 = arith.constant 8 : i32
        %dma_start3A_3118 = arith.constant 0 : i32
        %dma_start3A_3119 = arith.constant 0 : i32
        %dma_start3A_3120 = tpu.memref_slice %arg10[%dma_start3A_3116, %dma_start3A_3117, %dma_start3A_3118, %dma_start3A_3119] : memref<2x16x8x128xf32, #tpu.memory_space<vmem>> -> memref<1x1x8x128xf32, #tpu.memory_space<vmem>>
        %dma_start3A_3121 = tpu.memref_squeeze %dma_start3A_3120 : memref<1x1x8x128xf32, #tpu.memory_space<vmem>> -> memref<8x128xf32, #tpu.memory_space<vmem>>
        %dma_start3A_3122 = arith.constant 0 : i32
        %dma_start3A_3123 = tpu.memref_slice %arg4[%dma_start3A_3122, %mul3A_3101] : memref<8x1000000xf32, #tpu.memory_space<hbm>> -> memref<8x128xf32, #tpu.memory_space<hbm>>
        %dma_start3A_3124 = arith.constant 0 : i32
        %dma_start3A_3125 = arith.constant 0 : i32
        %dma_start3A_3126 = tpu.memref_slice %arg10[%dma_start3A_3116, %dma_start3A_3117, %dma_start3A_3124, %dma_start3A_3125] : memref<2x16x8x128xf32, #tpu.memory_space<vmem>> -> memref<1x1x8x128xf32, #tpu.memory_space<vmem>>
        %dma_start3A_3127 = tpu.memref_squeeze %dma_start3A_3126 : memref<1x1x8x128xf32, #tpu.memory_space<vmem>> -> memref<8x128xf32, #tpu.memory_space<vmem>>
        %dma_start3A_3128 = arith.constant 0 : i32
        %dma_start3A_3129 = tpu.memref_slice %arg4[%dma_start3A_3128, %mul3A_3101] : memref<8x1000000xf32, #tpu.memory_space<hbm>> -> memref<8x128xf32, #tpu.memory_space<hbm>>
        tpu.enqueue_dma source(%dma_start3A_3129 : memref<8x128xf32, #tpu.memory_space<hbm>>) target(%dma_start3A_3127 : memref<8x128xf32, #tpu.memory_space<vmem>>) target_semaphore(%arg13 : memref<!tpu.dma_semaphore, #tpu.memory_space<semaphore_mem>>)
        %slice3A_3130 = vector.extract_strided_slice %get3A_2767 {offsets = [9], sizes = [1], strides = [1]} : vector<16xi32> to vector<1xi32>
        %squeeze3A_3131 = vector.extract %slice3A_3130[0] : i32 from vector<1xi32>
        %shift_right_logical3A_3132 = arith.constant 7 : i32
        %shift_right_logical3A_3133 = arith.shrui %squeeze3A_3131, %shift_right_logical3A_3132 : i32
        %mul3A_3134 = arith.constant 128 : i32
        %mul3A_3135 = arith.muli %shift_right_logical3A_3133, %mul3A_3134 : i32
        %slice3A_3136 = vector.extract_strided_slice %get3A_2769 {offsets = [9], sizes = [1], strides = [1]} : vector<16xi32> to vector<1xi32>
        %squeeze3A_3137 = vector.extract %slice3A_3136[0] : i32 from vector<1xi32>
        %shift_right_logical3A_3138 = arith.constant 7 : i32
        %shift_right_logical3A_3139 = arith.shrui %squeeze3A_3137, %shift_right_logical3A_3138 : i32
        %mul3A_3140 = arith.constant 128 : i32
        %mul3A_3141 = arith.muli %shift_right_logical3A_3139, %mul3A_3140 : i32
        %dma_start3A_3142 = arith.constant 0 : i32
        %dma_start3A_3143 = arith.constant 9 : i32
        %dma_start3A_3144 = arith.constant 0 : i32
        %dma_start3A_3145 = arith.constant 0 : i32
        %dma_start3A_3146 = tpu.memref_slice %arg9[%dma_start3A_3142, %dma_start3A_3143, %dma_start3A_3144, %dma_start3A_3145] : memref<2x16x8x128xf32, #tpu.memory_space<vmem>> -> memref<1x1x8x128xf32, #tpu.memory_space<vmem>>
        %dma_start3A_3147 = tpu.memref_squeeze %dma_start3A_3146 : memref<1x1x8x128xf32, #tpu.memory_space<vmem>> -> memref<8x128xf32, #tpu.memory_space<vmem>>
        %dma_start3A_3148 = arith.constant 0 : i32
        %dma_start3A_3149 = tpu.memref_slice %arg2[%dma_start3A_3148, %mul3A_3135] : memref<8x1000000xf32, #tpu.memory_space<hbm>> -> memref<8x128xf32, #tpu.memory_space<hbm>>
        %dma_start3A_3150 = arith.constant 0 : i32
        %dma_start3A_3151 = arith.constant 0 : i32
        %dma_start3A_3152 = tpu.memref_slice %arg9[%dma_start3A_3142, %dma_start3A_3143, %dma_start3A_3150, %dma_start3A_3151] : memref<2x16x8x128xf32, #tpu.memory_space<vmem>> -> memref<1x1x8x128xf32, #tpu.memory_space<vmem>>
        %dma_start3A_3153 = tpu.memref_squeeze %dma_start3A_3152 : memref<1x1x8x128xf32, #tpu.memory_space<vmem>> -> memref<8x128xf32, #tpu.memory_space<vmem>>
        %dma_start3A_3154 = arith.constant 0 : i32
        %dma_start3A_3155 = tpu.memref_slice %arg2[%dma_start3A_3154, %mul3A_3135] : memref<8x1000000xf32, #tpu.memory_space<hbm>> -> memref<8x128xf32, #tpu.memory_space<hbm>>
        tpu.enqueue_dma source(%dma_start3A_3155 : memref<8x128xf32, #tpu.memory_space<hbm>>) target(%dma_start3A_3153 : memref<8x128xf32, #tpu.memory_space<vmem>>) target_semaphore(%arg12 : memref<!tpu.dma_semaphore, #tpu.memory_space<semaphore_mem>>)
        %dma_start3A_3156 = arith.constant 0 : i32
        %dma_start3A_3157 = arith.constant 9 : i32
        %dma_start3A_3158 = arith.constant 0 : i32
        %dma_start3A_3159 = arith.constant 0 : i32
        %dma_start3A_3160 = tpu.memref_slice %arg10[%dma_start3A_3156, %dma_start3A_3157, %dma_start3A_3158, %dma_start3A_3159] : memref<2x16x8x128xf32, #tpu.memory_space<vmem>> -> memref<1x1x8x128xf32, #tpu.memory_space<vmem>>
        %dma_start3A_3161 = tpu.memref_squeeze %dma_start3A_3160 : memref<1x1x8x128xf32, #tpu.memory_space<vmem>> -> memref<8x128xf32, #tpu.memory_space<vmem>>
        %dma_start3A_3162 = arith.constant 0 : i32
        %dma_start3A_3163 = tpu.memref_slice %arg4[%dma_start3A_3162, %mul3A_3141] : memref<8x1000000xf32, #tpu.memory_space<hbm>> -> memref<8x128xf32, #tpu.memory_space<hbm>>
        %dma_start3A_3164 = arith.constant 0 : i32
        %dma_start3A_3165 = arith.constant 0 : i32
        %dma_start3A_3166 = tpu.memref_slice %arg10[%dma_start3A_3156, %dma_start3A_3157, %dma_start3A_3164, %dma_start3A_3165] : memref<2x16x8x128xf32, #tpu.memory_space<vmem>> -> memref<1x1x8x128xf32, #tpu.memory_space<vmem>>
        %dma_start3A_3167 = tpu.memref_squeeze %dma_start3A_3166 : memref<1x1x8x128xf32, #tpu.memory_space<vmem>> -> memref<8x128xf32, #tpu.memory_space<vmem>>
        %dma_start3A_3168 = arith.constant 0 : i32
        %dma_start3A_3169 = tpu.memref_slice %arg4[%dma_start3A_3168, %mul3A_3141] : memref<8x1000000xf32, #tpu.memory_space<hbm>> -> memref<8x128xf32, #tpu.memory_space<hbm>>
        tpu.enqueue_dma source(%dma_start3A_3169 : memref<8x128xf32, #tpu.memory_space<hbm>>) target(%dma_start3A_3167 : memref<8x128xf32, #tpu.memory_space<vmem>>) target_semaphore(%arg13 : memref<!tpu.dma_semaphore, #tpu.memory_space<semaphore_mem>>)
        %slice3A_3170 = vector.extract_strided_slice %get3A_2767 {offsets = [10], sizes = [1], strides = [1]} : vector<16xi32> to vector<1xi32>
        %squeeze3A_3171 = vector.extract %slice3A_3170[0] : i32 from vector<1xi32>
        %shift_right_logical3A_3172 = arith.constant 7 : i32
        %shift_right_logical3A_3173 = arith.shrui %squeeze3A_3171, %shift_right_logical3A_3172 : i32
        %mul3A_3174 = arith.constant 128 : i32
        %mul3A_3175 = arith.muli %shift_right_logical3A_3173, %mul3A_3174 : i32
        %slice3A_3176 = vector.extract_strided_slice %get3A_2769 {offsets = [10], sizes = [1], strides = [1]} : vector<16xi32> to vector<1xi32>
        %squeeze3A_3177 = vector.extract %slice3A_3176[0] : i32 from vector<1xi32>
        %shift_right_logical3A_3178 = arith.constant 7 : i32
        %shift_right_logical3A_3179 = arith.shrui %squeeze3A_3177, %shift_right_logical3A_3178 : i32
        %mul3A_3180 = arith.constant 128 : i32
        %mul3A_3181 = arith.muli %shift_right_logical3A_3179, %mul3A_3180 : i32
        %dma_start3A_3182 = arith.constant 0 : i32
        %dma_start3A_3183 = arith.constant 10 : i32
        %dma_start3A_3184 = arith.constant 0 : i32
        %dma_start3A_3185 = arith.constant 0 : i32
        %dma_start3A_3186 = tpu.memref_slice %arg9[%dma_start3A_3182, %dma_start3A_3183, %dma_start3A_3184, %dma_start3A_3185] : memref<2x16x8x128xf32, #tpu.memory_space<vmem>> -> memref<1x1x8x128xf32, #tpu.memory_space<vmem>>
        %dma_start3A_3187 = tpu.memref_squeeze %dma_start3A_3186 : memref<1x1x8x128xf32, #tpu.memory_space<vmem>> -> memref<8x128xf32, #tpu.memory_space<vmem>>
        %dma_start3A_3188 = arith.constant 0 : i32
        %dma_start3A_3189 = tpu.memref_slice %arg2[%dma_start3A_3188, %mul3A_3175] : memref<8x1000000xf32, #tpu.memory_space<hbm>> -> memref<8x128xf32, #tpu.memory_space<hbm>>
        %dma_start3A_3190 = arith.constant 0 : i32
        %dma_start3A_3191 = arith.constant 0 : i32
        %dma_start3A_3192 = tpu.memref_slice %arg9[%dma_start3A_3182, %dma_start3A_3183, %dma_start3A_3190, %dma_start3A_3191] : memref<2x16x8x128xf32, #tpu.memory_space<vmem>> -> memref<1x1x8x128xf32, #tpu.memory_space<vmem>>
        %dma_start3A_3193 = tpu.memref_squeeze %dma_start3A_3192 : memref<1x1x8x128xf32, #tpu.memory_space<vmem>> -> memref<8x128xf32, #tpu.memory_space<vmem>>
        %dma_start3A_3194 = arith.constant 0 : i32
        %dma_start3A_3195 = tpu.memref_slice %arg2[%dma_start3A_3194, %mul3A_3175] : memref<8x1000000xf32, #tpu.memory_space<hbm>> -> memref<8x128xf32, #tpu.memory_space<hbm>>
        tpu.enqueue_dma source(%dma_start3A_3195 : memref<8x128xf32, #tpu.memory_space<hbm>>) target(%dma_start3A_3193 : memref<8x128xf32, #tpu.memory_space<vmem>>) target_semaphore(%arg12 : memref<!tpu.dma_semaphore, #tpu.memory_space<semaphore_mem>>)
        %dma_start3A_3196 = arith.constant 0 : i32
        %dma_start3A_3197 = arith.constant 10 : i32
        %dma_start3A_3198 = arith.constant 0 : i32
        %dma_start3A_3199 = arith.constant 0 : i32
        %dma_start3A_3200 = tpu.memref_slice %arg10[%dma_start3A_3196, %dma_start3A_3197, %dma_start3A_3198, %dma_start3A_3199] : memref<2x16x8x128xf32, #tpu.memory_space<vmem>> -> memref<1x1x8x128xf32, #tpu.memory_space<vmem>>
        %dma_start3A_3201 = tpu.memref_squeeze %dma_start3A_3200 : memref<1x1x8x128xf32, #tpu.memory_space<vmem>> -> memref<8x128xf32, #tpu.memory_space<vmem>>
        %dma_start3A_3202 = arith.constant 0 : i32
        %dma_start3A_3203 = tpu.memref_slice %arg4[%dma_start3A_3202, %mul3A_3181] : memref<8x1000000xf32, #tpu.memory_space<hbm>> -> memref<8x128xf32, #tpu.memory_space<hbm>>
        %dma_start3A_3204 = arith.constant 0 : i32
        %dma_start3A_3205 = arith.constant 0 : i32
        %dma_start3A_3206 = tpu.memref_slice %arg10[%dma_start3A_3196, %dma_start3A_3197, %dma_start3A_3204, %dma_start3A_3205] : memref<2x16x8x128xf32, #tpu.memory_space<vmem>> -> memref<1x1x8x128xf32, #tpu.memory_space<vmem>>
        %dma_start3A_3207 = tpu.memref_squeeze %dma_start3A_3206 : memref<1x1x8x128xf32, #tpu.memory_space<vmem>> -> memref<8x128xf32, #tpu.memory_space<vmem>>
        %dma_start3A_3208 = arith.constant 0 : i32
        %dma_start3A_3209 = tpu.memref_slice %arg4[%dma_start3A_3208, %mul3A_3181] : memref<8x1000000xf32, #tpu.memory_space<hbm>> -> memref<8x128xf32, #tpu.memory_space<hbm>>
        tpu.enqueue_dma source(%dma_start3A_3209 : memref<8x128xf32, #tpu.memory_space<hbm>>) target(%dma_start3A_3207 : memref<8x128xf32, #tpu.memory_space<vmem>>) target_semaphore(%arg13 : memref<!tpu.dma_semaphore, #tpu.memory_space<semaphore_mem>>)
        %slice3A_3210 = vector.extract_strided_slice %get3A_2767 {offsets = [11], sizes = [1], strides = [1]} : vector<16xi32> to vector<1xi32>
        %squeeze3A_3211 = vector.extract %slice3A_3210[0] : i32 from vector<1xi32>
        %shift_right_logical3A_3212 = arith.constant 7 : i32
        %shift_right_logical3A_3213 = arith.shrui %squeeze3A_3211, %shift_right_logical3A_3212 : i32
        %mul3A_3214 = arith.constant 128 : i32
        %mul3A_3215 = arith.muli %shift_right_logical3A_3213, %mul3A_3214 : i32
        %slice3A_3216 = vector.extract_strided_slice %get3A_2769 {offsets = [11], sizes = [1], strides = [1]} : vector<16xi32> to vector<1xi32>
        %squeeze3A_3217 = vector.extract %slice3A_3216[0] : i32 from vector<1xi32>
        %shift_right_logical3A_3218 = arith.constant 7 : i32
        %shift_right_logical3A_3219 = arith.shrui %squeeze3A_3217, %shift_right_logical3A_3218 : i32
        %mul3A_3220 = arith.constant 128 : i32
        %mul3A_3221 = arith.muli %shift_right_logical3A_3219, %mul3A_3220 : i32
        %dma_start3A_3222 = arith.constant 0 : i32
        %dma_start3A_3223 = arith.constant 11 : i32
        %dma_start3A_3224 = arith.constant 0 : i32
        %dma_start3A_3225 = arith.constant 0 : i32
        %dma_start3A_3226 = tpu.memref_slice %arg9[%dma_start3A_3222, %dma_start3A_3223, %dma_start3A_3224, %dma_start3A_3225] : memref<2x16x8x128xf32, #tpu.memory_space<vmem>> -> memref<1x1x8x128xf32, #tpu.memory_space<vmem>>
        %dma_start3A_3227 = tpu.memref_squeeze %dma_start3A_3226 : memref<1x1x8x128xf32, #tpu.memory_space<vmem>> -> memref<8x128xf32, #tpu.memory_space<vmem>>
        %dma_start3A_3228 = arith.constant 0 : i32
        %dma_start3A_3229 = tpu.memref_slice %arg2[%dma_start3A_3228, %mul3A_3215] : memref<8x1000000xf32, #tpu.memory_space<hbm>> -> memref<8x128xf32, #tpu.memory_space<hbm>>
        %dma_start3A_3230 = arith.constant 0 : i32
        %dma_start3A_3231 = arith.constant 0 : i32
        %dma_start3A_3232 = tpu.memref_slice %arg9[%dma_start3A_3222, %dma_start3A_3223, %dma_start3A_3230, %dma_start3A_3231] : memref<2x16x8x128xf32, #tpu.memory_space<vmem>> -> memref<1x1x8x128xf32, #tpu.memory_space<vmem>>
        %dma_start3A_3233 = tpu.memref_squeeze %dma_start3A_3232 : memref<1x1x8x128xf32, #tpu.memory_space<vmem>> -> memref<8x128xf32, #tpu.memory_space<vmem>>
        %dma_start3A_3234 = arith.constant 0 : i32
        %dma_start3A_3235 = tpu.memref_slice %arg2[%dma_start3A_3234, %mul3A_3215] : memref<8x1000000xf32, #tpu.memory_space<hbm>> -> memref<8x128xf32, #tpu.memory_space<hbm>>
        tpu.enqueue_dma source(%dma_start3A_3235 : memref<8x128xf32, #tpu.memory_space<hbm>>) target(%dma_start3A_3233 : memref<8x128xf32, #tpu.memory_space<vmem>>) target_semaphore(%arg12 : memref<!tpu.dma_semaphore, #tpu.memory_space<semaphore_mem>>)
        %dma_start3A_3236 = arith.constant 0 : i32
        %dma_start3A_3237 = arith.constant 11 : i32
        %dma_start3A_3238 = arith.constant 0 : i32
        %dma_start3A_3239 = arith.constant 0 : i32
        %dma_start3A_3240 = tpu.memref_slice %arg10[%dma_start3A_3236, %dma_start3A_3237, %dma_start3A_3238, %dma_start3A_3239] : memref<2x16x8x128xf32, #tpu.memory_space<vmem>> -> memref<1x1x8x128xf32, #tpu.memory_space<vmem>>
        %dma_start3A_3241 = tpu.memref_squeeze %dma_start3A_3240 : memref<1x1x8x128xf32, #tpu.memory_space<vmem>> -> memref<8x128xf32, #tpu.memory_space<vmem>>
        %dma_start3A_3242 = arith.constant 0 : i32
        %dma_start3A_3243 = tpu.memref_slice %arg4[%dma_start3A_3242, %mul3A_3221] : memref<8x1000000xf32, #tpu.memory_space<hbm>> -> memref<8x128xf32, #tpu.memory_space<hbm>>
        %dma_start3A_3244 = arith.constant 0 : i32
        %dma_start3A_3245 = arith.constant 0 : i32
        %dma_start3A_3246 = tpu.memref_slice %arg10[%dma_start3A_3236, %dma_start3A_3237, %dma_start3A_3244, %dma_start3A_3245] : memref<2x16x8x128xf32, #tpu.memory_space<vmem>> -> memref<1x1x8x128xf32, #tpu.memory_space<vmem>>
        %dma_start3A_3247 = tpu.memref_squeeze %dma_start3A_3246 : memref<1x1x8x128xf32, #tpu.memory_space<vmem>> -> memref<8x128xf32, #tpu.memory_space<vmem>>
        %dma_start3A_3248 = arith.constant 0 : i32
        %dma_start3A_3249 = tpu.memref_slice %arg4[%dma_start3A_3248, %mul3A_3221] : memref<8x1000000xf32, #tpu.memory_space<hbm>> -> memref<8x128xf32, #tpu.memory_space<hbm>>
        tpu.enqueue_dma source(%dma_start3A_3249 : memref<8x128xf32, #tpu.memory_space<hbm>>) target(%dma_start3A_3247 : memref<8x128xf32, #tpu.memory_space<vmem>>) target_semaphore(%arg13 : memref<!tpu.dma_semaphore, #tpu.memory_space<semaphore_mem>>)
        %slice3A_3250 = vector.extract_strided_slice %get3A_2767 {offsets = [12], sizes = [1], strides = [1]} : vector<16xi32> to vector<1xi32>
        %squeeze3A_3251 = vector.extract %slice3A_3250[0] : i32 from vector<1xi32>
        %shift_right_logical3A_3252 = arith.constant 7 : i32
        %shift_right_logical3A_3253 = arith.shrui %squeeze3A_3251, %shift_right_logical3A_3252 : i32
        %mul3A_3254 = arith.constant 128 : i32
        %mul3A_3255 = arith.muli %shift_right_logical3A_3253, %mul3A_3254 : i32
        %slice3A_3256 = vector.extract_strided_slice %get3A_2769 {offsets = [12], sizes = [1], strides = [1]} : vector<16xi32> to vector<1xi32>
        %squeeze3A_3257 = vector.extract %slice3A_3256[0] : i32 from vector<1xi32>
        %shift_right_logical3A_3258 = arith.constant 7 : i32
        %shift_right_logical3A_3259 = arith.shrui %squeeze3A_3257, %shift_right_logical3A_3258 : i32
        %mul3A_3260 = arith.constant 128 : i32
        %mul3A_3261 = arith.muli %shift_right_logical3A_3259, %mul3A_3260 : i32
        %dma_start3A_3262 = arith.constant 0 : i32
        %dma_start3A_3263 = arith.constant 12 : i32
        %dma_start3A_3264 = arith.constant 0 : i32
        %dma_start3A_3265 = arith.constant 0 : i32
        %dma_start3A_3266 = tpu.memref_slice %arg9[%dma_start3A_3262, %dma_start3A_3263, %dma_start3A_3264, %dma_start3A_3265] : memref<2x16x8x128xf32, #tpu.memory_space<vmem>> -> memref<1x1x8x128xf32, #tpu.memory_space<vmem>>
        %dma_start3A_3267 = tpu.memref_squeeze %dma_start3A_3266 : memref<1x1x8x128xf32, #tpu.memory_space<vmem>> -> memref<8x128xf32, #tpu.memory_space<vmem>>
        %dma_start3A_3268 = arith.constant 0 : i32
        %dma_start3A_3269 = tpu.memref_slice %arg2[%dma_start3A_3268, %mul3A_3255] : memref<8x1000000xf32, #tpu.memory_space<hbm>> -> memref<8x128xf32, #tpu.memory_space<hbm>>
        %dma_start3A_3270 = arith.constant 0 : i32
        %dma_start3A_3271 = arith.constant 0 : i32
        %dma_start3A_3272 = tpu.memref_slice %arg9[%dma_start3A_3262, %dma_start3A_3263, %dma_start3A_3270, %dma_start3A_3271] : memref<2x16x8x128xf32, #tpu.memory_space<vmem>> -> memref<1x1x8x128xf32, #tpu.memory_space<vmem>>
        %dma_start3A_3273 = tpu.memref_squeeze %dma_start3A_3272 : memref<1x1x8x128xf32, #tpu.memory_space<vmem>> -> memref<8x128xf32, #tpu.memory_space<vmem>>
        %dma_start3A_3274 = arith.constant 0 : i32
        %dma_start3A_3275 = tpu.memref_slice %arg2[%dma_start3A_3274, %mul3A_3255] : memref<8x1000000xf32, #tpu.memory_space<hbm>> -> memref<8x128xf32, #tpu.memory_space<hbm>>
        tpu.enqueue_dma source(%dma_start3A_3275 : memref<8x128xf32, #tpu.memory_space<hbm>>) target(%dma_start3A_3273 : memref<8x128xf32, #tpu.memory_space<vmem>>) target_semaphore(%arg12 : memref<!tpu.dma_semaphore, #tpu.memory_space<semaphore_mem>>)
        %dma_start3A_3276 = arith.constant 0 : i32
        %dma_start3A_3277 = arith.constant 12 : i32
        %dma_start3A_3278 = arith.constant 0 : i32
        %dma_start3A_3279 = arith.constant 0 : i32
        %dma_start3A_3280 = tpu.memref_slice %arg10[%dma_start3A_3276, %dma_start3A_3277, %dma_start3A_3278, %dma_start3A_3279] : memref<2x16x8x128xf32, #tpu.memory_space<vmem>> -> memref<1x1x8x128xf32, #tpu.memory_space<vmem>>
        %dma_start3A_3281 = tpu.memref_squeeze %dma_start3A_3280 : memref<1x1x8x128xf32, #tpu.memory_space<vmem>> -> memref<8x128xf32, #tpu.memory_space<vmem>>
        %dma_start3A_3282 = arith.constant 0 : i32
        %dma_start3A_3283 = tpu.memref_slice %arg4[%dma_start3A_3282, %mul3A_3261] : memref<8x1000000xf32, #tpu.memory_space<hbm>> -> memref<8x128xf32, #tpu.memory_space<hbm>>
        %dma_start3A_3284 = arith.constant 0 : i32
        %dma_start3A_3285 = arith.constant 0 : i32
        %dma_start3A_3286 = tpu.memref_slice %arg10[%dma_start3A_3276, %dma_start3A_3277, %dma_start3A_3284, %dma_start3A_3285] : memref<2x16x8x128xf32, #tpu.memory_space<vmem>> -> memref<1x1x8x128xf32, #tpu.memory_space<vmem>>
        %dma_start3A_3287 = tpu.memref_squeeze %dma_start3A_3286 : memref<1x1x8x128xf32, #tpu.memory_space<vmem>> -> memref<8x128xf32, #tpu.memory_space<vmem>>
        %dma_start3A_3288 = arith.constant 0 : i32
        %dma_start3A_3289 = tpu.memref_slice %arg4[%dma_start3A_3288, %mul3A_3261] : memref<8x1000000xf32, #tpu.memory_space<hbm>> -> memref<8x128xf32, #tpu.memory_space<hbm>>
        tpu.enqueue_dma source(%dma_start3A_3289 : memref<8x128xf32, #tpu.memory_space<hbm>>) target(%dma_start3A_3287 : memref<8x128xf32, #tpu.memory_space<vmem>>) target_semaphore(%arg13 : memref<!tpu.dma_semaphore, #tpu.memory_space<semaphore_mem>>)
        %slice3A_3290 = vector.extract_strided_slice %get3A_2767 {offsets = [13], sizes = [1], strides = [1]} : vector<16xi32> to vector<1xi32>
        %squeeze3A_3291 = vector.extract %slice3A_3290[0] : i32 from vector<1xi32>
        %shift_right_logical3A_3292 = arith.constant 7 : i32
        %shift_right_logical3A_3293 = arith.shrui %squeeze3A_3291, %shift_right_logical3A_3292 : i32
        %mul3A_3294 = arith.constant 128 : i32
        %mul3A_3295 = arith.muli %shift_right_logical3A_3293, %mul3A_3294 : i32
        %slice3A_3296 = vector.extract_strided_slice %get3A_2769 {offsets = [13], sizes = [1], strides = [1]} : vector<16xi32> to vector<1xi32>
        %squeeze3A_3297 = vector.extract %slice3A_3296[0] : i32 from vector<1xi32>
        %shift_right_logical3A_3298 = arith.constant 7 : i32
        %shift_right_logical3A_3299 = arith.shrui %squeeze3A_3297, %shift_right_logical3A_3298 : i32
        %mul3A_3300 = arith.constant 128 : i32
        %mul3A_3301 = arith.muli %shift_right_logical3A_3299, %mul3A_3300 : i32
        %dma_start3A_3302 = arith.constant 0 : i32
        %dma_start3A_3303 = arith.constant 13 : i32
        %dma_start3A_3304 = arith.constant 0 : i32
        %dma_start3A_3305 = arith.constant 0 : i32
        %dma_start3A_3306 = tpu.memref_slice %arg9[%dma_start3A_3302, %dma_start3A_3303, %dma_start3A_3304, %dma_start3A_3305] : memref<2x16x8x128xf32, #tpu.memory_space<vmem>> -> memref<1x1x8x128xf32, #tpu.memory_space<vmem>>
        %dma_start3A_3307 = tpu.memref_squeeze %dma_start3A_3306 : memref<1x1x8x128xf32, #tpu.memory_space<vmem>> -> memref<8x128xf32, #tpu.memory_space<vmem>>
        %dma_start3A_3308 = arith.constant 0 : i32
        %dma_start3A_3309 = tpu.memref_slice %arg2[%dma_start3A_3308, %mul3A_3295] : memref<8x1000000xf32, #tpu.memory_space<hbm>> -> memref<8x128xf32, #tpu.memory_space<hbm>>
        %dma_start3A_3310 = arith.constant 0 : i32
        %dma_start3A_3311 = arith.constant 0 : i32
        %dma_start3A_3312 = tpu.memref_slice %arg9[%dma_start3A_3302, %dma_start3A_3303, %dma_start3A_3310, %dma_start3A_3311] : memref<2x16x8x128xf32, #tpu.memory_space<vmem>> -> memref<1x1x8x128xf32, #tpu.memory_space<vmem>>
        %dma_start3A_3313 = tpu.memref_squeeze %dma_start3A_3312 : memref<1x1x8x128xf32, #tpu.memory_space<vmem>> -> memref<8x128xf32, #tpu.memory_space<vmem>>
        %dma_start3A_3314 = arith.constant 0 : i32
        %dma_start3A_3315 = tpu.memref_slice %arg2[%dma_start3A_3314, %mul3A_3295] : memref<8x1000000xf32, #tpu.memory_space<hbm>> -> memref<8x128xf32, #tpu.memory_space<hbm>>
        tpu.enqueue_dma source(%dma_start3A_3315 : memref<8x128xf32, #tpu.memory_space<hbm>>) target(%dma_start3A_3313 : memref<8x128xf32, #tpu.memory_space<vmem>>) target_semaphore(%arg12 : memref<!tpu.dma_semaphore, #tpu.memory_space<semaphore_mem>>)
        %dma_start3A_3316 = arith.constant 0 : i32
        %dma_start3A_3317 = arith.constant 13 : i32
        %dma_start3A_3318 = arith.constant 0 : i32
        %dma_start3A_3319 = arith.constant 0 : i32
        %dma_start3A_3320 = tpu.memref_slice %arg10[%dma_start3A_3316, %dma_start3A_3317, %dma_start3A_3318, %dma_start3A_3319] : memref<2x16x8x128xf32, #tpu.memory_space<vmem>> -> memref<1x1x8x128xf32, #tpu.memory_space<vmem>>
        %dma_start3A_3321 = tpu.memref_squeeze %dma_start3A_3320 : memref<1x1x8x128xf32, #tpu.memory_space<vmem>> -> memref<8x128xf32, #tpu.memory_space<vmem>>
        %dma_start3A_3322 = arith.constant 0 : i32
        %dma_start3A_3323 = tpu.memref_slice %arg4[%dma_start3A_3322, %mul3A_3301] : memref<8x1000000xf32, #tpu.memory_space<hbm>> -> memref<8x128xf32, #tpu.memory_space<hbm>>
        %dma_start3A_3324 = arith.constant 0 : i32
        %dma_start3A_3325 = arith.constant 0 : i32
        %dma_start3A_3326 = tpu.memref_slice %arg10[%dma_start3A_3316, %dma_start3A_3317, %dma_start3A_3324, %dma_start3A_3325] : memref<2x16x8x128xf32, #tpu.memory_space<vmem>> -> memref<1x1x8x128xf32, #tpu.memory_space<vmem>>
        %dma_start3A_3327 = tpu.memref_squeeze %dma_start3A_3326 : memref<1x1x8x128xf32, #tpu.memory_space<vmem>> -> memref<8x128xf32, #tpu.memory_space<vmem>>
        %dma_start3A_3328 = arith.constant 0 : i32
        %dma_start3A_3329 = tpu.memref_slice %arg4[%dma_start3A_3328, %mul3A_3301] : memref<8x1000000xf32, #tpu.memory_space<hbm>> -> memref<8x128xf32, #tpu.memory_space<hbm>>
        tpu.enqueue_dma source(%dma_start3A_3329 : memref<8x128xf32, #tpu.memory_space<hbm>>) target(%dma_start3A_3327 : memref<8x128xf32, #tpu.memory_space<vmem>>) target_semaphore(%arg13 : memref<!tpu.dma_semaphore, #tpu.memory_space<semaphore_mem>>)
        %slice3A_3330 = vector.extract_strided_slice %get3A_2767 {offsets = [14], sizes = [1], strides = [1]} : vector<16xi32> to vector<1xi32>
        %squeeze3A_3331 = vector.extract %slice3A_3330[0] : i32 from vector<1xi32>
        %shift_right_logical3A_3332 = arith.constant 7 : i32
        %shift_right_logical3A_3333 = arith.shrui %squeeze3A_3331, %shift_right_logical3A_3332 : i32
        %mul3A_3334 = arith.constant 128 : i32
        %mul3A_3335 = arith.muli %shift_right_logical3A_3333, %mul3A_3334 : i32
        %slice3A_3336 = vector.extract_strided_slice %get3A_2769 {offsets = [14], sizes = [1], strides = [1]} : vector<16xi32> to vector<1xi32>
        %squeeze3A_3337 = vector.extract %slice3A_3336[0] : i32 from vector<1xi32>
        %shift_right_logical3A_3338 = arith.constant 7 : i32
        %shift_right_logical3A_3339 = arith.shrui %squeeze3A_3337, %shift_right_logical3A_3338 : i32
        %mul3A_3340 = arith.constant 128 : i32
        %mul3A_3341 = arith.muli %shift_right_logical3A_3339, %mul3A_3340 : i32
        %dma_start3A_3342 = arith.constant 0 : i32
        %dma_start3A_3343 = arith.constant 14 : i32
        %dma_start3A_3344 = arith.constant 0 : i32
        %dma_start3A_3345 = arith.constant 0 : i32
        %dma_start3A_3346 = tpu.memref_slice %arg9[%dma_start3A_3342, %dma_start3A_3343, %dma_start3A_3344, %dma_start3A_3345] : memref<2x16x8x128xf32, #tpu.memory_space<vmem>> -> memref<1x1x8x128xf32, #tpu.memory_space<vmem>>
        %dma_start3A_3347 = tpu.memref_squeeze %dma_start3A_3346 : memref<1x1x8x128xf32, #tpu.memory_space<vmem>> -> memref<8x128xf32, #tpu.memory_space<vmem>>
        %dma_start3A_3348 = arith.constant 0 : i32
        %dma_start3A_3349 = tpu.memref_slice %arg2[%dma_start3A_3348, %mul3A_3335] : memref<8x1000000xf32, #tpu.memory_space<hbm>> -> memref<8x128xf32, #tpu.memory_space<hbm>>
        %dma_start3A_3350 = arith.constant 0 : i32
        %dma_start3A_3351 = arith.constant 0 : i32
        %dma_start3A_3352 = tpu.memref_slice %arg9[%dma_start3A_3342, %dma_start3A_3343, %dma_start3A_3350, %dma_start3A_3351] : memref<2x16x8x128xf32, #tpu.memory_space<vmem>> -> memref<1x1x8x128xf32, #tpu.memory_space<vmem>>
        %dma_start3A_3353 = tpu.memref_squeeze %dma_start3A_3352 : memref<1x1x8x128xf32, #tpu.memory_space<vmem>> -> memref<8x128xf32, #tpu.memory_space<vmem>>
        %dma_start3A_3354 = arith.constant 0 : i32
        %dma_start3A_3355 = tpu.memref_slice %arg2[%dma_start3A_3354, %mul3A_3335] : memref<8x1000000xf32, #tpu.memory_space<hbm>> -> memref<8x128xf32, #tpu.memory_space<hbm>>
        tpu.enqueue_dma source(%dma_start3A_3355 : memref<8x128xf32, #tpu.memory_space<hbm>>) target(%dma_start3A_3353 : memref<8x128xf32, #tpu.memory_space<vmem>>) target_semaphore(%arg12 : memref<!tpu.dma_semaphore, #tpu.memory_space<semaphore_mem>>)
        %dma_start3A_3356 = arith.constant 0 : i32
        %dma_start3A_3357 = arith.constant 14 : i32
        %dma_start3A_3358 = arith.constant 0 : i32
        %dma_start3A_3359 = arith.constant 0 : i32
        %dma_start3A_3360 = tpu.memref_slice %arg10[%dma_start3A_3356, %dma_start3A_3357, %dma_start3A_3358, %dma_start3A_3359] : memref<2x16x8x128xf32, #tpu.memory_space<vmem>> -> memref<1x1x8x128xf32, #tpu.memory_space<vmem>>
        %dma_start3A_3361 = tpu.memref_squeeze %dma_start3A_3360 : memref<1x1x8x128xf32, #tpu.memory_space<vmem>> -> memref<8x128xf32, #tpu.memory_space<vmem>>
        %dma_start3A_3362 = arith.constant 0 : i32
        %dma_start3A_3363 = tpu.memref_slice %arg4[%dma_start3A_3362, %mul3A_3341] : memref<8x1000000xf32, #tpu.memory_space<hbm>> -> memref<8x128xf32, #tpu.memory_space<hbm>>
        %dma_start3A_3364 = arith.constant 0 : i32
        %dma_start3A_3365 = arith.constant 0 : i32
        %dma_start3A_3366 = tpu.memref_slice %arg10[%dma_start3A_3356, %dma_start3A_3357, %dma_start3A_3364, %dma_start3A_3365] : memref<2x16x8x128xf32, #tpu.memory_space<vmem>> -> memref<1x1x8x128xf32, #tpu.memory_space<vmem>>
        %dma_start3A_3367 = tpu.memref_squeeze %dma_start3A_3366 : memref<1x1x8x128xf32, #tpu.memory_space<vmem>> -> memref<8x128xf32, #tpu.memory_space<vmem>>
        %dma_start3A_3368 = arith.constant 0 : i32
        %dma_start3A_3369 = tpu.memref_slice %arg4[%dma_start3A_3368, %mul3A_3341] : memref<8x1000000xf32, #tpu.memory_space<hbm>> -> memref<8x128xf32, #tpu.memory_space<hbm>>
        tpu.enqueue_dma source(%dma_start3A_3369 : memref<8x128xf32, #tpu.memory_space<hbm>>) target(%dma_start3A_3367 : memref<8x128xf32, #tpu.memory_space<vmem>>) target_semaphore(%arg13 : memref<!tpu.dma_semaphore, #tpu.memory_space<semaphore_mem>>)
        %slice3A_3370 = vector.extract_strided_slice %get3A_2767 {offsets = [15], sizes = [1], strides = [1]} : vector<16xi32> to vector<1xi32>
        %squeeze3A_3371 = vector.extract %slice3A_3370[0] : i32 from vector<1xi32>
        %shift_right_logical3A_3372 = arith.constant 7 : i32
        %shift_right_logical3A_3373 = arith.shrui %squeeze3A_3371, %shift_right_logical3A_3372 : i32
        %mul3A_3374 = arith.constant 128 : i32
        %mul3A_3375 = arith.muli %shift_right_logical3A_3373, %mul3A_3374 : i32
        %slice3A_3376 = vector.extract_strided_slice %get3A_2769 {offsets = [15], sizes = [1], strides = [1]} : vector<16xi32> to vector<1xi32>
        %squeeze3A_3377 = vector.extract %slice3A_3376[0] : i32 from vector<1xi32>
        %shift_right_logical3A_3378 = arith.constant 7 : i32
        %shift_right_logical3A_3379 = arith.shrui %squeeze3A_3377, %shift_right_logical3A_3378 : i32
        %mul3A_3380 = arith.constant 128 : i32
        %mul3A_3381 = arith.muli %shift_right_logical3A_3379, %mul3A_3380 : i32
        %dma_start3A_3382 = arith.constant 0 : i32
        %dma_start3A_3383 = arith.constant 15 : i32
        %dma_start3A_3384 = arith.constant 0 : i32
        %dma_start3A_3385 = arith.constant 0 : i32
        %dma_start3A_3386 = tpu.memref_slice %arg9[%dma_start3A_3382, %dma_start3A_3383, %dma_start3A_3384, %dma_start3A_3385] : memref<2x16x8x128xf32, #tpu.memory_space<vmem>> -> memref<1x1x8x128xf32, #tpu.memory_space<vmem>>
        %dma_start3A_3387 = tpu.memref_squeeze %dma_start3A_3386 : memref<1x1x8x128xf32, #tpu.memory_space<vmem>> -> memref<8x128xf32, #tpu.memory_space<vmem>>
        %dma_start3A_3388 = arith.constant 0 : i32
        %dma_start3A_3389 = tpu.memref_slice %arg2[%dma_start3A_3388, %mul3A_3375] : memref<8x1000000xf32, #tpu.memory_space<hbm>> -> memref<8x128xf32, #tpu.memory_space<hbm>>
        %dma_start3A_3390 = arith.constant 0 : i32
        %dma_start3A_3391 = arith.constant 0 : i32
        %dma_start3A_3392 = tpu.memref_slice %arg9[%dma_start3A_3382, %dma_start3A_3383, %dma_start3A_3390, %dma_start3A_3391] : memref<2x16x8x128xf32, #tpu.memory_space<vmem>> -> memref<1x1x8x128xf32, #tpu.memory_space<vmem>>
        %dma_start3A_3393 = tpu.memref_squeeze %dma_start3A_3392 : memref<1x1x8x128xf32, #tpu.memory_space<vmem>> -> memref<8x128xf32, #tpu.memory_space<vmem>>
        %dma_start3A_3394 = arith.constant 0 : i32
        %dma_start3A_3395 = tpu.memref_slice %arg2[%dma_start3A_3394, %mul3A_3375] : memref<8x1000000xf32, #tpu.memory_space<hbm>> -> memref<8x128xf32, #tpu.memory_space<hbm>>
        tpu.enqueue_dma source(%dma_start3A_3395 : memref<8x128xf32, #tpu.memory_space<hbm>>) target(%dma_start3A_3393 : memref<8x128xf32, #tpu.memory_space<vmem>>) target_semaphore(%arg12 : memref<!tpu.dma_semaphore, #tpu.memory_space<semaphore_mem>>)
        %dma_start3A_3396 = arith.constant 0 : i32
        %dma_start3A_3397 = arith.constant 15 : i32
        %dma_start3A_3398 = arith.constant 0 : i32
        %dma_start3A_3399 = arith.constant 0 : i32
        %dma_start3A_3400 = tpu.memref_slice %arg10[%dma_start3A_3396, %dma_start3A_3397, %dma_start3A_3398, %dma_start3A_3399] : memref<2x16x8x128xf32, #tpu.memory_space<vmem>> -> memref<1x1x8x128xf32, #tpu.memory_space<vmem>>
        %dma_start3A_3401 = tpu.memref_squeeze %dma_start3A_3400 : memref<1x1x8x128xf32, #tpu.memory_space<vmem>> -> memref<8x128xf32, #tpu.memory_space<vmem>>
        %dma_start3A_3402 = arith.constant 0 : i32
        %dma_start3A_3403 = tpu.memref_slice %arg4[%dma_start3A_3402, %mul3A_3381] : memref<8x1000000xf32, #tpu.memory_space<hbm>> -> memref<8x128xf32, #tpu.memory_space<hbm>>
        %dma_start3A_3404 = arith.constant 0 : i32
        %dma_start3A_3405 = arith.constant 0 : i32
        %dma_start3A_3406 = tpu.memref_slice %arg10[%dma_start3A_3396, %dma_start3A_3397, %dma_start3A_3404, %dma_start3A_3405] : memref<2x16x8x128xf32, #tpu.memory_space<vmem>> -> memref<1x1x8x128xf32, #tpu.memory_space<vmem>>
        %dma_start3A_3407 = tpu.memref_squeeze %dma_start3A_3406 : memref<1x1x8x128xf32, #tpu.memory_space<vmem>> -> memref<8x128xf32, #tpu.memory_space<vmem>>
        %dma_start3A_3408 = arith.constant 0 : i32
        %dma_start3A_3409 = tpu.memref_slice %arg4[%dma_start3A_3408, %mul3A_3381] : memref<8x1000000xf32, #tpu.memory_space<hbm>> -> memref<8x128xf32, #tpu.memory_space<hbm>>
        tpu.enqueue_dma source(%dma_start3A_3409 : memref<8x128xf32, #tpu.memory_space<hbm>>) target(%dma_start3A_3407 : memref<8x128xf32, #tpu.memory_space<vmem>>) target_semaphore(%arg13 : memref<!tpu.dma_semaphore, #tpu.memory_space<semaphore_mem>>)
      } else {
      }
      %dma_wait3A_2044 = arith.constant 0 : i32
      %dma_wait3A_2045 = arith.constant 0 : i32
      %dma_wait3A_2046 = arith.constant 0 : i32
      %dma_wait3A_2047 = arith.constant 0 : i32
      %dma_wait3A_2048 = tpu.memref_slice %arg9[%dma_wait3A_2044, %dma_wait3A_2045, %dma_wait3A_2046, %dma_wait3A_2047] : memref<2x16x8x128xf32, #tpu.memory_space<vmem>> -> memref<1x1x8x128xf32, #tpu.memory_space<vmem>>
      %dma_wait3A_2049 = tpu.memref_squeeze %dma_wait3A_2048 : memref<1x1x8x128xf32, #tpu.memory_space<vmem>> -> memref<8x128xf32, #tpu.memory_space<vmem>>
      %dma_wait3A_2050 = arith.constant 0 : i32
      %dma_wait3A_2051 = arith.constant 0 : i32
      %dma_wait3A_2052 = tpu.memref_slice %arg2[%dma_wait3A_2050, %dma_wait3A_2051] : memref<8x1000000xf32, #tpu.memory_space<hbm>> -> memref<8x128xf32, #tpu.memory_space<hbm>>
      %dma_wait3A_2053 = arith.constant 0 : i32
      %dma_wait3A_2054 = arith.constant 0 : i32
      %dma_wait3A_2055 = tpu.memref_slice %arg9[%dma_wait3A_2044, %dma_wait3A_2045, %dma_wait3A_2053, %dma_wait3A_2054] : memref<2x16x8x128xf32, #tpu.memory_space<vmem>> -> memref<1x1x8x128xf32, #tpu.memory_space<vmem>>
      %dma_wait3A_2056 = tpu.memref_squeeze %dma_wait3A_2055 : memref<1x1x8x128xf32, #tpu.memory_space<vmem>> -> memref<8x128xf32, #tpu.memory_space<vmem>>
      %dma_wait3A_2057 = arith.constant 0 : i32
      %dma_wait3A_2058 = arith.constant 0 : i32
      %dma_wait3A_2059 = tpu.memref_slice %arg2[%dma_wait3A_2057, %dma_wait3A_2058] : memref<8x1000000xf32, #tpu.memory_space<hbm>> -> memref<8x128xf32, #tpu.memory_space<hbm>>
      tpu.wait_dma2 semaphore(%arg12 : memref<!tpu.dma_semaphore, #tpu.memory_space<semaphore_mem>>) src(%dma_wait3A_2059 : memref<8x128xf32, #tpu.memory_space<hbm>>) dst(%dma_wait3A_2056 : memref<8x128xf32, #tpu.memory_space<vmem>>)
      %dma_wait3A_2060 = arith.constant 0 : i32
      %dma_wait3A_2061 = arith.constant 0 : i32
      %dma_wait3A_2062 = arith.constant 0 : i32
      %dma_wait3A_2063 = arith.constant 0 : i32
      %dma_wait3A_2064 = tpu.memref_slice %arg10[%dma_wait3A_2060, %dma_wait3A_2061, %dma_wait3A_2062, %dma_wait3A_2063] : memref<2x16x8x128xf32, #tpu.memory_space<vmem>> -> memref<1x1x8x128xf32, #tpu.memory_space<vmem>>
      %dma_wait3A_2065 = tpu.memref_squeeze %dma_wait3A_2064 : memref<1x1x8x128xf32, #tpu.memory_space<vmem>> -> memref<8x128xf32, #tpu.memory_space<vmem>>
      %dma_wait3A_2066 = arith.constant 0 : i32
      %dma_wait3A_2067 = arith.constant 0 : i32
      %dma_wait3A_2068 = tpu.memref_slice %arg4[%dma_wait3A_2066, %dma_wait3A_2067] : memref<8x1000000xf32, #tpu.memory_space<hbm>> -> memref<8x128xf32, #tpu.memory_space<hbm>>
      %dma_wait3A_2069 = arith.constant 0 : i32
      %dma_wait3A_2070 = arith.constant 0 : i32
      %dma_wait3A_2071 = tpu.memref_slice %arg10[%dma_wait3A_2060, %dma_wait3A_2061, %dma_wait3A_2069, %dma_wait3A_2070] : memref<2x16x8x128xf32, #tpu.memory_space<vmem>> -> memref<1x1x8x128xf32, #tpu.memory_space<vmem>>
      %dma_wait3A_2072 = tpu.memref_squeeze %dma_wait3A_2071 : memref<1x1x8x128xf32, #tpu.memory_space<vmem>> -> memref<8x128xf32, #tpu.memory_space<vmem>>
      %dma_wait3A_2073 = arith.constant 0 : i32
      %dma_wait3A_2074 = arith.constant 0 : i32
      %dma_wait3A_2075 = tpu.memref_slice %arg4[%dma_wait3A_2073, %dma_wait3A_2074] : memref<8x1000000xf32, #tpu.memory_space<hbm>> -> memref<8x128xf32, #tpu.memory_space<hbm>>
      tpu.wait_dma2 semaphore(%arg13 : memref<!tpu.dma_semaphore, #tpu.memory_space<semaphore_mem>>) src(%dma_wait3A_2075 : memref<8x128xf32, #tpu.memory_space<hbm>>) dst(%dma_wait3A_2072 : memref<8x128xf32, #tpu.memory_space<vmem>>)
      %dma_wait3A_2076 = arith.constant 0 : i32
      %dma_wait3A_2077 = arith.constant 0 : i32
      %dma_wait3A_2078 = arith.constant 0 : i32
      %dma_wait3A_2079 = arith.constant 0 : i32
      %dma_wait3A_2080 = tpu.memref_slice %arg9[%dma_wait3A_2076, %dma_wait3A_2077, %dma_wait3A_2078, %dma_wait3A_2079] : memref<2x16x8x128xf32, #tpu.memory_space<vmem>> -> memref<1x1x8x128xf32, #tpu.memory_space<vmem>>
      %dma_wait3A_2081 = tpu.memref_squeeze %dma_wait3A_2080 : memref<1x1x8x128xf32, #tpu.memory_space<vmem>> -> memref<8x128xf32, #tpu.memory_space<vmem>>
      %dma_wait3A_2082 = arith.constant 0 : i32
      %dma_wait3A_2083 = arith.constant 0 : i32
      %dma_wait3A_2084 = tpu.memref_slice %arg2[%dma_wait3A_2082, %dma_wait3A_2083] : memref<8x1000000xf32, #tpu.memory_space<hbm>> -> memref<8x128xf32, #tpu.memory_space<hbm>>
      %dma_wait3A_2085 = arith.constant 0 : i32
      %dma_wait3A_2086 = arith.constant 0 : i32
      %dma_wait3A_2087 = tpu.memref_slice %arg9[%dma_wait3A_2076, %dma_wait3A_2077, %dma_wait3A_2085, %dma_wait3A_2086] : memref<2x16x8x128xf32, #tpu.memory_space<vmem>> -> memref<1x1x8x128xf32, #tpu.memory_space<vmem>>
      %dma_wait3A_2088 = tpu.memref_squeeze %dma_wait3A_2087 : memref<1x1x8x128xf32, #tpu.memory_space<vmem>> -> memref<8x128xf32, #tpu.memory_space<vmem>>
      %dma_wait3A_2089 = arith.constant 0 : i32
      %dma_wait3A_2090 = arith.constant 0 : i32
      %dma_wait3A_2091 = tpu.memref_slice %arg2[%dma_wait3A_2089, %dma_wait3A_2090] : memref<8x1000000xf32, #tpu.memory_space<hbm>> -> memref<8x128xf32, #tpu.memory_space<hbm>>
      tpu.wait_dma2 semaphore(%arg12 : memref<!tpu.dma_semaphore, #tpu.memory_space<semaphore_mem>>) src(%dma_wait3A_2091 : memref<8x128xf32, #tpu.memory_space<hbm>>) dst(%dma_wait3A_2088 : memref<8x128xf32, #tpu.memory_space<vmem>>)
      %dma_wait3A_2092 = arith.constant 0 : i32
      %dma_wait3A_2093 = arith.constant 0 : i32
      %dma_wait3A_2094 = arith.constant 0 : i32
      %dma_wait3A_2095 = arith.constant 0 : i32
      %dma_wait3A_2096 = tpu.memref_slice %arg10[%dma_wait3A_2092, %dma_wait3A_2093, %dma_wait3A_2094, %dma_wait3A_2095] : memref<2x16x8x128xf32, #tpu.memory_space<vmem>> -> memref<1x1x8x128xf32, #tpu.memory_space<vmem>>
      %dma_wait3A_2097 = tpu.memref_squeeze %dma_wait3A_2096 : memref<1x1x8x128xf32, #tpu.memory_space<vmem>> -> memref<8x128xf32, #tpu.memory_space<vmem>>
      %dma_wait3A_2098 = arith.constant 0 : i32
      %dma_wait3A_2099 = arith.constant 0 : i32
      %dma_wait3A_2100 = tpu.memref_slice %arg4[%dma_wait3A_2098, %dma_wait3A_2099] : memref<8x1000000xf32, #tpu.memory_space<hbm>> -> memref<8x128xf32, #tpu.memory_space<hbm>>
      %dma_wait3A_2101 = arith.constant 0 : i32
      %dma_wait3A_2102 = arith.constant 0 : i32
      %dma_wait3A_2103 = tpu.memref_slice %arg10[%dma_wait3A_2092, %dma_wait3A_2093, %dma_wait3A_2101, %dma_wait3A_2102] : memref<2x16x8x128xf32, #tpu.memory_space<vmem>> -> memref<1x1x8x128xf32, #tpu.memory_space<vmem>>
      %dma_wait3A_2104 = tpu.memref_squeeze %dma_wait3A_2103 : memref<1x1x8x128xf32, #tpu.memory_space<vmem>> -> memref<8x128xf32, #tpu.memory_space<vmem>>
      %dma_wait3A_2105 = arith.constant 0 : i32
      %dma_wait3A_2106 = arith.constant 0 : i32
      %dma_wait3A_2107 = tpu.memref_slice %arg4[%dma_wait3A_2105, %dma_wait3A_2106] : memref<8x1000000xf32, #tpu.memory_space<hbm>> -> memref<8x128xf32, #tpu.memory_space<hbm>>
      tpu.wait_dma2 semaphore(%arg13 : memref<!tpu.dma_semaphore, #tpu.memory_space<semaphore_mem>>) src(%dma_wait3A_2107 : memref<8x128xf32, #tpu.memory_space<hbm>>) dst(%dma_wait3A_2104 : memref<8x128xf32, #tpu.memory_space<vmem>>)
      %dma_wait3A_2108 = arith.constant 0 : i32
      %dma_wait3A_2109 = arith.constant 0 : i32
      %dma_wait3A_2110 = arith.constant 0 : i32
      %dma_wait3A_2111 = arith.constant 0 : i32
      %dma_wait3A_2112 = tpu.memref_slice %arg9[%dma_wait3A_2108, %dma_wait3A_2109, %dma_wait3A_2110, %dma_wait3A_2111] : memref<2x16x8x128xf32, #tpu.memory_space<vmem>> -> memref<1x1x8x128xf32, #tpu.memory_space<vmem>>
      %dma_wait3A_2113 = tpu.memref_squeeze %dma_wait3A_2112 : memref<1x1x8x128xf32, #tpu.memory_space<vmem>> -> memref<8x128xf32, #tpu.memory_space<vmem>>
      %dma_wait3A_2114 = arith.constant 0 : i32
      %dma_wait3A_2115 = arith.constant 0 : i32
      %dma_wait3A_2116 = tpu.memref_slice %arg2[%dma_wait3A_2114, %dma_wait3A_2115] : memref<8x1000000xf32, #tpu.memory_space<hbm>> -> memref<8x128xf32, #tpu.memory_space<hbm>>
      %dma_wait3A_2117 = arith.constant 0 : i32
      %dma_wait3A_2118 = arith.constant 0 : i32
      %dma_wait3A_2119 = tpu.memref_slice %arg9[%dma_wait3A_2108, %dma_wait3A_2109, %dma_wait3A_2117, %dma_wait3A_2118] : memref<2x16x8x128xf32, #tpu.memory_space<vmem>> -> memref<1x1x8x128xf32, #tpu.memory_space<vmem>>
      %dma_wait3A_2120 = tpu.memref_squeeze %dma_wait3A_2119 : memref<1x1x8x128xf32, #tpu.memory_space<vmem>> -> memref<8x128xf32, #tpu.memory_space<vmem>>
      %dma_wait3A_2121 = arith.constant 0 : i32
      %dma_wait3A_2122 = arith.constant 0 : i32
      %dma_wait3A_2123 = tpu.memref_slice %arg2[%dma_wait3A_2121, %dma_wait3A_2122] : memref<8x1000000xf32, #tpu.memory_space<hbm>> -> memref<8x128xf32, #tpu.memory_space<hbm>>
      tpu.wait_dma2 semaphore(%arg12 : memref<!tpu.dma_semaphore, #tpu.memory_space<semaphore_mem>>) src(%dma_wait3A_2123 : memref<8x128xf32, #tpu.memory_space<hbm>>) dst(%dma_wait3A_2120 : memref<8x128xf32, #tpu.memory_space<vmem>>)
      %dma_wait3A_2124 = arith.constant 0 : i32
      %dma_wait3A_2125 = arith.constant 0 : i32
      %dma_wait3A_2126 = arith.constant 0 : i32
      %dma_wait3A_2127 = arith.constant 0 : i32
      %dma_wait3A_2128 = tpu.memref_slice %arg10[%dma_wait3A_2124, %dma_wait3A_2125, %dma_wait3A_2126, %dma_wait3A_2127] : memref<2x16x8x128xf32, #tpu.memory_space<vmem>> -> memref<1x1x8x128xf32, #tpu.memory_space<vmem>>
      %dma_wait3A_2129 = tpu.memref_squeeze %dma_wait3A_2128 : memref<1x1x8x128xf32, #tpu.memory_space<vmem>> -> memref<8x128xf32, #tpu.memory_space<vmem>>
      %dma_wait3A_2130 = arith.constant 0 : i32
      %dma_wait3A_2131 = arith.constant 0 : i32
      %dma_wait3A_2132 = tpu.memref_slice %arg4[%dma_wait3A_2130, %dma_wait3A_2131] : memref<8x1000000xf32, #tpu.memory_space<hbm>> -> memref<8x128xf32, #tpu.memory_space<hbm>>
      %dma_wait3A_2133 = arith.constant 0 : i32
      %dma_wait3A_2134 = arith.constant 0 : i32
      %dma_wait3A_2135 = tpu.memref_slice %arg10[%dma_wait3A_2124, %dma_wait3A_2125, %dma_wait3A_2133, %dma_wait3A_2134] : memref<2x16x8x128xf32, #tpu.memory_space<vmem>> -> memref<1x1x8x128xf32, #tpu.memory_space<vmem>>
      %dma_wait3A_2136 = tpu.memref_squeeze %dma_wait3A_2135 : memref<1x1x8x128xf32, #tpu.memory_space<vmem>> -> memref<8x128xf32, #tpu.memory_space<vmem>>
      %dma_wait3A_2137 = arith.constant 0 : i32
      %dma_wait3A_2138 = arith.constant 0 : i32
      %dma_wait3A_2139 = tpu.memref_slice %arg4[%dma_wait3A_2137, %dma_wait3A_2138] : memref<8x1000000xf32, #tpu.memory_space<hbm>> -> memref<8x128xf32, #tpu.memory_space<hbm>>
      tpu.wait_dma2 semaphore(%arg13 : memref<!tpu.dma_semaphore, #tpu.memory_space<semaphore_mem>>) src(%dma_wait3A_2139 : memref<8x128xf32, #tpu.memory_space<hbm>>) dst(%dma_wait3A_2136 : memref<8x128xf32, #tpu.memory_space<vmem>>)
      %dma_wait3A_2140 = arith.constant 0 : i32
      %dma_wait3A_2141 = arith.constant 0 : i32
      %dma_wait3A_2142 = arith.constant 0 : i32
      %dma_wait3A_2143 = arith.constant 0 : i32
      %dma_wait3A_2144 = tpu.memref_slice %arg9[%dma_wait3A_2140, %dma_wait3A_2141, %dma_wait3A_2142, %dma_wait3A_2143] : memref<2x16x8x128xf32, #tpu.memory_space<vmem>> -> memref<1x1x8x128xf32, #tpu.memory_space<vmem>>
      %dma_wait3A_2145 = tpu.memref_squeeze %dma_wait3A_2144 : memref<1x1x8x128xf32, #tpu.memory_space<vmem>> -> memref<8x128xf32, #tpu.memory_space<vmem>>
      %dma_wait3A_2146 = arith.constant 0 : i32
      %dma_wait3A_2147 = arith.constant 0 : i32
      %dma_wait3A_2148 = tpu.memref_slice %arg2[%dma_wait3A_2146, %dma_wait3A_2147] : memref<8x1000000xf32, #tpu.memory_space<hbm>> -> memref<8x128xf32, #tpu.memory_space<hbm>>
      %dma_wait3A_2149 = arith.constant 0 : i32
      %dma_wait3A_2150 = arith.constant 0 : i32
      %dma_wait3A_2151 = tpu.memref_slice %arg9[%dma_wait3A_2140, %dma_wait3A_2141, %dma_wait3A_2149, %dma_wait3A_2150] : memref<2x16x8x128xf32, #tpu.memory_space<vmem>> -> memref<1x1x8x128xf32, #tpu.memory_space<vmem>>
      %dma_wait3A_2152 = tpu.memref_squeeze %dma_wait3A_2151 : memref<1x1x8x128xf32, #tpu.memory_space<vmem>> -> memref<8x128xf32, #tpu.memory_space<vmem>>
      %dma_wait3A_2153 = arith.constant 0 : i32
      %dma_wait3A_2154 = arith.constant 0 : i32
      %dma_wait3A_2155 = tpu.memref_slice %arg2[%dma_wait3A_2153, %dma_wait3A_2154] : memref<8x1000000xf32, #tpu.memory_space<hbm>> -> memref<8x128xf32, #tpu.memory_space<hbm>>
      tpu.wait_dma2 semaphore(%arg12 : memref<!tpu.dma_semaphore, #tpu.memory_space<semaphore_mem>>) src(%dma_wait3A_2155 : memref<8x128xf32, #tpu.memory_space<hbm>>) dst(%dma_wait3A_2152 : memref<8x128xf32, #tpu.memory_space<vmem>>)
      %dma_wait3A_2156 = arith.constant 0 : i32
      %dma_wait3A_2157 = arith.constant 0 : i32
      %dma_wait3A_2158 = arith.constant 0 : i32
      %dma_wait3A_2159 = arith.constant 0 : i32
      %dma_wait3A_2160 = tpu.memref_slice %arg10[%dma_wait3A_2156, %dma_wait3A_2157, %dma_wait3A_2158, %dma_wait3A_2159] : memref<2x16x8x128xf32, #tpu.memory_space<vmem>> -> memref<1x1x8x128xf32, #tpu.memory_space<vmem>>
      %dma_wait3A_2161 = tpu.memref_squeeze %dma_wait3A_2160 : memref<1x1x8x128xf32, #tpu.memory_space<vmem>> -> memref<8x128xf32, #tpu.memory_space<vmem>>
      %dma_wait3A_2162 = arith.constant 0 : i32
      %dma_wait3A_2163 = arith.constant 0 : i32
      %dma_wait3A_2164 = tpu.memref_slice %arg4[%dma_wait3A_2162, %dma_wait3A_2163] : memref<8x1000000xf32, #tpu.memory_space<hbm>> -> memref<8x128xf32, #tpu.memory_space<hbm>>
      %dma_wait3A_2165 = arith.constant 0 : i32
      %dma_wait3A_2166 = arith.constant 0 : i32
      %dma_wait3A_2167 = tpu.memref_slice %arg10[%dma_wait3A_2156, %dma_wait3A_2157, %dma_wait3A_2165, %dma_wait3A_2166] : memref<2x16x8x128xf32, #tpu.memory_space<vmem>> -> memref<1x1x8x128xf32, #tpu.memory_space<vmem>>
      %dma_wait3A_2168 = tpu.memref_squeeze %dma_wait3A_2167 : memref<1x1x8x128xf32, #tpu.memory_space<vmem>> -> memref<8x128xf32, #tpu.memory_space<vmem>>
      %dma_wait3A_2169 = arith.constant 0 : i32
      %dma_wait3A_2170 = arith.constant 0 : i32
      %dma_wait3A_2171 = tpu.memref_slice %arg4[%dma_wait3A_2169, %dma_wait3A_2170] : memref<8x1000000xf32, #tpu.memory_space<hbm>> -> memref<8x128xf32, #tpu.memory_space<hbm>>
      tpu.wait_dma2 semaphore(%arg13 : memref<!tpu.dma_semaphore, #tpu.memory_space<semaphore_mem>>) src(%dma_wait3A_2171 : memref<8x128xf32, #tpu.memory_space<hbm>>) dst(%dma_wait3A_2168 : memref<8x128xf32, #tpu.memory_space<vmem>>)
      %dma_wait3A_2172 = arith.constant 0 : i32
      %dma_wait3A_2173 = arith.constant 0 : i32
      %dma_wait3A_2174 = arith.constant 0 : i32
      %dma_wait3A_2175 = arith.constant 0 : i32
      %dma_wait3A_2176 = tpu.memref_slice %arg9[%dma_wait3A_2172, %dma_wait3A_2173, %dma_wait3A_2174, %dma_wait3A_2175] : memref<2x16x8x128xf32, #tpu.memory_space<vmem>> -> memref<1x1x8x128xf32, #tpu.memory_space<vmem>>
      %dma_wait3A_2177 = tpu.memref_squeeze %dma_wait3A_2176 : memref<1x1x8x128xf32, #tpu.memory_space<vmem>> -> memref<8x128xf32, #tpu.memory_space<vmem>>
      %dma_wait3A_2178 = arith.constant 0 : i32
      %dma_wait3A_2179 = arith.constant 0 : i32
      %dma_wait3A_2180 = tpu.memref_slice %arg2[%dma_wait3A_2178, %dma_wait3A_2179] : memref<8x1000000xf32, #tpu.memory_space<hbm>> -> memref<8x128xf32, #tpu.memory_space<hbm>>
      %dma_wait3A_2181 = arith.constant 0 : i32
      %dma_wait3A_2182 = arith.constant 0 : i32
      %dma_wait3A_2183 = tpu.memref_slice %arg9[%dma_wait3A_2172, %dma_wait3A_2173, %dma_wait3A_2181, %dma_wait3A_2182] : memref<2x16x8x128xf32, #tpu.memory_space<vmem>> -> memref<1x1x8x128xf32, #tpu.memory_space<vmem>>
      %dma_wait3A_2184 = tpu.memref_squeeze %dma_wait3A_2183 : memref<1x1x8x128xf32, #tpu.memory_space<vmem>> -> memref<8x128xf32, #tpu.memory_space<vmem>>
      %dma_wait3A_2185 = arith.constant 0 : i32
      %dma_wait3A_2186 = arith.constant 0 : i32
      %dma_wait3A_2187 = tpu.memref_slice %arg2[%dma_wait3A_2185, %dma_wait3A_2186] : memref<8x1000000xf32, #tpu.memory_space<hbm>> -> memref<8x128xf32, #tpu.memory_space<hbm>>
      tpu.wait_dma2 semaphore(%arg12 : memref<!tpu.dma_semaphore, #tpu.memory_space<semaphore_mem>>) src(%dma_wait3A_2187 : memref<8x128xf32, #tpu.memory_space<hbm>>) dst(%dma_wait3A_2184 : memref<8x128xf32, #tpu.memory_space<vmem>>)
      %dma_wait3A_2188 = arith.constant 0 : i32
      %dma_wait3A_2189 = arith.constant 0 : i32
      %dma_wait3A_2190 = arith.constant 0 : i32
      %dma_wait3A_2191 = arith.constant 0 : i32
      %dma_wait3A_2192 = tpu.memref_slice %arg10[%dma_wait3A_2188, %dma_wait3A_2189, %dma_wait3A_2190, %dma_wait3A_2191] : memref<2x16x8x128xf32, #tpu.memory_space<vmem>> -> memref<1x1x8x128xf32, #tpu.memory_space<vmem>>
      %dma_wait3A_2193 = tpu.memref_squeeze %dma_wait3A_2192 : memref<1x1x8x128xf32, #tpu.memory_space<vmem>> -> memref<8x128xf32, #tpu.memory_space<vmem>>
      %dma_wait3A_2194 = arith.constant 0 : i32
      %dma_wait3A_2195 = arith.constant 0 : i32
      %dma_wait3A_2196 = tpu.memref_slice %arg4[%dma_wait3A_2194, %dma_wait3A_2195] : memref<8x1000000xf32, #tpu.memory_space<hbm>> -> memref<8x128xf32, #tpu.memory_space<hbm>>
      %dma_wait3A_2197 = arith.constant 0 : i32
      %dma_wait3A_2198 = arith.constant 0 : i32
      %dma_wait3A_2199 = tpu.memref_slice %arg10[%dma_wait3A_2188, %dma_wait3A_2189, %dma_wait3A_2197, %dma_wait3A_2198] : memref<2x16x8x128xf32, #tpu.memory_space<vmem>> -> memref<1x1x8x128xf32, #tpu.memory_space<vmem>>
      %dma_wait3A_2200 = tpu.memref_squeeze %dma_wait3A_2199 : memref<1x1x8x128xf32, #tpu.memory_space<vmem>> -> memref<8x128xf32, #tpu.memory_space<vmem>>
      %dma_wait3A_2201 = arith.constant 0 : i32
      %dma_wait3A_2202 = arith.constant 0 : i32
      %dma_wait3A_2203 = tpu.memref_slice %arg4[%dma_wait3A_2201, %dma_wait3A_2202] : memref<8x1000000xf32, #tpu.memory_space<hbm>> -> memref<8x128xf32, #tpu.memory_space<hbm>>
      tpu.wait_dma2 semaphore(%arg13 : memref<!tpu.dma_semaphore, #tpu.memory_space<semaphore_mem>>) src(%dma_wait3A_2203 : memref<8x128xf32, #tpu.memory_space<hbm>>) dst(%dma_wait3A_2200 : memref<8x128xf32, #tpu.memory_space<vmem>>)
      %dma_wait3A_2204 = arith.constant 0 : i32
      %dma_wait3A_2205 = arith.constant 0 : i32
      %dma_wait3A_2206 = arith.constant 0 : i32
      %dma_wait3A_2207 = arith.constant 0 : i32
      %dma_wait3A_2208 = tpu.memref_slice %arg9[%dma_wait3A_2204, %dma_wait3A_2205, %dma_wait3A_2206, %dma_wait3A_2207] : memref<2x16x8x128xf32, #tpu.memory_space<vmem>> -> memref<1x1x8x128xf32, #tpu.memory_space<vmem>>
      %dma_wait3A_2209 = tpu.memref_squeeze %dma_wait3A_2208 : memref<1x1x8x128xf32, #tpu.memory_space<vmem>> -> memref<8x128xf32, #tpu.memory_space<vmem>>
      %dma_wait3A_2210 = arith.constant 0 : i32
      %dma_wait3A_2211 = arith.constant 0 : i32
      %dma_wait3A_2212 = tpu.memref_slice %arg2[%dma_wait3A_2210, %dma_wait3A_2211] : memref<8x1000000xf32, #tpu.memory_space<hbm>> -> memref<8x128xf32, #tpu.memory_space<hbm>>
      %dma_wait3A_2213 = arith.constant 0 : i32
      %dma_wait3A_2214 = arith.constant 0 : i32
      %dma_wait3A_2215 = tpu.memref_slice %arg9[%dma_wait3A_2204, %dma_wait3A_2205, %dma_wait3A_2213, %dma_wait3A_2214] : memref<2x16x8x128xf32, #tpu.memory_space<vmem>> -> memref<1x1x8x128xf32, #tpu.memory_space<vmem>>
      %dma_wait3A_2216 = tpu.memref_squeeze %dma_wait3A_2215 : memref<1x1x8x128xf32, #tpu.memory_space<vmem>> -> memref<8x128xf32, #tpu.memory_space<vmem>>
      %dma_wait3A_2217 = arith.constant 0 : i32
      %dma_wait3A_2218 = arith.constant 0 : i32
      %dma_wait3A_2219 = tpu.memref_slice %arg2[%dma_wait3A_2217, %dma_wait3A_2218] : memref<8x1000000xf32, #tpu.memory_space<hbm>> -> memref<8x128xf32, #tpu.memory_space<hbm>>
      tpu.wait_dma2 semaphore(%arg12 : memref<!tpu.dma_semaphore, #tpu.memory_space<semaphore_mem>>) src(%dma_wait3A_2219 : memref<8x128xf32, #tpu.memory_space<hbm>>) dst(%dma_wait3A_2216 : memref<8x128xf32, #tpu.memory_space<vmem>>)
      %dma_wait3A_2220 = arith.constant 0 : i32
      %dma_wait3A_2221 = arith.constant 0 : i32
      %dma_wait3A_2222 = arith.constant 0 : i32
      %dma_wait3A_2223 = arith.constant 0 : i32
      %dma_wait3A_2224 = tpu.memref_slice %arg10[%dma_wait3A_2220, %dma_wait3A_2221, %dma_wait3A_2222, %dma_wait3A_2223] : memref<2x16x8x128xf32, #tpu.memory_space<vmem>> -> memref<1x1x8x128xf32, #tpu.memory_space<vmem>>
      %dma_wait3A_2225 = tpu.memref_squeeze %dma_wait3A_2224 : memref<1x1x8x128xf32, #tpu.memory_space<vmem>> -> memref<8x128xf32, #tpu.memory_space<vmem>>
      %dma_wait3A_2226 = arith.constant 0 : i32
      %dma_wait3A_2227 = arith.constant 0 : i32
      %dma_wait3A_2228 = tpu.memref_slice %arg4[%dma_wait3A_2226, %dma_wait3A_2227] : memref<8x1000000xf32, #tpu.memory_space<hbm>> -> memref<8x128xf32, #tpu.memory_space<hbm>>
      %dma_wait3A_2229 = arith.constant 0 : i32
      %dma_wait3A_2230 = arith.constant 0 : i32
      %dma_wait3A_2231 = tpu.memref_slice %arg10[%dma_wait3A_2220, %dma_wait3A_2221, %dma_wait3A_2229, %dma_wait3A_2230] : memref<2x16x8x128xf32, #tpu.memory_space<vmem>> -> memref<1x1x8x128xf32, #tpu.memory_space<vmem>>
      %dma_wait3A_2232 = tpu.memref_squeeze %dma_wait3A_2231 : memref<1x1x8x128xf32, #tpu.memory_space<vmem>> -> memref<8x128xf32, #tpu.memory_space<vmem>>
      %dma_wait3A_2233 = arith.constant 0 : i32
      %dma_wait3A_2234 = arith.constant 0 : i32
      %dma_wait3A_2235 = tpu.memref_slice %arg4[%dma_wait3A_2233, %dma_wait3A_2234] : memref<8x1000000xf32, #tpu.memory_space<hbm>> -> memref<8x128xf32, #tpu.memory_space<hbm>>
      tpu.wait_dma2 semaphore(%arg13 : memref<!tpu.dma_semaphore, #tpu.memory_space<semaphore_mem>>) src(%dma_wait3A_2235 : memref<8x128xf32, #tpu.memory_space<hbm>>) dst(%dma_wait3A_2232 : memref<8x128xf32, #tpu.memory_space<vmem>>)
      %dma_wait3A_2236 = arith.constant 0 : i32
      %dma_wait3A_2237 = arith.constant 0 : i32
      %dma_wait3A_2238 = arith.constant 0 : i32
      %dma_wait3A_2239 = arith.constant 0 : i32
      %dma_wait3A_2240 = tpu.memref_slice %arg9[%dma_wait3A_2236, %dma_wait3A_2237, %dma_wait3A_2238, %dma_wait3A_2239] : memref<2x16x8x128xf32, #tpu.memory_space<vmem>> -> memref<1x1x8x128xf32, #tpu.memory_space<vmem>>
      %dma_wait3A_2241 = tpu.memref_squeeze %dma_wait3A_2240 : memref<1x1x8x128xf32, #tpu.memory_space<vmem>> -> memref<8x128xf32, #tpu.memory_space<vmem>>
      %dma_wait3A_2242 = arith.constant 0 : i32
      %dma_wait3A_2243 = arith.constant 0 : i32
      %dma_wait3A_2244 = tpu.memref_slice %arg2[%dma_wait3A_2242, %dma_wait3A_2243] : memref<8x1000000xf32, #tpu.memory_space<hbm>> -> memref<8x128xf32, #tpu.memory_space<hbm>>
      %dma_wait3A_2245 = arith.constant 0 : i32
      %dma_wait3A_2246 = arith.constant 0 : i32
      %dma_wait3A_2247 = tpu.memref_slice %arg9[%dma_wait3A_2236, %dma_wait3A_2237, %dma_wait3A_2245, %dma_wait3A_2246] : memref<2x16x8x128xf32, #tpu.memory_space<vmem>> -> memref<1x1x8x128xf32, #tpu.memory_space<vmem>>
      %dma_wait3A_2248 = tpu.memref_squeeze %dma_wait3A_2247 : memref<1x1x8x128xf32, #tpu.memory_space<vmem>> -> memref<8x128xf32, #tpu.memory_space<vmem>>
      %dma_wait3A_2249 = arith.constant 0 : i32
      %dma_wait3A_2250 = arith.constant 0 : i32
      %dma_wait3A_2251 = tpu.memref_slice %arg2[%dma_wait3A_2249, %dma_wait3A_2250] : memref<8x1000000xf32, #tpu.memory_space<hbm>> -> memref<8x128xf32, #tpu.memory_space<hbm>>
      tpu.wait_dma2 semaphore(%arg12 : memref<!tpu.dma_semaphore, #tpu.memory_space<semaphore_mem>>) src(%dma_wait3A_2251 : memref<8x128xf32, #tpu.memory_space<hbm>>) dst(%dma_wait3A_2248 : memref<8x128xf32, #tpu.memory_space<vmem>>)
      %dma_wait3A_2252 = arith.constant 0 : i32
      %dma_wait3A_2253 = arith.constant 0 : i32
      %dma_wait3A_2254 = arith.constant 0 : i32
      %dma_wait3A_2255 = arith.constant 0 : i32
      %dma_wait3A_2256 = tpu.memref_slice %arg10[%dma_wait3A_2252, %dma_wait3A_2253, %dma_wait3A_2254, %dma_wait3A_2255] : memref<2x16x8x128xf32, #tpu.memory_space<vmem>> -> memref<1x1x8x128xf32, #tpu.memory_space<vmem>>
      %dma_wait3A_2257 = tpu.memref_squeeze %dma_wait3A_2256 : memref<1x1x8x128xf32, #tpu.memory_space<vmem>> -> memref<8x128xf32, #tpu.memory_space<vmem>>
      %dma_wait3A_2258 = arith.constant 0 : i32
      %dma_wait3A_2259 = arith.constant 0 : i32
      %dma_wait3A_2260 = tpu.memref_slice %arg4[%dma_wait3A_2258, %dma_wait3A_2259] : memref<8x1000000xf32, #tpu.memory_space<hbm>> -> memref<8x128xf32, #tpu.memory_space<hbm>>
      %dma_wait3A_2261 = arith.constant 0 : i32
      %dma_wait3A_2262 = arith.constant 0 : i32
      %dma_wait3A_2263 = tpu.memref_slice %arg10[%dma_wait3A_2252, %dma_wait3A_2253, %dma_wait3A_2261, %dma_wait3A_2262] : memref<2x16x8x128xf32, #tpu.memory_space<vmem>> -> memref<1x1x8x128xf32, #tpu.memory_space<vmem>>
      %dma_wait3A_2264 = tpu.memref_squeeze %dma_wait3A_2263 : memref<1x1x8x128xf32, #tpu.memory_space<vmem>> -> memref<8x128xf32, #tpu.memory_space<vmem>>
      %dma_wait3A_2265 = arith.constant 0 : i32
      %dma_wait3A_2266 = arith.constant 0 : i32
      %dma_wait3A_2267 = tpu.memref_slice %arg4[%dma_wait3A_2265, %dma_wait3A_2266] : memref<8x1000000xf32, #tpu.memory_space<hbm>> -> memref<8x128xf32, #tpu.memory_space<hbm>>
      tpu.wait_dma2 semaphore(%arg13 : memref<!tpu.dma_semaphore, #tpu.memory_space<semaphore_mem>>) src(%dma_wait3A_2267 : memref<8x128xf32, #tpu.memory_space<hbm>>) dst(%dma_wait3A_2264 : memref<8x128xf32, #tpu.memory_space<vmem>>)
      %dma_wait3A_2268 = arith.constant 0 : i32
      %dma_wait3A_2269 = arith.constant 0 : i32
      %dma_wait3A_2270 = arith.constant 0 : i32
      %dma_wait3A_2271 = arith.constant 0 : i32
      %dma_wait3A_2272 = tpu.memref_slice %arg9[%dma_wait3A_2268, %dma_wait3A_2269, %dma_wait3A_2270, %dma_wait3A_2271] : memref<2x16x8x128xf32, #tpu.memory_space<vmem>> -> memref<1x1x8x128xf32, #tpu.memory_space<vmem>>
      %dma_wait3A_2273 = tpu.memref_squeeze %dma_wait3A_2272 : memref<1x1x8x128xf32, #tpu.memory_space<vmem>> -> memref<8x128xf32, #tpu.memory_space<vmem>>
      %dma_wait3A_2274 = arith.constant 0 : i32
      %dma_wait3A_2275 = arith.constant 0 : i32
      %dma_wait3A_2276 = tpu.memref_slice %arg2[%dma_wait3A_2274, %dma_wait3A_2275] : memref<8x1000000xf32, #tpu.memory_space<hbm>> -> memref<8x128xf32, #tpu.memory_space<hbm>>
      %dma_wait3A_2277 = arith.constant 0 : i32
      %dma_wait3A_2278 = arith.constant 0 : i32
      %dma_wait3A_2279 = tpu.memref_slice %arg9[%dma_wait3A_2268, %dma_wait3A_2269, %dma_wait3A_2277, %dma_wait3A_2278] : memref<2x16x8x128xf32, #tpu.memory_space<vmem>> -> memref<1x1x8x128xf32, #tpu.memory_space<vmem>>
      %dma_wait3A_2280 = tpu.memref_squeeze %dma_wait3A_2279 : memref<1x1x8x128xf32, #tpu.memory_space<vmem>> -> memref<8x128xf32, #tpu.memory_space<vmem>>
      %dma_wait3A_2281 = arith.constant 0 : i32
      %dma_wait3A_2282 = arith.constant 0 : i32
      %dma_wait3A_2283 = tpu.memref_slice %arg2[%dma_wait3A_2281, %dma_wait3A_2282] : memref<8x1000000xf32, #tpu.memory_space<hbm>> -> memref<8x128xf32, #tpu.memory_space<hbm>>
      tpu.wait_dma2 semaphore(%arg12 : memref<!tpu.dma_semaphore, #tpu.memory_space<semaphore_mem>>) src(%dma_wait3A_2283 : memref<8x128xf32, #tpu.memory_space<hbm>>) dst(%dma_wait3A_2280 : memref<8x128xf32, #tpu.memory_space<vmem>>)
      %dma_wait3A_2284 = arith.constant 0 : i32
      %dma_wait3A_2285 = arith.constant 0 : i32
      %dma_wait3A_2286 = arith.constant 0 : i32
      %dma_wait3A_2287 = arith.constant 0 : i32
      %dma_wait3A_2288 = tpu.memref_slice %arg10[%dma_wait3A_2284, %dma_wait3A_2285, %dma_wait3A_2286, %dma_wait3A_2287] : memref<2x16x8x128xf32, #tpu.memory_space<vmem>> -> memref<1x1x8x128xf32, #tpu.memory_space<vmem>>
      %dma_wait3A_2289 = tpu.memref_squeeze %dma_wait3A_2288 : memref<1x1x8x128xf32, #tpu.memory_space<vmem>> -> memref<8x128xf32, #tpu.memory_space<vmem>>
      %dma_wait3A_2290 = arith.constant 0 : i32
      %dma_wait3A_2291 = arith.constant 0 : i32
      %dma_wait3A_2292 = tpu.memref_slice %arg4[%dma_wait3A_2290, %dma_wait3A_2291] : memref<8x1000000xf32, #tpu.memory_space<hbm>> -> memref<8x128xf32, #tpu.memory_space<hbm>>
      %dma_wait3A_2293 = arith.constant 0 : i32
      %dma_wait3A_2294 = arith.constant 0 : i32
      %dma_wait3A_2295 = tpu.memref_slice %arg10[%dma_wait3A_2284, %dma_wait3A_2285, %dma_wait3A_2293, %dma_wait3A_2294] : memref<2x16x8x128xf32, #tpu.memory_space<vmem>> -> memref<1x1x8x128xf32, #tpu.memory_space<vmem>>
      %dma_wait3A_2296 = tpu.memref_squeeze %dma_wait3A_2295 : memref<1x1x8x128xf32, #tpu.memory_space<vmem>> -> memref<8x128xf32, #tpu.memory_space<vmem>>
      %dma_wait3A_2297 = arith.constant 0 : i32
      %dma_wait3A_2298 = arith.constant 0 : i32
      %dma_wait3A_2299 = tpu.memref_slice %arg4[%dma_wait3A_2297, %dma_wait3A_2298] : memref<8x1000000xf32, #tpu.memory_space<hbm>> -> memref<8x128xf32, #tpu.memory_space<hbm>>
      tpu.wait_dma2 semaphore(%arg13 : memref<!tpu.dma_semaphore, #tpu.memory_space<semaphore_mem>>) src(%dma_wait3A_2299 : memref<8x128xf32, #tpu.memory_space<hbm>>) dst(%dma_wait3A_2296 : memref<8x128xf32, #tpu.memory_space<vmem>>)
      %dma_wait3A_2300 = arith.constant 0 : i32
      %dma_wait3A_2301 = arith.constant 0 : i32
      %dma_wait3A_2302 = arith.constant 0 : i32
      %dma_wait3A_2303 = arith.constant 0 : i32
      %dma_wait3A_2304 = tpu.memref_slice %arg9[%dma_wait3A_2300, %dma_wait3A_2301, %dma_wait3A_2302, %dma_wait3A_2303] : memref<2x16x8x128xf32, #tpu.memory_space<vmem>> -> memref<1x1x8x128xf32, #tpu.memory_space<vmem>>
      %dma_wait3A_2305 = tpu.memref_squeeze %dma_wait3A_2304 : memref<1x1x8x128xf32, #tpu.memory_space<vmem>> -> memref<8x128xf32, #tpu.memory_space<vmem>>
      %dma_wait3A_2306 = arith.constant 0 : i32
      %dma_wait3A_2307 = arith.constant 0 : i32
      %dma_wait3A_2308 = tpu.memref_slice %arg2[%dma_wait3A_2306, %dma_wait3A_2307] : memref<8x1000000xf32, #tpu.memory_space<hbm>> -> memref<8x128xf32, #tpu.memory_space<hbm>>
      %dma_wait3A_2309 = arith.constant 0 : i32
      %dma_wait3A_2310 = arith.constant 0 : i32
      %dma_wait3A_2311 = tpu.memref_slice %arg9[%dma_wait3A_2300, %dma_wait3A_2301, %dma_wait3A_2309, %dma_wait3A_2310] : memref<2x16x8x128xf32, #tpu.memory_space<vmem>> -> memref<1x1x8x128xf32, #tpu.memory_space<vmem>>
      %dma_wait3A_2312 = tpu.memref_squeeze %dma_wait3A_2311 : memref<1x1x8x128xf32, #tpu.memory_space<vmem>> -> memref<8x128xf32, #tpu.memory_space<vmem>>
      %dma_wait3A_2313 = arith.constant 0 : i32
      %dma_wait3A_2314 = arith.constant 0 : i32
      %dma_wait3A_2315 = tpu.memref_slice %arg2[%dma_wait3A_2313, %dma_wait3A_2314] : memref<8x1000000xf32, #tpu.memory_space<hbm>> -> memref<8x128xf32, #tpu.memory_space<hbm>>
      tpu.wait_dma2 semaphore(%arg12 : memref<!tpu.dma_semaphore, #tpu.memory_space<semaphore_mem>>) src(%dma_wait3A_2315 : memref<8x128xf32, #tpu.memory_space<hbm>>) dst(%dma_wait3A_2312 : memref<8x128xf32, #tpu.memory_space<vmem>>)
      %dma_wait3A_2316 = arith.constant 0 : i32
      %dma_wait3A_2317 = arith.constant 0 : i32
      %dma_wait3A_2318 = arith.constant 0 : i32
      %dma_wait3A_2319 = arith.constant 0 : i32
      %dma_wait3A_2320 = tpu.memref_slice %arg10[%dma_wait3A_2316, %dma_wait3A_2317, %dma_wait3A_2318, %dma_wait3A_2319] : memref<2x16x8x128xf32, #tpu.memory_space<vmem>> -> memref<1x1x8x128xf32, #tpu.memory_space<vmem>>
      %dma_wait3A_2321 = tpu.memref_squeeze %dma_wait3A_2320 : memref<1x1x8x128xf32, #tpu.memory_space<vmem>> -> memref<8x128xf32, #tpu.memory_space<vmem>>
      %dma_wait3A_2322 = arith.constant 0 : i32
      %dma_wait3A_2323 = arith.constant 0 : i32
      %dma_wait3A_2324 = tpu.memref_slice %arg4[%dma_wait3A_2322, %dma_wait3A_2323] : memref<8x1000000xf32, #tpu.memory_space<hbm>> -> memref<8x128xf32, #tpu.memory_space<hbm>>
      %dma_wait3A_2325 = arith.constant 0 : i32
      %dma_wait3A_2326 = arith.constant 0 : i32
      %dma_wait3A_2327 = tpu.memref_slice %arg10[%dma_wait3A_2316, %dma_wait3A_2317, %dma_wait3A_2325, %dma_wait3A_2326] : memref<2x16x8x128xf32, #tpu.memory_space<vmem>> -> memref<1x1x8x128xf32, #tpu.memory_space<vmem>>
      %dma_wait3A_2328 = tpu.memref_squeeze %dma_wait3A_2327 : memref<1x1x8x128xf32, #tpu.memory_space<vmem>> -> memref<8x128xf32, #tpu.memory_space<vmem>>
      %dma_wait3A_2329 = arith.constant 0 : i32
      %dma_wait3A_2330 = arith.constant 0 : i32
      %dma_wait3A_2331 = tpu.memref_slice %arg4[%dma_wait3A_2329, %dma_wait3A_2330] : memref<8x1000000xf32, #tpu.memory_space<hbm>> -> memref<8x128xf32, #tpu.memory_space<hbm>>
      tpu.wait_dma2 semaphore(%arg13 : memref<!tpu.dma_semaphore, #tpu.memory_space<semaphore_mem>>) src(%dma_wait3A_2331 : memref<8x128xf32, #tpu.memory_space<hbm>>) dst(%dma_wait3A_2328 : memref<8x128xf32, #tpu.memory_space<vmem>>)
      %dma_wait3A_2332 = arith.constant 0 : i32
      %dma_wait3A_2333 = arith.constant 0 : i32
      %dma_wait3A_2334 = arith.constant 0 : i32
      %dma_wait3A_2335 = arith.constant 0 : i32
      %dma_wait3A_2336 = tpu.memref_slice %arg9[%dma_wait3A_2332, %dma_wait3A_2333, %dma_wait3A_2334, %dma_wait3A_2335] : memref<2x16x8x128xf32, #tpu.memory_space<vmem>> -> memref<1x1x8x128xf32, #tpu.memory_space<vmem>>
      %dma_wait3A_2337 = tpu.memref_squeeze %dma_wait3A_2336 : memref<1x1x8x128xf32, #tpu.memory_space<vmem>> -> memref<8x128xf32, #tpu.memory_space<vmem>>
      %dma_wait3A_2338 = arith.constant 0 : i32
      %dma_wait3A_2339 = arith.constant 0 : i32
      %dma_wait3A_2340 = tpu.memref_slice %arg2[%dma_wait3A_2338, %dma_wait3A_2339] : memref<8x1000000xf32, #tpu.memory_space<hbm>> -> memref<8x128xf32, #tpu.memory_space<hbm>>
      %dma_wait3A_2341 = arith.constant 0 : i32
      %dma_wait3A_2342 = arith.constant 0 : i32
      %dma_wait3A_2343 = tpu.memref_slice %arg9[%dma_wait3A_2332, %dma_wait3A_2333, %dma_wait3A_2341, %dma_wait3A_2342] : memref<2x16x8x128xf32, #tpu.memory_space<vmem>> -> memref<1x1x8x128xf32, #tpu.memory_space<vmem>>
      %dma_wait3A_2344 = tpu.memref_squeeze %dma_wait3A_2343 : memref<1x1x8x128xf32, #tpu.memory_space<vmem>> -> memref<8x128xf32, #tpu.memory_space<vmem>>
      %dma_wait3A_2345 = arith.constant 0 : i32
      %dma_wait3A_2346 = arith.constant 0 : i32
      %dma_wait3A_2347 = tpu.memref_slice %arg2[%dma_wait3A_2345, %dma_wait3A_2346] : memref<8x1000000xf32, #tpu.memory_space<hbm>> -> memref<8x128xf32, #tpu.memory_space<hbm>>
      tpu.wait_dma2 semaphore(%arg12 : memref<!tpu.dma_semaphore, #tpu.memory_space<semaphore_mem>>) src(%dma_wait3A_2347 : memref<8x128xf32, #tpu.memory_space<hbm>>) dst(%dma_wait3A_2344 : memref<8x128xf32, #tpu.memory_space<vmem>>)
      %dma_wait3A_2348 = arith.constant 0 : i32
      %dma_wait3A_2349 = arith.constant 0 : i32
      %dma_wait3A_2350 = arith.constant 0 : i32
      %dma_wait3A_2351 = arith.constant 0 : i32
      %dma_wait3A_2352 = tpu.memref_slice %arg10[%dma_wait3A_2348, %dma_wait3A_2349, %dma_wait3A_2350, %dma_wait3A_2351] : memref<2x16x8x128xf32, #tpu.memory_space<vmem>> -> memref<1x1x8x128xf32, #tpu.memory_space<vmem>>
      %dma_wait3A_2353 = tpu.memref_squeeze %dma_wait3A_2352 : memref<1x1x8x128xf32, #tpu.memory_space<vmem>> -> memref<8x128xf32, #tpu.memory_space<vmem>>
      %dma_wait3A_2354 = arith.constant 0 : i32
      %dma_wait3A_2355 = arith.constant 0 : i32
      %dma_wait3A_2356 = tpu.memref_slice %arg4[%dma_wait3A_2354, %dma_wait3A_2355] : memref<8x1000000xf32, #tpu.memory_space<hbm>> -> memref<8x128xf32, #tpu.memory_space<hbm>>
      %dma_wait3A_2357 = arith.constant 0 : i32
      %dma_wait3A_2358 = arith.constant 0 : i32
      %dma_wait3A_2359 = tpu.memref_slice %arg10[%dma_wait3A_2348, %dma_wait3A_2349, %dma_wait3A_2357, %dma_wait3A_2358] : memref<2x16x8x128xf32, #tpu.memory_space<vmem>> -> memref<1x1x8x128xf32, #tpu.memory_space<vmem>>
      %dma_wait3A_2360 = tpu.memref_squeeze %dma_wait3A_2359 : memref<1x1x8x128xf32, #tpu.memory_space<vmem>> -> memref<8x128xf32, #tpu.memory_space<vmem>>
      %dma_wait3A_2361 = arith.constant 0 : i32
      %dma_wait3A_2362 = arith.constant 0 : i32
      %dma_wait3A_2363 = tpu.memref_slice %arg4[%dma_wait3A_2361, %dma_wait3A_2362] : memref<8x1000000xf32, #tpu.memory_space<hbm>> -> memref<8x128xf32, #tpu.memory_space<hbm>>
      tpu.wait_dma2 semaphore(%arg13 : memref<!tpu.dma_semaphore, #tpu.memory_space<semaphore_mem>>) src(%dma_wait3A_2363 : memref<8x128xf32, #tpu.memory_space<hbm>>) dst(%dma_wait3A_2360 : memref<8x128xf32, #tpu.memory_space<vmem>>)
      %dma_wait3A_2364 = arith.constant 0 : i32
      %dma_wait3A_2365 = arith.constant 0 : i32
      %dma_wait3A_2366 = arith.constant 0 : i32
      %dma_wait3A_2367 = arith.constant 0 : i32
      %dma_wait3A_2368 = tpu.memref_slice %arg9[%dma_wait3A_2364, %dma_wait3A_2365, %dma_wait3A_2366, %dma_wait3A_2367] : memref<2x16x8x128xf32, #tpu.memory_space<vmem>> -> memref<1x1x8x128xf32, #tpu.memory_space<vmem>>
      %dma_wait3A_2369 = tpu.memref_squeeze %dma_wait3A_2368 : memref<1x1x8x128xf32, #tpu.memory_space<vmem>> -> memref<8x128xf32, #tpu.memory_space<vmem>>
      %dma_wait3A_2370 = arith.constant 0 : i32
      %dma_wait3A_2371 = arith.constant 0 : i32
      %dma_wait3A_2372 = tpu.memref_slice %arg2[%dma_wait3A_2370, %dma_wait3A_2371] : memref<8x1000000xf32, #tpu.memory_space<hbm>> -> memref<8x128xf32, #tpu.memory_space<hbm>>
      %dma_wait3A_2373 = arith.constant 0 : i32
      %dma_wait3A_2374 = arith.constant 0 : i32
      %dma_wait3A_2375 = tpu.memref_slice %arg9[%dma_wait3A_2364, %dma_wait3A_2365, %dma_wait3A_2373, %dma_wait3A_2374] : memref<2x16x8x128xf32, #tpu.memory_space<vmem>> -> memref<1x1x8x128xf32, #tpu.memory_space<vmem>>
      %dma_wait3A_2376 = tpu.memref_squeeze %dma_wait3A_2375 : memref<1x1x8x128xf32, #tpu.memory_space<vmem>> -> memref<8x128xf32, #tpu.memory_space<vmem>>
      %dma_wait3A_2377 = arith.constant 0 : i32
      %dma_wait3A_2378 = arith.constant 0 : i32
      %dma_wait3A_2379 = tpu.memref_slice %arg2[%dma_wait3A_2377, %dma_wait3A_2378] : memref<8x1000000xf32, #tpu.memory_space<hbm>> -> memref<8x128xf32, #tpu.memory_space<hbm>>
      tpu.wait_dma2 semaphore(%arg12 : memref<!tpu.dma_semaphore, #tpu.memory_space<semaphore_mem>>) src(%dma_wait3A_2379 : memref<8x128xf32, #tpu.memory_space<hbm>>) dst(%dma_wait3A_2376 : memref<8x128xf32, #tpu.memory_space<vmem>>)
      %dma_wait3A_2380 = arith.constant 0 : i32
      %dma_wait3A_2381 = arith.constant 0 : i32
      %dma_wait3A_2382 = arith.constant 0 : i32
      %dma_wait3A_2383 = arith.constant 0 : i32
      %dma_wait3A_2384 = tpu.memref_slice %arg10[%dma_wait3A_2380, %dma_wait3A_2381, %dma_wait3A_2382, %dma_wait3A_2383] : memref<2x16x8x128xf32, #tpu.memory_space<vmem>> -> memref<1x1x8x128xf32, #tpu.memory_space<vmem>>
      %dma_wait3A_2385 = tpu.memref_squeeze %dma_wait3A_2384 : memref<1x1x8x128xf32, #tpu.memory_space<vmem>> -> memref<8x128xf32, #tpu.memory_space<vmem>>
      %dma_wait3A_2386 = arith.constant 0 : i32
      %dma_wait3A_2387 = arith.constant 0 : i32
      %dma_wait3A_2388 = tpu.memref_slice %arg4[%dma_wait3A_2386, %dma_wait3A_2387] : memref<8x1000000xf32, #tpu.memory_space<hbm>> -> memref<8x128xf32, #tpu.memory_space<hbm>>
      %dma_wait3A_2389 = arith.constant 0 : i32
      %dma_wait3A_2390 = arith.constant 0 : i32
      %dma_wait3A_2391 = tpu.memref_slice %arg10[%dma_wait3A_2380, %dma_wait3A_2381, %dma_wait3A_2389, %dma_wait3A_2390] : memref<2x16x8x128xf32, #tpu.memory_space<vmem>> -> memref<1x1x8x128xf32, #tpu.memory_space<vmem>>
      %dma_wait3A_2392 = tpu.memref_squeeze %dma_wait3A_2391 : memref<1x1x8x128xf32, #tpu.memory_space<vmem>> -> memref<8x128xf32, #tpu.memory_space<vmem>>
      %dma_wait3A_2393 = arith.constant 0 : i32
      %dma_wait3A_2394 = arith.constant 0 : i32
      %dma_wait3A_2395 = tpu.memref_slice %arg4[%dma_wait3A_2393, %dma_wait3A_2394] : memref<8x1000000xf32, #tpu.memory_space<hbm>> -> memref<8x128xf32, #tpu.memory_space<hbm>>
      tpu.wait_dma2 semaphore(%arg13 : memref<!tpu.dma_semaphore, #tpu.memory_space<semaphore_mem>>) src(%dma_wait3A_2395 : memref<8x128xf32, #tpu.memory_space<hbm>>) dst(%dma_wait3A_2392 : memref<8x128xf32, #tpu.memory_space<vmem>>)
      %dma_wait3A_2396 = arith.constant 0 : i32
      %dma_wait3A_2397 = arith.constant 0 : i32
      %dma_wait3A_2398 = arith.constant 0 : i32
      %dma_wait3A_2399 = arith.constant 0 : i32
      %dma_wait3A_2400 = tpu.memref_slice %arg9[%dma_wait3A_2396, %dma_wait3A_2397, %dma_wait3A_2398, %dma_wait3A_2399] : memref<2x16x8x128xf32, #tpu.memory_space<vmem>> -> memref<1x1x8x128xf32, #tpu.memory_space<vmem>>
      %dma_wait3A_2401 = tpu.memref_squeeze %dma_wait3A_2400 : memref<1x1x8x128xf32, #tpu.memory_space<vmem>> -> memref<8x128xf32, #tpu.memory_space<vmem>>
      %dma_wait3A_2402 = arith.constant 0 : i32
      %dma_wait3A_2403 = arith.constant 0 : i32
      %dma_wait3A_2404 = tpu.memref_slice %arg2[%dma_wait3A_2402, %dma_wait3A_2403] : memref<8x1000000xf32, #tpu.memory_space<hbm>> -> memref<8x128xf32, #tpu.memory_space<hbm>>
      %dma_wait3A_2405 = arith.constant 0 : i32
      %dma_wait3A_2406 = arith.constant 0 : i32
      %dma_wait3A_2407 = tpu.memref_slice %arg9[%dma_wait3A_2396, %dma_wait3A_2397, %dma_wait3A_2405, %dma_wait3A_2406] : memref<2x16x8x128xf32, #tpu.memory_space<vmem>> -> memref<1x1x8x128xf32, #tpu.memory_space<vmem>>
      %dma_wait3A_2408 = tpu.memref_squeeze %dma_wait3A_2407 : memref<1x1x8x128xf32, #tpu.memory_space<vmem>> -> memref<8x128xf32, #tpu.memory_space<vmem>>
      %dma_wait3A_2409 = arith.constant 0 : i32
      %dma_wait3A_2410 = arith.constant 0 : i32
      %dma_wait3A_2411 = tpu.memref_slice %arg2[%dma_wait3A_2409, %dma_wait3A_2410] : memref<8x1000000xf32, #tpu.memory_space<hbm>> -> memref<8x128xf32, #tpu.memory_space<hbm>>
      tpu.wait_dma2 semaphore(%arg12 : memref<!tpu.dma_semaphore, #tpu.memory_space<semaphore_mem>>) src(%dma_wait3A_2411 : memref<8x128xf32, #tpu.memory_space<hbm>>) dst(%dma_wait3A_2408 : memref<8x128xf32, #tpu.memory_space<vmem>>)
      %dma_wait3A_2412 = arith.constant 0 : i32
      %dma_wait3A_2413 = arith.constant 0 : i32
      %dma_wait3A_2414 = arith.constant 0 : i32
      %dma_wait3A_2415 = arith.constant 0 : i32
      %dma_wait3A_2416 = tpu.memref_slice %arg10[%dma_wait3A_2412, %dma_wait3A_2413, %dma_wait3A_2414, %dma_wait3A_2415] : memref<2x16x8x128xf32, #tpu.memory_space<vmem>> -> memref<1x1x8x128xf32, #tpu.memory_space<vmem>>
      %dma_wait3A_2417 = tpu.memref_squeeze %dma_wait3A_2416 : memref<1x1x8x128xf32, #tpu.memory_space<vmem>> -> memref<8x128xf32, #tpu.memory_space<vmem>>
      %dma_wait3A_2418 = arith.constant 0 : i32
      %dma_wait3A_2419 = arith.constant 0 : i32
      %dma_wait3A_2420 = tpu.memref_slice %arg4[%dma_wait3A_2418, %dma_wait3A_2419] : memref<8x1000000xf32, #tpu.memory_space<hbm>> -> memref<8x128xf32, #tpu.memory_space<hbm>>
      %dma_wait3A_2421 = arith.constant 0 : i32
      %dma_wait3A_2422 = arith.constant 0 : i32
      %dma_wait3A_2423 = tpu.memref_slice %arg10[%dma_wait3A_2412, %dma_wait3A_2413, %dma_wait3A_2421, %dma_wait3A_2422] : memref<2x16x8x128xf32, #tpu.memory_space<vmem>> -> memref<1x1x8x128xf32, #tpu.memory_space<vmem>>
      %dma_wait3A_2424 = tpu.memref_squeeze %dma_wait3A_2423 : memref<1x1x8x128xf32, #tpu.memory_space<vmem>> -> memref<8x128xf32, #tpu.memory_space<vmem>>
      %dma_wait3A_2425 = arith.constant 0 : i32
      %dma_wait3A_2426 = arith.constant 0 : i32
      %dma_wait3A_2427 = tpu.memref_slice %arg4[%dma_wait3A_2425, %dma_wait3A_2426] : memref<8x1000000xf32, #tpu.memory_space<hbm>> -> memref<8x128xf32, #tpu.memory_space<hbm>>
      tpu.wait_dma2 semaphore(%arg13 : memref<!tpu.dma_semaphore, #tpu.memory_space<semaphore_mem>>) src(%dma_wait3A_2427 : memref<8x128xf32, #tpu.memory_space<hbm>>) dst(%dma_wait3A_2424 : memref<8x128xf32, #tpu.memory_space<vmem>>)
      %dma_wait3A_2428 = arith.constant 0 : i32
      %dma_wait3A_2429 = arith.constant 0 : i32
      %dma_wait3A_2430 = arith.constant 0 : i32
      %dma_wait3A_2431 = arith.constant 0 : i32
      %dma_wait3A_2432 = tpu.memref_slice %arg9[%dma_wait3A_2428, %dma_wait3A_2429, %dma_wait3A_2430, %dma_wait3A_2431] : memref<2x16x8x128xf32, #tpu.memory_space<vmem>> -> memref<1x1x8x128xf32, #tpu.memory_space<vmem>>
      %dma_wait3A_2433 = tpu.memref_squeeze %dma_wait3A_2432 : memref<1x1x8x128xf32, #tpu.memory_space<vmem>> -> memref<8x128xf32, #tpu.memory_space<vmem>>
      %dma_wait3A_2434 = arith.constant 0 : i32
      %dma_wait3A_2435 = arith.constant 0 : i32
      %dma_wait3A_2436 = tpu.memref_slice %arg2[%dma_wait3A_2434, %dma_wait3A_2435] : memref<8x1000000xf32, #tpu.memory_space<hbm>> -> memref<8x128xf32, #tpu.memory_space<hbm>>
      %dma_wait3A_2437 = arith.constant 0 : i32
      %dma_wait3A_2438 = arith.constant 0 : i32
      %dma_wait3A_2439 = tpu.memref_slice %arg9[%dma_wait3A_2428, %dma_wait3A_2429, %dma_wait3A_2437, %dma_wait3A_2438] : memref<2x16x8x128xf32, #tpu.memory_space<vmem>> -> memref<1x1x8x128xf32, #tpu.memory_space<vmem>>
      %dma_wait3A_2440 = tpu.memref_squeeze %dma_wait3A_2439 : memref<1x1x8x128xf32, #tpu.memory_space<vmem>> -> memref<8x128xf32, #tpu.memory_space<vmem>>
      %dma_wait3A_2441 = arith.constant 0 : i32
      %dma_wait3A_2442 = arith.constant 0 : i32
      %dma_wait3A_2443 = tpu.memref_slice %arg2[%dma_wait3A_2441, %dma_wait3A_2442] : memref<8x1000000xf32, #tpu.memory_space<hbm>> -> memref<8x128xf32, #tpu.memory_space<hbm>>
      tpu.wait_dma2 semaphore(%arg12 : memref<!tpu.dma_semaphore, #tpu.memory_space<semaphore_mem>>) src(%dma_wait3A_2443 : memref<8x128xf32, #tpu.memory_space<hbm>>) dst(%dma_wait3A_2440 : memref<8x128xf32, #tpu.memory_space<vmem>>)
      %dma_wait3A_2444 = arith.constant 0 : i32
      %dma_wait3A_2445 = arith.constant 0 : i32
      %dma_wait3A_2446 = arith.constant 0 : i32
      %dma_wait3A_2447 = arith.constant 0 : i32
      %dma_wait3A_2448 = tpu.memref_slice %arg10[%dma_wait3A_2444, %dma_wait3A_2445, %dma_wait3A_2446, %dma_wait3A_2447] : memref<2x16x8x128xf32, #tpu.memory_space<vmem>> -> memref<1x1x8x128xf32, #tpu.memory_space<vmem>>
      %dma_wait3A_2449 = tpu.memref_squeeze %dma_wait3A_2448 : memref<1x1x8x128xf32, #tpu.memory_space<vmem>> -> memref<8x128xf32, #tpu.memory_space<vmem>>
      %dma_wait3A_2450 = arith.constant 0 : i32
      %dma_wait3A_2451 = arith.constant 0 : i32
      %dma_wait3A_2452 = tpu.memref_slice %arg4[%dma_wait3A_2450, %dma_wait3A_2451] : memref<8x1000000xf32, #tpu.memory_space<hbm>> -> memref<8x128xf32, #tpu.memory_space<hbm>>
      %dma_wait3A_2453 = arith.constant 0 : i32
      %dma_wait3A_2454 = arith.constant 0 : i32
      %dma_wait3A_2455 = tpu.memref_slice %arg10[%dma_wait3A_2444, %dma_wait3A_2445, %dma_wait3A_2453, %dma_wait3A_2454] : memref<2x16x8x128xf32, #tpu.memory_space<vmem>> -> memref<1x1x8x128xf32, #tpu.memory_space<vmem>>
      %dma_wait3A_2456 = tpu.memref_squeeze %dma_wait3A_2455 : memref<1x1x8x128xf32, #tpu.memory_space<vmem>> -> memref<8x128xf32, #tpu.memory_space<vmem>>
      %dma_wait3A_2457 = arith.constant 0 : i32
      %dma_wait3A_2458 = arith.constant 0 : i32
      %dma_wait3A_2459 = tpu.memref_slice %arg4[%dma_wait3A_2457, %dma_wait3A_2458] : memref<8x1000000xf32, #tpu.memory_space<hbm>> -> memref<8x128xf32, #tpu.memory_space<hbm>>
      tpu.wait_dma2 semaphore(%arg13 : memref<!tpu.dma_semaphore, #tpu.memory_space<semaphore_mem>>) src(%dma_wait3A_2459 : memref<8x128xf32, #tpu.memory_space<hbm>>) dst(%dma_wait3A_2456 : memref<8x128xf32, #tpu.memory_space<vmem>>)
      %dma_wait3A_2460 = arith.constant 0 : i32
      %dma_wait3A_2461 = arith.constant 0 : i32
      %dma_wait3A_2462 = arith.constant 0 : i32
      %dma_wait3A_2463 = arith.constant 0 : i32
      %dma_wait3A_2464 = tpu.memref_slice %arg9[%dma_wait3A_2460, %dma_wait3A_2461, %dma_wait3A_2462, %dma_wait3A_2463] : memref<2x16x8x128xf32, #tpu.memory_space<vmem>> -> memref<1x1x8x128xf32, #tpu.memory_space<vmem>>
      %dma_wait3A_2465 = tpu.memref_squeeze %dma_wait3A_2464 : memref<1x1x8x128xf32, #tpu.memory_space<vmem>> -> memref<8x128xf32, #tpu.memory_space<vmem>>
      %dma_wait3A_2466 = arith.constant 0 : i32
      %dma_wait3A_2467 = arith.constant 0 : i32
      %dma_wait3A_2468 = tpu.memref_slice %arg2[%dma_wait3A_2466, %dma_wait3A_2467] : memref<8x1000000xf32, #tpu.memory_space<hbm>> -> memref<8x128xf32, #tpu.memory_space<hbm>>
      %dma_wait3A_2469 = arith.constant 0 : i32
      %dma_wait3A_2470 = arith.constant 0 : i32
      %dma_wait3A_2471 = tpu.memref_slice %arg9[%dma_wait3A_2460, %dma_wait3A_2461, %dma_wait3A_2469, %dma_wait3A_2470] : memref<2x16x8x128xf32, #tpu.memory_space<vmem>> -> memref<1x1x8x128xf32, #tpu.memory_space<vmem>>
      %dma_wait3A_2472 = tpu.memref_squeeze %dma_wait3A_2471 : memref<1x1x8x128xf32, #tpu.memory_space<vmem>> -> memref<8x128xf32, #tpu.memory_space<vmem>>
      %dma_wait3A_2473 = arith.constant 0 : i32
      %dma_wait3A_2474 = arith.constant 0 : i32
      %dma_wait3A_2475 = tpu.memref_slice %arg2[%dma_wait3A_2473, %dma_wait3A_2474] : memref<8x1000000xf32, #tpu.memory_space<hbm>> -> memref<8x128xf32, #tpu.memory_space<hbm>>
      tpu.wait_dma2 semaphore(%arg12 : memref<!tpu.dma_semaphore, #tpu.memory_space<semaphore_mem>>) src(%dma_wait3A_2475 : memref<8x128xf32, #tpu.memory_space<hbm>>) dst(%dma_wait3A_2472 : memref<8x128xf32, #tpu.memory_space<vmem>>)
      %dma_wait3A_2476 = arith.constant 0 : i32
      %dma_wait3A_2477 = arith.constant 0 : i32
      %dma_wait3A_2478 = arith.constant 0 : i32
      %dma_wait3A_2479 = arith.constant 0 : i32
      %dma_wait3A_2480 = tpu.memref_slice %arg10[%dma_wait3A_2476, %dma_wait3A_2477, %dma_wait3A_2478, %dma_wait3A_2479] : memref<2x16x8x128xf32, #tpu.memory_space<vmem>> -> memref<1x1x8x128xf32, #tpu.memory_space<vmem>>
      %dma_wait3A_2481 = tpu.memref_squeeze %dma_wait3A_2480 : memref<1x1x8x128xf32, #tpu.memory_space<vmem>> -> memref<8x128xf32, #tpu.memory_space<vmem>>
      %dma_wait3A_2482 = arith.constant 0 : i32
      %dma_wait3A_2483 = arith.constant 0 : i32
      %dma_wait3A_2484 = tpu.memref_slice %arg4[%dma_wait3A_2482, %dma_wait3A_2483] : memref<8x1000000xf32, #tpu.memory_space<hbm>> -> memref<8x128xf32, #tpu.memory_space<hbm>>
      %dma_wait3A_2485 = arith.constant 0 : i32
      %dma_wait3A_2486 = arith.constant 0 : i32
      %dma_wait3A_2487 = tpu.memref_slice %arg10[%dma_wait3A_2476, %dma_wait3A_2477, %dma_wait3A_2485, %dma_wait3A_2486] : memref<2x16x8x128xf32, #tpu.memory_space<vmem>> -> memref<1x1x8x128xf32, #tpu.memory_space<vmem>>
      %dma_wait3A_2488 = tpu.memref_squeeze %dma_wait3A_2487 : memref<1x1x8x128xf32, #tpu.memory_space<vmem>> -> memref<8x128xf32, #tpu.memory_space<vmem>>
      %dma_wait3A_2489 = arith.constant 0 : i32
      %dma_wait3A_2490 = arith.constant 0 : i32
      %dma_wait3A_2491 = tpu.memref_slice %arg4[%dma_wait3A_2489, %dma_wait3A_2490] : memref<8x1000000xf32, #tpu.memory_space<hbm>> -> memref<8x128xf32, #tpu.memory_space<hbm>>
      tpu.wait_dma2 semaphore(%arg13 : memref<!tpu.dma_semaphore, #tpu.memory_space<semaphore_mem>>) src(%dma_wait3A_2491 : memref<8x128xf32, #tpu.memory_space<hbm>>) dst(%dma_wait3A_2488 : memref<8x128xf32, #tpu.memory_space<vmem>>)
      %dma_wait3A_2492 = arith.constant 0 : i32
      %dma_wait3A_2493 = arith.constant 0 : i32
      %dma_wait3A_2494 = arith.constant 0 : i32
      %dma_wait3A_2495 = arith.constant 0 : i32
      %dma_wait3A_2496 = tpu.memref_slice %arg9[%dma_wait3A_2492, %dma_wait3A_2493, %dma_wait3A_2494, %dma_wait3A_2495] : memref<2x16x8x128xf32, #tpu.memory_space<vmem>> -> memref<1x1x8x128xf32, #tpu.memory_space<vmem>>
      %dma_wait3A_2497 = tpu.memref_squeeze %dma_wait3A_2496 : memref<1x1x8x128xf32, #tpu.memory_space<vmem>> -> memref<8x128xf32, #tpu.memory_space<vmem>>
      %dma_wait3A_2498 = arith.constant 0 : i32
      %dma_wait3A_2499 = arith.constant 0 : i32
      %dma_wait3A_2500 = tpu.memref_slice %arg2[%dma_wait3A_2498, %dma_wait3A_2499] : memref<8x1000000xf32, #tpu.memory_space<hbm>> -> memref<8x128xf32, #tpu.memory_space<hbm>>
      %dma_wait3A_2501 = arith.constant 0 : i32
      %dma_wait3A_2502 = arith.constant 0 : i32
      %dma_wait3A_2503 = tpu.memref_slice %arg9[%dma_wait3A_2492, %dma_wait3A_2493, %dma_wait3A_2501, %dma_wait3A_2502] : memref<2x16x8x128xf32, #tpu.memory_space<vmem>> -> memref<1x1x8x128xf32, #tpu.memory_space<vmem>>
      %dma_wait3A_2504 = tpu.memref_squeeze %dma_wait3A_2503 : memref<1x1x8x128xf32, #tpu.memory_space<vmem>> -> memref<8x128xf32, #tpu.memory_space<vmem>>
      %dma_wait3A_2505 = arith.constant 0 : i32
      %dma_wait3A_2506 = arith.constant 0 : i32
      %dma_wait3A_2507 = tpu.memref_slice %arg2[%dma_wait3A_2505, %dma_wait3A_2506] : memref<8x1000000xf32, #tpu.memory_space<hbm>> -> memref<8x128xf32, #tpu.memory_space<hbm>>
      tpu.wait_dma2 semaphore(%arg12 : memref<!tpu.dma_semaphore, #tpu.memory_space<semaphore_mem>>) src(%dma_wait3A_2507 : memref<8x128xf32, #tpu.memory_space<hbm>>) dst(%dma_wait3A_2504 : memref<8x128xf32, #tpu.memory_space<vmem>>)
      %dma_wait3A_2508 = arith.constant 0 : i32
      %dma_wait3A_2509 = arith.constant 0 : i32
      %dma_wait3A_2510 = arith.constant 0 : i32
      %dma_wait3A_2511 = arith.constant 0 : i32
      %dma_wait3A_2512 = tpu.memref_slice %arg10[%dma_wait3A_2508, %dma_wait3A_2509, %dma_wait3A_2510, %dma_wait3A_2511] : memref<2x16x8x128xf32, #tpu.memory_space<vmem>> -> memref<1x1x8x128xf32, #tpu.memory_space<vmem>>
      %dma_wait3A_2513 = tpu.memref_squeeze %dma_wait3A_2512 : memref<1x1x8x128xf32, #tpu.memory_space<vmem>> -> memref<8x128xf32, #tpu.memory_space<vmem>>
      %dma_wait3A_2514 = arith.constant 0 : i32
      %dma_wait3A_2515 = arith.constant 0 : i32
      %dma_wait3A_2516 = tpu.memref_slice %arg4[%dma_wait3A_2514, %dma_wait3A_2515] : memref<8x1000000xf32, #tpu.memory_space<hbm>> -> memref<8x128xf32, #tpu.memory_space<hbm>>
      %dma_wait3A_2517 = arith.constant 0 : i32
      %dma_wait3A_2518 = arith.constant 0 : i32
      %dma_wait3A_2519 = tpu.memref_slice %arg10[%dma_wait3A_2508, %dma_wait3A_2509, %dma_wait3A_2517, %dma_wait3A_2518] : memref<2x16x8x128xf32, #tpu.memory_space<vmem>> -> memref<1x1x8x128xf32, #tpu.memory_space<vmem>>
      %dma_wait3A_2520 = tpu.memref_squeeze %dma_wait3A_2519 : memref<1x1x8x128xf32, #tpu.memory_space<vmem>> -> memref<8x128xf32, #tpu.memory_space<vmem>>
      %dma_wait3A_2521 = arith.constant 0 : i32
      %dma_wait3A_2522 = arith.constant 0 : i32
      %dma_wait3A_2523 = tpu.memref_slice %arg4[%dma_wait3A_2521, %dma_wait3A_2522] : memref<8x1000000xf32, #tpu.memory_space<hbm>> -> memref<8x128xf32, #tpu.memory_space<hbm>>
      tpu.wait_dma2 semaphore(%arg13 : memref<!tpu.dma_semaphore, #tpu.memory_space<semaphore_mem>>) src(%dma_wait3A_2523 : memref<8x128xf32, #tpu.memory_space<hbm>>) dst(%dma_wait3A_2520 : memref<8x128xf32, #tpu.memory_space<vmem>>)
      %dma_wait3A_2524 = arith.constant 0 : i32
      %dma_wait3A_2525 = arith.constant 0 : i32
      %dma_wait3A_2526 = arith.constant 0 : i32
      %dma_wait3A_2527 = arith.constant 0 : i32
      %dma_wait3A_2528 = tpu.memref_slice %arg9[%dma_wait3A_2524, %dma_wait3A_2525, %dma_wait3A_2526, %dma_wait3A_2527] : memref<2x16x8x128xf32, #tpu.memory_space<vmem>> -> memref<1x1x8x128xf32, #tpu.memory_space<vmem>>
      %dma_wait3A_2529 = tpu.memref_squeeze %dma_wait3A_2528 : memref<1x1x8x128xf32, #tpu.memory_space<vmem>> -> memref<8x128xf32, #tpu.memory_space<vmem>>
      %dma_wait3A_2530 = arith.constant 0 : i32
      %dma_wait3A_2531 = arith.constant 0 : i32
      %dma_wait3A_2532 = tpu.memref_slice %arg2[%dma_wait3A_2530, %dma_wait3A_2531] : memref<8x1000000xf32, #tpu.memory_space<hbm>> -> memref<8x128xf32, #tpu.memory_space<hbm>>
      %dma_wait3A_2533 = arith.constant 0 : i32
      %dma_wait3A_2534 = arith.constant 0 : i32
      %dma_wait3A_2535 = tpu.memref_slice %arg9[%dma_wait3A_2524, %dma_wait3A_2525, %dma_wait3A_2533, %dma_wait3A_2534] : memref<2x16x8x128xf32, #tpu.memory_space<vmem>> -> memref<1x1x8x128xf32, #tpu.memory_space<vmem>>
      %dma_wait3A_2536 = tpu.memref_squeeze %dma_wait3A_2535 : memref<1x1x8x128xf32, #tpu.memory_space<vmem>> -> memref<8x128xf32, #tpu.memory_space<vmem>>
      %dma_wait3A_2537 = arith.constant 0 : i32
      %dma_wait3A_2538 = arith.constant 0 : i32
      %dma_wait3A_2539 = tpu.memref_slice %arg2[%dma_wait3A_2537, %dma_wait3A_2538] : memref<8x1000000xf32, #tpu.memory_space<hbm>> -> memref<8x128xf32, #tpu.memory_space<hbm>>
      tpu.wait_dma2 semaphore(%arg12 : memref<!tpu.dma_semaphore, #tpu.memory_space<semaphore_mem>>) src(%dma_wait3A_2539 : memref<8x128xf32, #tpu.memory_space<hbm>>) dst(%dma_wait3A_2536 : memref<8x128xf32, #tpu.memory_space<vmem>>)
      %dma_wait3A_2540 = arith.constant 0 : i32
      %dma_wait3A_2541 = arith.constant 0 : i32
      %dma_wait3A_2542 = arith.constant 0 : i32
      %dma_wait3A_2543 = arith.constant 0 : i32
      %dma_wait3A_2544 = tpu.memref_slice %arg10[%dma_wait3A_2540, %dma_wait3A_2541, %dma_wait3A_2542, %dma_wait3A_2543] : memref<2x16x8x128xf32, #tpu.memory_space<vmem>> -> memref<1x1x8x128xf32, #tpu.memory_space<vmem>>
      %dma_wait3A_2545 = tpu.memref_squeeze %dma_wait3A_2544 : memref<1x1x8x128xf32, #tpu.memory_space<vmem>> -> memref<8x128xf32, #tpu.memory_space<vmem>>
      %dma_wait3A_2546 = arith.constant 0 : i32
      %dma_wait3A_2547 = arith.constant 0 : i32
      %dma_wait3A_2548 = tpu.memref_slice %arg4[%dma_wait3A_2546, %dma_wait3A_2547] : memref<8x1000000xf32, #tpu.memory_space<hbm>> -> memref<8x128xf32, #tpu.memory_space<hbm>>
      %dma_wait3A_2549 = arith.constant 0 : i32
      %dma_wait3A_2550 = arith.constant 0 : i32
      %dma_wait3A_2551 = tpu.memref_slice %arg10[%dma_wait3A_2540, %dma_wait3A_2541, %dma_wait3A_2549, %dma_wait3A_2550] : memref<2x16x8x128xf32, #tpu.memory_space<vmem>> -> memref<1x1x8x128xf32, #tpu.memory_space<vmem>>
      %dma_wait3A_2552 = tpu.memref_squeeze %dma_wait3A_2551 : memref<1x1x8x128xf32, #tpu.memory_space<vmem>> -> memref<8x128xf32, #tpu.memory_space<vmem>>
      %dma_wait3A_2553 = arith.constant 0 : i32
      %dma_wait3A_2554 = arith.constant 0 : i32
      %dma_wait3A_2555 = tpu.memref_slice %arg4[%dma_wait3A_2553, %dma_wait3A_2554] : memref<8x1000000xf32, #tpu.memory_space<hbm>> -> memref<8x128xf32, #tpu.memory_space<hbm>>
      tpu.wait_dma2 semaphore(%arg13 : memref<!tpu.dma_semaphore, #tpu.memory_space<semaphore_mem>>) src(%dma_wait3A_2555 : memref<8x128xf32, #tpu.memory_space<hbm>>) dst(%dma_wait3A_2552 : memref<8x128xf32, #tpu.memory_space<vmem>>)
      %add3A_2556 = arith.constant 1 : i32
      %add3A_2557 = arith.addi %mul3A_680, %add3A_2556 : i32
      %mul3A_2558 = arith.constant 16 : i32
      %mul3A_2559 = arith.muli %add3A_2557, %mul3A_2558 : i32
      %get3A_2560 = arith.index_cast %mul3A_2559 : i32 to index
      %get3A_2561 = tpu.vector_load %arg7[%get3A_2560] {strides = array<i32>} : memref<512xi32, #tpu.memory_space<vmem>>, vector<16xi32>,
      %get3A_2562 = arith.index_cast %mul3A_2559 : i32 to index
      %get3A_2563 = tpu.vector_load %arg8[%get3A_2562] {strides = array<i32>} : memref<512xi32, #tpu.memory_space<vmem>>, vector<16xi32>,
      %and3A_2564 = arith.constant 127 : i32
      %and3A_2565 = vector.broadcast %and3A_2564 : i32 to vector<16xi32>
      %and3A_2566 = arith.andi %get3A_2561, %and3A_2565 : vector<16xi32>
      %and3A_2567 = arith.constant 127 : i32
      %and3A_2568 = vector.broadcast %and3A_2567 : i32 to vector<16xi32>
      %and3A_2569 = arith.andi %get3A_2563, %and3A_2568 : vector<16xi32>
      %broadcast_in_dim3A_2570 = arith.constant 0 : i32
      %broadcast_in_dim3A_2571 = vector.broadcast %broadcast_in_dim3A_2570 : i32 to vector<16xi32>
      %gather3A_2572 = arith.constant 1 : i32
      %gather3A_2573 = arith.constant 0 : i32
      %gather3A_2574 = arith.constant 0 : i32
      %gather3A_2575 = arith.constant 0 : i32
      %gather3A_2576 = tpu.memref_slice %arg9[%gather3A_2572, %gather3A_2573, %gather3A_2574, %gather3A_2575] : memref<2x16x8x128xf32, #tpu.memory_space<vmem>> -> memref<1x16x8x128xf32, #tpu.memory_space<vmem>>
      %gather3A_2577 = tpu.memref_squeeze %gather3A_2576 : memref<1x16x8x128xf32, #tpu.memory_space<vmem>> -> memref<16x8x128xf32, #tpu.memory_space<vmem>>
      %gather3A_2578 = tpu.vector_load_idx %gather3A_2577[%iota3A, %broadcast_in_dim3A_2571, %and3A_2566] : memref<16x8x128xf32, #tpu.memory_space<vmem>>[vector<16xi32>, vector<16xi32>, vector<16xi32>], vector<16xf32>,
      %gather3A_2579 = arith.constant 1 : i32
      %gather3A_2580 = arith.constant 0 : i32
      %gather3A_2581 = arith.constant 0 : i32
      %gather3A_2582 = arith.constant 0 : i32
      %gather3A_2583 = tpu.memref_slice %arg10[%gather3A_2579, %gather3A_2580, %gather3A_2581, %gather3A_2582] : memref<2x16x8x128xf32, #tpu.memory_space<vmem>> -> memref<1x16x8x128xf32, #tpu.memory_space<vmem>>
      %gather3A_2584 = tpu.memref_squeeze %gather3A_2583 : memref<1x16x8x128xf32, #tpu.memory_space<vmem>> -> memref<16x8x128xf32, #tpu.memory_space<vmem>>
      %gather3A_2585 = tpu.vector_load_idx %gather3A_2584[%iota3A, %broadcast_in_dim3A_2571, %and3A_2569] : memref<16x8x128xf32, #tpu.memory_space<vmem>>[vector<16xi32>, vector<16xi32>, vector<16xi32>], vector<16xf32>,
      %add3A_2586 = arith.constant 0 : i32
      %add3A_2587 = arith.addi %add3A_2586, %mul3A_2559 : i32
      %swap3A_2588 = arith.index_cast %add3A_2587 : i32 to index
      %swap3A_2589 = tpu.vector_load %arg11[%swap3A_2588] {strides = array<i32>} : memref<8192xf32, #tpu.memory_space<vmem>>, vector<16xf32>,
      tpu.vector_store %arg11[%swap3A_2588], %gather3A_2578 {strides = array<i32>} : memref<8192xf32, #tpu.memory_space<vmem>>, vector<16xf32>,
      %add3A_2590 = arith.constant 4096 : i32
      %add3A_2591 = arith.addi %add3A_2590, %mul3A_2559 : i32
      %swap3A_2592 = arith.index_cast %add3A_2591 : i32 to index
      %swap3A_2593 = tpu.vector_load %arg11[%swap3A_2592] {strides = array<i32>} : memref<8192xf32, #tpu.memory_space<vmem>>, vector<16xf32>,
      tpu.vector_store %arg11[%swap3A_2592], %gather3A_2585 {strides = array<i32>} : memref<8192xf32, #tpu.memory_space<vmem>>, vector<16xf32>,
      %broadcast_in_dim3A_2594 = arith.constant 1 : i32
      %broadcast_in_dim3A_2595 = vector.broadcast %broadcast_in_dim3A_2594 : i32 to vector<16xi32>
      %gather3A_2596 = arith.constant 1 : i32
      %gather3A_2597 = arith.constant 0 : i32
      %gather3A_2598 = arith.constant 0 : i32
      %gather3A_2599 = arith.constant 0 : i32
      %gather3A_2600 = tpu.memref_slice %arg9[%gather3A_2596, %gather3A_2597, %gather3A_2598, %gather3A_2599] : memref<2x16x8x128xf32, #tpu.memory_space<vmem>> -> memref<1x16x8x128xf32, #tpu.memory_space<vmem>>
      %gather3A_2601 = tpu.memref_squeeze %gather3A_2600 : memref<1x16x8x128xf32, #tpu.memory_space<vmem>> -> memref<16x8x128xf32, #tpu.memory_space<vmem>>
      %gather3A_2602 = tpu.vector_load_idx %gather3A_2601[%iota3A, %broadcast_in_dim3A_2595, %and3A_2566] : memref<16x8x128xf32, #tpu.memory_space<vmem>>[vector<16xi32>, vector<16xi32>, vector<16xi32>], vector<16xf32>,
      %gather3A_2603 = arith.constant 1 : i32
      %gather3A_2604 = arith.constant 0 : i32
      %gather3A_2605 = arith.constant 0 : i32
      %gather3A_2606 = arith.constant 0 : i32
      %gather3A_2607 = tpu.memref_slice %arg10[%gather3A_2603, %gather3A_2604, %gather3A_2605, %gather3A_2606] : memref<2x16x8x128xf32, #tpu.memory_space<vmem>> -> memref<1x16x8x128xf32, #tpu.memory_space<vmem>>
      %gather3A_2608 = tpu.memref_squeeze %gather3A_2607 : memref<1x16x8x128xf32, #tpu.memory_space<vmem>> -> memref<16x8x128xf32, #tpu.memory_space<vmem>>
      %gather3A_2609 = tpu.vector_load_idx %gather3A_2608[%iota3A, %broadcast_in_dim3A_2595, %and3A_2569] : memref<16x8x128xf32, #tpu.memory_space<vmem>>[vector<16xi32>, vector<16xi32>, vector<16xi32>], vector<16xf32>,
      %add3A_2610 = arith.constant 512 : i32
      %add3A_2611 = arith.addi %add3A_2610, %mul3A_2559 : i32
      %swap3A_2612 = arith.index_cast %add3A_2611 : i32 to index
      %swap3A_2613 = tpu.vector_load %arg11[%swap3A_2612] {strides = array<i32>} : memref<8192xf32, #tpu.memory_space<vmem>>, vector<16xf32>,
      tpu.vector_store %arg11[%swap3A_2612], %gather3A_2602 {strides = array<i32>} : memref<8192xf32, #tpu.memory_space<vmem>>, vector<16xf32>,
      %add3A_2614 = arith.constant 4608 : i32
      %add3A_2615 = arith.addi %add3A_2614, %mul3A_2559 : i32
      %swap3A_2616 = arith.index_cast %add3A_2615 : i32 to index
      %swap3A_2617 = tpu.vector_load %arg11[%swap3A_2616] {strides = array<i32>} : memref<8192xf32, #tpu.memory_space<vmem>>, vector<16xf32>,
      tpu.vector_store %arg11[%swap3A_2616], %gather3A_2609 {strides = array<i32>} : memref<8192xf32, #tpu.memory_space<vmem>>, vector<16xf32>,
      %broadcast_in_dim3A_2618 = arith.constant 2 : i32
      %broadcast_in_dim3A_2619 = vector.broadcast %broadcast_in_dim3A_2618 : i32 to vector<16xi32>
      %gather3A_2620 = arith.constant 1 : i32
      %gather3A_2621 = arith.constant 0 : i32
      %gather3A_2622 = arith.constant 0 : i32
      %gather3A_2623 = arith.constant 0 : i32
      %gather3A_2624 = tpu.memref_slice %arg9[%gather3A_2620, %gather3A_2621, %gather3A_2622, %gather3A_2623] : memref<2x16x8x128xf32, #tpu.memory_space<vmem>> -> memref<1x16x8x128xf32, #tpu.memory_space<vmem>>
      %gather3A_2625 = tpu.memref_squeeze %gather3A_2624 : memref<1x16x8x128xf32, #tpu.memory_space<vmem>> -> memref<16x8x128xf32, #tpu.memory_space<vmem>>
      %gather3A_2626 = tpu.vector_load_idx %gather3A_2625[%iota3A, %broadcast_in_dim3A_2619, %and3A_2566] : memref<16x8x128xf32, #tpu.memory_space<vmem>>[vector<16xi32>, vector<16xi32>, vector<16xi32>], vector<16xf32>,
      %gather3A_2627 = arith.constant 1 : i32
      %gather3A_2628 = arith.constant 0 : i32
      %gather3A_2629 = arith.constant 0 : i32
      %gather3A_2630 = arith.constant 0 : i32
      %gather3A_2631 = tpu.memref_slice %arg10[%gather3A_2627, %gather3A_2628, %gather3A_2629, %gather3A_2630] : memref<2x16x8x128xf32, #tpu.memory_space<vmem>> -> memref<1x16x8x128xf32, #tpu.memory_space<vmem>>
      %gather3A_2632 = tpu.memref_squeeze %gather3A_2631 : memref<1x16x8x128xf32, #tpu.memory_space<vmem>> -> memref<16x8x128xf32, #tpu.memory_space<vmem>>
      %gather3A_2633 = tpu.vector_load_idx %gather3A_2632[%iota3A, %broadcast_in_dim3A_2619, %and3A_2569] : memref<16x8x128xf32, #tpu.memory_space<vmem>>[vector<16xi32>, vector<16xi32>, vector<16xi32>], vector<16xf32>,
      %add3A_2634 = arith.constant 1024 : i32
      %add3A_2635 = arith.addi %add3A_2634, %mul3A_2559 : i32
      %swap3A_2636 = arith.index_cast %add3A_2635 : i32 to index
      %swap3A_2637 = tpu.vector_load %arg11[%swap3A_2636] {strides = array<i32>} : memref<8192xf32, #tpu.memory_space<vmem>>, vector<16xf32>,
      tpu.vector_store %arg11[%swap3A_2636], %gather3A_2626 {strides = array<i32>} : memref<8192xf32, #tpu.memory_space<vmem>>, vector<16xf32>,
      %add3A_2638 = arith.constant 5120 : i32
      %add3A_2639 = arith.addi %add3A_2638, %mul3A_2559 : i32
      %swap3A_2640 = arith.index_cast %add3A_2639 : i32 to index
      %swap3A_2641 = tpu.vector_load %arg11[%swap3A_2640] {strides = array<i32>} : memref<8192xf32, #tpu.memory_space<vmem>>, vector<16xf32>,
      tpu.vector_store %arg11[%swap3A_2640], %gather3A_2633 {strides = array<i32>} : memref<8192xf32, #tpu.memory_space<vmem>>, vector<16xf32>,
      %broadcast_in_dim3A_2642 = arith.constant 3 : i32
      %broadcast_in_dim3A_2643 = vector.broadcast %broadcast_in_dim3A_2642 : i32 to vector<16xi32>
      %gather3A_2644 = arith.constant 1 : i32
      %gather3A_2645 = arith.constant 0 : i32
      %gather3A_2646 = arith.constant 0 : i32
      %gather3A_2647 = arith.constant 0 : i32
      %gather3A_2648 = tpu.memref_slice %arg9[%gather3A_2644, %gather3A_2645, %gather3A_2646, %gather3A_2647] : memref<2x16x8x128xf32, #tpu.memory_space<vmem>> -> memref<1x16x8x128xf32, #tpu.memory_space<vmem>>
      %gather3A_2649 = tpu.memref_squeeze %gather3A_2648 : memref<1x16x8x128xf32, #tpu.memory_space<vmem>> -> memref<16x8x128xf32, #tpu.memory_space<vmem>>
      %gather3A_2650 = tpu.vector_load_idx %gather3A_2649[%iota3A, %broadcast_in_dim3A_2643, %and3A_2566] : memref<16x8x128xf32, #tpu.memory_space<vmem>>[vector<16xi32>, vector<16xi32>, vector<16xi32>], vector<16xf32>,
      %gather3A_2651 = arith.constant 1 : i32
      %gather3A_2652 = arith.constant 0 : i32
      %gather3A_2653 = arith.constant 0 : i32
      %gather3A_2654 = arith.constant 0 : i32
      %gather3A_2655 = tpu.memref_slice %arg10[%gather3A_2651, %gather3A_2652, %gather3A_2653, %gather3A_2654] : memref<2x16x8x128xf32, #tpu.memory_space<vmem>> -> memref<1x16x8x128xf32, #tpu.memory_space<vmem>>
      %gather3A_2656 = tpu.memref_squeeze %gather3A_2655 : memref<1x16x8x128xf32, #tpu.memory_space<vmem>> -> memref<16x8x128xf32, #tpu.memory_space<vmem>>
      %gather3A_2657 = tpu.vector_load_idx %gather3A_2656[%iota3A, %broadcast_in_dim3A_2643, %and3A_2569] : memref<16x8x128xf32, #tpu.memory_space<vmem>>[vector<16xi32>, vector<16xi32>, vector<16xi32>], vector<16xf32>,
      %add3A_2658 = arith.constant 1536 : i32
      %add3A_2659 = arith.addi %add3A_2658, %mul3A_2559 : i32
      %swap3A_2660 = arith.index_cast %add3A_2659 : i32 to index
      %swap3A_2661 = tpu.vector_load %arg11[%swap3A_2660] {strides = array<i32>} : memref<8192xf32, #tpu.memory_space<vmem>>, vector<16xf32>,
      tpu.vector_store %arg11[%swap3A_2660], %gather3A_2650 {strides = array<i32>} : memref<8192xf32, #tpu.memory_space<vmem>>, vector<16xf32>,
      %add3A_2662 = arith.constant 5632 : i32
      %add3A_2663 = arith.addi %add3A_2662, %mul3A_2559 : i32
      %swap3A_2664 = arith.index_cast %add3A_2663 : i32 to index
      %swap3A_2665 = tpu.vector_load %arg11[%swap3A_2664] {strides = array<i32>} : memref<8192xf32, #tpu.memory_space<vmem>>, vector<16xf32>,
      tpu.vector_store %arg11[%swap3A_2664], %gather3A_2657 {strides = array<i32>} : memref<8192xf32, #tpu.memory_space<vmem>>, vector<16xf32>,
      %broadcast_in_dim3A_2666 = arith.constant 4 : i32
      %broadcast_in_dim3A_2667 = vector.broadcast %broadcast_in_dim3A_2666 : i32 to vector<16xi32>
      %gather3A_2668 = arith.constant 1 : i32
      %gather3A_2669 = arith.constant 0 : i32
      %gather3A_2670 = arith.constant 0 : i32
      %gather3A_2671 = arith.constant 0 : i32
      %gather3A_2672 = tpu.memref_slice %arg9[%gather3A_2668, %gather3A_2669, %gather3A_2670, %gather3A_2671] : memref<2x16x8x128xf32, #tpu.memory_space<vmem>> -> memref<1x16x8x128xf32, #tpu.memory_space<vmem>>
      %gather3A_2673 = tpu.memref_squeeze %gather3A_2672 : memref<1x16x8x128xf32, #tpu.memory_space<vmem>> -> memref<16x8x128xf32, #tpu.memory_space<vmem>>
      %gather3A_2674 = tpu.vector_load_idx %gather3A_2673[%iota3A, %broadcast_in_dim3A_2667, %and3A_2566] : memref<16x8x128xf32, #tpu.memory_space<vmem>>[vector<16xi32>, vector<16xi32>, vector<16xi32>], vector<16xf32>,
      %gather3A_2675 = arith.constant 1 : i32
      %gather3A_2676 = arith.constant 0 : i32
      %gather3A_2677 = arith.constant 0 : i32
      %gather3A_2678 = arith.constant 0 : i32
      %gather3A_2679 = tpu.memref_slice %arg10[%gather3A_2675, %gather3A_2676, %gather3A_2677, %gather3A_2678] : memref<2x16x8x128xf32, #tpu.memory_space<vmem>> -> memref<1x16x8x128xf32, #tpu.memory_space<vmem>>
      %gather3A_2680 = tpu.memref_squeeze %gather3A_2679 : memref<1x16x8x128xf32, #tpu.memory_space<vmem>> -> memref<16x8x128xf32, #tpu.memory_space<vmem>>
      %gather3A_2681 = tpu.vector_load_idx %gather3A_2680[%iota3A, %broadcast_in_dim3A_2667, %and3A_2569] : memref<16x8x128xf32, #tpu.memory_space<vmem>>[vector<16xi32>, vector<16xi32>, vector<16xi32>], vector<16xf32>,
      %add3A_2682 = arith.constant 2048 : i32
      %add3A_2683 = arith.addi %add3A_2682, %mul3A_2559 : i32
      %swap3A_2684 = arith.index_cast %add3A_2683 : i32 to index
      %swap3A_2685 = tpu.vector_load %arg11[%swap3A_2684] {strides = array<i32>} : memref<8192xf32, #tpu.memory_space<vmem>>, vector<16xf32>,
      tpu.vector_store %arg11[%swap3A_2684], %gather3A_2674 {strides = array<i32>} : memref<8192xf32, #tpu.memory_space<vmem>>, vector<16xf32>,
      %add3A_2686 = arith.constant 6144 : i32
      %add3A_2687 = arith.addi %add3A_2686, %mul3A_2559 : i32
      %swap3A_2688 = arith.index_cast %add3A_2687 : i32 to index
      %swap3A_2689 = tpu.vector_load %arg11[%swap3A_2688] {strides = array<i32>} : memref<8192xf32, #tpu.memory_space<vmem>>, vector<16xf32>,
      tpu.vector_store %arg11[%swap3A_2688], %gather3A_2681 {strides = array<i32>} : memref<8192xf32, #tpu.memory_space<vmem>>, vector<16xf32>,
      %broadcast_in_dim3A_2690 = arith.constant 5 : i32
      %broadcast_in_dim3A_2691 = vector.broadcast %broadcast_in_dim3A_2690 : i32 to vector<16xi32>
      %gather3A_2692 = arith.constant 1 : i32
      %gather3A_2693 = arith.constant 0 : i32
      %gather3A_2694 = arith.constant 0 : i32
      %gather3A_2695 = arith.constant 0 : i32
      %gather3A_2696 = tpu.memref_slice %arg9[%gather3A_2692, %gather3A_2693, %gather3A_2694, %gather3A_2695] : memref<2x16x8x128xf32, #tpu.memory_space<vmem>> -> memref<1x16x8x128xf32, #tpu.memory_space<vmem>>
      %gather3A_2697 = tpu.memref_squeeze %gather3A_2696 : memref<1x16x8x128xf32, #tpu.memory_space<vmem>> -> memref<16x8x128xf32, #tpu.memory_space<vmem>>
      %gather3A_2698 = tpu.vector_load_idx %gather3A_2697[%iota3A, %broadcast_in_dim3A_2691, %and3A_2566] : memref<16x8x128xf32, #tpu.memory_space<vmem>>[vector<16xi32>, vector<16xi32>, vector<16xi32>], vector<16xf32>,
      %gather3A_2699 = arith.constant 1 : i32
      %gather3A_2700 = arith.constant 0 : i32
      %gather3A_2701 = arith.constant 0 : i32
      %gather3A_2702 = arith.constant 0 : i32
      %gather3A_2703 = tpu.memref_slice %arg10[%gather3A_2699, %gather3A_2700, %gather3A_2701, %gather3A_2702] : memref<2x16x8x128xf32, #tpu.memory_space<vmem>> -> memref<1x16x8x128xf32, #tpu.memory_space<vmem>>
      %gather3A_2704 = tpu.memref_squeeze %gather3A_2703 : memref<1x16x8x128xf32, #tpu.memory_space<vmem>> -> memref<16x8x128xf32, #tpu.memory_space<vmem>>
      %gather3A_2705 = tpu.vector_load_idx %gather3A_2704[%iota3A, %broadcast_in_dim3A_2691, %and3A_2569] : memref<16x8x128xf32, #tpu.memory_space<vmem>>[vector<16xi32>, vector<16xi32>, vector<16xi32>], vector<16xf32>,
      %add3A_2706 = arith.constant 2560 : i32
      %add3A_2707 = arith.addi %add3A_2706, %mul3A_2559 : i32
      %swap3A_2708 = arith.index_cast %add3A_2707 : i32 to index
      %swap3A_2709 = tpu.vector_load %arg11[%swap3A_2708] {strides = array<i32>} : memref<8192xf32, #tpu.memory_space<vmem>>, vector<16xf32>,
      tpu.vector_store %arg11[%swap3A_2708], %gather3A_2698 {strides = array<i32>} : memref<8192xf32, #tpu.memory_space<vmem>>, vector<16xf32>,
      %add3A_2710 = arith.constant 6656 : i32
      %add3A_2711 = arith.addi %add3A_2710, %mul3A_2559 : i32
      %swap3A_2712 = arith.index_cast %add3A_2711 : i32 to index
      %swap3A_2713 = tpu.vector_load %arg11[%swap3A_2712] {strides = array<i32>} : memref<8192xf32, #tpu.memory_space<vmem>>, vector<16xf32>,
      tpu.vector_store %arg11[%swap3A_2712], %gather3A_2705 {strides = array<i32>} : memref<8192xf32, #tpu.memory_space<vmem>>, vector<16xf32>,
      %broadcast_in_dim3A_2714 = arith.constant 6 : i32
      %broadcast_in_dim3A_2715 = vector.broadcast %broadcast_in_dim3A_2714 : i32 to vector<16xi32>
      %gather3A_2716 = arith.constant 1 : i32
      %gather3A_2717 = arith.constant 0 : i32
      %gather3A_2718 = arith.constant 0 : i32
      %gather3A_2719 = arith.constant 0 : i32
      %gather3A_2720 = tpu.memref_slice %arg9[%gather3A_2716, %gather3A_2717, %gather3A_2718, %gather3A_2719] : memref<2x16x8x128xf32, #tpu.memory_space<vmem>> -> memref<1x16x8x128xf32, #tpu.memory_space<vmem>>
      %gather3A_2721 = tpu.memref_squeeze %gather3A_2720 : memref<1x16x8x128xf32, #tpu.memory_space<vmem>> -> memref<16x8x128xf32, #tpu.memory_space<vmem>>
      %gather3A_2722 = tpu.vector_load_idx %gather3A_2721[%iota3A, %broadcast_in_dim3A_2715, %and3A_2566] : memref<16x8x128xf32, #tpu.memory_space<vmem>>[vector<16xi32>, vector<16xi32>, vector<16xi32>], vector<16xf32>,
      %gather3A_2723 = arith.constant 1 : i32
      %gather3A_2724 = arith.constant 0 : i32
      %gather3A_2725 = arith.constant 0 : i32
      %gather3A_2726 = arith.constant 0 : i32
      %gather3A_2727 = tpu.memref_slice %arg10[%gather3A_2723, %gather3A_2724, %gather3A_2725, %gather3A_2726] : memref<2x16x8x128xf32, #tpu.memory_space<vmem>> -> memref<1x16x8x128xf32, #tpu.memory_space<vmem>>
      %gather3A_2728 = tpu.memref_squeeze %gather3A_2727 : memref<1x16x8x128xf32, #tpu.memory_space<vmem>> -> memref<16x8x128xf32, #tpu.memory_space<vmem>>
      %gather3A_2729 = tpu.vector_load_idx %gather3A_2728[%iota3A, %broadcast_in_dim3A_2715, %and3A_2569] : memref<16x8x128xf32, #tpu.memory_space<vmem>>[vector<16xi32>, vector<16xi32>, vector<16xi32>], vector<16xf32>,
      %add3A_2730 = arith.constant 3072 : i32
      %add3A_2731 = arith.addi %add3A_2730, %mul3A_2559 : i32
      %swap3A_2732 = arith.index_cast %add3A_2731 : i32 to index
      %swap3A_2733 = tpu.vector_load %arg11[%swap3A_2732] {strides = array<i32>} : memref<8192xf32, #tpu.memory_space<vmem>>, vector<16xf32>,
      tpu.vector_store %arg11[%swap3A_2732], %gather3A_2722 {strides = array<i32>} : memref<8192xf32, #tpu.memory_space<vmem>>, vector<16xf32>,
      %add3A_2734 = arith.constant 7168 : i32
      %add3A_2735 = arith.addi %add3A_2734, %mul3A_2559 : i32
      %swap3A_2736 = arith.index_cast %add3A_2735 : i32 to index
      %swap3A_2737 = tpu.vector_load %arg11[%swap3A_2736] {strides = array<i32>} : memref<8192xf32, #tpu.memory_space<vmem>>, vector<16xf32>,
      tpu.vector_store %arg11[%swap3A_2736], %gather3A_2729 {strides = array<i32>} : memref<8192xf32, #tpu.memory_space<vmem>>, vector<16xf32>,
      %broadcast_in_dim3A_2738 = arith.constant 7 : i32
      %broadcast_in_dim3A_2739 = vector.broadcast %broadcast_in_dim3A_2738 : i32 to vector<16xi32>
      %gather3A_2740 = arith.constant 1 : i32
      %gather3A_2741 = arith.constant 0 : i32
      %gather3A_2742 = arith.constant 0 : i32
      %gather3A_2743 = arith.constant 0 : i32
      %gather3A_2744 = tpu.memref_slice %arg9[%gather3A_2740, %gather3A_2741, %gather3A_2742, %gather3A_2743] : memref<2x16x8x128xf32, #tpu.memory_space<vmem>> -> memref<1x16x8x128xf32, #tpu.memory_space<vmem>>
      %gather3A_2745 = tpu.memref_squeeze %gather3A_2744 : memref<1x16x8x128xf32, #tpu.memory_space<vmem>> -> memref<16x8x128xf32, #tpu.memory_space<vmem>>
      %gather3A_2746 = tpu.vector_load_idx %gather3A_2745[%iota3A, %broadcast_in_dim3A_2739, %and3A_2566] : memref<16x8x128xf32, #tpu.memory_space<vmem>>[vector<16xi32>, vector<16xi32>, vector<16xi32>], vector<16xf32>,
      %gather3A_2747 = arith.constant 1 : i32
      %gather3A_2748 = arith.constant 0 : i32
      %gather3A_2749 = arith.constant 0 : i32
      %gather3A_2750 = arith.constant 0 : i32
      %gather3A_2751 = tpu.memref_slice %arg10[%gather3A_2747, %gather3A_2748, %gather3A_2749, %gather3A_2750] : memref<2x16x8x128xf32, #tpu.memory_space<vmem>> -> memref<1x16x8x128xf32, #tpu.memory_space<vmem>>
      %gather3A_2752 = tpu.memref_squeeze %gather3A_2751 : memref<1x16x8x128xf32, #tpu.memory_space<vmem>> -> memref<16x8x128xf32, #tpu.memory_space<vmem>>
      %gather3A_2753 = tpu.vector_load_idx %gather3A_2752[%iota3A, %broadcast_in_dim3A_2739, %and3A_2569] : memref<16x8x128xf32, #tpu.memory_space<vmem>>[vector<16xi32>, vector<16xi32>, vector<16xi32>], vector<16xf32>,
      %add3A_2754 = arith.constant 3584 : i32
      %add3A_2755 = arith.addi %add3A_2754, %mul3A_2559 : i32
      %swap3A_2756 = arith.index_cast %add3A_2755 : i32 to index
      %swap3A_2757 = tpu.vector_load %arg11[%swap3A_2756] {strides = array<i32>} : memref<8192xf32, #tpu.memory_space<vmem>>, vector<16xf32>,
      tpu.vector_store %arg11[%swap3A_2756], %gather3A_2746 {strides = array<i32>} : memref<8192xf32, #tpu.memory_space<vmem>>, vector<16xf32>,
      %add3A_2758 = arith.constant 7680 : i32
      %add3A_2759 = arith.addi %add3A_2758, %mul3A_2559 : i32
      %swap3A_2760 = arith.index_cast %add3A_2759 : i32 to index
      %swap3A_2761 = tpu.vector_load %arg11[%swap3A_2760] {strides = array<i32>} : memref<8192xf32, #tpu.memory_space<vmem>>, vector<16xf32>,
      tpu.vector_store %arg11[%swap3A_2760], %gather3A_2753 {strides = array<i32>} : memref<8192xf32, #tpu.memory_space<vmem>>, vector<16xf32>,
    }
    %scan3A_645 = arith.constant 16 : i32
    %add3A_646 = arith.constant 0 : i32
    %add3A_647 = arith.addi %add3A_646, %mul3A_2 : i32
    "tpu.region"() ({
      %run_scoped3A = tpu.sem_alloc : memref<!tpu.dma_semaphore, #tpu.memory_space<semaphore_mem>>
      %dma_start3A_678 = arith.constant 0 : i32
      %dma_start3A_679 = tpu.memref_slice %arg11[%dma_start3A_678] : memref<8192xf32, #tpu.memory_space<vmem>> -> memref<512xf32, #tpu.memory_space<vmem>>
      %dma_start3A_680 = tpu.memref_slice %arg6[%add3A_647] : memref<262144xf32, #tpu.memory_space<hbm>> -> memref<512xf32, #tpu.memory_space<hbm>>
      %dma_start3A_681 = tpu.memref_slice %arg6[%add3A_647] : memref<262144xf32, #tpu.memory_space<hbm>> -> memref<512xf32, #tpu.memory_space<hbm>>
      %dma_start3A_682 = arith.constant 0 : i32
      %dma_start3A_683 = tpu.memref_slice %arg11[%dma_start3A_682] : memref<8192xf32, #tpu.memory_space<vmem>> -> memref<512xf32, #tpu.memory_space<vmem>>
      tpu.enqueue_dma source(%dma_start3A_683 : memref<512xf32, #tpu.memory_space<vmem>>) target(%dma_start3A_681 : memref<512xf32, #tpu.memory_space<hbm>>) target_semaphore(%run_scoped3A : memref<!tpu.dma_semaphore, #tpu.memory_space<semaphore_mem>>)
      %dma_wait3A = arith.constant 0 : i32
      %dma_wait3A_684 = tpu.memref_slice %arg11[%dma_wait3A] : memref<8192xf32, #tpu.memory_space<vmem>> -> memref<512xf32, #tpu.memory_space<vmem>>
      %dma_wait3A_685 = tpu.memref_slice %arg6[%add3A_647] : memref<262144xf32, #tpu.memory_space<hbm>> -> memref<512xf32, #tpu.memory_space<hbm>>
      %dma_wait3A_686 = tpu.memref_slice %arg6[%add3A_647] : memref<262144xf32, #tpu.memory_space<hbm>> -> memref<512xf32, #tpu.memory_space<hbm>>
      %dma_wait3A_687 = arith.constant 0 : i32
      %dma_wait3A_688 = tpu.memref_slice %arg11[%dma_wait3A_687] : memref<8192xf32, #tpu.memory_space<vmem>> -> memref<512xf32, #tpu.memory_space<vmem>>
      tpu.wait_dma2 semaphore(%run_scoped3A : memref<!tpu.dma_semaphore, #tpu.memory_space<semaphore_mem>>) src(%dma_wait3A_688 : memref<512xf32, #tpu.memory_space<vmem>>) dst(%dma_wait3A_686 : memref<512xf32, #tpu.memory_space<hbm>>)
      tpu.yield
    }) : () -> ()
    %add3A_648 = arith.constant 16384 : i32
    %add3A_649 = arith.addi %add3A_648, %mul3A_2 : i32
    "tpu.region"() ({
      %run_scoped3A = tpu.sem_alloc : memref<!tpu.dma_semaphore, #tpu.memory_space<semaphore_mem>>
      %dma_start3A_678 = arith.constant 512 : i32
      %dma_start3A_679 = tpu.memref_slice %arg11[%dma_start3A_678] : memref<8192xf32, #tpu.memory_space<vmem>> -> memref<512xf32, #tpu.memory_space<vmem>>
      %dma_start3A_680 = tpu.memref_slice %arg6[%add3A_649] : memref<262144xf32, #tpu.memory_space<hbm>> -> memref<512xf32, #tpu.memory_space<hbm>>
      %dma_start3A_681 = tpu.memref_slice %arg6[%add3A_649] : memref<262144xf32, #tpu.memory_space<hbm>> -> memref<512xf32, #tpu.memory_space<hbm>>
      %dma_start3A_682 = arith.constant 512 : i32
      %dma_start3A_683 = tpu.memref_slice %arg11[%dma_start3A_682] : memref<8192xf32, #tpu.memory_space<vmem>> -> memref<512xf32, #tpu.memory_space<vmem>>
      tpu.enqueue_dma source(%dma_start3A_683 : memref<512xf32, #tpu.memory_space<vmem>>) target(%dma_start3A_681 : memref<512xf32, #tpu.memory_space<hbm>>) target_semaphore(%run_scoped3A : memref<!tpu.dma_semaphore, #tpu.memory_space<semaphore_mem>>)
      %dma_wait3A = arith.constant 512 : i32
      %dma_wait3A_684 = tpu.memref_slice %arg11[%dma_wait3A] : memref<8192xf32, #tpu.memory_space<vmem>> -> memref<512xf32, #tpu.memory_space<vmem>>
      %dma_wait3A_685 = tpu.memref_slice %arg6[%add3A_649] : memref<262144xf32, #tpu.memory_space<hbm>> -> memref<512xf32, #tpu.memory_space<hbm>>
      %dma_wait3A_686 = tpu.memref_slice %arg6[%add3A_649] : memref<262144xf32, #tpu.memory_space<hbm>> -> memref<512xf32, #tpu.memory_space<hbm>>
      %dma_wait3A_687 = arith.constant 512 : i32
      %dma_wait3A_688 = tpu.memref_slice %arg11[%dma_wait3A_687] : memref<8192xf32, #tpu.memory_space<vmem>> -> memref<512xf32, #tpu.memory_space<vmem>>
      tpu.wait_dma2 semaphore(%run_scoped3A : memref<!tpu.dma_semaphore, #tpu.memory_space<semaphore_mem>>) src(%dma_wait3A_688 : memref<512xf32, #tpu.memory_space<vmem>>) dst(%dma_wait3A_686 : memref<512xf32, #tpu.memory_space<hbm>>)
      tpu.yield
    }) : () -> ()
    %add3A_650 = arith.constant 32768 : i32
    %add3A_651 = arith.addi %add3A_650, %mul3A_2 : i32
    "tpu.region"() ({
      %run_scoped3A = tpu.sem_alloc : memref<!tpu.dma_semaphore, #tpu.memory_space<semaphore_mem>>
      %dma_start3A_678 = arith.constant 1024 : i32
      %dma_start3A_679 = tpu.memref_slice %arg11[%dma_start3A_678] : memref<8192xf32, #tpu.memory_space<vmem>> -> memref<512xf32, #tpu.memory_space<vmem>>
      %dma_start3A_680 = tpu.memref_slice %arg6[%add3A_651] : memref<262144xf32, #tpu.memory_space<hbm>> -> memref<512xf32, #tpu.memory_space<hbm>>
      %dma_start3A_681 = tpu.memref_slice %arg6[%add3A_651] : memref<262144xf32, #tpu.memory_space<hbm>> -> memref<512xf32, #tpu.memory_space<hbm>>
      %dma_start3A_682 = arith.constant 1024 : i32
      %dma_start3A_683 = tpu.memref_slice %arg11[%dma_start3A_682] : memref<8192xf32, #tpu.memory_space<vmem>> -> memref<512xf32, #tpu.memory_space<vmem>>
      tpu.enqueue_dma source(%dma_start3A_683 : memref<512xf32, #tpu.memory_space<vmem>>) target(%dma_start3A_681 : memref<512xf32, #tpu.memory_space<hbm>>) target_semaphore(%run_scoped3A : memref<!tpu.dma_semaphore, #tpu.memory_space<semaphore_mem>>)
      %dma_wait3A = arith.constant 1024 : i32
      %dma_wait3A_684 = tpu.memref_slice %arg11[%dma_wait3A] : memref<8192xf32, #tpu.memory_space<vmem>> -> memref<512xf32, #tpu.memory_space<vmem>>
      %dma_wait3A_685 = tpu.memref_slice %arg6[%add3A_651] : memref<262144xf32, #tpu.memory_space<hbm>> -> memref<512xf32, #tpu.memory_space<hbm>>
      %dma_wait3A_686 = tpu.memref_slice %arg6[%add3A_651] : memref<262144xf32, #tpu.memory_space<hbm>> -> memref<512xf32, #tpu.memory_space<hbm>>
      %dma_wait3A_687 = arith.constant 1024 : i32
      %dma_wait3A_688 = tpu.memref_slice %arg11[%dma_wait3A_687] : memref<8192xf32, #tpu.memory_space<vmem>> -> memref<512xf32, #tpu.memory_space<vmem>>
      tpu.wait_dma2 semaphore(%run_scoped3A : memref<!tpu.dma_semaphore, #tpu.memory_space<semaphore_mem>>) src(%dma_wait3A_688 : memref<512xf32, #tpu.memory_space<vmem>>) dst(%dma_wait3A_686 : memref<512xf32, #tpu.memory_space<hbm>>)
      tpu.yield
    }) : () -> ()
    %add3A_652 = arith.constant 49152 : i32
    %add3A_653 = arith.addi %add3A_652, %mul3A_2 : i32
    "tpu.region"() ({
      %run_scoped3A = tpu.sem_alloc : memref<!tpu.dma_semaphore, #tpu.memory_space<semaphore_mem>>
      %dma_start3A_678 = arith.constant 1536 : i32
      %dma_start3A_679 = tpu.memref_slice %arg11[%dma_start3A_678] : memref<8192xf32, #tpu.memory_space<vmem>> -> memref<512xf32, #tpu.memory_space<vmem>>
      %dma_start3A_680 = tpu.memref_slice %arg6[%add3A_653] : memref<262144xf32, #tpu.memory_space<hbm>> -> memref<512xf32, #tpu.memory_space<hbm>>
      %dma_start3A_681 = tpu.memref_slice %arg6[%add3A_653] : memref<262144xf32, #tpu.memory_space<hbm>> -> memref<512xf32, #tpu.memory_space<hbm>>
      %dma_start3A_682 = arith.constant 1536 : i32
      %dma_start3A_683 = tpu.memref_slice %arg11[%dma_start3A_682] : memref<8192xf32, #tpu.memory_space<vmem>> -> memref<512xf32, #tpu.memory_space<vmem>>
      tpu.enqueue_dma source(%dma_start3A_683 : memref<512xf32, #tpu.memory_space<vmem>>) target(%dma_start3A_681 : memref<512xf32, #tpu.memory_space<hbm>>) target_semaphore(%run_scoped3A : memref<!tpu.dma_semaphore, #tpu.memory_space<semaphore_mem>>)
      %dma_wait3A = arith.constant 1536 : i32
      %dma_wait3A_684 = tpu.memref_slice %arg11[%dma_wait3A] : memref<8192xf32, #tpu.memory_space<vmem>> -> memref<512xf32, #tpu.memory_space<vmem>>
      %dma_wait3A_685 = tpu.memref_slice %arg6[%add3A_653] : memref<262144xf32, #tpu.memory_space<hbm>> -> memref<512xf32, #tpu.memory_space<hbm>>
      %dma_wait3A_686 = tpu.memref_slice %arg6[%add3A_653] : memref<262144xf32, #tpu.memory_space<hbm>> -> memref<512xf32, #tpu.memory_space<hbm>>
      %dma_wait3A_687 = arith.constant 1536 : i32
      %dma_wait3A_688 = tpu.memref_slice %arg11[%dma_wait3A_687] : memref<8192xf32, #tpu.memory_space<vmem>> -> memref<512xf32, #tpu.memory_space<vmem>>
      tpu.wait_dma2 semaphore(%run_scoped3A : memref<!tpu.dma_semaphore, #tpu.memory_space<semaphore_mem>>) src(%dma_wait3A_688 : memref<512xf32, #tpu.memory_space<vmem>>) dst(%dma_wait3A_686 : memref<512xf32, #tpu.memory_space<hbm>>)
      tpu.yield
    }) : () -> ()
    %add3A_654 = arith.constant 65536 : i32
    %add3A_655 = arith.addi %add3A_654, %mul3A_2 : i32
    "tpu.region"() ({
      %run_scoped3A = tpu.sem_alloc : memref<!tpu.dma_semaphore, #tpu.memory_space<semaphore_mem>>
      %dma_start3A_678 = arith.constant 2048 : i32
      %dma_start3A_679 = tpu.memref_slice %arg11[%dma_start3A_678] : memref<8192xf32, #tpu.memory_space<vmem>> -> memref<512xf32, #tpu.memory_space<vmem>>
      %dma_start3A_680 = tpu.memref_slice %arg6[%add3A_655] : memref<262144xf32, #tpu.memory_space<hbm>> -> memref<512xf32, #tpu.memory_space<hbm>>
      %dma_start3A_681 = tpu.memref_slice %arg6[%add3A_655] : memref<262144xf32, #tpu.memory_space<hbm>> -> memref<512xf32, #tpu.memory_space<hbm>>
      %dma_start3A_682 = arith.constant 2048 : i32
      %dma_start3A_683 = tpu.memref_slice %arg11[%dma_start3A_682] : memref<8192xf32, #tpu.memory_space<vmem>> -> memref<512xf32, #tpu.memory_space<vmem>>
      tpu.enqueue_dma source(%dma_start3A_683 : memref<512xf32, #tpu.memory_space<vmem>>) target(%dma_start3A_681 : memref<512xf32, #tpu.memory_space<hbm>>) target_semaphore(%run_scoped3A : memref<!tpu.dma_semaphore, #tpu.memory_space<semaphore_mem>>)
      %dma_wait3A = arith.constant 2048 : i32
      %dma_wait3A_684 = tpu.memref_slice %arg11[%dma_wait3A] : memref<8192xf32, #tpu.memory_space<vmem>> -> memref<512xf32, #tpu.memory_space<vmem>>
      %dma_wait3A_685 = tpu.memref_slice %arg6[%add3A_655] : memref<262144xf32, #tpu.memory_space<hbm>> -> memref<512xf32, #tpu.memory_space<hbm>>
      %dma_wait3A_686 = tpu.memref_slice %arg6[%add3A_655] : memref<262144xf32, #tpu.memory_space<hbm>> -> memref<512xf32, #tpu.memory_space<hbm>>
      %dma_wait3A_687 = arith.constant 2048 : i32
      %dma_wait3A_688 = tpu.memref_slice %arg11[%dma_wait3A_687] : memref<8192xf32, #tpu.memory_space<vmem>> -> memref<512xf32, #tpu.memory_space<vmem>>
      tpu.wait_dma2 semaphore(%run_scoped3A : memref<!tpu.dma_semaphore, #tpu.memory_space<semaphore_mem>>) src(%dma_wait3A_688 : memref<512xf32, #tpu.memory_space<vmem>>) dst(%dma_wait3A_686 : memref<512xf32, #tpu.memory_space<hbm>>)
      tpu.yield
    }) : () -> ()
    %add3A_656 = arith.constant 81920 : i32
    %add3A_657 = arith.addi %add3A_656, %mul3A_2 : i32
    "tpu.region"() ({
      %run_scoped3A = tpu.sem_alloc : memref<!tpu.dma_semaphore, #tpu.memory_space<semaphore_mem>>
      %dma_start3A_678 = arith.constant 2560 : i32
      %dma_start3A_679 = tpu.memref_slice %arg11[%dma_start3A_678] : memref<8192xf32, #tpu.memory_space<vmem>> -> memref<512xf32, #tpu.memory_space<vmem>>
      %dma_start3A_680 = tpu.memref_slice %arg6[%add3A_657] : memref<262144xf32, #tpu.memory_space<hbm>> -> memref<512xf32, #tpu.memory_space<hbm>>
      %dma_start3A_681 = tpu.memref_slice %arg6[%add3A_657] : memref<262144xf32, #tpu.memory_space<hbm>> -> memref<512xf32, #tpu.memory_space<hbm>>
      %dma_start3A_682 = arith.constant 2560 : i32
      %dma_start3A_683 = tpu.memref_slice %arg11[%dma_start3A_682] : memref<8192xf32, #tpu.memory_space<vmem>> -> memref<512xf32, #tpu.memory_space<vmem>>
      tpu.enqueue_dma source(%dma_start3A_683 : memref<512xf32, #tpu.memory_space<vmem>>) target(%dma_start3A_681 : memref<512xf32, #tpu.memory_space<hbm>>) target_semaphore(%run_scoped3A : memref<!tpu.dma_semaphore, #tpu.memory_space<semaphore_mem>>)
      %dma_wait3A = arith.constant 2560 : i32
      %dma_wait3A_684 = tpu.memref_slice %arg11[%dma_wait3A] : memref<8192xf32, #tpu.memory_space<vmem>> -> memref<512xf32, #tpu.memory_space<vmem>>
      %dma_wait3A_685 = tpu.memref_slice %arg6[%add3A_657] : memref<262144xf32, #tpu.memory_space<hbm>> -> memref<512xf32, #tpu.memory_space<hbm>>
      %dma_wait3A_686 = tpu.memref_slice %arg6[%add3A_657] : memref<262144xf32, #tpu.memory_space<hbm>> -> memref<512xf32, #tpu.memory_space<hbm>>
      %dma_wait3A_687 = arith.constant 2560 : i32
      %dma_wait3A_688 = tpu.memref_slice %arg11[%dma_wait3A_687] : memref<8192xf32, #tpu.memory_space<vmem>> -> memref<512xf32, #tpu.memory_space<vmem>>
      tpu.wait_dma2 semaphore(%run_scoped3A : memref<!tpu.dma_semaphore, #tpu.memory_space<semaphore_mem>>) src(%dma_wait3A_688 : memref<512xf32, #tpu.memory_space<vmem>>) dst(%dma_wait3A_686 : memref<512xf32, #tpu.memory_space<hbm>>)
      tpu.yield
    }) : () -> ()
    %add3A_658 = arith.constant 98304 : i32
    %add3A_659 = arith.addi %add3A_658, %mul3A_2 : i32
    "tpu.region"() ({
      %run_scoped3A = tpu.sem_alloc : memref<!tpu.dma_semaphore, #tpu.memory_space<semaphore_mem>>
      %dma_start3A_678 = arith.constant 3072 : i32
      %dma_start3A_679 = tpu.memref_slice %arg11[%dma_start3A_678] : memref<8192xf32, #tpu.memory_space<vmem>> -> memref<512xf32, #tpu.memory_space<vmem>>
      %dma_start3A_680 = tpu.memref_slice %arg6[%add3A_659] : memref<262144xf32, #tpu.memory_space<hbm>> -> memref<512xf32, #tpu.memory_space<hbm>>
      %dma_start3A_681 = tpu.memref_slice %arg6[%add3A_659] : memref<262144xf32, #tpu.memory_space<hbm>> -> memref<512xf32, #tpu.memory_space<hbm>>
      %dma_start3A_682 = arith.constant 3072 : i32
      %dma_start3A_683 = tpu.memref_slice %arg11[%dma_start3A_682] : memref<8192xf32, #tpu.memory_space<vmem>> -> memref<512xf32, #tpu.memory_space<vmem>>
      tpu.enqueue_dma source(%dma_start3A_683 : memref<512xf32, #tpu.memory_space<vmem>>) target(%dma_start3A_681 : memref<512xf32, #tpu.memory_space<hbm>>) target_semaphore(%run_scoped3A : memref<!tpu.dma_semaphore, #tpu.memory_space<semaphore_mem>>)
      %dma_wait3A = arith.constant 3072 : i32
      %dma_wait3A_684 = tpu.memref_slice %arg11[%dma_wait3A] : memref<8192xf32, #tpu.memory_space<vmem>> -> memref<512xf32, #tpu.memory_space<vmem>>
      %dma_wait3A_685 = tpu.memref_slice %arg6[%add3A_659] : memref<262144xf32, #tpu.memory_space<hbm>> -> memref<512xf32, #tpu.memory_space<hbm>>
      %dma_wait3A_686 = tpu.memref_slice %arg6[%add3A_659] : memref<262144xf32, #tpu.memory_space<hbm>> -> memref<512xf32, #tpu.memory_space<hbm>>
      %dma_wait3A_687 = arith.constant 3072 : i32
      %dma_wait3A_688 = tpu.memref_slice %arg11[%dma_wait3A_687] : memref<8192xf32, #tpu.memory_space<vmem>> -> memref<512xf32, #tpu.memory_space<vmem>>
      tpu.wait_dma2 semaphore(%run_scoped3A : memref<!tpu.dma_semaphore, #tpu.memory_space<semaphore_mem>>) src(%dma_wait3A_688 : memref<512xf32, #tpu.memory_space<vmem>>) dst(%dma_wait3A_686 : memref<512xf32, #tpu.memory_space<hbm>>)
      tpu.yield
    }) : () -> ()
    %add3A_660 = arith.constant 114688 : i32
    %add3A_661 = arith.addi %add3A_660, %mul3A_2 : i32
    "tpu.region"() ({
      %run_scoped3A = tpu.sem_alloc : memref<!tpu.dma_semaphore, #tpu.memory_space<semaphore_mem>>
      %dma_start3A_678 = arith.constant 3584 : i32
      %dma_start3A_679 = tpu.memref_slice %arg11[%dma_start3A_678] : memref<8192xf32, #tpu.memory_space<vmem>> -> memref<512xf32, #tpu.memory_space<vmem>>
      %dma_start3A_680 = tpu.memref_slice %arg6[%add3A_661] : memref<262144xf32, #tpu.memory_space<hbm>> -> memref<512xf32, #tpu.memory_space<hbm>>
      %dma_start3A_681 = tpu.memref_slice %arg6[%add3A_661] : memref<262144xf32, #tpu.memory_space<hbm>> -> memref<512xf32, #tpu.memory_space<hbm>>
      %dma_start3A_682 = arith.constant 3584 : i32
      %dma_start3A_683 = tpu.memref_slice %arg11[%dma_start3A_682] : memref<8192xf32, #tpu.memory_space<vmem>> -> memref<512xf32, #tpu.memory_space<vmem>>
      tpu.enqueue_dma source(%dma_start3A_683 : memref<512xf32, #tpu.memory_space<vmem>>) target(%dma_start3A_681 : memref<512xf32, #tpu.memory_space<hbm>>) target_semaphore(%run_scoped3A : memref<!tpu.dma_semaphore, #tpu.memory_space<semaphore_mem>>)
      %dma_wait3A = arith.constant 3584 : i32
      %dma_wait3A_684 = tpu.memref_slice %arg11[%dma_wait3A] : memref<8192xf32, #tpu.memory_space<vmem>> -> memref<512xf32, #tpu.memory_space<vmem>>
      %dma_wait3A_685 = tpu.memref_slice %arg6[%add3A_661] : memref<262144xf32, #tpu.memory_space<hbm>> -> memref<512xf32, #tpu.memory_space<hbm>>
      %dma_wait3A_686 = tpu.memref_slice %arg6[%add3A_661] : memref<262144xf32, #tpu.memory_space<hbm>> -> memref<512xf32, #tpu.memory_space<hbm>>
      %dma_wait3A_687 = arith.constant 3584 : i32
      %dma_wait3A_688 = tpu.memref_slice %arg11[%dma_wait3A_687] : memref<8192xf32, #tpu.memory_space<vmem>> -> memref<512xf32, #tpu.memory_space<vmem>>
      tpu.wait_dma2 semaphore(%run_scoped3A : memref<!tpu.dma_semaphore, #tpu.memory_space<semaphore_mem>>) src(%dma_wait3A_688 : memref<512xf32, #tpu.memory_space<vmem>>) dst(%dma_wait3A_686 : memref<512xf32, #tpu.memory_space<hbm>>)
      tpu.yield
    }) : () -> ()
    %add3A_662 = arith.constant 131072 : i32
    %add3A_663 = arith.addi %add3A_662, %mul3A_2 : i32
    "tpu.region"() ({
      %run_scoped3A = tpu.sem_alloc : memref<!tpu.dma_semaphore, #tpu.memory_space<semaphore_mem>>
      %dma_start3A_678 = arith.constant 4096 : i32
      %dma_start3A_679 = tpu.memref_slice %arg11[%dma_start3A_678] : memref<8192xf32, #tpu.memory_space<vmem>> -> memref<512xf32, #tpu.memory_space<vmem>>
      %dma_start3A_680 = tpu.memref_slice %arg6[%add3A_663] : memref<262144xf32, #tpu.memory_space<hbm>> -> memref<512xf32, #tpu.memory_space<hbm>>
      %dma_start3A_681 = tpu.memref_slice %arg6[%add3A_663] : memref<262144xf32, #tpu.memory_space<hbm>> -> memref<512xf32, #tpu.memory_space<hbm>>
      %dma_start3A_682 = arith.constant 4096 : i32
      %dma_start3A_683 = tpu.memref_slice %arg11[%dma_start3A_682] : memref<8192xf32, #tpu.memory_space<vmem>> -> memref<512xf32, #tpu.memory_space<vmem>>
      tpu.enqueue_dma source(%dma_start3A_683 : memref<512xf32, #tpu.memory_space<vmem>>) target(%dma_start3A_681 : memref<512xf32, #tpu.memory_space<hbm>>) target_semaphore(%run_scoped3A : memref<!tpu.dma_semaphore, #tpu.memory_space<semaphore_mem>>)
      %dma_wait3A = arith.constant 4096 : i32
      %dma_wait3A_684 = tpu.memref_slice %arg11[%dma_wait3A] : memref<8192xf32, #tpu.memory_space<vmem>> -> memref<512xf32, #tpu.memory_space<vmem>>
      %dma_wait3A_685 = tpu.memref_slice %arg6[%add3A_663] : memref<262144xf32, #tpu.memory_space<hbm>> -> memref<512xf32, #tpu.memory_space<hbm>>
      %dma_wait3A_686 = tpu.memref_slice %arg6[%add3A_663] : memref<262144xf32, #tpu.memory_space<hbm>> -> memref<512xf32, #tpu.memory_space<hbm>>
      %dma_wait3A_687 = arith.constant 4096 : i32
      %dma_wait3A_688 = tpu.memref_slice %arg11[%dma_wait3A_687] : memref<8192xf32, #tpu.memory_space<vmem>> -> memref<512xf32, #tpu.memory_space<vmem>>
      tpu.wait_dma2 semaphore(%run_scoped3A : memref<!tpu.dma_semaphore, #tpu.memory_space<semaphore_mem>>) src(%dma_wait3A_688 : memref<512xf32, #tpu.memory_space<vmem>>) dst(%dma_wait3A_686 : memref<512xf32, #tpu.memory_space<hbm>>)
      tpu.yield
    }) : () -> ()
    %add3A_664 = arith.constant 147456 : i32
    %add3A_665 = arith.addi %add3A_664, %mul3A_2 : i32
    "tpu.region"() ({
      %run_scoped3A = tpu.sem_alloc : memref<!tpu.dma_semaphore, #tpu.memory_space<semaphore_mem>>
      %dma_start3A_678 = arith.constant 4608 : i32
      %dma_start3A_679 = tpu.memref_slice %arg11[%dma_start3A_678] : memref<8192xf32, #tpu.memory_space<vmem>> -> memref<512xf32, #tpu.memory_space<vmem>>
      %dma_start3A_680 = tpu.memref_slice %arg6[%add3A_665] : memref<262144xf32, #tpu.memory_space<hbm>> -> memref<512xf32, #tpu.memory_space<hbm>>
      %dma_start3A_681 = tpu.memref_slice %arg6[%add3A_665] : memref<262144xf32, #tpu.memory_space<hbm>> -> memref<512xf32, #tpu.memory_space<hbm>>
      %dma_start3A_682 = arith.constant 4608 : i32
      %dma_start3A_683 = tpu.memref_slice %arg11[%dma_start3A_682] : memref<8192xf32, #tpu.memory_space<vmem>> -> memref<512xf32, #tpu.memory_space<vmem>>
      tpu.enqueue_dma source(%dma_start3A_683 : memref<512xf32, #tpu.memory_space<vmem>>) target(%dma_start3A_681 : memref<512xf32, #tpu.memory_space<hbm>>) target_semaphore(%run_scoped3A : memref<!tpu.dma_semaphore, #tpu.memory_space<semaphore_mem>>)
      %dma_wait3A = arith.constant 4608 : i32
      %dma_wait3A_684 = tpu.memref_slice %arg11[%dma_wait3A] : memref<8192xf32, #tpu.memory_space<vmem>> -> memref<512xf32, #tpu.memory_space<vmem>>
      %dma_wait3A_685 = tpu.memref_slice %arg6[%add3A_665] : memref<262144xf32, #tpu.memory_space<hbm>> -> memref<512xf32, #tpu.memory_space<hbm>>
      %dma_wait3A_686 = tpu.memref_slice %arg6[%add3A_665] : memref<262144xf32, #tpu.memory_space<hbm>> -> memref<512xf32, #tpu.memory_space<hbm>>
      %dma_wait3A_687 = arith.constant 4608 : i32
      %dma_wait3A_688 = tpu.memref_slice %arg11[%dma_wait3A_687] : memref<8192xf32, #tpu.memory_space<vmem>> -> memref<512xf32, #tpu.memory_space<vmem>>
      tpu.wait_dma2 semaphore(%run_scoped3A : memref<!tpu.dma_semaphore, #tpu.memory_space<semaphore_mem>>) src(%dma_wait3A_688 : memref<512xf32, #tpu.memory_space<vmem>>) dst(%dma_wait3A_686 : memref<512xf32, #tpu.memory_space<hbm>>)
      tpu.yield
    }) : () -> ()
    %add3A_666 = arith.constant 163840 : i32
    %add3A_667 = arith.addi %add3A_666, %mul3A_2 : i32
    "tpu.region"() ({
      %run_scoped3A = tpu.sem_alloc : memref<!tpu.dma_semaphore, #tpu.memory_space<semaphore_mem>>
      %dma_start3A_678 = arith.constant 5120 : i32
      %dma_start3A_679 = tpu.memref_slice %arg11[%dma_start3A_678] : memref<8192xf32, #tpu.memory_space<vmem>> -> memref<512xf32, #tpu.memory_space<vmem>>
      %dma_start3A_680 = tpu.memref_slice %arg6[%add3A_667] : memref<262144xf32, #tpu.memory_space<hbm>> -> memref<512xf32, #tpu.memory_space<hbm>>
      %dma_start3A_681 = tpu.memref_slice %arg6[%add3A_667] : memref<262144xf32, #tpu.memory_space<hbm>> -> memref<512xf32, #tpu.memory_space<hbm>>
      %dma_start3A_682 = arith.constant 5120 : i32
      %dma_start3A_683 = tpu.memref_slice %arg11[%dma_start3A_682] : memref<8192xf32, #tpu.memory_space<vmem>> -> memref<512xf32, #tpu.memory_space<vmem>>
      tpu.enqueue_dma source(%dma_start3A_683 : memref<512xf32, #tpu.memory_space<vmem>>) target(%dma_start3A_681 : memref<512xf32, #tpu.memory_space<hbm>>) target_semaphore(%run_scoped3A : memref<!tpu.dma_semaphore, #tpu.memory_space<semaphore_mem>>)
      %dma_wait3A = arith.constant 5120 : i32
      %dma_wait3A_684 = tpu.memref_slice %arg11[%dma_wait3A] : memref<8192xf32, #tpu.memory_space<vmem>> -> memref<512xf32, #tpu.memory_space<vmem>>
      %dma_wait3A_685 = tpu.memref_slice %arg6[%add3A_667] : memref<262144xf32, #tpu.memory_space<hbm>> -> memref<512xf32, #tpu.memory_space<hbm>>
      %dma_wait3A_686 = tpu.memref_slice %arg6[%add3A_667] : memref<262144xf32, #tpu.memory_space<hbm>> -> memref<512xf32, #tpu.memory_space<hbm>>
      %dma_wait3A_687 = arith.constant 5120 : i32
      %dma_wait3A_688 = tpu.memref_slice %arg11[%dma_wait3A_687] : memref<8192xf32, #tpu.memory_space<vmem>> -> memref<512xf32, #tpu.memory_space<vmem>>
      tpu.wait_dma2 semaphore(%run_scoped3A : memref<!tpu.dma_semaphore, #tpu.memory_space<semaphore_mem>>) src(%dma_wait3A_688 : memref<512xf32, #tpu.memory_space<vmem>>) dst(%dma_wait3A_686 : memref<512xf32, #tpu.memory_space<hbm>>)
      tpu.yield
    }) : () -> ()
    %add3A_668 = arith.constant 180224 : i32
    %add3A_669 = arith.addi %add3A_668, %mul3A_2 : i32
    "tpu.region"() ({
      %run_scoped3A = tpu.sem_alloc : memref<!tpu.dma_semaphore, #tpu.memory_space<semaphore_mem>>
      %dma_start3A_678 = arith.constant 5632 : i32
      %dma_start3A_679 = tpu.memref_slice %arg11[%dma_start3A_678] : memref<8192xf32, #tpu.memory_space<vmem>> -> memref<512xf32, #tpu.memory_space<vmem>>
      %dma_start3A_680 = tpu.memref_slice %arg6[%add3A_669] : memref<262144xf32, #tpu.memory_space<hbm>> -> memref<512xf32, #tpu.memory_space<hbm>>
      %dma_start3A_681 = tpu.memref_slice %arg6[%add3A_669] : memref<262144xf32, #tpu.memory_space<hbm>> -> memref<512xf32, #tpu.memory_space<hbm>>
      %dma_start3A_682 = arith.constant 5632 : i32
      %dma_start3A_683 = tpu.memref_slice %arg11[%dma_start3A_682] : memref<8192xf32, #tpu.memory_space<vmem>> -> memref<512xf32, #tpu.memory_space<vmem>>
      tpu.enqueue_dma source(%dma_start3A_683 : memref<512xf32, #tpu.memory_space<vmem>>) target(%dma_start3A_681 : memref<512xf32, #tpu.memory_space<hbm>>) target_semaphore(%run_scoped3A : memref<!tpu.dma_semaphore, #tpu.memory_space<semaphore_mem>>)
      %dma_wait3A = arith.constant 5632 : i32
      %dma_wait3A_684 = tpu.memref_slice %arg11[%dma_wait3A] : memref<8192xf32, #tpu.memory_space<vmem>> -> memref<512xf32, #tpu.memory_space<vmem>>
      %dma_wait3A_685 = tpu.memref_slice %arg6[%add3A_669] : memref<262144xf32, #tpu.memory_space<hbm>> -> memref<512xf32, #tpu.memory_space<hbm>>
      %dma_wait3A_686 = tpu.memref_slice %arg6[%add3A_669] : memref<262144xf32, #tpu.memory_space<hbm>> -> memref<512xf32, #tpu.memory_space<hbm>>
      %dma_wait3A_687 = arith.constant 5632 : i32
      %dma_wait3A_688 = tpu.memref_slice %arg11[%dma_wait3A_687] : memref<8192xf32, #tpu.memory_space<vmem>> -> memref<512xf32, #tpu.memory_space<vmem>>
      tpu.wait_dma2 semaphore(%run_scoped3A : memref<!tpu.dma_semaphore, #tpu.memory_space<semaphore_mem>>) src(%dma_wait3A_688 : memref<512xf32, #tpu.memory_space<vmem>>) dst(%dma_wait3A_686 : memref<512xf32, #tpu.memory_space<hbm>>)
      tpu.yield
    }) : () -> ()
    %add3A_670 = arith.constant 196608 : i32
    %add3A_671 = arith.addi %add3A_670, %mul3A_2 : i32
    "tpu.region"() ({
      %run_scoped3A = tpu.sem_alloc : memref<!tpu.dma_semaphore, #tpu.memory_space<semaphore_mem>>
      %dma_start3A_678 = arith.constant 6144 : i32
      %dma_start3A_679 = tpu.memref_slice %arg11[%dma_start3A_678] : memref<8192xf32, #tpu.memory_space<vmem>> -> memref<512xf32, #tpu.memory_space<vmem>>
      %dma_start3A_680 = tpu.memref_slice %arg6[%add3A_671] : memref<262144xf32, #tpu.memory_space<hbm>> -> memref<512xf32, #tpu.memory_space<hbm>>
      %dma_start3A_681 = tpu.memref_slice %arg6[%add3A_671] : memref<262144xf32, #tpu.memory_space<hbm>> -> memref<512xf32, #tpu.memory_space<hbm>>
      %dma_start3A_682 = arith.constant 6144 : i32
      %dma_start3A_683 = tpu.memref_slice %arg11[%dma_start3A_682] : memref<8192xf32, #tpu.memory_space<vmem>> -> memref<512xf32, #tpu.memory_space<vmem>>
      tpu.enqueue_dma source(%dma_start3A_683 : memref<512xf32, #tpu.memory_space<vmem>>) target(%dma_start3A_681 : memref<512xf32, #tpu.memory_space<hbm>>) target_semaphore(%run_scoped3A : memref<!tpu.dma_semaphore, #tpu.memory_space<semaphore_mem>>)
      %dma_wait3A = arith.constant 6144 : i32
      %dma_wait3A_684 = tpu.memref_slice %arg11[%dma_wait3A] : memref<8192xf32, #tpu.memory_space<vmem>> -> memref<512xf32, #tpu.memory_space<vmem>>
      %dma_wait3A_685 = tpu.memref_slice %arg6[%add3A_671] : memref<262144xf32, #tpu.memory_space<hbm>> -> memref<512xf32, #tpu.memory_space<hbm>>
      %dma_wait3A_686 = tpu.memref_slice %arg6[%add3A_671] : memref<262144xf32, #tpu.memory_space<hbm>> -> memref<512xf32, #tpu.memory_space<hbm>>
      %dma_wait3A_687 = arith.constant 6144 : i32
      %dma_wait3A_688 = tpu.memref_slice %arg11[%dma_wait3A_687] : memref<8192xf32, #tpu.memory_space<vmem>> -> memref<512xf32, #tpu.memory_space<vmem>>
      tpu.wait_dma2 semaphore(%run_scoped3A : memref<!tpu.dma_semaphore, #tpu.memory_space<semaphore_mem>>) src(%dma_wait3A_688 : memref<512xf32, #tpu.memory_space<vmem>>) dst(%dma_wait3A_686 : memref<512xf32, #tpu.memory_space<hbm>>)
      tpu.yield
    }) : () -> ()
    %add3A_672 = arith.constant 212992 : i32
    %add3A_673 = arith.addi %add3A_672, %mul3A_2 : i32
    "tpu.region"() ({
      %run_scoped3A = tpu.sem_alloc : memref<!tpu.dma_semaphore, #tpu.memory_space<semaphore_mem>>
      %dma_start3A_678 = arith.constant 6656 : i32
      %dma_start3A_679 = tpu.memref_slice %arg11[%dma_start3A_678] : memref<8192xf32, #tpu.memory_space<vmem>> -> memref<512xf32, #tpu.memory_space<vmem>>
      %dma_start3A_680 = tpu.memref_slice %arg6[%add3A_673] : memref<262144xf32, #tpu.memory_space<hbm>> -> memref<512xf32, #tpu.memory_space<hbm>>
      %dma_start3A_681 = tpu.memref_slice %arg6[%add3A_673] : memref<262144xf32, #tpu.memory_space<hbm>> -> memref<512xf32, #tpu.memory_space<hbm>>
      %dma_start3A_682 = arith.constant 6656 : i32
      %dma_start3A_683 = tpu.memref_slice %arg11[%dma_start3A_682] : memref<8192xf32, #tpu.memory_space<vmem>> -> memref<512xf32, #tpu.memory_space<vmem>>
      tpu.enqueue_dma source(%dma_start3A_683 : memref<512xf32, #tpu.memory_space<vmem>>) target(%dma_start3A_681 : memref<512xf32, #tpu.memory_space<hbm>>) target_semaphore(%run_scoped3A : memref<!tpu.dma_semaphore, #tpu.memory_space<semaphore_mem>>)
      %dma_wait3A = arith.constant 6656 : i32
      %dma_wait3A_684 = tpu.memref_slice %arg11[%dma_wait3A] : memref<8192xf32, #tpu.memory_space<vmem>> -> memref<512xf32, #tpu.memory_space<vmem>>
      %dma_wait3A_685 = tpu.memref_slice %arg6[%add3A_673] : memref<262144xf32, #tpu.memory_space<hbm>> -> memref<512xf32, #tpu.memory_space<hbm>>
      %dma_wait3A_686 = tpu.memref_slice %arg6[%add3A_673] : memref<262144xf32, #tpu.memory_space<hbm>> -> memref<512xf32, #tpu.memory_space<hbm>>
      %dma_wait3A_687 = arith.constant 6656 : i32
      %dma_wait3A_688 = tpu.memref_slice %arg11[%dma_wait3A_687] : memref<8192xf32, #tpu.memory_space<vmem>> -> memref<512xf32, #tpu.memory_space<vmem>>
      tpu.wait_dma2 semaphore(%run_scoped3A : memref<!tpu.dma_semaphore, #tpu.memory_space<semaphore_mem>>) src(%dma_wait3A_688 : memref<512xf32, #tpu.memory_space<vmem>>) dst(%dma_wait3A_686 : memref<512xf32, #tpu.memory_space<hbm>>)
      tpu.yield
    }) : () -> ()
    %add3A_674 = arith.constant 229376 : i32
    %add3A_675 = arith.addi %add3A_674, %mul3A_2 : i32
    "tpu.region"() ({
      %run_scoped3A = tpu.sem_alloc : memref<!tpu.dma_semaphore, #tpu.memory_space<semaphore_mem>>
      %dma_start3A_678 = arith.constant 7168 : i32
      %dma_start3A_679 = tpu.memref_slice %arg11[%dma_start3A_678] : memref<8192xf32, #tpu.memory_space<vmem>> -> memref<512xf32, #tpu.memory_space<vmem>>
      %dma_start3A_680 = tpu.memref_slice %arg6[%add3A_675] : memref<262144xf32, #tpu.memory_space<hbm>> -> memref<512xf32, #tpu.memory_space<hbm>>
      %dma_start3A_681 = tpu.memref_slice %arg6[%add3A_675] : memref<262144xf32, #tpu.memory_space<hbm>> -> memref<512xf32, #tpu.memory_space<hbm>>
      %dma_start3A_682 = arith.constant 7168 : i32
      %dma_start3A_683 = tpu.memref_slice %arg11[%dma_start3A_682] : memref<8192xf32, #tpu.memory_space<vmem>> -> memref<512xf32, #tpu.memory_space<vmem>>
      tpu.enqueue_dma source(%dma_start3A_683 : memref<512xf32, #tpu.memory_space<vmem>>) target(%dma_start3A_681 : memref<512xf32, #tpu.memory_space<hbm>>) target_semaphore(%run_scoped3A : memref<!tpu.dma_semaphore, #tpu.memory_space<semaphore_mem>>)
      %dma_wait3A = arith.constant 7168 : i32
      %dma_wait3A_684 = tpu.memref_slice %arg11[%dma_wait3A] : memref<8192xf32, #tpu.memory_space<vmem>> -> memref<512xf32, #tpu.memory_space<vmem>>
      %dma_wait3A_685 = tpu.memref_slice %arg6[%add3A_675] : memref<262144xf32, #tpu.memory_space<hbm>> -> memref<512xf32, #tpu.memory_space<hbm>>
      %dma_wait3A_686 = tpu.memref_slice %arg6[%add3A_675] : memref<262144xf32, #tpu.memory_space<hbm>> -> memref<512xf32, #tpu.memory_space<hbm>>
      %dma_wait3A_687 = arith.constant 7168 : i32
      %dma_wait3A_688 = tpu.memref_slice %arg11[%dma_wait3A_687] : memref<8192xf32, #tpu.memory_space<vmem>> -> memref<512xf32, #tpu.memory_space<vmem>>
      tpu.wait_dma2 semaphore(%run_scoped3A : memref<!tpu.dma_semaphore, #tpu.memory_space<semaphore_mem>>) src(%dma_wait3A_688 : memref<512xf32, #tpu.memory_space<vmem>>) dst(%dma_wait3A_686 : memref<512xf32, #tpu.memory_space<hbm>>)
      tpu.yield
    }) : () -> ()
    %add3A_676 = arith.constant 245760 : i32
    %add3A_677 = arith.addi %add3A_676, %mul3A_2 : i32
    "tpu.region"() ({
      %run_scoped3A = tpu.sem_alloc : memref<!tpu.dma_semaphore, #tpu.memory_space<semaphore_mem>>
      %dma_start3A_678 = arith.constant 7680 : i32
      %dma_start3A_679 = tpu.memref_slice %arg11[%dma_start3A_678] : memref<8192xf32, #tpu.memory_space<vmem>> -> memref<512xf32, #tpu.memory_space<vmem>>
      %dma_start3A_680 = tpu.memref_slice %arg6[%add3A_677] : memref<262144xf32, #tpu.memory_space<hbm>> -> memref<512xf32, #tpu.memory_space<hbm>>
      %dma_start3A_681 = tpu.memref_slice %arg6[%add3A_677] : memref<262144xf32, #tpu.memory_space<hbm>> -> memref<512xf32, #tpu.memory_space<hbm>>
      %dma_start3A_682 = arith.constant 7680 : i32
      %dma_start3A_683 = tpu.memref_slice %arg11[%dma_start3A_682] : memref<8192xf32, #tpu.memory_space<vmem>> -> memref<512xf32, #tpu.memory_space<vmem>>
      tpu.enqueue_dma source(%dma_start3A_683 : memref<512xf32, #tpu.memory_space<vmem>>) target(%dma_start3A_681 : memref<512xf32, #tpu.memory_space<hbm>>) target_semaphore(%run_scoped3A : memref<!tpu.dma_semaphore, #tpu.memory_space<semaphore_mem>>)
      %dma_wait3A = arith.constant 7680 : i32
      %dma_wait3A_684 = tpu.memref_slice %arg11[%dma_wait3A] : memref<8192xf32, #tpu.memory_space<vmem>> -> memref<512xf32, #tpu.memory_space<vmem>>
      %dma_wait3A_685 = tpu.memref_slice %arg6[%add3A_677] : memref<262144xf32, #tpu.memory_space<hbm>> -> memref<512xf32, #tpu.memory_space<hbm>>
      %dma_wait3A_686 = tpu.memref_slice %arg6[%add3A_677] : memref<262144xf32, #tpu.memory_space<hbm>> -> memref<512xf32, #tpu.memory_space<hbm>>
      %dma_wait3A_687 = arith.constant 7680 : i32
      %dma_wait3A_688 = tpu.memref_slice %arg11[%dma_wait3A_687] : memref<8192xf32, #tpu.memory_space<vmem>> -> memref<512xf32, #tpu.memory_space<vmem>>
      tpu.wait_dma2 semaphore(%run_scoped3A : memref<!tpu.dma_semaphore, #tpu.memory_space<semaphore_mem>>) src(%dma_wait3A_688 : memref<512xf32, #tpu.memory_space<vmem>>) dst(%dma_wait3A_686 : memref<512xf32, #tpu.memory_space<hbm>>)
      tpu.yield
    }) : () -> ()
    return
  }
}

module attributes {stable_mosaic.version = 14 : i64} {
  func.func @_head_body(%arg0: i32, %arg1: memref<16x4096xf32, #tpu.memory_space<vmem>>, %arg2: memref<16x4096xf32, #tpu.memory_space<vmem>>, %arg3: memref<144x16xf32, #tpu.memory_space<vmem>>, %arg4: memref<16x32xf32, #tpu.memory_space<vmem>>, %arg5: memref<32xf32, #tpu.memory_space<vmem>>, %arg6: memref<32x64xf32, #tpu.memory_space<vmem>>, %arg7: memref<64xf32, #tpu.memory_space<vmem>>, %arg8: memref<64x1xf32, #tpu.memory_space<vmem>>, %arg9: memref<1xf32, #tpu.memory_space<vmem>>, %arg10: memref<4096xf32, #tpu.memory_space<vmem>>) attributes {dimension_semantics = [#tpu.dimension_semantics<arbitrary>], iteration_bounds = array<i64: 4>, scalar_prefetch = 0 : i64, scratch_operands = 0 : i64, tpu.core_type = #tpu.core_type<tc>, window_params = [{transform_indices = @transform_0, window_bounds = array<i64: 16, 4096>}, {transform_indices = @transform_1, window_bounds = array<i64: 16, 4096>}, {pipeline_mode = #tpu.pipeline_mode<synchronous>, transform_indices = @transform_2, window_bounds = array<i64: 144, 16>}, {pipeline_mode = #tpu.pipeline_mode<synchronous>, transform_indices = @transform_3, window_bounds = array<i64: 16, 32>}, {pipeline_mode = #tpu.pipeline_mode<synchronous>, transform_indices = @transform_4, window_bounds = array<i64: 32>}, {pipeline_mode = #tpu.pipeline_mode<synchronous>, transform_indices = @transform_5, window_bounds = array<i64: 32, 64>}, {pipeline_mode = #tpu.pipeline_mode<synchronous>, transform_indices = @transform_6, window_bounds = array<i64: 64>}, {pipeline_mode = #tpu.pipeline_mode<synchronous>, transform_indices = @transform_7, window_bounds = array<i64: 64, 1>}, {pipeline_mode = #tpu.pipeline_mode<synchronous>, transform_indices = @transform_8, window_bounds = array<i64: 1>}, {transform_indices = @transform_9, window_bounds = array<i64: 4096>}]} {
    %get3A = arith.constant 0 : index
    %get3A_0 = arith.constant 0 : index
    %get3A_1 = vector.load %arg3[%get3A, %get3A_0] : memref<144x16xf32, #tpu.memory_space<vmem>>, vector<8x16xf32>
    %get3A_2 = arith.constant 0 : index
    %get3A_3 = arith.constant 0 : index
    %get3A_4 = vector.load %arg1[%get3A_2, %get3A_3] : memref<16x4096xf32, #tpu.memory_space<vmem>>, vector<8x4096xf32>
    %dot_general3A = arith.constant dense<0.000000e+00> : vector<16x4096xf32>
    %dot_general3A_5 = tpu.matmul %get3A_1, %get3A_4, %dot_general3A {dimension_numbers = #tpu.dot_dimension_numbers<[0], [0], [1], [1], [0, 1, 1, 1], [], []>, transpose_lhs_hint = false} : vector<8x16xf32>, vector<8x4096xf32>, vector<16x4096xf32> -> vector<16x4096xf32>
    %get3A_6 = arith.constant 8 : index
    %get3A_7 = arith.constant 0 : index
    %get3A_8 = vector.load %arg3[%get3A_6, %get3A_7] : memref<144x16xf32, #tpu.memory_space<vmem>>, vector<8x16xf32>
    %get3A_9 = arith.constant 8 : index
    %get3A_10 = arith.constant 0 : index
    %get3A_11 = vector.load %arg1[%get3A_9, %get3A_10] : memref<16x4096xf32, #tpu.memory_space<vmem>>, vector<8x4096xf32>
    %dot_general3A_12 = arith.constant dense<0.000000e+00> : vector<16x4096xf32>
    %dot_general3A_13 = tpu.matmul %get3A_8, %get3A_11, %dot_general3A_12 {dimension_numbers = #tpu.dot_dimension_numbers<[0], [0], [1], [1], [0, 1, 1, 1], [], []>, transpose_lhs_hint = false} : vector<8x16xf32>, vector<8x4096xf32>, vector<16x4096xf32> -> vector<16x4096xf32>
    %add3A = arith.addf %dot_general3A_5, %dot_general3A_13 : vector<16x4096xf32>
    %get3A_14 = arith.constant 0 : index
    %get3A_15 = arith.constant 0 : index
    %get3A_16 = vector.load %arg2[%get3A_14, %get3A_15] : memref<16x4096xf32, #tpu.memory_space<vmem>>, vector<16x4096xf32>
    %add3A_17 = arith.addf %add3A, %get3A_16 : vector<16x4096xf32>
    %max3A = arith.constant 0.000000e+00 : f32
    %max3A_18 = vector.broadcast %max3A : f32 to vector<16x4096xf32>
    %max3A_19 = arith.maximumf %add3A_17, %max3A_18 : vector<16x4096xf32>
    %get3A_20 = arith.constant 0 : index
    %get3A_21 = arith.constant 0 : index
    %get3A_22 = vector.load %arg4[%get3A_20, %get3A_21] : memref<16x32xf32, #tpu.memory_space<vmem>>, vector<16x32xf32>
    %dot_general3A_23 = arith.constant dense<0.000000e+00> : vector<32x4096xf32>
    %dot_general3A_24 = tpu.matmul %get3A_22, %max3A_19, %dot_general3A_23 {dimension_numbers = #tpu.dot_dimension_numbers<[0], [0], [1], [1], [0, 1, 1, 1], [], []>, transpose_lhs_hint = false} : vector<16x32xf32>, vector<16x4096xf32>, vector<32x4096xf32> -> vector<32x4096xf32>
    %get3A_25 = arith.constant 0 : index
    %get3A_26 = vector.load %arg5[%get3A_25] : memref<32xf32, #tpu.memory_space<vmem>>, vector<32xf32>
    %broadcast_in_dim3A = vector.shape_cast %get3A_26 : vector<32xf32> to vector<32x1xf32>
    %add3A_27 = vector.broadcast %broadcast_in_dim3A : vector<32x1xf32> to vector<32x4096xf32>
    %add3A_28 = arith.addf %dot_general3A_24, %add3A_27 : vector<32x4096xf32>
    %max3A_29 = arith.constant 0.000000e+00 : f32
    %max3A_30 = vector.broadcast %max3A_29 : f32 to vector<32x4096xf32>
    %max3A_31 = arith.maximumf %add3A_28, %max3A_30 : vector<32x4096xf32>
    %get3A_32 = arith.constant 0 : index
    %get3A_33 = arith.constant 0 : index
    %get3A_34 = vector.load %arg6[%get3A_32, %get3A_33] : memref<32x64xf32, #tpu.memory_space<vmem>>, vector<32x64xf32>
    %dot_general3A_35 = arith.constant dense<0.000000e+00> : vector<64x4096xf32>
    %dot_general3A_36 = tpu.matmul %get3A_34, %max3A_31, %dot_general3A_35 {dimension_numbers = #tpu.dot_dimension_numbers<[0], [0], [1], [1], [0, 1, 1, 1], [], []>, transpose_lhs_hint = false} : vector<32x64xf32>, vector<32x4096xf32>, vector<64x4096xf32> -> vector<64x4096xf32>
    %get3A_37 = arith.constant 0 : index
    %get3A_38 = vector.load %arg7[%get3A_37] : memref<64xf32, #tpu.memory_space<vmem>>, vector<64xf32>
    %broadcast_in_dim3A_39 = vector.shape_cast %get3A_38 : vector<64xf32> to vector<64x1xf32>
    %add3A_40 = vector.broadcast %broadcast_in_dim3A_39 : vector<64x1xf32> to vector<64x4096xf32>
    %add3A_41 = arith.addf %dot_general3A_36, %add3A_40 : vector<64x4096xf32>
    %max3A_42 = arith.constant 0.000000e+00 : f32
    %max3A_43 = vector.broadcast %max3A_42 : f32 to vector<64x4096xf32>
    %max3A_44 = arith.maximumf %add3A_41, %max3A_43 : vector<64x4096xf32>
    %get3A_45 = arith.constant 0 : index
    %get3A_46 = arith.constant 0 : index
    %get3A_47 = vector.load %arg8[%get3A_45, %get3A_46] : memref<64x1xf32, #tpu.memory_space<vmem>>, vector<64x1xf32>
    %dot_general3A_48 = arith.constant dense<0.000000e+00> : vector<1x4096xf32>
    %dot_general3A_49 = tpu.matmul %get3A_47, %max3A_44, %dot_general3A_48 {dimension_numbers = #tpu.dot_dimension_numbers<[0], [0], [1], [1], [0, 1, 1, 1], [], []>, transpose_lhs_hint = false} : vector<64x1xf32>, vector<64x4096xf32>, vector<1x4096xf32> -> vector<1x4096xf32>
    %get3A_50 = arith.constant 0 : index
    %get3A_51 = vector.load %arg9[%get3A_50] : memref<1xf32, #tpu.memory_space<vmem>>, vector<1xf32>
    %broadcast_in_dim3A_52 = vector.shape_cast %get3A_51 : vector<1xf32> to vector<1x1xf32>
    %add3A_53 = vector.broadcast %broadcast_in_dim3A_52 : vector<1x1xf32> to vector<1x4096xf32>
    %add3A_54 = arith.addf %dot_general3A_49, %add3A_53 : vector<1x4096xf32>
    %squeeze3A = vector.shape_cast %add3A_54 : vector<1x4096xf32> to vector<4096xf32>
    %swap3A = arith.constant 0 : index
    %swap3A_55 = vector.load %arg10[%swap3A] : memref<4096xf32, #tpu.memory_space<vmem>>, vector<4096xf32>
    tpu.vector_store %arg10[%swap3A], %squeeze3A {strides = array<i32>} : memref<4096xf32, #tpu.memory_space<vmem>>, vector<4096xf32>,
    return
  }
  func.func @transform_0(%arg0: i32) -> (i32, i32) {
    %c0_i32 = arith.constant 0 : i32
    %c0_i32_0 = arith.constant 0 : i32
    return %c0_i32, %arg0 : i32, i32
  }
  func.func @transform_1(%arg0: i32) -> (i32, i32) {
    %c0_i32 = arith.constant 0 : i32
    %c0_i32_0 = arith.constant 0 : i32
    return %c0_i32, %arg0 : i32, i32
  }
  func.func @transform_2(%arg0: i32) -> (i32, i32) {
    %c0_i32 = arith.constant 0 : i32
    %c0_i32_0 = arith.constant 0 : i32
    %c0_i32_1 = arith.constant 0 : i32
    return %c0_i32, %c0_i32_0 : i32, i32
  }
  func.func @transform_3(%arg0: i32) -> (i32, i32) {
    %c0_i32 = arith.constant 0 : i32
    %c0_i32_0 = arith.constant 0 : i32
    %c0_i32_1 = arith.constant 0 : i32
    return %c0_i32, %c0_i32_0 : i32, i32
  }
  func.func @transform_4(%arg0: i32) -> i32 {
    %c0_i32 = arith.constant 0 : i32
    %c0_i32_0 = arith.constant 0 : i32
    return %c0_i32 : i32
  }
  func.func @transform_5(%arg0: i32) -> (i32, i32) {
    %c0_i32 = arith.constant 0 : i32
    %c0_i32_0 = arith.constant 0 : i32
    %c0_i32_1 = arith.constant 0 : i32
    return %c0_i32, %c0_i32_0 : i32, i32
  }
  func.func @transform_6(%arg0: i32) -> i32 {
    %c0_i32 = arith.constant 0 : i32
    %c0_i32_0 = arith.constant 0 : i32
    return %c0_i32 : i32
  }
  func.func @transform_7(%arg0: i32) -> (i32, i32) {
    %c0_i32 = arith.constant 0 : i32
    %c0_i32_0 = arith.constant 0 : i32
    %c0_i32_1 = arith.constant 0 : i32
    return %c0_i32, %c0_i32_0 : i32, i32
  }
  func.func @transform_8(%arg0: i32) -> i32 {
    %c0_i32 = arith.constant 0 : i32
    %c0_i32_0 = arith.constant 0 : i32
    return %c0_i32 : i32
  }
  func.func @transform_9(%arg0: i32) -> i32 {
    %c0_i32 = arith.constant 0 : i32
    return %arg0 : i32
  }
}

module attributes {stable_mosaic.version = 14 : i64} {
  func.func @_country_body(%arg0: i32, %arg1: memref<64x4096xf32, #tpu.memory_space<vmem>>, %arg2: memref<64x4096xf32, #tpu.memory_space<vmem>>, %arg3: memref<144x16xf32, #tpu.memory_space<vmem>>, %arg4: memref<16xf32, #tpu.memory_space<vmem>>, %arg5: memref<16x4096xf32, #tpu.memory_space<vmem>>) attributes {dimension_semantics = [#tpu.dimension_semantics<arbitrary>], iteration_bounds = array<i64: 4>, scalar_prefetch = 0 : i64, scratch_operands = 0 : i64, tpu.core_type = #tpu.core_type<tc>, window_params = [{transform_indices = @transform_0, window_bounds = array<i64: 64, 4096>}, {transform_indices = @transform_1, window_bounds = array<i64: 64, 4096>}, {pipeline_mode = #tpu.pipeline_mode<synchronous>, transform_indices = @transform_2, window_bounds = array<i64: 144, 16>}, {pipeline_mode = #tpu.pipeline_mode<synchronous>, transform_indices = @transform_3, window_bounds = array<i64: 16>}, {transform_indices = @transform_4, window_bounds = array<i64: 16, 4096>}]} {
    %get3A = arith.constant 16 : index
    %get3A_0 = arith.constant 0 : index
    %get3A_1 = vector.load %arg3[%get3A, %get3A_0] : memref<144x16xf32, #tpu.memory_space<vmem>>, vector<64x16xf32>
    %get3A_2 = arith.constant 0 : index
    %get3A_3 = arith.constant 0 : index
    %get3A_4 = vector.load %arg1[%get3A_2, %get3A_3] : memref<64x4096xf32, #tpu.memory_space<vmem>>, vector<64x4096xf32>
    %dot_general3A = arith.constant dense<0.000000e+00> : vector<16x4096xf32>
    %dot_general3A_5 = tpu.matmul %get3A_1, %get3A_4, %dot_general3A {dimension_numbers = #tpu.dot_dimension_numbers<[0], [0], [1], [1], [0, 1, 1, 1], [], []>, transpose_lhs_hint = false} : vector<64x16xf32>, vector<64x4096xf32>, vector<16x4096xf32> -> vector<16x4096xf32>
    %get3A_6 = arith.constant 80 : index
    %get3A_7 = arith.constant 0 : index
    %get3A_8 = vector.load %arg3[%get3A_6, %get3A_7] : memref<144x16xf32, #tpu.memory_space<vmem>>, vector<64x16xf32>
    %get3A_9 = arith.constant 0 : index
    %get3A_10 = arith.constant 0 : index
    %get3A_11 = vector.load %arg2[%get3A_9, %get3A_10] : memref<64x4096xf32, #tpu.memory_space<vmem>>, vector<64x4096xf32>
    %dot_general3A_12 = arith.constant dense<0.000000e+00> : vector<16x4096xf32>
    %dot_general3A_13 = tpu.matmul %get3A_8, %get3A_11, %dot_general3A_12 {dimension_numbers = #tpu.dot_dimension_numbers<[0], [0], [1], [1], [0, 1, 1, 1], [], []>, transpose_lhs_hint = false} : vector<64x16xf32>, vector<64x4096xf32>, vector<16x4096xf32> -> vector<16x4096xf32>
    %add3A = arith.addf %dot_general3A_5, %dot_general3A_13 : vector<16x4096xf32>
    %get3A_14 = arith.constant 0 : index
    %get3A_15 = vector.load %arg4[%get3A_14] : memref<16xf32, #tpu.memory_space<vmem>>, vector<16xf32>
    %broadcast_in_dim3A = vector.shape_cast %get3A_15 : vector<16xf32> to vector<16x1xf32>
    %add3A_16 = vector.broadcast %broadcast_in_dim3A : vector<16x1xf32> to vector<16x4096xf32>
    %add3A_17 = arith.addf %add3A, %add3A_16 : vector<16x4096xf32>
    %swap3A = arith.constant 0 : index
    %swap3A_18 = arith.constant 0 : index
    %swap3A_19 = vector.load %arg5[%swap3A, %swap3A_18] : memref<16x4096xf32, #tpu.memory_space<vmem>>, vector<16x4096xf32>
    tpu.vector_store %arg5[%swap3A, %swap3A_18], %add3A_17 {strides = array<i32>} : memref<16x4096xf32, #tpu.memory_space<vmem>>, vector<16x4096xf32>,
    return
  }
  func.func @transform_0(%arg0: i32) -> (i32, i32) {
    %c0_i32 = arith.constant 0 : i32
    %c0_i32_0 = arith.constant 0 : i32
    return %c0_i32, %arg0 : i32, i32
  }
  func.func @transform_1(%arg0: i32) -> (i32, i32) {
    %c0_i32 = arith.constant 0 : i32
    %c0_i32_0 = arith.constant 0 : i32
    return %c0_i32, %arg0 : i32, i32
  }
  func.func @transform_2(%arg0: i32) -> (i32, i32) {
    %c0_i32 = arith.constant 0 : i32
    %c0_i32_0 = arith.constant 0 : i32
    %c0_i32_1 = arith.constant 0 : i32
    return %c0_i32, %c0_i32_0 : i32, i32
  }
  func.func @transform_3(%arg0: i32) -> i32 {
    %c0_i32 = arith.constant 0 : i32
    %c0_i32_0 = arith.constant 0 : i32
    return %c0_i32 : i32
  }
  func.func @transform_4(%arg0: i32) -> (i32, i32) {
    %c0_i32 = arith.constant 0 : i32
    %c0_i32_0 = arith.constant 0 : i32
    return %c0_i32, %arg0 : i32, i32
  }
}

</mosaic_0001>

<sc_bundles>
// kernel: kernel.5.cloned.1.call-start
scs
__scs_entry_jumppad:
0x0: {  	(pc) =	sbr.rel $0x88, $3  }
0x1: {  	(tag) =	ssettag $0x0;
	lr =	simm.s32 $0x1  }
0x2: {  	[smem:$0x3F93] =	sst lr;
	_ =	strace $0xD0000000  }
0x3: {  	_ = 	snop  }
0x4: {  	_ = 	snop  }
0x5: {  	_ = 	snop  }
0x6: {  	_ = 	snop  }
0x7: {  	_ = 	snop  }
__scs_overlays_trampoline_lowered:
0x8: {  	[smem:$0x3FA2] =	sst s0  }
0x9: {  	[smem:$0x3FA3] =	sst s1  }
0xa: {  	[smem:$0x3FA4] =	sst s2  }
0xb: {  	[smem:$0x3FA5] =	sst s3  }
0xc: {  	[smem:$0x3FA6] =	sst s4  }
0xd: {  	[smem:$0x3FA7] =	sst s5  }
0xe: {  	[smem:$0x3FA8] =	sst s6  }
0xf: {  	[smem:$0x3FA9] =	sst s7  }
0x10: {  	[smem:$0x3FAA] =	sst s8  }
0x11: {  	[smem:$0x3FAB] =	sst s9;
	s0 =	simm.s32 @!p0 $0x0  }
0x12: {  	s1 =	sld [smem:$0x3F91];
	s0 =	simm.s32 @p0 $0x1  }
0x13: {  	[smem:$0x3FAC] =	sst s0;
	s0 =	simm.s32 @!p1 $0x0  }
0x14: {  	s2 =	sld [smem:$0x3F90];
	s0 =	simm.s32 @p1 $0x1  }
0x15: {  	[smem:$0x3FAD] =	sst s0;
	s0 =	simm.s32 @!p2 $0x0  }
0x16: {  	s3 =	sld [smem:$0x3FDB];
	s0 =	simm.s32 @p2 $0x1  }
0x17: {  	s4 =	simm.s32 $0x1BF5;
	[smem:$0x3FAF] =	sst s0  }
0x18: {  	s0 =	sld [smem:$0x3F92];
	_ =	swait.ge [sflag:s4], $0x0  }
0x19: {  	s7 =	sld [smem:$0x3F93]  }
0x1a: {  	s8 =	sadd.s32 $0xFFFFE003, lr  }
0x1b: {  	s9 =	sadd.s32 $0xFFFFFEF7, lr;
	s5 =	simm.s32 $0xFFFFFFFF;
	p2 =	slt.u32 s8, $0xFFFFF086  }
0x1c: {  	p1 =	slt.u32 s9, $0xF7A;
	s5 =	simm.s32 @!p2 $0x0  }
0x1d: {  	s5 =	simm.s32 @p1 $0x1;
	p0 =	seq.s32 s7, s2  }
0x1e: {  	s7 =	smul.u32 @!p0 $0xF7A, s2;
	p2 =	seq.s32 @!p0 s5, $0x0  }
0x1f: {  	s9 =	smul.u32 $0xF7A, s1;
	s8 =	simm.s32 @!p0 $0x1BF5;
	p2 =	por !p2, p0  }
0x20: {  	[sflag:s8] =	ssyncset.s32 @!p0 $0xFFFFF086;
	s6 =	sadd.s32 @!p0 s3, s7;
	s7 =	simm.s32 @!p0 $0x108  }
0x21: {  	s3 =	sadd.s32 s3, s9;
	s6 =	sadd.s32 @!p0 $0x88, s6;
	s7 =	simm.s32 @p2 $0x1082  }
0x22: {  	[simem:s7], [sflag:s8] =	dma.local @!p0 [hbm:s6], $0xF7A  }
0x23: {  	s9 =	sor.u32 $0xD0000000, s2;
	s6 =	simm.s32 $0x108;
	_ =	swait.ge @!p0 [sflag:s8], $0x0  }
0x24: {  	s3 =	sadd.s32 $0x88, s3;
	s6 =	simm.s32 @!p1 $0x1082;
	[sflag:s4] =	ssyncset.s32 $0xFFFFF086  }
0x25: {  	[simem:s6], [sflag:s4] =	dma.local [hbm:s3], $0xF7A  }
0x26: {  	[smem:$0x3F93] =	sst s1;
	(tag) =	ssettag s2;
	_ =	strace s9  }
0x27: {  	s1 =	sld [smem:$0x3FA3]  }
0x28: {  	s2 =	sld [smem:$0x3FA4]  }
0x29: {  	s4 =	sld [smem:$0x3FA6]  }
0x2a: {  	p0 =	seq.s32 s5, $0x0;
	s5 =	sld [smem:$0x3FA7]  }
0x2b: {  	s6 =	sld [smem:$0x3FA8]  }
0x2c: {  	s7 =	sld [smem:$0x3FA9]  }
0x2d: {  	s3 =	simm.s32 $0x108;
	s8 =	sld [smem:$0x3FAA]  }
0x2e: {  	s3 =	simm.s32 @!p0 $0x1082;
	s9 =	sld [smem:$0x3FAB]  }
0x2f: {  	lr =	sadd.s32 s0, s3;
	s0 =	sld [smem:$0x3FA2]  }
0x30: {  	s3 =	sld [smem:$0x3FA5]  }
0x31: {  	[smem:$0x3FAE] =	sst s10  }
0x32: {  	s10 =	sld [smem:$0x3FAC];
	_ =	sdelay $0x3  }
0x33: {  	p0 =	seq.s32 s10, $0x1;
	s10 =	sld [smem:$0x3FAE];
	_ =	sdelay $0x3  }
0x34: {  	[smem:$0x3FAE] =	sst s10  }
0x35: {  	s10 =	sld [smem:$0x3FAD];
	_ =	sdelay $0x3  }
0x36: {  	p1 =	seq.s32 s10, $0x1;
	s10 =	sld [smem:$0x3FAE];
	_ =	sdelay $0x3  }
0x37: {  	[smem:$0x3FAE] =	sst s10  }
0x38: {  	s10 =	sld [smem:$0x3FAF]  }
0x39: {  	_ = 	snop;
	(pc) =	sbr.ind lr, $3  }
0x3a: {  	_ = 	snop  }
0x3b: {  	_ = 	snop  }
0x3c: {  	p2 =	seq.s32 s10, $0x1;
	s10 =	sld [smem:$0x3FAE]  }
0x3d: {  	_ =	shalt  }
0x3e: {  	_ =	shalt  }
0x3f: {  	_ =	shalt  }
0x40: {  	_ =	shalt  }
0x41: {  	_ =	shalt  }
0x42: {  	_ =	shalt  }
0x43: {  	_ =	shalt  }
0x44: {  	_ =	shalt  }
0x45: {  	_ =	shalt  }
0x46: {  	_ =	shalt  }
0x47: {  	_ =	shalt  }
0x48: {  	_ =	shalt  }
0x49: {  	_ =	shalt  }
0x4a: {  	_ =	shalt  }
0x4b: {  	_ =	shalt  }
0x4c: {  	_ =	shalt  }
0x4d: {  	_ =	shalt  }
0x4e: {  	_ =	shalt  }
0x4f: {  	_ =	shalt  }
0x50: {  	_ =	shalt  }
0x51: {  	_ =	shalt  }
0x52: {  	_ =	shalt  }
0x53: {  	_ =	shalt  }
0x54: {  	_ =	shalt  }
0x55: {  	_ =	shalt  }
0x56: {  	_ =	shalt  }
0x57: {  	_ =	shalt  }
0x58: {  	_ =	shalt  }
0x59: {  	_ =	shalt  }
0x5a: {  	_ =	shalt  }
0x5b: {  	_ =	shalt  }
0x5c: {  	_ =	shalt  }
0x5d: {  	_ =	shalt  }
0x5e: {  	_ =	shalt  }
0x5f: {  	_ =	shalt  }
0x60: {  	_ =	shalt  }
0x61: {  	_ =	shalt  }
0x62: {  	_ =	shalt  }
0x63: {  	_ =	shalt  }
0x64: {  	_ =	shalt  }
0x65: {  	_ =	shalt  }
0x66: {  	_ =	shalt  }
0x67: {  	_ =	shalt  }
0x68: {  	_ =	shalt  }
0x69: {  	_ =	shalt  }
0x6a: {  	_ =	shalt  }
0x6b: {  	_ =	shalt  }
0x6c: {  	_ =	shalt  }
0x6d: {  	_ =	shalt  }
0x6e: {  	_ =	shalt  }
0x6f: {  	_ =	shalt  }
0x70: {  	_ =	shalt  }
0x71: {  	_ =	shalt  }
0x72: {  	_ =	shalt  }
0x73: {  	_ =	shalt  }
0x74: {  	_ =	shalt  }
0x75: {  	_ =	shalt  }
0x76: {  	_ =	shalt  }
0x77: {  	_ =	shalt  }
0x78: {  	_ =	shalt  }
0x79: {  	_ =	shalt  }
0x7a: {  	_ =	shalt  }
0x7b: {  	_ =	shalt  }
0x7c: {  	_ =	shalt  }
0x7d: {  	_ =	shalt  }
0x7e: {  	_ =	shalt  }
0x7f: {  	_ =	shalt  }
0x80: {  	_ =	shalt  }
0x81: {  	_ =	shalt  }
0x82: {  	_ =	shalt  }
0x83: {  	_ =	shalt  }
0x84: {  	_ =	shalt  }
0x85: {  	_ =	shalt  }
0x86: {  	_ =	shalt  }
0x87: {  	_ =	shalt  }
.Lfunc_end0:
.L_simem_size_0:
called_computation_lowered:
.L_overlay_start_0:
0x88: {  	s2 =	sld [smem:$0x3FD9]  }
0x89: {  	s3 =	sld [smem:$0x3FFE];
	_ =	sdelay $0x1  }
0x8a: {  	s1 =	srdreg.scid  }
0x8b: {  	s0 =	sand.u32 $0x1, s1  }
0x8c: {  	s17 =	sshll.u32 s0, $0xA;
	s2 =	sadd.s32 s3, s2  }
0x8d: {  	s2 =	sadd.s32 s2, s17  }
0x8e: {  	[smem:$0x3FBA] =	sst s2  }
0x8f: {  	_ = 	snop  }
0x90: {  	s2 =	sld [smem:$0x3FC9]  }
0x91: {  	s18 =	sld [smem:$0x3FC8]  }
0x92: {  	s4 =	sld [smem:$0x3FC5]  }
0x93: {  	s5 =	sld [smem:$0x3FC4];
	(tm) =	ssettm $0x1  }
0x94: {  	s6 =	sld [smem:$0x3FFB];
	_ =	sdelay $0x3  }
0x95: {  	_ =	strace s6  }
0x96: {  	s6 =	sld [smem:$0x3FFC];
	_ =	sdelay $0x3  }
0x97: {  	_ =	strace s6  }
0x98: {  	s6 =	sld [smem:$0x3FFD];
	_ =	sdelay $0x3  }
0x99: {  	_ =	strace s6  }
0x9a: {  	_ =	strace $0x8FFFFFFF  }
0x9b: {  	s19 =	sld [smem:$0x3FDB];
	_ =	sdelay $0x1  }
0x9c: {  	s7 =	simm.s32 $_scs_section_size  }
0x9d: {  	s8 =	simm.s32 $_size__tile_overlayer_lowered;
	s9 =	simm.s32 $_tile_overlayer_lowered  }
0x9e: {  	s22 =	simm.s32 $0x1BFF;
	s21 =	sshll.u32 s9, $0x1;
	s6 =	sadd.s32 s7, s19  }
0x9f: {  	s10 =	simm.s32 $0x0;
	s20 =	sshll.u32 s8, $0x1;
	s8 =	sadd.s32 s21, s6  }
0xa0: {  	[timem:s10], [sflag:s22] =	dma.local [hbm:s8], s20  }
0xa1: {  	_ =	swait.ge [sflag:s22], s20  }
0xa2: {  	s7 =	ssub.s32 $0x0, s20;
	[sflag:s22] =	ssyncset.done $0x0  }
0xa3: {  	[sflag:s22] =	ssyncadd.s32 s7;
	_ =	sdelay $0x1  }
0xa4: {  	s23 =	simm.s32 $0x1B8B  }
0xa5: {  	_ =	swait.ge [sflag:s23], $0x1  }
0xa6: {  	[sflag:s23] =	ssyncset.done $0x0  }
0xa7: {  	s25 =	simm.s32 $0x1B8E;
	s24 =	sld [smem:$0x3FFE];
	[sflag:s23] =	ssyncadd.s32 $0xFFFFFFFF  }
0xa8: {  	s26 =	simm.s32 $execute0_lowered;
	[smem:$0x3FD2] =	sst s25  }
0xa9: {  	s8 =	sshll.u32 s26, $0x1;
	_ =	strace $0x80000046;
	[dreg:$0x1] =	wrdreg $0xFFFFFFFF  }
0xaa: {  	s28 =	simm.s32 $_size_execute0_lowered;
	s6 =	sadd.s32 s6, s8;
	[dreg:$0x0] =	wrdreg $0x0  }
0xab: {  	s8 =	sshll.u32 s28, $0x1;
	[dreg:$0x2] =	wrdreg s6  }
0xac: {  	[dreg:$0x3] =	wrdreg s8  }
0xad: {  	[dreg:$0x4] =	wrdreg $0xC0  }
0xae: {  	_ =	task [dreg:s10], $0x5FFFF  }
0xaf: {  	[dreg:$0x1] =	wrdreg $0xFFFFFFFF  }
0xb0: {  	[dreg:$0x0] =	wrdreg $0x60  }
0xb1: {  	[dreg:$0x2] =	wrdreg s4  }
0xb2: {  	[dreg:$0x3] =	wrdreg s2  }
0xb3: {  	[dreg:$0x4] =	wrdreg s5  }
0xb4: {  	[dreg:$0x5] =	wrdreg s18  }
0xb5: {  	[dreg:$0x6] =	wrdreg s24  }
0xb6: {  	[dreg:$0x7] =	wrdreg $0x9  }
0xb7: {  	_ =	task.clear_ibuf [dreg:s10], $0x8FFFF;
	_ =	strace $0x90000046  }
0xb8: {  	s29 =	simm.s32 $0x9;
	_ =	strace $0x80000048  }
0xb9: {  	_ =	swait.ge [sflag:s29], $0x1  }
0xba: {  	[sflag:s29] =	ssyncadd.s32 $0xFFFFFFFF  }
0xbb: {  	_ =	strace $0x90000048  }
0xbc: {  	_ =	sfence  }
0xbd: {  	s30 =	sld [smem:$0x0];
	_ =	sdelay $0x2  }
0xbe: {  	s31 =	sshll.u32 s1, $0xD;
	s1 =	sshrl.u32 s1, $0x2  }
0xbf: {  	s3 =	sand.u32 $0x4000, s31;
	s1 =	sadd.s32 s1, s30  }
0xc0: {  	s0 =	sor.u32 s3, s0;
	s1 =	sshll.u32 s1, $0x11  }
0xc1: {  	s0 =	sor.u32 s1, s0  }
0xc2: {  	s0 =	sadd.s32 $0x8F2B, s0  }
0xc3: {  	[sflag:s0] =	ssyncadd.remote.s32 $0x1  }
0xc4: {  	_ =	sfence.sel $0xFFFF  }
0xc5: {  	[dreg:$0x0] =	wrdreg $0xFFFFFFFF;
	(pc) =	sbr.abs _section_cstart, $3  }
0xc6: {  	[dreg:$0x1] =	wrdreg $0xFFFFFFFF  }
0xc7: {  	_ =	task.clear_ibuf [dreg:s10], $0x2FFFF;
	_ =	strace $0x9FFFFFFF  }
0xc8: {  	(tm) =	ssettm $0x7FFFFFFF  }
0xc9: {  	_ =	shalt  }
tec
execute0_lowered:
.L_overlay_start_1:
0x0: {  	(tag) =	ssettag $0x1  }
0x1: {  	s1 =	rddreg [dreg:$0x0]  }
0x2: {  	s0 =	rddreg [dreg:$0x1]  }
0x3: {  	s2 =	rddreg [dreg:$0x2];
	s4 =	srdreg.scid  }
0x4: {  	s3 =	rddreg [dreg:$0x3];
	s7 =	stileid.u32;
	s6 =	sand.u32 $0x1, s4  }
0x5: {  	s4 =	simm.s32 $0x0;
	s7 =	sshll.u32 s7, $0x7;
	s8 =	sshll.u32 s6, $0x6  }
0x6: {  	[smem:$0x7FF] =	sst s4;
	s7 =	sor.u32 s8, s7  }
0x7: {  	s5 =	rddreg [dreg:$0x4];
	_ =	strace $0x80000047;
	s0 =	sadd.s32 s0, s7  }
0x8: {  	s5 =	sadd.s32 s7, s5;
	s9 =	sadd.s32 s3, s7;
	[dreg:$0x6] =	wrdreg s0  }
0x9: {  	[dreg:$0x7] =	wrdreg s9;
	s10 =	sadd.s32 $0x1600, s5  }
0xa: {  	s11 =	sadd.s32 $0x1E00, s5;
	[dreg:$0x8] =	wrdreg s10  }
0xb: {  	s12 =	sadd.s32 $0x2600, s5;
	[dreg:$0x9] =	wrdreg s11  }
0xc: {  	s28 =	simm.s32 $0x8400;
	s13 =	sadd.s32 $0x2E00, s5;
	[dreg:$0xa] =	wrdreg s12  }
0xd: {  	s29 =	simm.s32 $0x6C00;
	s14 =	sadd.s32 $0x3600, s5;
	[dreg:$0xb] =	wrdreg s13  }
0xe: {  	s30 =	simm.s32 $0xEC00;
	s15 =	sadd.s32 $0x3E00, s5;
	[dreg:$0xc] =	wrdreg s14  }
0xf: {  	s31 =	simm.s32 $0x7000;
	s16 =	sadd.s32 $0x4600, s5;
	[dreg:$0xd] =	wrdreg s15  }
0x10: {  	s6 =	ssub.s32 $0x2, s6;
	s17 =	sadd.s32 $0x4E00, s5;
	[dreg:$0xe] =	wrdreg s16  }
0x11: {  	s26 =	sshrl.u32 s6, $0x1;
	s18 =	sadd.s32 $0x5600, s5;
	[dreg:$0xf] =	wrdreg s17  }
0x12: {  	s8 =	simm.s32 $0xF800;
	s19 =	sadd.s32 $0x5E00, s5;
	[dreg:$0x10] =	wrdreg s18  }
0x13: {  	s6 =	ssub.s32 s6, s26;
	s20 =	sadd.s32 $0x6600, s5;
	[dreg:$0x11] =	wrdreg s19  }
0x14: {  	s3 =	simm.s32 $0x7400;
	s21 =	sadd.s32 $0x6E00, s5;
	[dreg:$0x12] =	wrdreg s20  }
0x15: {  	s7 =	simm.s32 $0x7800;
	s22 =	sadd.s32 $0x7600, s5;
	[dreg:$0x13] =	wrdreg s21  }
0x16: {  	s23 =	sadd.s32 $0x7E00, s5;
	s24 =	sadd.s32 $0x8600, s5;
	[dreg:$0x14] =	wrdreg s22  }
0x17: {  	s25 =	sadd.s32 $0x8E00, s5;
	s26 =	smax.u32 s6, $0x1;
	[dreg:$0x15] =	wrdreg s23  }
0x18: {  	s5 =	simm.s32 $0xC400;
	s0 =	simm.s32 $0xF000;
	[dreg:$0x16] =	wrdreg s24  }
0x19: {  	v0 =	vlaneseq.u32;
	s6 =	simm.s32 $0xF400;
	s9 =	simm.s32 $0x7C00;
	[dreg:$0x17] =	wrdreg s25  }
.Ltmp0:
0x1a: {  	v0 =	vmul.u32 $0x400, v0;
	[dreg:$0x18] =	wrdreg s26;
	s24 =	simm.s32 $0x3;
	(pc) =	sbr.rel .LBB2_1-.Ltmp0, $4  }
0x1b: {  	s26 =	simm.s32 $0x400;
	s25 =	simm.s32 $0x4400;
	s19 =	simm.s32 $0x4800  }
0x1c: {  	v1 =	vor.u32 $0x80, v0;
	s21 =	simm.s32 $0xE400;
	s22 =	simm.s32 $0x6800;
	s23 =	simm.s32 $0xE800  }
0x1d: {  	v2 =	vor.u32 $0x100, v0;
	v3 =	vor.u32 $0x180, v0;
	v4 =	vor.u32 $0x200, v0;
	s10 =	simm.s32 $0xFC00;
	s11 =	simm.s32 $0x8000;
	s12 =	simm.s32 $0x10000  }
0x1e: {  	v5 =	vor.u32 $0x280, v0;
	v6 =	vor.u32 $0x300, v0;
	v7 =	vor.u32 $0x380, v0;
	s13 =	simm.s32 $0x1;
	s14 =	simm.s32 $0x2;
	s16 =	simm.s32 $0x0  }
.LBB2_5:
0x1f: {  	s15 =	rddreg [dreg:$0x8];
	s16 =	simm.s32 $0x10400  }
0x20: {  	[hbm4b:s15+s4] =	stream.linear.scatter [tilespmem:s16], [sflag:$0x3], $0x200, $0x38;
	[tilespmem:$0x12400] =	vst v63  }
0x21: {  	_ =	swait.ge [sflag:s24], $0x200  }
0x22: {  	[sflag:s24] =	ssyncset.done $0x0  }
0x23: {  	s17 =	simm.s32 $0x10600;
	s16 =	rddreg [dreg:$0x9];
	[sflag:s24] =	ssyncadd.s32 $0xFFFFFE00  }
0x24: {  	[hbm4b:s16+s4] =	stream.linear.scatter [tilespmem:s17], [sflag:$0x3], $0x200, $0x38;
	[tilespmem:$0x12400] =	vst v63  }
0x25: {  	_ =	swait.ge [sflag:s24], $0x200  }
0x26: {  	[sflag:s24] =	ssyncset.done $0x0  }
0x27: {  	s20 =	simm.s32 $0x10800;
	s18 =	rddreg [dreg:$0xa];
	[sflag:s24] =	ssyncadd.s32 $0xFFFFFE00  }
0x28: {  	[hbm4b:s18+s4] =	stream.linear.scatter [tilespmem:s20], [sflag:$0x3], $0x200, $0x38;
	[tilespmem:$0x12400] =	vst v63  }
0x29: {  	_ =	swait.ge [sflag:s24], $0x200  }
0x2a: {  	[sflag:s24] =	ssyncset.done $0x0  }
0x2b: {  	s17 =	simm.s32 $0x10A00;
	s16 =	rddreg [dreg:$0xb];
	[sflag:s24] =	ssyncadd.s32 $0xFFFFFE00  }
0x2c: {  	[hbm4b:s16+s4] =	stream.linear.scatter [tilespmem:s17], [sflag:$0x3], $0x200, $0x38;
	[tilespmem:$0x12400] =	vst v63  }
0x2d: {  	_ =	swait.ge [sflag:s24], $0x200  }
0x2e: {  	[sflag:s24] =	ssyncset.done $0x0  }
0x2f: {  	s20 =	simm.s32 $0x10C00;
	s18 =	rddreg [dreg:$0xc];
	[sflag:s24] =	ssyncadd.s32 $0xFFFFFE00  }
0x30: {  	[hbm4b:s18+s4] =	stream.linear.scatter [tilespmem:s20], [sflag:$0x3], $0x200, $0x38;
	[tilespmem:$0x12400] =	vst v63  }
0x31: {  	_ =	swait.ge [sflag:s24], $0x200  }
0x32: {  	[sflag:s24] =	ssyncset.done $0x0  }
0x33: {  	s17 =	simm.s32 $0x10E00;
	s16 =	rddreg [dreg:$0xd];
	[sflag:s24] =	ssyncadd.s32 $0xFFFFFE00  }
0x34: {  	[hbm4b:s16+s4] =	stream.linear.scatter [tilespmem:s17], [sflag:$0x3], $0x200, $0x38;
	[tilespmem:$0x12400] =	vst v63  }
0x35: {  	_ =	swait.ge [sflag:s24], $0x200  }
0x36: {  	[sflag:s24] =	ssyncset.done $0x0  }
0x37: {  	s20 =	simm.s32 $0x11000;
	s18 =	rddreg [dreg:$0xe];
	[sflag:s24] =	ssyncadd.s32 $0xFFFFFE00  }
0x38: {  	[hbm4b:s18+s4] =	stream.linear.scatter [tilespmem:s20], [sflag:$0x3], $0x200, $0x38;
	[tilespmem:$0x12400] =	vst v63  }
0x39: {  	_ =	swait.ge [sflag:s24], $0x200  }
0x3a: {  	[sflag:s24] =	ssyncset.done $0x0  }
0x3b: {  	s17 =	simm.s32 $0x11200;
	s16 =	rddreg [dreg:$0xf];
	[sflag:s24] =	ssyncadd.s32 $0xFFFFFE00  }
0x3c: {  	[hbm4b:s16+s4] =	stream.linear.scatter [tilespmem:s17], [sflag:$0x3], $0x200, $0x38;
	[tilespmem:$0x12400] =	vst v63  }
0x3d: {  	_ =	swait.ge [sflag:s24], $0x200  }
0x3e: {  	[sflag:s24] =	ssyncset.done $0x0  }
0x3f: {  	s20 =	simm.s32 $0x11400;
	s18 =	rddreg [dreg:$0x10];
	[sflag:s24] =	ssyncadd.s32 $0xFFFFFE00  }
0x40: {  	[hbm4b:s18+s4] =	stream.linear.scatter [tilespmem:s20], [sflag:$0x3], $0x200, $0x38;
	[tilespmem:$0x12400] =	vst v63  }
0x41: {  	_ =	swait.ge [sflag:s24], $0x200  }
0x42: {  	[sflag:s24] =	ssyncset.done $0x0  }
0x43: {  	s17 =	simm.s32 $0x11600;
	s16 =	rddreg [dreg:$0x11];
	[sflag:s24] =	ssyncadd.s32 $0xFFFFFE00  }
0x44: {  	[hbm4b:s16+s4] =	stream.linear.scatter [tilespmem:s17], [sflag:$0x3], $0x200, $0x38;
	[tilespmem:$0x12400] =	vst v63  }
0x45: {  	_ =	swait.ge [sflag:s24], $0x200  }
0x46: {  	[sflag:s24] =	ssyncset.done $0x0  }
0x47: {  	s20 =	simm.s32 $0x11800;
	s18 =	rddreg [dreg:$0x12];
	[sflag:s24] =	ssyncadd.s32 $0xFFFFFE00  }
0x48: {  	[hbm4b:s18+s4] =	stream.linear.scatter [tilespmem:s20], [sflag:$0x3], $0x200, $0x38;
	[tilespmem:$0x12400] =	vst v63  }
0x49: {  	_ =	swait.ge [sflag:s24], $0x200  }
0x4a: {  	[sflag:s24] =	ssyncset.done $0x0  }
0x4b: {  	s17 =	simm.s32 $0x11A00;
	s16 =	rddreg [dreg:$0x13];
	[sflag:s24] =	ssyncadd.s32 $0xFFFFFE00  }
0x4c: {  	[hbm4b:s16+s4] =	stream.linear.scatter [tilespmem:s17], [sflag:$0x3], $0x200, $0x38;
	[tilespmem:$0x12400] =	vst v63  }
0x4d: {  	_ =	swait.ge [sflag:s24], $0x200  }
0x4e: {  	[sflag:s24] =	ssyncset.done $0x0  }
0x4f: {  	s20 =	simm.s32 $0x11C00;
	s18 =	rddreg [dreg:$0x14];
	[sflag:s24] =	ssyncadd.s32 $0xFFFFFE00  }
0x50: {  	[hbm4b:s18+s4] =	stream.linear.scatter [tilespmem:s20], [sflag:$0x3], $0x200, $0x38;
	[tilespmem:$0x12400] =	vst v63  }
0x51: {  	_ =	swait.ge [sflag:s24], $0x200  }
0x52: {  	[sflag:s24] =	ssyncset.done $0x0  }
0x53: {  	s17 =	simm.s32 $0x11E00;
	s16 =	rddreg [dreg:$0x15];
	[sflag:s24] =	ssyncadd.s32 $0xFFFFFE00  }
0x54: {  	[hbm4b:s16+s4] =	stream.linear.scatter [tilespmem:s17], [sflag:$0x3], $0x200, $0x38;
	[tilespmem:$0x12400] =	vst v63  }
0x55: {  	_ =	swait.ge [sflag:s24], $0x200  }
0x56: {  	[sflag:s24] =	ssyncset.done $0x0  }
0x57: {  	s20 =	simm.s32 $0x12000;
	s18 =	rddreg [dreg:$0x16];
	[sflag:s24] =	ssyncadd.s32 $0xFFFFFE00  }
0x58: {  	[hbm4b:s18+s4] =	stream.linear.scatter [tilespmem:s20], [sflag:$0x3], $0x200, $0x38;
	[tilespmem:$0x12400] =	vst v63  }
0x59: {  	_ =	swait.ge [sflag:s24], $0x200  }
0x5a: {  	[sflag:s24] =	ssyncset.done $0x0  }
0x5b: {  	s17 =	simm.s32 $0x12200;
	s16 =	rddreg [dreg:$0x17];
	[sflag:s24] =	ssyncadd.s32 $0xFFFFFE00  }
0x5c: {  	[hbm4b:s16+s4] =	stream.linear.scatter [tilespmem:s17], [sflag:$0x3], $0x200, $0x38;
	[tilespmem:$0x12400] =	vst v63  }
0x5d: {  	_ =	swait.ge [sflag:s24], $0x200  }
0x5e: {  	s18 =	rddreg [dreg:$0x19]  }
0x5f: {  	s20 =	rddreg [dreg:$0x18];
	s16 =	sadd.s32 $0x1, s18  }
0x60: {  	p0 =	sne.s32 s16, s20  }
.Ltmp1:
0x61: {  	_ = 	snop;
	(pc) =	sbr.rel @!p0 .LBB2_6-.Ltmp1, $3  }
0x62: {  	_ =	sdelay $0x1  }
0x63: {  	[sflag:s24] =	ssyncset.done $0x0  }
0x64: {  	[sflag:s24] =	ssyncadd.s32 $0xFFFFFE00  }
.LBB2_1:
0x65: {  	[dreg:$0x19] =	wrdreg s16  }
0x66: {  	s15 =	rddreg [dreg:$0x6]  }
0x67: {  	[tilespmem:s4], [sflag:$0x3] =	stream.linear.gather [hbm4b:s15+s4], $0x200, $0x38;
	[tilespmem:$0x12400] =	vst v63  }
0x68: {  	_ =	swait.ge [sflag:s24], $0x200  }
0x69: {  	[sflag:s24] =	ssyncset.done $0x0  }
0x6a: {  	s20 =	simm.s32 $0x200;
	s18 =	rddreg [dreg:$0x7];
	[sflag:s24] =	ssyncadd.s32 $0xFFFFFE00  }
0x6b: {  	[tilespmem:s20], [sflag:$0x3] =	stream.linear.gather [hbm4b:s18+s4], $0x200, $0x38;
	[tilespmem:$0x12400] =	vst v63  }
0x6c: {  	_ =	swait.ge [sflag:s24], $0x200  }
0x6d: {  	[sflag:s24] =	ssyncset.done $0x0  }
0x6e: {  	[sflag:s24] =	ssyncadd.s32 $0xFFFFFE00  }
0x6f: {  	v9 =	vld [tilespmem:$0x0]  }
0x70: {  	v8 =	vld [tilespmem:$0x200];
	_ =	sdelay $0x3  }
0x71: {  	(v2sf) =	vpush v9, $0x0  }
0x72: {  	(v2sf) =	vpush v8, $0x0;
	_ =	sdelay $0x7  }
0x73: {  	(v2sf) =	vpush v9, $0x1  }
0x74: {  	(v2sf) =	vpush v8, $0x1;
	_ =	sdelay $0x4  }
0x75: {  	s16 =	spop (v2sf);
	(v2sf) =	vpush v9, $0x2  }
0x76: {  	s17 =	spop (v2sf);
	(v2sf) =	vpush v8, $0x2;
	_ =	sdelay $0x4  }
0x77: {  	s15 =	sand.u32 $0xFFFFF80, s16  }
0x78: {  	s15 =	sadd.s32 s1, s15;
	(v2sf) =	vpush v9, $0x3  }
0x79: {  	[tilespmem:s26], [sflag:$0x1] =	stream.linear.gather [hbm4b:s15+s4], $0x400, $0x38;
	[tilespmem:$0x12400] =	vst v63  }
0x7a: {  	s18 =	spop (v2sf);
	s15 =	sand.u32 $0xFFFFF80, s17  }
0x7b: {  	s16 =	spop (v2sf);
	(v2sf) =	vpush v8, $0x3;
	s15 =	sadd.s32 s2, s15  }
0x7c: {  	[tilespmem:s28], [sflag:$0x2] =	stream.linear.gather [hbm4b:s15+s4], $0x400, $0x38;
	[tilespmem:$0x12400] =	vst v63  }
0x7d: {  	s15 =	sand.u32 $0xFFFFF80, s18  }
0x7e: {  	s20 =	simm.s32 $0x800;
	s15 =	sadd.s32 s1, s15  }
0x7f: {  	[tilespmem:s20], [sflag:$0x1] =	stream.linear.gather [hbm4b:s15+s4], $0x400, $0x38;
	[tilespmem:$0x12400] =	vst v63  }
0x80: {  	s18 =	spop (v2sf);
	(v2sf) =	vpush v9, $0x4  }
0x81: {  	s15 =	sand.u32 $0xFFFFF80, s16;
	s16 =	spop (v2sf);
	(v2sf) =	vpush v8, $0x4;
	_ =	sdelay $0x2  }
0x82: {  	s17 =	simm.s32 $0x8800;
	s15 =	sadd.s32 s2, s15  }
0x83: {  	[tilespmem:s17], [sflag:$0x2] =	stream.linear.gather [hbm4b:s15+s4], $0x400, $0x38;
	[tilespmem:$0x12400] =	vst v63  }
0x84: {  	s15 =	sand.u32 $0xFFFFF80, s18  }
0x85: {  	s20 =	simm.s32 $0xC00;
	s15 =	sadd.s32 s1, s15;
	s18 =	spop (v2sf);
	(v2sf) =	vpush v9, $0x5  }
0x86: {  	[tilespmem:s20], [sflag:$0x1] =	stream.linear.gather [hbm4b:s15+s4], $0x400, $0x38;
	[tilespmem:$0x12400] =	vst v63  }
0x87: {  	s15 =	sand.u32 $0xFFFFF80, s16  }
0x88: {  	s17 =	simm.s32 $0x8C00;
	s16 =	spop (v2sf);
	(v2sf) =	vpush v8, $0x5;
	s15 =	sadd.s32 s2, s15  }
0x89: {  	[tilespmem:s17], [sflag:$0x2] =	stream.linear.gather [hbm4b:s15+s4], $0x400, $0x38;
	[tilespmem:$0x12400] =	vst v63  }
0x8a: {  	s15 =	sand.u32 $0xFFFFF80, s18  }
0x8b: {  	s20 =	simm.s32 $0x1000;
	s15 =	sadd.s32 s1, s15  }
0x8c: {  	[tilespmem:s20], [sflag:$0x1] =	stream.linear.gather [hbm4b:s15+s4], $0x400, $0x38;
	[tilespmem:$0x12400] =	vst v63  }
0x8d: {  	s18 =	spop (v2sf);
	(v2sf) =	vpush v9, $0x6  }
0x8e: {  	s15 =	sand.u32 $0xFFFFF80, s16;
	s16 =	spop (v2sf);
	(v2sf) =	vpush v8, $0x6;
	_ =	sdelay $0x2  }
0x8f: {  	s17 =	simm.s32 $0x9000;
	s15 =	sadd.s32 s2, s15  }
0x90: {  	[tilespmem:s17], [sflag:$0x2] =	stream.linear.gather [hbm4b:s15+s4], $0x400, $0x38;
	[tilespmem:$0x12400] =	vst v63  }
0x91: {  	s15 =	sand.u32 $0xFFFFF80, s18  }
0x92: {  	s20 =	simm.s32 $0x1400;
	s15 =	sadd.s32 s1, s15;
	s18 =	spop (v2sf);
	(v2sf) =	vpush v9, $0x7  }
0x93: {  	[tilespmem:s20], [sflag:$0x1] =	stream.linear.gather [hbm4b:s15+s4], $0x400, $0x38;
	[tilespmem:$0x12400] =	vst v63  }
0x94: {  	s15 =	sand.u32 $0xFFFFF80, s16  }
0x95: {  	s17 =	simm.s32 $0x9400;
	s16 =	spop (v2sf);
	(v2sf) =	vpush v8, $0x7;
	s15 =	sadd.s32 s2, s15  }
0x96: {  	[tilespmem:s17], [sflag:$0x2] =	stream.linear.gather [hbm4b:s15+s4], $0x400, $0x38;
	[tilespmem:$0x12400] =	vst v63  }
0x97: {  	s15 =	sand.u32 $0xFFFFF80, s18  }
0x98: {  	s20 =	simm.s32 $0x1800;
	s15 =	sadd.s32 s1, s15  }
0x99: {  	[tilespmem:s20], [sflag:$0x1] =	stream.linear.gather [hbm4b:s15+s4], $0x400, $0x38;
	[tilespmem:$0x12400] =	vst v63  }
0x9a: {  	s18 =	spop (v2sf);
	(v2sf) =	vpush v9, $0x8  }
0x9b: {  	s15 =	sand.u32 $0xFFFFF80, s16;
	s16 =	spop (v2sf);
	(v2sf) =	vpush v8, $0x8;
	_ =	sdelay $0x2  }
0x9c: {  	s17 =	simm.s32 $0x9800;
	s15 =	sadd.s32 s2, s15  }
0x9d: {  	[tilespmem:s17], [sflag:$0x2] =	stream.linear.gather [hbm4b:s15+s4], $0x400, $0x38;
	[tilespmem:$0x12400] =	vst v63  }
0x9e: {  	s15 =	sand.u32 $0xFFFFF80, s18  }
0x9f: {  	s20 =	simm.s32 $0x1C00;
	s15 =	sadd.s32 s1, s15;
	s18 =	spop (v2sf);
	(v2sf) =	vpush v9, $0x9  }
0xa0: {  	[tilespmem:s20], [sflag:$0x1] =	stream.linear.gather [hbm4b:s15+s4], $0x400, $0x38;
	[tilespmem:$0x12400] =	vst v63  }
0xa1: {  	s15 =	sand.u32 $0xFFFFF80, s16  }
0xa2: {  	s17 =	simm.s32 $0x9C00;
	s16 =	spop (v2sf);
	(v2sf) =	vpush v8, $0x9;
	s15 =	sadd.s32 s2, s15  }
0xa3: {  	[tilespmem:s17], [sflag:$0x2] =	stream.linear.gather [hbm4b:s15+s4], $0x400, $0x38;
	[tilespmem:$0x12400] =	vst v63  }
0xa4: {  	s15 =	sand.u32 $0xFFFFF80, s18  }
0xa5: {  	s20 =	simm.s32 $0x2000;
	s15 =	sadd.s32 s1, s15  }
0xa6: {  	[tilespmem:s20], [sflag:$0x1] =	stream.linear.gather [hbm4b:s15+s4], $0x400, $0x38;
	[tilespmem:$0x12400] =	vst v63  }
0xa7: {  	s18 =	spop (v2sf);
	(v2sf) =	vpush v9, $0xA  }
0xa8: {  	s15 =	sand.u32 $0xFFFFF80, s16;
	s16 =	spop (v2sf);
	(v2sf) =	vpush v8, $0xA;
	_ =	sdelay $0x2  }
0xa9: {  	s17 =	simm.s32 $0xA000;
	s15 =	sadd.s32 s2, s15  }
0xaa: {  	[tilespmem:s17], [sflag:$0x2] =	stream.linear.gather [hbm4b:s15+s4], $0x400, $0x38;
	[tilespmem:$0x12400] =	vst v63  }
0xab: {  	s15 =	sand.u32 $0xFFFFF80, s18  }
0xac: {  	s20 =	simm.s32 $0x2400;
	s15 =	sadd.s32 s1, s15;
	s18 =	spop (v2sf);
	(v2sf) =	vpush v9, $0xB  }
0xad: {  	[tilespmem:s20], [sflag:$0x1] =	stream.linear.gather [hbm4b:s15+s4], $0x400, $0x38;
	[tilespmem:$0x12400] =	vst v63  }
0xae: {  	s15 =	sand.u32 $0xFFFFF80, s16  }
0xaf: {  	s17 =	simm.s32 $0xA400;
	s16 =	spop (v2sf);
	(v2sf) =	vpush v8, $0xB;
	s15 =	sadd.s32 s2, s15  }
0xb0: {  	[tilespmem:s17], [sflag:$0x2] =	stream.linear.gather [hbm4b:s15+s4], $0x400, $0x38;
	[tilespmem:$0x12400] =	vst v63  }
0xb1: {  	s15 =	sand.u32 $0xFFFFF80, s18  }
0xb2: {  	s20 =	simm.s32 $0x2800;
	s15 =	sadd.s32 s1, s15  }
0xb3: {  	[tilespmem:s20], [sflag:$0x1] =	stream.linear.gather [hbm4b:s15+s4], $0x400, $0x38;
	[tilespmem:$0x12400] =	vst v63  }
0xb4: {  	s15 =	sand.u32 $0xFFFFF80, s16;
	s18 =	spop (v2sf);
	(v2sf) =	vpush v9, $0xC  }
0xb5: {  	s17 =	simm.s32 $0xA800;
	s15 =	sadd.s32 s2, s15;
	s16 =	spop (v2sf);
	(v2sf) =	vpush v8, $0xC  }
0xb6: {  	[tilespmem:s17], [sflag:$0x2] =	stream.linear.gather [hbm4b:s15+s4], $0x400, $0x38;
	[tilespmem:$0x12400] =	vst v63  }
0xb7: {  	s15 =	sand.u32 $0xFFFFF80, s18  }
0xb8: {  	s20 =	simm.s32 $0x2C00;
	s15 =	sadd.s32 s1, s15  }
0xb9: {  	(v2sf) =	vpush v9, $0xD;
	[tilespmem:s20], [sflag:$0x1] =	stream.linear.gather [hbm4b:s15+s4], $0x400, $0x38;
	[tilespmem:$0x12400] =	vst v63  }
0xba: {  	s15 =	sand.u32 $0xFFFFF80, s16  }
0xbb: {  	s17 =	simm.s32 $0xAC00;
	s18 =	spop (v2sf);
	s15 =	sadd.s32 s2, s15  }
0xbc: {  	(v2sf) =	vpush v8, $0xD;
	[tilespmem:s17], [sflag:$0x2] =	stream.linear.gather [hbm4b:s15+s4], $0x400, $0x38;
	[tilespmem:$0x12400] =	vst v63  }
0xbd: {  	s15 =	sand.u32 $0xFFFFF80, s18  }
0xbe: {  	s20 =	simm.s32 $0x3000;
	s16 =	spop (v2sf);
	(v2sf) =	vpush v9, $0xE;
	s15 =	sadd.s32 s1, s15  }
0xbf: {  	[tilespmem:s20], [sflag:$0x1] =	stream.linear.gather [hbm4b:s15+s4], $0x400, $0x38;
	[tilespmem:$0x12400] =	vst v63  }
0xc0: {  	s15 =	sand.u32 $0xFFFFF80, s16  }
0xc1: {  	s17 =	simm.s32 $0xB000;
	s15 =	sadd.s32 s2, s15  }
0xc2: {  	[tilespmem:s17], [sflag:$0x2] =	stream.linear.gather [hbm4b:s15+s4], $0x400, $0x38;
	[tilespmem:$0x12400] =	vst v63  }
0xc3: {  	s18 =	spop (v2sf);
	(v2sf) =	vpush v8, $0xE  }
0xc4: {  	s15 =	sand.u32 $0xFFFFF80, s18;
	s16 =	spop (v2sf);
	(v2sf) =	vpush v9, $0xF  }
0xc5: {  	s20 =	simm.s32 $0x3400;
	s15 =	sadd.s32 s1, s15  }
0xc6: {  	[tilespmem:s20], [sflag:$0x1] =	stream.linear.gather [hbm4b:s15+s4], $0x400, $0x38;
	[tilespmem:$0x12400] =	vst v63  }
0xc7: {  	s15 =	sand.u32 $0xFFFFF80, s16  }
0xc8: {  	s17 =	simm.s32 $0xB400;
	s18 =	spop (v2sf);
	s15 =	sadd.s32 s2, s15  }
0xc9: {  	(v2sf) =	vpush v8, $0xF;
	[tilespmem:s17], [sflag:$0x2] =	stream.linear.gather [hbm4b:s15+s4], $0x400, $0x38;
	[tilespmem:$0x12400] =	vst v63  }
0xca: {  	s15 =	sand.u32 $0xFFFFF80, s18  }
0xcb: {  	s20 =	spop (v2sf);
	s17 =	simm.s32 $0x3800;
	s15 =	sadd.s32 s1, s15  }
0xcc: {  	[tilespmem:s17], [sflag:$0x1] =	stream.linear.gather [hbm4b:s15+s4], $0x400, $0x38;
	[tilespmem:$0x12400] =	vst v63  }
0xcd: {  	s18 =	spop (v2sf);
	s17 =	sand.u32 $0xFFFFF80, s20  }
0xce: {  	s20 =	simm.s32 $0xB800;
	s15 =	sadd.s32 s2, s17;
	s17 =	sand.u32 $0xFFFFF80, s18  }
0xcf: {  	[tilespmem:s20], [sflag:$0x2] =	stream.linear.gather [hbm4b:s15+s4], $0x400, $0x38;
	[tilespmem:$0x12400] =	vst v63  }
0xd0: {  	s15 =	sadd.s32 s1, s17;
	s20 =	simm.s32 $0x3C00  }
0xd1: {  	[tilespmem:s20], [sflag:$0x1] =	stream.linear.gather [hbm4b:s15+s4], $0x400, $0x38;
	[tilespmem:$0x12400] =	vst v63  }
0xd2: {  	s18 =	spop (v2sf)  }
0xd3: {  	s17 =	sand.u32 $0xFFFFF80, s18;
	s18 =	spop (v2sf)  }
0xd4: {  	s20 =	simm.s32 $0xBC00;
	s15 =	sadd.s32 s2, s17;
	s16 =	sand.u32 $0xFFFFF80, s18  }
0xd5: {  	[tilespmem:s20], [sflag:$0x2] =	stream.linear.gather [hbm4b:s15+s4], $0x400, $0x38;
	[tilespmem:$0x12400] =	vst v63  }
0xd6: {  	s17 =	simm.s32 $0x4000;
	s15 =	sadd.s32 s1, s16  }
0xd7: {  	[tilespmem:s17], [sflag:$0x1] =	stream.linear.gather [hbm4b:s15+s4], $0x400, $0x38;
	[tilespmem:$0x12400] =	vst v63  }
.Ltmp2:
0xd8: {  	s18 =	spop (v2sf);
	(pc) =	sbr.rel .LBB2_2-.Ltmp2, $4  }
0xd9: {  	s15 =	sand.u32 $0xFFFFF80, s18  }
0xda: {  	s20 =	simm.s32 $0xC000;
	s15 =	sadd.s32 s2, s15  }
0xdb: {  	[tilespmem:s20], [sflag:$0x2] =	stream.linear.gather [hbm4b:s15+s4], $0x400, $0x38;
	[tilespmem:$0x12400] =	vst v63  }
0xdc: {  	s16 =	simm.s32 $0x0;
	s15 =	simm.s32 $0x0  }
.LBB2_4:
0xdd: {  	_ =	swait.ge [sflag:s13], $0x400  }
0xde: {  	[sflag:s13] =	ssyncset.done $0x0  }
0xdf: {  	[sflag:s13] =	ssyncadd.s32 $0xFFFFFC00  }
0xe0: {  	_ =	swait.ge [sflag:s14], $0x400  }
0xe1: {  	[sflag:s14] =	ssyncset.done $0x0  }
0xe2: {  	[sflag:s14] =	ssyncadd.s32 $0xFFFFFC00  }
0xe3: {  	_ =	swait.ge [sflag:s13], $0x400  }
0xe4: {  	[sflag:s13] =	ssyncset.done $0x0  }
0xe5: {  	[sflag:s13] =	ssyncadd.s32 $0xFFFFFC00  }
0xe6: {  	_ =	swait.ge [sflag:s14], $0x400  }
0xe7: {  	[sflag:s14] =	ssyncset.done $0x0  }
0xe8: {  	[sflag:s14] =	ssyncadd.s32 $0xFFFFFC00  }
0xe9: {  	_ =	swait.ge [sflag:s13], $0x400  }
0xea: {  	[sflag:s13] =	ssyncset.done $0x0  }
0xeb: {  	[sflag:s13] =	ssyncadd.s32 $0xFFFFFC00  }
0xec: {  	_ =	swait.ge [sflag:s14], $0x400  }
0xed: {  	[sflag:s14] =	ssyncset.done $0x0  }
0xee: {  	[sflag:s14] =	ssyncadd.s32 $0xFFFFFC00  }
0xef: {  	_ =	swait.ge [sflag:s13], $0x400  }
0xf0: {  	[sflag:s13] =	ssyncset.done $0x0  }
0xf1: {  	[sflag:s13] =	ssyncadd.s32 $0xFFFFFC00  }
0xf2: {  	_ =	swait.ge [sflag:s14], $0x400  }
0xf3: {  	[sflag:s14] =	ssyncset.done $0x0  }
0xf4: {  	[sflag:s14] =	ssyncadd.s32 $0xFFFFFC00  }
0xf5: {  	_ =	swait.ge [sflag:s13], $0x400  }
0xf6: {  	[sflag:s13] =	ssyncset.done $0x0  }
0xf7: {  	[sflag:s13] =	ssyncadd.s32 $0xFFFFFC00  }
0xf8: {  	_ =	swait.ge [sflag:s14], $0x400  }
0xf9: {  	[sflag:s14] =	ssyncset.done $0x0  }
0xfa: {  	[sflag:s14] =	ssyncadd.s32 $0xFFFFFC00  }
0xfb: {  	_ =	swait.ge [sflag:s13], $0x400  }
0xfc: {  	[sflag:s13] =	ssyncset.done $0x0  }
0xfd: {  	[sflag:s13] =	ssyncadd.s32 $0xFFFFFC00  }
0xfe: {  	_ =	swait.ge [sflag:s14], $0x400  }
0xff: {  	[sflag:s14] =	ssyncset.done $0x0  }
0x100: {  	[sflag:s14] =	ssyncadd.s32 $0xFFFFFC00  }
0x101: {  	_ =	swait.ge [sflag:s13], $0x400  }
0x102: {  	[sflag:s13] =	ssyncset.done $0x0  }
0x103: {  	[sflag:s13] =	ssyncadd.s32 $0xFFFFFC00  }
0x104: {  	_ =	swait.ge [sflag:s14], $0x400  }
0x105: {  	[sflag:s14] =	ssyncset.done $0x0  }
0x106: {  	[sflag:s14] =	ssyncadd.s32 $0xFFFFFC00  }
0x107: {  	_ =	swait.ge [sflag:s13], $0x400  }
0x108: {  	[sflag:s13] =	ssyncset.done $0x0  }
0x109: {  	[sflag:s13] =	ssyncadd.s32 $0xFFFFFC00  }
0x10a: {  	_ =	swait.ge [sflag:s14], $0x400  }
0x10b: {  	[sflag:s14] =	ssyncset.done $0x0  }
0x10c: {  	[sflag:s14] =	ssyncadd.s32 $0xFFFFFC00  }
0x10d: {  	_ =	swait.ge [sflag:s13], $0x400  }
0x10e: {  	[sflag:s13] =	ssyncset.done $0x0  }
0x10f: {  	[sflag:s13] =	ssyncadd.s32 $0xFFFFFC00  }
0x110: {  	_ =	swait.ge [sflag:s14], $0x400  }
0x111: {  	[sflag:s14] =	ssyncset.done $0x0  }
0x112: {  	[sflag:s14] =	ssyncadd.s32 $0xFFFFFC00  }
0x113: {  	_ =	swait.ge [sflag:s13], $0x400  }
0x114: {  	[sflag:s13] =	ssyncset.done $0x0  }
0x115: {  	[sflag:s13] =	ssyncadd.s32 $0xFFFFFC00  }
0x116: {  	_ =	swait.ge [sflag:s14], $0x400  }
0x117: {  	[sflag:s14] =	ssyncset.done $0x0  }
0x118: {  	[sflag:s14] =	ssyncadd.s32 $0xFFFFFC00  }
0x119: {  	_ =	swait.ge [sflag:s13], $0x400  }
0x11a: {  	[sflag:s13] =	ssyncset.done $0x0  }
0x11b: {  	[sflag:s13] =	ssyncadd.s32 $0xFFFFFC00  }
0x11c: {  	_ =	swait.ge [sflag:s14], $0x400  }
0x11d: {  	[sflag:s14] =	ssyncset.done $0x0  }
0x11e: {  	[sflag:s14] =	ssyncadd.s32 $0xFFFFFC00  }
0x11f: {  	_ =	swait.ge [sflag:s13], $0x400  }
0x120: {  	[sflag:s13] =	ssyncset.done $0x0  }
0x121: {  	[sflag:s13] =	ssyncadd.s32 $0xFFFFFC00  }
0x122: {  	_ =	swait.ge [sflag:s14], $0x400  }
0x123: {  	[sflag:s14] =	ssyncset.done $0x0  }
0x124: {  	[sflag:s14] =	ssyncadd.s32 $0xFFFFFC00  }
0x125: {  	_ =	swait.ge [sflag:s13], $0x400  }
0x126: {  	[sflag:s13] =	ssyncset.done $0x0  }
0x127: {  	[sflag:s13] =	ssyncadd.s32 $0xFFFFFC00  }
0x128: {  	_ =	swait.ge [sflag:s14], $0x400  }
0x129: {  	[sflag:s14] =	ssyncset.done $0x0  }
0x12a: {  	[sflag:s14] =	ssyncadd.s32 $0xFFFFFC00  }
0x12b: {  	_ =	swait.ge [sflag:s13], $0x400  }
0x12c: {  	[sflag:s13] =	ssyncset.done $0x0  }
0x12d: {  	[sflag:s13] =	ssyncadd.s32 $0xFFFFFC00  }
0x12e: {  	_ =	swait.ge [sflag:s14], $0x400  }
0x12f: {  	[sflag:s14] =	ssyncset.done $0x0  }
0x130: {  	[sflag:s14] =	ssyncadd.s32 $0xFFFFFC00  }
0x131: {  	_ =	swait.ge [sflag:s13], $0x400  }
0x132: {  	[sflag:s13] =	ssyncset.done $0x0  }
0x133: {  	[sflag:s13] =	ssyncadd.s32 $0xFFFFFC00  }
0x134: {  	_ =	swait.ge [sflag:s14], $0x400  }
0x135: {  	[sflag:s14] =	ssyncset.done $0x0  }
0x136: {  	[sflag:s14] =	ssyncadd.s32 $0xFFFFFC00  }
0x137: {  	_ =	swait.ge [sflag:s13], $0x400  }
0x138: {  	[sflag:s13] =	ssyncset.done $0x0  }
0x139: {  	[sflag:s13] =	ssyncadd.s32 $0xFFFFFC00  }
0x13a: {  	_ =	swait.ge [sflag:s14], $0x400  }
0x13b: {  	[sflag:s14] =	ssyncset.done $0x0  }
0x13c: {  	[sflag:s14] =	ssyncadd.s32 $0xFFFFFC00  }
0x13d: {  	v8 =	vld [tilespmem:s17+$0x10]  }
0x13e: {  	v9 =	vld [tilespmem:s17+$0x210];
	_ =	sdelay $0x3  }
0x13f: {  	v8 =	vand.u32 $0x7F, v8  }
0x140: {  	v9 =	vand.u32 $0x7F, v9;
	v10 =	vor.u32 v0, v8  }
0x141: {  	v11 =	vor.u32 v0, v9;
	_ =	sdelay $0x3  }
0x142: {  	v10 =	vld.idx.msk [tilespmem:v10+s25+$0x0], $0xffff  }
0x143: {  	v11 =	vld.idx.msk [tilespmem:v11+s5+$0x0], $0xffff  }
0x144: {  	v12 =	vor.u32 v1, v8  }
0x145: {  	v13 =	vor.u32 v1, v9;
	_ =	sdelay $0x1  }
0x146: {  	[tilespmem:s17+$0x10410] =	vst v10  }
0x147: {  	[tilespmem:s17+$0x11410] =	vst v11  }
0x148: {  	v10 =	vld.idx.msk [tilespmem:v12+s25+$0x0], $0xffff  }
0x149: {  	v11 =	vld.idx.msk [tilespmem:v13+s5+$0x0], $0xffff  }
0x14a: {  	v54 =	vor.u32 v2, v8  }
0x14b: {  	v55 =	vor.u32 v2, v9;
	_ =	sdelay $0x1  }
0x14c: {  	[tilespmem:s17+$0x10610] =	vst v10  }
0x14d: {  	[tilespmem:s17+$0x11610] =	vst v11  }
0x14e: {  	v10 =	vld.idx.msk [tilespmem:v54+s25+$0x0], $0xffff  }
0x14f: {  	v11 =	vld.idx.msk [tilespmem:v55+s5+$0x0], $0xffff  }
0x150: {  	v56 =	vor.u32 v3, v8  }
0x151: {  	v57 =	vor.u32 v3, v9;
	_ =	sdelay $0x1  }
0x152: {  	[tilespmem:s17+$0x10810] =	vst v10  }
0x153: {  	[tilespmem:s17+$0x11810] =	vst v11  }
0x154: {  	v10 =	vld.idx.msk [tilespmem:v56+s25+$0x0], $0xffff  }
0x155: {  	v11 =	vld.idx.msk [tilespmem:v57+s5+$0x0], $0xffff  }
0x156: {  	v58 =	vor.u32 v4, v8  }
0x157: {  	v59 =	vor.u32 v4, v9;
	_ =	sdelay $0x1  }
0x158: {  	[tilespmem:s17+$0x10A10] =	vst v10  }
0x159: {  	[tilespmem:s17+$0x11A10] =	vst v11  }
0x15a: {  	v10 =	vld.idx.msk [tilespmem:v58+s25+$0x0], $0xffff  }
0x15b: {  	v11 =	vld.idx.msk [tilespmem:v59+s5+$0x0], $0xffff  }
0x15c: {  	v60 =	vor.u32 v5, v8  }
0x15d: {  	v61 =	vor.u32 v5, v9;
	_ =	sdelay $0x1  }
0x15e: {  	[tilespmem:s17+$0x10C10] =	vst v10  }
0x15f: {  	[tilespmem:s17+$0x11C10] =	vst v11  }
0x160: {  	v10 =	vld.idx.msk [tilespmem:v60+s25+$0x0], $0xffff  }
0x161: {  	v11 =	vld.idx.msk [tilespmem:v61+s5+$0x0], $0xffff  }
0x162: {  	v62 =	vor.u32 v6, v8  }
0x163: {  	v63 =	vor.u32 v6, v9;
	_ =	sdelay $0x1  }
0x164: {  	[tilespmem:s17+$0x10E10] =	vst v10  }
0x165: {  	[tilespmem:s17+$0x11E10] =	vst v11  }
0x166: {  	v10 =	vld.idx.msk [tilespmem:v62+s25+$0x0], $0xffff  }
0x167: {  	v11 =	vld.idx.msk [tilespmem:v63+s5+$0x0], $0xffff  }
0x168: {  	v8 =	vor.u32 v7, v8  }
0x169: {  	v9 =	vor.u32 v7, v9;
	_ =	sdelay $0x1  }
0x16a: {  	[tilespmem:s17+$0x11010] =	vst v10  }
0x16b: {  	[tilespmem:s17+$0x12010] =	vst v11  }
0x16c: {  	s16 =	sadd.s32 $0x80, s16;
	v8 =	vld.idx.msk [tilespmem:v8+s25+$0x0], $0xffff  }
0x16d: {  	p0 =	sne.s32 s16, $0x800;
	v9 =	vld.idx.msk [tilespmem:v9+s5+$0x0], $0xffff  }
.Ltmp3:
0x16e: {  	_ = 	snop;
	(pc) =	sbr.rel @!p0 .LBB2_5-.Ltmp3, $3  }
0x16f: {  	_ =	sdelay $0x1  }
0x170: {  	[tilespmem:s17+$0x11210] =	vst v8  }
0x171: {  	s15 =	sadd.s32 $0x20, s15;
	[tilespmem:s17+$0x12210] =	vst v9  }
.LBB2_2:
0x172: {  	s17 =	sshra.s32 s16, $0x2  }
0x173: {  	v9 =	vld [tilespmem:s17+$0x10];
	_ =	sdelay $0x3  }
0x174: {  	v8 =	vld [tilespmem:s17+$0x210]  }
0x175: {  	(v2sf) =	vpush v9, $0x0;
	_ =	sdelay $0x3  }
0x176: {  	(v2sf) =	vpush v8, $0x0;
	_ =	sdelay $0x2  }
0x177: {  	(v2sf) =	vpush v9, $0x1;
	_ =	sdelay $0x2  }
0x178: {  	(v2sf) =	vpush v8, $0x1;
	_ =	sdelay $0x4  }
0x179: {  	s18 =	spop (v2sf);
	(v2sf) =	vpush v9, $0x2;
	_ =	sdelay $0x2  }
0x17a: {  	s18 =	sand.u32 $0xFFFFF80, s18  }
0x17b: {  	s20 =	spop (v2sf);
	(v2sf) =	vpush v8, $0x2;
	s18 =	sadd.s32 s1, s18  }
0x17c: {  	[tilespmem:s25], [sflag:$0x1] =	stream.linear.gather [hbm4b:s18+s4], $0x400, $0x38;
	[tilespmem:$0x12400] =	vst v63  }
0x17d: {  	s18 =	sand.u32 $0xFFFFF80, s20  }
0x17e: {  	s20 =	spop (v2sf);
	s18 =	sadd.s32 s2, s18  }
0x17f: {  	(v2sf) =	vpush v9, $0x3;
	[tilespmem:s5], [sflag:$0x2] =	stream.linear.gather [hbm4b:s18+s4], $0x400, $0x38;
	[tilespmem:$0x12400] =	vst v63  }
0x180: {  	s18 =	sand.u32 $0xFFFFF80, s20  }
0x181: {  	s20 =	spop (v2sf);
	s18 =	sadd.s32 s1, s18  }
0x182: {  	[tilespmem:s19], [sflag:$0x1] =	stream.linear.gather [hbm4b:s18+s4], $0x400, $0x38;
	[tilespmem:$0x12400] =	vst v63  }
0x183: {  	(v2sf) =	vpush v8, $0x3;
	s18 =	sand.u32 $0xFFFFF80, s20  }
0x184: {  	s20 =	simm.s32 $0xC800;
	s18 =	sadd.s32 s2, s18  }
0x185: {  	[tilespmem:s20], [sflag:$0x2] =	stream.linear.gather [hbm4b:s18+s4], $0x400, $0x38;
	[tilespmem:$0x12400] =	vst v63  }
0x186: {  	s20 =	spop (v2sf)  }
0x187: {  	(v2sf) =	vpush v9, $0x4;
	s18 =	sand.u32 $0xFFFFF80, s20  }
0x188: {  	s20 =	simm.s32 $0x4C00;
	s18 =	sadd.s32 s1, s18  }
0x189: {  	[tilespmem:s20], [sflag:$0x1] =	stream.linear.gather [hbm4b:s18+s4], $0x400, $0x38;
	[tilespmem:$0x12400] =	vst v63  }
0x18a: {  	s20 =	spop (v2sf)  }
0x18b: {  	(v2sf) =	vpush v8, $0x4;
	s18 =	sand.u32 $0xFFFFF80, s20  }
0x18c: {  	s20 =	simm.s32 $0xCC00;
	s18 =	sadd.s32 s2, s18  }
0x18d: {  	[tilespmem:s20], [sflag:$0x2] =	stream.linear.gather [hbm4b:s18+s4], $0x400, $0x38;
	[tilespmem:$0x12400] =	vst v63  }
0x18e: {  	s20 =	spop (v2sf)  }
0x18f: {  	(v2sf) =	vpush v9, $0x5;
	s18 =	sand.u32 $0xFFFFF80, s20  }
0x190: {  	s20 =	simm.s32 $0x5000;
	s18 =	sadd.s32 s1, s18  }
0x191: {  	[tilespmem:s20], [sflag:$0x1] =	stream.linear.gather [hbm4b:s18+s4], $0x400, $0x38;
	[tilespmem:$0x12400] =	vst v63  }
0x192: {  	s20 =	spop (v2sf)  }
0x193: {  	(v2sf) =	vpush v8, $0x5;
	s18 =	sand.u32 $0xFFFFF80, s20  }
0x194: {  	s20 =	simm.s32 $0xD000;
	s18 =	sadd.s32 s2, s18  }
0x195: {  	[tilespmem:s20], [sflag:$0x2] =	stream.linear.gather [hbm4b:s18+s4], $0x400, $0x38;
	[tilespmem:$0x12400] =	vst v63  }
0x196: {  	s20 =	spop (v2sf)  }
0x197: {  	(v2sf) =	vpush v9, $0x6;
	s18 =	sand.u32 $0xFFFFF80, s20  }
0x198: {  	s20 =	simm.s32 $0x5400;
	s18 =	sadd.s32 s1, s18  }
0x199: {  	[tilespmem:s20], [sflag:$0x1] =	stream.linear.gather [hbm4b:s18+s4], $0x400, $0x38;
	[tilespmem:$0x12400] =	vst v63  }
0x19a: {  	s20 =	spop (v2sf)  }
0x19b: {  	(v2sf) =	vpush v8, $0x6;
	s18 =	sand.u32 $0xFFFFF80, s20  }
0x19c: {  	s20 =	simm.s32 $0xD400;
	s18 =	sadd.s32 s2, s18  }
0x19d: {  	[tilespmem:s20], [sflag:$0x2] =	stream.linear.gather [hbm4b:s18+s4], $0x400, $0x38;
	[tilespmem:$0x12400] =	vst v63  }
0x19e: {  	s20 =	spop (v2sf)  }
0x19f: {  	(v2sf) =	vpush v9, $0x7;
	s18 =	sand.u32 $0xFFFFF80, s20  }
0x1a0: {  	s20 =	simm.s32 $0x5800;
	s18 =	sadd.s32 s1, s18  }
0x1a1: {  	[tilespmem:s20], [sflag:$0x1] =	stream.linear.gather [hbm4b:s18+s4], $0x400, $0x38;
	[tilespmem:$0x12400] =	vst v63  }
0x1a2: {  	s20 =	spop (v2sf)  }
0x1a3: {  	(v2sf) =	vpush v8, $0x7;
	s18 =	sand.u32 $0xFFFFF80, s20  }
0x1a4: {  	s20 =	simm.s32 $0xD800;
	s18 =	sadd.s32 s2, s18  }
0x1a5: {  	[tilespmem:s20], [sflag:$0x2] =	stream.linear.gather [hbm4b:s18+s4], $0x400, $0x38;
	[tilespmem:$0x12400] =	vst v63  }
0x1a6: {  	s20 =	spop (v2sf)  }
0x1a7: {  	(v2sf) =	vpush v9, $0x8;
	s18 =	sand.u32 $0xFFFFF80, s20  }
0x1a8: {  	s20 =	simm.s32 $0x5C00;
	s18 =	sadd.s32 s1, s18  }
0x1a9: {  	[tilespmem:s20], [sflag:$0x1] =	stream.linear.gather [hbm4b:s18+s4], $0x400, $0x38;
	[tilespmem:$0x12400] =	vst v63  }
0x1aa: {  	s20 =	spop (v2sf)  }
0x1ab: {  	(v2sf) =	vpush v8, $0x8;
	s18 =	sand.u32 $0xFFFFF80, s20  }
0x1ac: {  	s20 =	simm.s32 $0xDC00;
	s18 =	sadd.s32 s2, s18  }
0x1ad: {  	[tilespmem:s20], [sflag:$0x2] =	stream.linear.gather [hbm4b:s18+s4], $0x400, $0x38;
	[tilespmem:$0x12400] =	vst v63  }
0x1ae: {  	s20 =	spop (v2sf)  }
0x1af: {  	(v2sf) =	vpush v9, $0x9;
	s18 =	sand.u32 $0xFFFFF80, s20  }
0x1b0: {  	s20 =	simm.s32 $0x6000;
	s18 =	sadd.s32 s1, s18  }
0x1b1: {  	[tilespmem:s20], [sflag:$0x1] =	stream.linear.gather [hbm4b:s18+s4], $0x400, $0x38;
	[tilespmem:$0x12400] =	vst v63  }
0x1b2: {  	s20 =	spop (v2sf)  }
0x1b3: {  	(v2sf) =	vpush v8, $0x9;
	s18 =	sand.u32 $0xFFFFF80, s20  }
0x1b4: {  	s20 =	simm.s32 $0xE000;
	s18 =	sadd.s32 s2, s18  }
0x1b5: {  	[tilespmem:s20], [sflag:$0x2] =	stream.linear.gather [hbm4b:s18+s4], $0x400, $0x38;
	[tilespmem:$0x12400] =	vst v63  }
0x1b6: {  	s20 =	spop (v2sf)  }
0x1b7: {  	(v2sf) =	vpush v9, $0xA;
	s18 =	sand.u32 $0xFFFFF80, s20  }
0x1b8: {  	s20 =	simm.s32 $0x6400;
	s18 =	sadd.s32 s1, s18  }
0x1b9: {  	[tilespmem:s20], [sflag:$0x1] =	stream.linear.gather [hbm4b:s18+s4], $0x400, $0x38;
	[tilespmem:$0x12400] =	vst v63  }
0x1ba: {  	s20 =	spop (v2sf)  }
0x1bb: {  	(v2sf) =	vpush v8, $0xA;
	s18 =	sand.u32 $0xFFFFF80, s20  }
0x1bc: {  	s18 =	sadd.s32 s2, s18  }
0x1bd: {  	[tilespmem:s21], [sflag:$0x2] =	stream.linear.gather [hbm4b:s18+s4], $0x400, $0x38;
	[tilespmem:$0x12400] =	vst v63  }
0x1be: {  	s20 =	spop (v2sf)  }
0x1bf: {  	(v2sf) =	vpush v9, $0xB;
	s18 =	sand.u32 $0xFFFFF80, s20  }
0x1c0: {  	s18 =	sadd.s32 s1, s18  }
0x1c1: {  	[tilespmem:s22], [sflag:$0x1] =	stream.linear.gather [hbm4b:s18+s4], $0x400, $0x38;
	[tilespmem:$0x12400] =	vst v63  }
0x1c2: {  	s20 =	spop (v2sf)  }
0x1c3: {  	(v2sf) =	vpush v8, $0xB;
	s18 =	sand.u32 $0xFFFFF80, s20  }
0x1c4: {  	s18 =	sadd.s32 s2, s18  }
0x1c5: {  	[tilespmem:s23], [sflag:$0x2] =	stream.linear.gather [hbm4b:s18+s4], $0x400, $0x38;
	[tilespmem:$0x12400] =	vst v63  }
0x1c6: {  	s20 =	spop (v2sf)  }
0x1c7: {  	(v2sf) =	vpush v9, $0xC;
	s18 =	sand.u32 $0xFFFFF80, s20  }
0x1c8: {  	s18 =	sadd.s32 s1, s18  }
0x1c9: {  	[tilespmem:s29], [sflag:$0x1] =	stream.linear.gather [hbm4b:s18+s4], $0x400, $0x38;
	[tilespmem:$0x12400] =	vst v63  }
0x1ca: {  	s20 =	spop (v2sf)  }
0x1cb: {  	(v2sf) =	vpush v8, $0xC;
	s18 =	sand.u32 $0xFFFFF80, s20  }
0x1cc: {  	s18 =	sadd.s32 s2, s18  }
0x1cd: {  	[tilespmem:s30], [sflag:$0x2] =	stream.linear.gather [hbm4b:s18+s4], $0x400, $0x38;
	[tilespmem:$0x12400] =	vst v63  }
0x1ce: {  	s20 =	spop (v2sf)  }
0x1cf: {  	(v2sf) =	vpush v9, $0xD;
	s18 =	sand.u32 $0xFFFFF80, s20  }
0x1d0: {  	s18 =	sadd.s32 s1, s18  }
0x1d1: {  	[tilespmem:s31], [sflag:$0x1] =	stream.linear.gather [hbm4b:s18+s4], $0x400, $0x38;
	[tilespmem:$0x12400] =	vst v63  }
0x1d2: {  	s20 =	spop (v2sf)  }
0x1d3: {  	(v2sf) =	vpush v8, $0xD;
	s18 =	sand.u32 $0xFFFFF80, s20  }
0x1d4: {  	s18 =	sadd.s32 s2, s18  }
0x1d5: {  	[tilespmem:s0], [sflag:$0x2] =	stream.linear.gather [hbm4b:s18+s4], $0x400, $0x38;
	[tilespmem:$0x12400] =	vst v63  }
0x1d6: {  	s20 =	spop (v2sf)  }
0x1d7: {  	(v2sf) =	vpush v9, $0xE;
	s18 =	sand.u32 $0xFFFFF80, s20  }
0x1d8: {  	s18 =	sadd.s32 s1, s18  }
0x1d9: {  	[tilespmem:s3], [sflag:$0x1] =	stream.linear.gather [hbm4b:s18+s4], $0x400, $0x38;
	[tilespmem:$0x12400] =	vst v63  }
0x1da: {  	s20 =	spop (v2sf)  }
0x1db: {  	(v2sf) =	vpush v8, $0xE;
	s18 =	sand.u32 $0xFFFFF80, s20  }
0x1dc: {  	s18 =	sadd.s32 s2, s18  }
0x1dd: {  	[tilespmem:s6], [sflag:$0x2] =	stream.linear.gather [hbm4b:s18+s4], $0x400, $0x38;
	[tilespmem:$0x12400] =	vst v63  }
0x1de: {  	s20 =	spop (v2sf)  }
0x1df: {  	(v2sf) =	vpush v9, $0xF;
	s18 =	sand.u32 $0xFFFFF80, s20  }
0x1e0: {  	s18 =	sadd.s32 s1, s18  }
0x1e1: {  	[tilespmem:s7], [sflag:$0x1] =	stream.linear.gather [hbm4b:s18+s4], $0x400, $0x38;
	[tilespmem:$0x12400] =	vst v63  }
0x1e2: {  	s20 =	spop (v2sf)  }
0x1e3: {  	(v2sf) =	vpush v8, $0xF;
	s18 =	sand.u32 $0xFFFFF80, s20  }
0x1e4: {  	s18 =	sadd.s32 s2, s18  }
0x1e5: {  	[tilespmem:s8], [sflag:$0x2] =	stream.linear.gather [hbm4b:s18+s4], $0x400, $0x38;
	[tilespmem:$0x12400] =	vst v63  }
0x1e6: {  	s20 =	spop (v2sf)  }
0x1e7: {  	s18 =	sand.u32 $0xFFFFF80, s20  }
0x1e8: {  	s18 =	sadd.s32 s1, s18  }
0x1e9: {  	[tilespmem:s9], [sflag:$0x1] =	stream.linear.gather [hbm4b:s18+s4], $0x400, $0x38;
	[tilespmem:$0x12400] =	vst v63  }
0x1ea: {  	s20 =	spop (v2sf)  }
0x1eb: {  	s18 =	sand.u32 $0xFFFFF80, s20  }
0x1ec: {  	s18 =	sadd.s32 s2, s18  }
0x1ed: {  	[tilespmem:s10], [sflag:$0x2] =	stream.linear.gather [hbm4b:s18+s4], $0x400, $0x38;
	[tilespmem:$0x12400] =	vst v63  }
0x1ee: {  	s20 =	spop (v2sf)  }
0x1ef: {  	s18 =	sand.u32 $0xFFFFF80, s20  }
0x1f0: {  	s18 =	sadd.s32 s1, s18  }
0x1f1: {  	[tilespmem:s11], [sflag:$0x1] =	stream.linear.gather [hbm4b:s18+s4], $0x400, $0x38;
	[tilespmem:$0x12400] =	vst v63  }
0x1f2: {  	s20 =	spop (v2sf)  }
0x1f3: {  	s18 =	sand.u32 $0xFFFFF80, s20  }
0x1f4: {  	s18 =	sadd.s32 s2, s18  }
0x1f5: {  	[tilespmem:s12], [sflag:$0x2] =	stream.linear.gather [hbm4b:s18+s4], $0x400, $0x38;
	[tilespmem:$0x12400] =	vst v63  }
0x1f6: {  	_ =	swait.ge [sflag:s13], $0x400  }
0x1f7: {  	[sflag:s13] =	ssyncset.done $0x0  }
0x1f8: {  	[sflag:s13] =	ssyncadd.s32 $0xFFFFFC00  }
0x1f9: {  	_ =	swait.ge [sflag:s14], $0x400  }
0x1fa: {  	[sflag:s14] =	ssyncset.done $0x0  }
0x1fb: {  	[sflag:s14] =	ssyncadd.s32 $0xFFFFFC00  }
0x1fc: {  	_ =	swait.ge [sflag:s13], $0x400  }
0x1fd: {  	[sflag:s13] =	ssyncset.done $0x0  }
0x1fe: {  	[sflag:s13] =	ssyncadd.s32 $0xFFFFFC00  }
0x1ff: {  	_ =	swait.ge [sflag:s14], $0x400  }
0x200: {  	[sflag:s14] =	ssyncset.done $0x0  }
0x201: {  	[sflag:s14] =	ssyncadd.s32 $0xFFFFFC00  }
0x202: {  	_ =	swait.ge [sflag:s13], $0x400  }
0x203: {  	[sflag:s13] =	ssyncset.done $0x0  }
0x204: {  	[sflag:s13] =	ssyncadd.s32 $0xFFFFFC00  }
0x205: {  	_ =	swait.ge [sflag:s14], $0x400  }
0x206: {  	[sflag:s14] =	ssyncset.done $0x0  }
0x207: {  	[sflag:s14] =	ssyncadd.s32 $0xFFFFFC00  }
0x208: {  	_ =	swait.ge [sflag:s13], $0x400  }
0x209: {  	[sflag:s13] =	ssyncset.done $0x0  }
0x20a: {  	[sflag:s13] =	ssyncadd.s32 $0xFFFFFC00  }
0x20b: {  	_ =	swait.ge [sflag:s14], $0x400  }
0x20c: {  	[sflag:s14] =	ssyncset.done $0x0  }
0x20d: {  	[sflag:s14] =	ssyncadd.s32 $0xFFFFFC00  }
0x20e: {  	_ =	swait.ge [sflag:s13], $0x400  }
0x20f: {  	[sflag:s13] =	ssyncset.done $0x0  }
0x210: {  	[sflag:s13] =	ssyncadd.s32 $0xFFFFFC00  }
0x211: {  	_ =	swait.ge [sflag:s14], $0x400  }
0x212: {  	[sflag:s14] =	ssyncset.done $0x0  }
0x213: {  	[sflag:s14] =	ssyncadd.s32 $0xFFFFFC00  }
0x214: {  	_ =	swait.ge [sflag:s13], $0x400  }
0x215: {  	[sflag:s13] =	ssyncset.done $0x0  }
0x216: {  	[sflag:s13] =	ssyncadd.s32 $0xFFFFFC00  }
0x217: {  	_ =	swait.ge [sflag:s14], $0x400  }
0x218: {  	[sflag:s14] =	ssyncset.done $0x0  }
0x219: {  	[sflag:s14] =	ssyncadd.s32 $0xFFFFFC00  }
0x21a: {  	_ =	swait.ge [sflag:s13], $0x400  }
0x21b: {  	[sflag:s13] =	ssyncset.done $0x0  }
0x21c: {  	[sflag:s13] =	ssyncadd.s32 $0xFFFFFC00  }
0x21d: {  	_ =	swait.ge [sflag:s14], $0x400  }
0x21e: {  	[sflag:s14] =	ssyncset.done $0x0  }
0x21f: {  	[sflag:s14] =	ssyncadd.s32 $0xFFFFFC00  }
0x220: {  	_ =	swait.ge [sflag:s13], $0x400  }
0x221: {  	[sflag:s13] =	ssyncset.done $0x0  }
0x222: {  	[sflag:s13] =	ssyncadd.s32 $0xFFFFFC00  }
0x223: {  	_ =	swait.ge [sflag:s14], $0x400  }
0x224: {  	[sflag:s14] =	ssyncset.done $0x0  }
0x225: {  	[sflag:s14] =	ssyncadd.s32 $0xFFFFFC00  }
0x226: {  	_ =	swait.ge [sflag:s13], $0x400  }
0x227: {  	[sflag:s13] =	ssyncset.done $0x0  }
0x228: {  	[sflag:s13] =	ssyncadd.s32 $0xFFFFFC00  }
0x229: {  	_ =	swait.ge [sflag:s14], $0x400  }
0x22a: {  	[sflag:s14] =	ssyncset.done $0x0  }
0x22b: {  	[sflag:s14] =	ssyncadd.s32 $0xFFFFFC00  }
0x22c: {  	_ =	swait.ge [sflag:s13], $0x400  }
0x22d: {  	[sflag:s13] =	ssyncset.done $0x0  }
0x22e: {  	[sflag:s13] =	ssyncadd.s32 $0xFFFFFC00  }
0x22f: {  	_ =	swait.ge [sflag:s14], $0x400  }
0x230: {  	[sflag:s14] =	ssyncset.done $0x0  }
0x231: {  	[sflag:s14] =	ssyncadd.s32 $0xFFFFFC00  }
0x232: {  	_ =	swait.ge [sflag:s13], $0x400  }
0x233: {  	[sflag:s13] =	ssyncset.done $0x0  }
0x234: {  	[sflag:s13] =	ssyncadd.s32 $0xFFFFFC00  }
0x235: {  	_ =	swait.ge [sflag:s14], $0x400  }
0x236: {  	[sflag:s14] =	ssyncset.done $0x0  }
0x237: {  	[sflag:s14] =	ssyncadd.s32 $0xFFFFFC00  }
0x238: {  	_ =	swait.ge [sflag:s13], $0x400  }
0x239: {  	[sflag:s13] =	ssyncset.done $0x0  }
0x23a: {  	[sflag:s13] =	ssyncadd.s32 $0xFFFFFC00  }
0x23b: {  	_ =	swait.ge [sflag:s14], $0x400  }
0x23c: {  	[sflag:s14] =	ssyncset.done $0x0  }
0x23d: {  	[sflag:s14] =	ssyncadd.s32 $0xFFFFFC00  }
0x23e: {  	_ =	swait.ge [sflag:s13], $0x400  }
0x23f: {  	[sflag:s13] =	ssyncset.done $0x0  }
0x240: {  	[sflag:s13] =	ssyncadd.s32 $0xFFFFFC00  }
0x241: {  	_ =	swait.ge [sflag:s14], $0x400  }
0x242: {  	[sflag:s14] =	ssyncset.done $0x0  }
0x243: {  	[sflag:s14] =	ssyncadd.s32 $0xFFFFFC00  }
0x244: {  	_ =	swait.ge [sflag:s13], $0x400  }
0x245: {  	[sflag:s13] =	ssyncset.done $0x0  }
0x246: {  	[sflag:s13] =	ssyncadd.s32 $0xFFFFFC00  }
0x247: {  	_ =	swait.ge [sflag:s14], $0x400  }
0x248: {  	[sflag:s14] =	ssyncset.done $0x0  }
0x249: {  	[sflag:s14] =	ssyncadd.s32 $0xFFFFFC00  }
0x24a: {  	_ =	swait.ge [sflag:s13], $0x400  }
0x24b: {  	[sflag:s13] =	ssyncset.done $0x0  }
0x24c: {  	[sflag:s13] =	ssyncadd.s32 $0xFFFFFC00  }
0x24d: {  	_ =	swait.ge [sflag:s14], $0x400  }
0x24e: {  	[sflag:s14] =	ssyncset.done $0x0  }
0x24f: {  	[sflag:s14] =	ssyncadd.s32 $0xFFFFFC00  }
0x250: {  	_ =	swait.ge [sflag:s13], $0x400  }
0x251: {  	[sflag:s13] =	ssyncset.done $0x0  }
0x252: {  	[sflag:s13] =	ssyncadd.s32 $0xFFFFFC00  }
0x253: {  	_ =	swait.ge [sflag:s14], $0x400  }
0x254: {  	[sflag:s14] =	ssyncset.done $0x0  }
0x255: {  	[sflag:s14] =	ssyncadd.s32 $0xFFFFFC00  }
0x256: {  	v8 =	vld [tilespmem:s17+$0x0]  }
0x257: {  	v53 =	vld [tilespmem:s17+$0x200];
	_ =	sdelay $0x3  }
0x258: {  	v8 =	vand.u32 $0x7F, v8  }
0x259: {  	v9 =	vand.u32 $0x7F, v53;
	v10 =	vor.u32 v0, v8  }
0x25a: {  	v11 =	vor.u32 v0, v9;
	_ =	sdelay $0x3  }
0x25b: {  	v10 =	vld.idx.msk [tilespmem:v10+s26+$0x0], $0xffff  }
0x25c: {  	v11 =	vld.idx.msk [tilespmem:v11+s28+$0x0], $0xffff  }
0x25d: {  	v12 =	vor.u32 v1, v8  }
0x25e: {  	v13 =	vor.u32 v1, v9;
	_ =	sdelay $0x1  }
0x25f: {  	s20 =	sand.u32 $0x1E0, s15;
	[tilespmem:s17+$0x10400] =	vst v10  }
0x260: {  	[tilespmem:s20+$0x11400] =	vst v11  }
0x261: {  	v10 =	vld.idx.msk [tilespmem:v12+s26+$0x0], $0xffff  }
0x262: {  	v11 =	vld.idx.msk [tilespmem:v13+s28+$0x0], $0xffff  }
0x263: {  	v54 =	vor.u32 v2, v8  }
0x264: {  	v55 =	vor.u32 v2, v9;
	_ =	sdelay $0x1  }
0x265: {  	[tilespmem:s20+$0x10600] =	vst v10  }
0x266: {  	[tilespmem:s20+$0x11600] =	vst v11  }
0x267: {  	v10 =	vld.idx.msk [tilespmem:v54+s26+$0x0], $0xffff  }
0x268: {  	v11 =	vld.idx.msk [tilespmem:v55+s28+$0x0], $0xffff  }
0x269: {  	v56 =	vor.u32 v3, v8  }
0x26a: {  	v57 =	vor.u32 v3, v9;
	_ =	sdelay $0x1  }
0x26b: {  	[tilespmem:s20+$0x10800] =	vst v10  }
0x26c: {  	[tilespmem:s20+$0x11800] =	vst v11  }
0x26d: {  	v10 =	vld.idx.msk [tilespmem:v56+s26+$0x0], $0xffff  }
0x26e: {  	v11 =	vld.idx.msk [tilespmem:v57+s28+$0x0], $0xffff  }
0x26f: {  	v58 =	vor.u32 v4, v8  }
0x270: {  	v59 =	vor.u32 v4, v9;
	_ =	sdelay $0x1  }
0x271: {  	[tilespmem:s20+$0x10A00] =	vst v10  }
0x272: {  	[tilespmem:s20+$0x11A00] =	vst v11  }
0x273: {  	v10 =	vld.idx.msk [tilespmem:v58+s26+$0x0], $0xffff  }
0x274: {  	v11 =	vld.idx.msk [tilespmem:v59+s28+$0x0], $0xffff  }
0x275: {  	v60 =	vor.u32 v5, v8  }
0x276: {  	v61 =	vor.u32 v5, v9;
	_ =	sdelay $0x1  }
0x277: {  	[tilespmem:s20+$0x10C00] =	vst v10  }
0x278: {  	[tilespmem:s20+$0x11C00] =	vst v11  }
0x279: {  	v10 =	vld.idx.msk [tilespmem:v60+s26+$0x0], $0xffff  }
0x27a: {  	v11 =	vld.idx.msk [tilespmem:v61+s28+$0x0], $0xffff  }
0x27b: {  	v62 =	vor.u32 v6, v8  }
0x27c: {  	v63 =	vor.u32 v6, v9;
	_ =	sdelay $0x1  }
0x27d: {  	[tilespmem:s20+$0x10E00] =	vst v10  }
0x27e: {  	[tilespmem:s20+$0x11E00] =	vst v11  }
0x27f: {  	v10 =	vld.idx.msk [tilespmem:v62+s26+$0x0], $0xffff  }
0x280: {  	v11 =	vld.idx.msk [tilespmem:v63+s28+$0x0], $0xffff  }
0x281: {  	v8 =	vor.u32 v7, v8  }
0x282: {  	v9 =	vor.u32 v7, v9;
	_ =	sdelay $0x1  }
0x283: {  	[tilespmem:s20+$0x11000] =	vst v10  }
0x284: {  	[tilespmem:s20+$0x12000] =	vst v11  }
0x285: {  	v8 =	vld.idx.msk [tilespmem:v8+s26+$0x0], $0xffff  }
0x286: {  	p0 =	seq.s32 s16, $0x780;
	v9 =	vld.idx.msk [tilespmem:v9+s28+$0x0], $0xffff  }
.Ltmp4:
0x287: {  	_ = 	snop;
	(pc) =	sbr.rel @p0 .LBB2_4-.Ltmp4, $3  }
0x288: {  	_ =	sdelay $0x1  }
0x289: {  	[tilespmem:s20+$0x11200] =	vst v8  }
0x28a: {  	[tilespmem:s20+$0x12200] =	vst v9  }
0x28b: {  	v9 =	vld [tilespmem:s17+$0x20];
	_ =	sdelay $0x1  }
0x28c: {  	v8 =	vld [tilespmem:s17+$0x220];
	_ =	sdelay $0x2  }
0x28d: {  	(v2sf) =	vpush v9, $0x0;
	_ =	sdelay $0x1  }
0x28e: {  	(v2sf) =	vpush v8, $0x0;
	_ =	sdelay $0x2  }
0x28f: {  	(v2sf) =	vpush v9, $0x1;
	_ =	sdelay $0x5  }
0x290: {  	(v2sf) =	vpush v8, $0x1;
	_ =	sdelay $0x3  }
0x291: {  	s18 =	spop (v2sf);
	(v2sf) =	vpush v9, $0x2;
	_ =	sdelay $0x1  }
0x292: {  	s18 =	sand.u32 $0xFFFFF80, s18;
	s19 =	spop (v2sf);
	(v2sf) =	vpush v8, $0x2  }
0x293: {  	s18 =	sadd.s32 s1, s18  }
0x294: {  	[tilespmem:s26], [sflag:$0x1] =	stream.linear.gather [hbm4b:s18+s4], $0x400, $0x38;
	[tilespmem:$0x12400] =	vst v63  }
0x295: {  	s20 =	spop (v2sf);
	(v2sf) =	vpush v9, $0x3;
	s18 =	sand.u32 $0xFFFFF80, s19  }
0x296: {  	s18 =	sadd.s32 s2, s18  }
0x297: {  	[tilespmem:s28], [sflag:$0x2] =	stream.linear.gather [hbm4b:s18+s4], $0x400, $0x38;
	[tilespmem:$0x12400] =	vst v63  }
0x298: {  	s18 =	sand.u32 $0xFFFFF80, s20  }
0x299: {  	s19 =	simm.s32 $0x800;
	s18 =	sadd.s32 s1, s18  }
0x29a: {  	[tilespmem:s19], [sflag:$0x1] =	stream.linear.gather [hbm4b:s18+s4], $0x400, $0x38;
	[tilespmem:$0x12400] =	vst v63  }
0x29b: {  	s19 =	spop (v2sf);
	(v2sf) =	vpush v8, $0x3;
	_ =	sdelay $0x2  }
0x29c: {  	s18 =	sand.u32 $0xFFFFF80, s19  }
0x29d: {  	s20 =	simm.s32 $0x8800;
	s18 =	sadd.s32 s2, s18;
	s19 =	spop (v2sf);
	(v2sf) =	vpush v9, $0x4  }
0x29e: {  	[tilespmem:s20], [sflag:$0x2] =	stream.linear.gather [hbm4b:s18+s4], $0x400, $0x38;
	[tilespmem:$0x12400] =	vst v63  }
0x29f: {  	s18 =	sand.u32 $0xFFFFF80, s19;
	s19 =	spop (v2sf);
	(v2sf) =	vpush v8, $0x4  }
0x2a0: {  	s20 =	simm.s32 $0xC00;
	s18 =	sadd.s32 s1, s18  }
0x2a1: {  	[tilespmem:s20], [sflag:$0x1] =	stream.linear.gather [hbm4b:s18+s4], $0x400, $0x38;
	[tilespmem:$0x12400] =	vst v63  }
0x2a2: {  	s18 =	sand.u32 $0xFFFFF80, s19;
	s19 =	spop (v2sf);
	(v2sf) =	vpush v9, $0x5;
	_ =	sdelay $0x3  }
0x2a3: {  	s20 =	simm.s32 $0x8C00;
	s18 =	sadd.s32 s2, s18  }
0x2a4: {  	[tilespmem:s20], [sflag:$0x2] =	stream.linear.gather [hbm4b:s18+s4], $0x400, $0x38;
	[tilespmem:$0x12400] =	vst v63  }
0x2a5: {  	s18 =	sand.u32 $0xFFFFF80, s19;
	s19 =	spop (v2sf);
	(v2sf) =	vpush v8, $0x5  }
0x2a6: {  	s20 =	simm.s32 $0x1000;
	s18 =	sadd.s32 s1, s18  }
0x2a7: {  	[tilespmem:s20], [sflag:$0x1] =	stream.linear.gather [hbm4b:s18+s4], $0x400, $0x38;
	[tilespmem:$0x12400] =	vst v63  }
0x2a8: {  	s18 =	sand.u32 $0xFFFFF80, s19  }
0x2a9: {  	s20 =	simm.s32 $0x9000;
	s18 =	sadd.s32 s2, s18;
	s19 =	spop (v2sf);
	(v2sf) =	vpush v9, $0x6  }
0x2aa: {  	[tilespmem:s20], [sflag:$0x2] =	stream.linear.gather [hbm4b:s18+s4], $0x400, $0x38;
	[tilespmem:$0x12400] =	vst v63  }
0x2ab: {  	s18 =	sand.u32 $0xFFFFF80, s19;
	s19 =	spop (v2sf);
	(v2sf) =	vpush v8, $0x6  }
0x2ac: {  	s20 =	simm.s32 $0x1400;
	s18 =	sadd.s32 s1, s18  }
0x2ad: {  	[tilespmem:s20], [sflag:$0x1] =	stream.linear.gather [hbm4b:s18+s4], $0x400, $0x38;
	[tilespmem:$0x12400] =	vst v63  }
0x2ae: {  	s18 =	sand.u32 $0xFFFFF80, s19;
	s19 =	spop (v2sf);
	(v2sf) =	vpush v9, $0x7;
	_ =	sdelay $0x3  }
0x2af: {  	s20 =	simm.s32 $0x9400;
	s18 =	sadd.s32 s2, s18  }
0x2b0: {  	[tilespmem:s20], [sflag:$0x2] =	stream.linear.gather [hbm4b:s18+s4], $0x400, $0x38;
	[tilespmem:$0x12400] =	vst v63  }
0x2b1: {  	s18 =	sand.u32 $0xFFFFF80, s19;
	s19 =	spop (v2sf);
	(v2sf) =	vpush v8, $0x7  }
0x2b2: {  	s20 =	simm.s32 $0x1800;
	s18 =	sadd.s32 s1, s18  }
0x2b3: {  	[tilespmem:s20], [sflag:$0x1] =	stream.linear.gather [hbm4b:s18+s4], $0x400, $0x38;
	[tilespmem:$0x12400] =	vst v63  }
0x2b4: {  	s18 =	sand.u32 $0xFFFFF80, s19  }
0x2b5: {  	s20 =	simm.s32 $0x9800;
	s18 =	sadd.s32 s2, s18;
	s19 =	spop (v2sf);
	(v2sf) =	vpush v9, $0x8  }
0x2b6: {  	[tilespmem:s20], [sflag:$0x2] =	stream.linear.gather [hbm4b:s18+s4], $0x400, $0x38;
	[tilespmem:$0x12400] =	vst v63  }
0x2b7: {  	s18 =	sand.u32 $0xFFFFF80, s19;
	s19 =	spop (v2sf);
	(v2sf) =	vpush v8, $0x8  }
0x2b8: {  	s20 =	simm.s32 $0x1C00;
	s18 =	sadd.s32 s1, s18  }
0x2b9: {  	[tilespmem:s20], [sflag:$0x1] =	stream.linear.gather [hbm4b:s18+s4], $0x400, $0x38;
	[tilespmem:$0x12400] =	vst v63  }
0x2ba: {  	s18 =	sand.u32 $0xFFFFF80, s19;
	s19 =	spop (v2sf);
	(v2sf) =	vpush v9, $0x9;
	_ =	sdelay $0x3  }
0x2bb: {  	s20 =	simm.s32 $0x9C00;
	s18 =	sadd.s32 s2, s18  }
0x2bc: {  	[tilespmem:s20], [sflag:$0x2] =	stream.linear.gather [hbm4b:s18+s4], $0x400, $0x38;
	[tilespmem:$0x12400] =	vst v63  }
0x2bd: {  	s18 =	sand.u32 $0xFFFFF80, s19;
	s19 =	spop (v2sf);
	(v2sf) =	vpush v8, $0x9  }
0x2be: {  	s20 =	simm.s32 $0x2000;
	s18 =	sadd.s32 s1, s18  }
0x2bf: {  	[tilespmem:s20], [sflag:$0x1] =	stream.linear.gather [hbm4b:s18+s4], $0x400, $0x38;
	[tilespmem:$0x12400] =	vst v63  }
0x2c0: {  	s18 =	sand.u32 $0xFFFFF80, s19  }
0x2c1: {  	s20 =	simm.s32 $0xA000;
	s18 =	sadd.s32 s2, s18;
	s19 =	spop (v2sf);
	(v2sf) =	vpush v9, $0xA  }
0x2c2: {  	[tilespmem:s20], [sflag:$0x2] =	stream.linear.gather [hbm4b:s18+s4], $0x400, $0x38;
	[tilespmem:$0x12400] =	vst v63  }
0x2c3: {  	s18 =	sand.u32 $0xFFFFF80, s19;
	s19 =	spop (v2sf);
	(v2sf) =	vpush v8, $0xA  }
0x2c4: {  	s20 =	simm.s32 $0x2400;
	s18 =	sadd.s32 s1, s18  }
0x2c5: {  	[tilespmem:s20], [sflag:$0x1] =	stream.linear.gather [hbm4b:s18+s4], $0x400, $0x38;
	[tilespmem:$0x12400] =	vst v63  }
0x2c6: {  	s18 =	sand.u32 $0xFFFFF80, s19;
	s19 =	spop (v2sf);
	(v2sf) =	vpush v9, $0xB;
	_ =	sdelay $0x3  }
0x2c7: {  	s20 =	simm.s32 $0xA400;
	s18 =	sadd.s32 s2, s18  }
0x2c8: {  	[tilespmem:s20], [sflag:$0x2] =	stream.linear.gather [hbm4b:s18+s4], $0x400, $0x38;
	[tilespmem:$0x12400] =	vst v63  }
0x2c9: {  	s18 =	sand.u32 $0xFFFFF80, s19;
	s19 =	spop (v2sf);
	(v2sf) =	vpush v8, $0xB  }
0x2ca: {  	s20 =	simm.s32 $0x2800;
	s18 =	sadd.s32 s1, s18  }
0x2cb: {  	[tilespmem:s20], [sflag:$0x1] =	stream.linear.gather [hbm4b:s18+s4], $0x400, $0x38;
	[tilespmem:$0x12400] =	vst v63  }
0x2cc: {  	s18 =	sand.u32 $0xFFFFF80, s19  }
0x2cd: {  	s20 =	simm.s32 $0xA800;
	s18 =	sadd.s32 s2, s18;
	s19 =	spop (v2sf);
	(v2sf) =	vpush v9, $0xC  }
0x2ce: {  	[tilespmem:s20], [sflag:$0x2] =	stream.linear.gather [hbm4b:s18+s4], $0x400, $0x38;
	[tilespmem:$0x12400] =	vst v63  }
0x2cf: {  	s18 =	sand.u32 $0xFFFFF80, s19;
	s19 =	spop (v2sf);
	(v2sf) =	vpush v8, $0xC  }
0x2d0: {  	s20 =	simm.s32 $0x2C00;
	s18 =	sadd.s32 s1, s18  }
0x2d1: {  	[tilespmem:s20], [sflag:$0x1] =	stream.linear.gather [hbm4b:s18+s4], $0x400, $0x38;
	[tilespmem:$0x12400] =	vst v63  }
0x2d2: {  	s18 =	sand.u32 $0xFFFFF80, s19;
	s19 =	spop (v2sf);
	(v2sf) =	vpush v9, $0xD;
	_ =	sdelay $0x3  }
0x2d3: {  	s20 =	simm.s32 $0xAC00;
	s18 =	sadd.s32 s2, s18  }
0x2d4: {  	[tilespmem:s20], [sflag:$0x2] =	stream.linear.gather [hbm4b:s18+s4], $0x400, $0x38;
	[tilespmem:$0x12400] =	vst v63  }
0x2d5: {  	s18 =	sand.u32 $0xFFFFF80, s19;
	s19 =	spop (v2sf);
	(v2sf) =	vpush v8, $0xD  }
0x2d6: {  	s20 =	simm.s32 $0x3000;
	s18 =	sadd.s32 s1, s18  }
0x2d7: {  	[tilespmem:s20], [sflag:$0x1] =	stream.linear.gather [hbm4b:s18+s4], $0x400, $0x38;
	[tilespmem:$0x12400] =	vst v63  }
0x2d8: {  	s18 =	sand.u32 $0xFFFFF80, s19  }
0x2d9: {  	s20 =	simm.s32 $0xB000;
	s18 =	sadd.s32 s2, s18;
	s19 =	spop (v2sf);
	(v2sf) =	vpush v9, $0xE  }
0x2da: {  	[tilespmem:s20], [sflag:$0x2] =	stream.linear.gather [hbm4b:s18+s4], $0x400, $0x38;
	[tilespmem:$0x12400] =	vst v63  }
0x2db: {  	s18 =	sand.u32 $0xFFFFF80, s19;
	s19 =	spop (v2sf);
	(v2sf) =	vpush v8, $0xE  }
0x2dc: {  	s20 =	simm.s32 $0x3400;
	s18 =	sadd.s32 s1, s18  }
0x2dd: {  	[tilespmem:s20], [sflag:$0x1] =	stream.linear.gather [hbm4b:s18+s4], $0x400, $0x38;
	[tilespmem:$0x12400] =	vst v63  }
0x2de: {  	s18 =	sand.u32 $0xFFFFF80, s19;
	s19 =	spop (v2sf);
	(v2sf) =	vpush v9, $0xF  }
0x2df: {  	s20 =	simm.s32 $0xB400;
	s18 =	sadd.s32 s2, s18  }
0x2e0: {  	[tilespmem:s20], [sflag:$0x2] =	stream.linear.gather [hbm4b:s18+s4], $0x400, $0x38;
	[tilespmem:$0x12400] =	vst v63  }
0x2e1: {  	s18 =	sand.u32 $0xFFFFF80, s19  }
0x2e2: {  	s20 =	simm.s32 $0x3800;
	s18 =	sadd.s32 s1, s18  }
0x2e3: {  	[tilespmem:s20], [sflag:$0x1] =	stream.linear.gather [hbm4b:s18+s4], $0x400, $0x38;
	[tilespmem:$0x12400] =	vst v63  }
0x2e4: {  	s19 =	spop (v2sf);
	(v2sf) =	vpush v8, $0xF  }
0x2e5: {  	s18 =	sand.u32 $0xFFFFF80, s19  }
0x2e6: {  	s20 =	simm.s32 $0xB800;
	s18 =	sadd.s32 s2, s18  }
0x2e7: {  	[tilespmem:s20], [sflag:$0x2] =	stream.linear.gather [hbm4b:s18+s4], $0x400, $0x38;
	[tilespmem:$0x12400] =	vst v63  }
0x2e8: {  	s19 =	spop (v2sf)  }
0x2e9: {  	s18 =	sand.u32 $0xFFFFF80, s19  }
0x2ea: {  	s20 =	simm.s32 $0x3C00;
	s19 =	spop (v2sf);
	s18 =	sadd.s32 s1, s18  }
0x2eb: {  	[tilespmem:s20], [sflag:$0x1] =	stream.linear.gather [hbm4b:s18+s4], $0x400, $0x38;
	[tilespmem:$0x12400] =	vst v63  }
0x2ec: {  	s18 =	sand.u32 $0xFFFFF80, s19  }
0x2ed: {  	s20 =	simm.s32 $0xBC00;
	s19 =	spop (v2sf);
	s18 =	sadd.s32 s2, s18  }
0x2ee: {  	[tilespmem:s20], [sflag:$0x2] =	stream.linear.gather [hbm4b:s18+s4], $0x400, $0x38;
	[tilespmem:$0x12400] =	vst v63  }
0x2ef: {  	s18 =	sand.u32 $0xFFFFF80, s19  }
0x2f0: {  	s20 =	simm.s32 $0x4000;
	s18 =	sadd.s32 s1, s18  }
0x2f1: {  	[tilespmem:s20], [sflag:$0x1] =	stream.linear.gather [hbm4b:s18+s4], $0x400, $0x38;
	[tilespmem:$0x12400] =	vst v63  }
.Ltmp5:
0x2f2: {  	_ = 	snop;
	(pc) =	sbr.rel .LBB2_4-.Ltmp5, $4  }
0x2f3: {  	s19 =	spop (v2sf)  }
0x2f4: {  	s18 =	sand.u32 $0xFFFFF80, s19  }
0x2f5: {  	s20 =	simm.s32 $0xC000;
	s19 =	simm.s32 $0x4800;
	s18 =	sadd.s32 s2, s18  }
0x2f6: {  	[tilespmem:s20], [sflag:$0x2] =	stream.linear.gather [hbm4b:s18+s4], $0x400, $0x38;
	[tilespmem:$0x12400] =	vst v63  }
.LBB2_6:
0x2f7: {  	_ =	sfence.sel $0x180000  }
0x2f8: {  	[bflag:$0x0] =	sbarrier.arrive $0xFFFF  }
0x2f9: {  	_ =	strace $0x90000047  }
0x2fa: {  	s0 =	stileid.u32;
	[bflag:$0x2] =	sbarrier.arrive $0xFFFF  }
0x2fb: {  	p0 =	sne.s32 s0, $0x0;
	s0 =	rddreg [dreg:$0x5]  }
0x2fc: {  	s0 =	sadd.s32 @!p0 $0x100000, s0  }
0x2fd: {  	[sflag:s0] =	ssyncadd.tile.s32 @!p0 $0x1;
	_ =	shalt  }
.Lfunc_end2:
_tile_overlayer_lowered:
.L_overlay_start_2:
0x2fe: {  	(tag) =	ssettag $0x2  }
0x2ff: {  	s0 =	rddreg [dreg:$0x0];
	s2 =	stileid.u32  }
0x300: {  	s1 =	rddreg [dreg:$0x1];
	p0 =	sne.s32 s2, $0x0  }
0x301: {  	s3 =	rddreg [dreg:$0x2];
	[bflag:$0x3] =	sbarrier.arrive $0xFFFF;
	s2 =	simm.s32 @!p0 $0x1C03  }
0x302: {  	[timem:s3], [sflag:s2] =	dma.local @!p0 [hbm:s0], s1  }
0x303: {  	s0 =	simm.s32 @!p0 $0x3  }
0x304: {  	_ =	swait.ge @!p0 [sflag:s0], s1  }
0x305: {  	s1 =	ssub.s32 @!p0 $0x0, s1;
	[sflag:s0] =	ssyncset.done @!p0 $0x0  }
0x306: {  	[sflag:s0] =	ssyncadd.s32 @!p0 s1  }
0x307: {  	[bflag:$0x3] =	sbarrier.arrive $0xFFFF  }
0x308: {  	_ =	shalt  }

</sc_bundles>
